<compile_context>
chip_gen: v7x
topology: tpu7x:2x2x1
jax: 0.10.2.dev20260603
libtpu: 0.0.44.dev20260713+nightly
codegen_flags: <defaults>
</compile_context>

<pallas_src>
import functools

import jax
import jax.numpy as jnp
from jax import lax
from jax.experimental import pallas as pl
from jax.experimental.pallas import tpu as pltpu
from jax.experimental.pallas import tpu_sc as plsc

_N = 10000
_E = 320000
_D = 128
_NC = 2
_NS = 16
_EPW = _E // (_NC * _NS)
_B = 40
_ITERS = _EPW // _B
_ND = 6
_NPAD = 10112
_RPS = _NPAD // _NS
_ROWS_BLK = 10000


def _up_body(h_ref, w_ref, b_ref, o_ref):
    o_ref[...] = (
        jnp.dot(h_ref[...], w_ref[...], preferred_element_type=jnp.float32)
        + b_ref[...]
    )


def _up(h, w, b):
    return pl.pallas_call(
        _up_body,
        grid=(_N // _ROWS_BLK,),
        in_specs=[
            pl.BlockSpec((_ROWS_BLK, _D), lambda i: (i, 0)),
            pl.BlockSpec((_D, _D), lambda i: (0, 0)),
            pl.BlockSpec((1, _D), lambda i: (0, 0)),
        ],
        out_specs=pl.BlockSpec((_ROWS_BLK, _D), lambda i: (i, 0)),
        out_shape=jax.ShapeDtypeStruct((_N, _D), jnp.float32),
    )(h, w, b.reshape(1, _D))


def _mid_body(agg_ref, wd_ref, bd_ref, wu_ref, bu_ref, o_ref):
    a = agg_ref[0] + agg_ref[1]
    hm = jnp.dot(a, wd_ref[...], preferred_element_type=jnp.float32) + bd_ref[...]
    hm = hm * jax.nn.sigmoid(hm)
    o_ref[...] = (
        jnp.dot(hm, wu_ref[...], preferred_element_type=jnp.float32) + bu_ref[...]
    )


def _mid(agg, wd, bd, wu, bu):
    return pl.pallas_call(
        _mid_body,
        grid=(_N // _ROWS_BLK,),
        in_specs=[
            pl.BlockSpec((_NC, _ROWS_BLK, _D), lambda i: (0, i, 0)),
            pl.BlockSpec((_D, _D), lambda i: (0, 0)),
            pl.BlockSpec((1, _D), lambda i: (0, 0)),
            pl.BlockSpec((_D, _D), lambda i: (0, 0)),
            pl.BlockSpec((1, _D), lambda i: (0, 0)),
        ],
        out_specs=pl.BlockSpec((_ROWS_BLK, _D), lambda i: (i, 0)),
        out_shape=jax.ShapeDtypeStruct((_N, _D), jnp.float32),
    )(agg, wd, bd.reshape(1, _D), wu, bu.reshape(1, _D))


def _final_body(agg_ref, wd_ref, bd_ref, o_ref):
    a = agg_ref[0] + agg_ref[1]
    o_ref[...] = (
        jnp.dot(a, wd_ref[...], preferred_element_type=jnp.float32) + bd_ref[...]
    )


def _final(agg, wd, bd):
    return pl.pallas_call(
        _final_body,
        grid=(_N // _ROWS_BLK,),
        in_specs=[
            pl.BlockSpec((_NC, _ROWS_BLK, _D), lambda i: (0, i, 0)),
            pl.BlockSpec((_D, _D), lambda i: (0, 0)),
            pl.BlockSpec((1, _D), lambda i: (0, 0)),
        ],
        out_specs=pl.BlockSpec((_ROWS_BLK, _D), lambda i: (i, 0)),
        out_shape=jax.ShapeDtypeStruct((_N, _D), jnp.float32),
    )(agg, wd, bd.reshape(1, _D))


@functools.cache
def _make_sc_agg():
    @functools.partial(
        pl.kernel,
        out_type=jax.ShapeDtypeStruct((_NC, _NPAD, _D), jnp.float32),
        mesh=plsc.VectorSubcoreMesh(core_axis_name="c", subcore_axis_name="s"),
        scratch_types=[
            pltpu.VMEM_SHARED((_NPAD, _D), jnp.float32),
            pltpu.VMEM((_EPW,), jnp.int32),
            *[pltpu.VMEM((_B,), jnp.int32) for _ in range(_ND)],
            *[pltpu.VMEM((_B, _D), jnp.float32) for _ in range(_ND)],
            *[pltpu.SemaphoreType.DMA for _ in range(_ND)],
        ],
    )
    def _sc_agg(m_hbm, srcm_hbm, dstm_hbm, zeros_hbm,
                out_hbm, agg_s, src_a, *bufs):
        dsts = bufs[:_ND]
        rows = bufs[_ND:2 * _ND]
        sems = bufs[2 * _ND:3 * _ND]
        c = lax.axis_index("c")
        s = lax.axis_index("s")
        w = c * _NS + s
        pltpu.sync_copy(srcm_hbm.at[w], src_a)
        def prefetch(i, b):
            pltpu.async_copy(dstm_hbm.at[pl.ds(w * _EPW + i * _B, _B)],
                             dsts[b], sems[b])
            pltpu.async_copy(m_hbm.at[src_a.at[pl.ds(i * _B, _B)]],
                             rows[b], sems[b])

        def drain(b):
            pltpu.make_async_copy(dstm_hbm.at[pl.ds(0, _B)],
                                  dsts[b], sems[b]).wait()
            pltpu.make_async_copy(m_hbm.at[pl.ds(0, _B)],
                                  rows[b], sems[b]).wait()

        for b in range(_ND):
            prefetch(b, b)
        pltpu.sync_copy(zeros_hbm.at[pl.ds(s * _RPS, _RPS)],
                        agg_s.at[pl.ds(s * _RPS, _RPS)])
        plsc.subcore_barrier()

        def body(g, carry):
            for b in range(_ND):
                i = _ND * g + b
                drain(b)
                pltpu.sync_copy(rows[b], agg_s.at[dsts[b]], add=True)
                prefetch(i + _ND, b)
            return carry

        _MAIN = ((_ITERS - _ND) // _ND) * _ND
        lax.fori_loop(0, _MAIN // _ND, body, 0)
        for k in range(_MAIN, _ITERS):
            b = k % _ND
            drain(b)
            pltpu.sync_copy(rows[b], agg_s.at[dsts[b]], add=True)
            if k + _ND < _ITERS:
                prefetch(k + _ND, b)

        plsc.subcore_barrier()
        pltpu.sync_copy(agg_s.at[pl.ds(s * _RPS, _RPS)],
                        out_hbm.at[c, pl.ds(s * _RPS, _RPS)])

    return _sc_agg


def kernel(feat, edge_index,
           W_up0, b_up0, W_down0, b_down0,
           W_up1, b_up1, W_down1, b_down1,
           W_up2, b_up2, W_down2, b_down2):
    nw = _NC * _NS
    src_m = edge_index[0].reshape(nw, _EPW)
    dst_m = edge_index[1]
    zeros = jnp.zeros((_NPAD, _D), jnp.float32)
    sc_agg = _make_sc_agg()
    m = _up(feat, W_up0, b_up0)
    agg = sc_agg(m, src_m, dst_m, zeros)
    m = _mid(agg, W_down0, b_down0, W_up1, b_up1)
    agg = sc_agg(m, src_m, dst_m, zeros)
    m = _mid(agg, W_down1, b_down1, W_up2, b_up2)
    agg = sc_agg(m, src_m, dst_m, zeros)
    return _final(agg, W_down2, b_down2)

# --- scband reference (transcript-rebuilt; emitter-appended) ---
"""Pipeline reference for scband-hierarchical-path-network-26491358281941 (READ-ONLY COPY).

The authoritative reference and input builder live on the scoring server;
editing this copy changes nothing except your own understanding.
"""

import jax, jax.numpy as jnp
import numpy as np

N = 10000
E = 320000
D_IN = 128
D_HID = 128
D_OUT = 128
DEPTH = 3


def setup_inputs(seed: int = 0) -> dict:
    key = jax.random.key(seed)
    ks = jax.random.split(key, 2 + 4 * DEPTH)
    feat = jax.random.normal(ks[0], (N, D_IN), dtype=jnp.float32)
    edge_index = jax.random.randint(ks[1], (2, E), 0, N, dtype=jnp.int32)
    inp = {"feat": feat, "edge_index": edge_index}
    dims = [(D_IN, D_HID, D_HID), (D_HID, D_HID, D_HID), (D_HID, D_HID, D_OUT)]
    for i, (di, dh, do) in enumerate(dims):
        k = ks[2 + 4 * i]
        k2 = ks[2 + 4 * i + 1]
        inp[f"W_up{i}"] = jax.random.normal(k, (di, dh), dtype=jnp.float32) / np.sqrt(di)
        inp[f"b_up{i}"] = jnp.zeros((dh,), dtype=jnp.float32)
        inp[f"W_down{i}"] = jax.random.normal(k2, (dh, do), dtype=jnp.float32) / np.sqrt(dh)
        inp[f"b_down{i}"] = jnp.zeros((do,), dtype=jnp.float32)
    return inp


def reference(feat, edge_index,
              W_up0, b_up0, W_down0, b_down0,
              W_up1, b_up1, W_down1, b_down1,
              W_up2, b_up2, W_down2, b_down2):
    src = edge_index[0]
    dst = edge_index[1]
    layers = [
        (W_up0, b_up0, W_down0, b_down0),
        (W_up1, b_up1, W_down1, b_down1),
        (W_up2, b_up2, W_down2, b_down2),
    ]
    h = feat
    for i, (Wu, bu, Wd, bd) in enumerate(layers):
        # upstream message: linear transform then gather at source nodes
        m = h @ Wu + bu
        msg = jnp.take(m, src, axis=0)
        # aggregate messages at destination nodes (scatter-add / segment_sum)
        agg = jax.ops.segment_sum(msg, dst, num_segments=N)
        # downstream transform
        h = agg @ Wd + bd
        if i < DEPTH - 1:
            h = jax.nn.silu(h)  # SiLU activation; last layer uses Identity
    return h

if __name__ == "__main__":
    import jax
    _d = setup_inputs()
    print(jax.jit(kernel)(*tuple(_d.values())))

</pallas_src>

<mosaic_0001>
#map = affine_map<(d0, d1) -> (0, 0)>
#map1 = affine_map<(d0, d1) -> (0)>
#map2 = affine_map<(d0, d1) -> (0, 0, 0)>
module attributes {stable_mosaic.version = 14 : i64} {
  func.func @_sc_agg(%arg0: i32, %arg1: i32, %arg2: memref<10000x128xf32, #tpu.memory_space<hbm>>, %arg3: memref<32x10000xi32, #tpu.memory_space<hbm>>, %arg4: memref<320000xi32, #tpu.memory_space<hbm>>, %arg5: memref<10112x128xf32, #tpu.memory_space<hbm>>, %arg6: memref<2x10112x128xf32, #tpu.memory_space<hbm>>, %arg7: memref<10112x128xf32, #tpu.memory_space<vmem_shared>>, %arg8: memref<10000xi32, #tpu.memory_space<vmem>>, %arg9: memref<40xi32, #tpu.memory_space<vmem>>, %arg10: memref<40xi32, #tpu.memory_space<vmem>>, %arg11: memref<40xi32, #tpu.memory_space<vmem>>, %arg12: memref<40xi32, #tpu.memory_space<vmem>>, %arg13: memref<40xi32, #tpu.memory_space<vmem>>, %arg14: memref<40xi32, #tpu.memory_space<vmem>>, %arg15: memref<40x128xf32, #tpu.memory_space<vmem>>, %arg16: memref<40x128xf32, #tpu.memory_space<vmem>>, %arg17: memref<40x128xf32, #tpu.memory_space<vmem>>, %arg18: memref<40x128xf32, #tpu.memory_space<vmem>>, %arg19: memref<40x128xf32, #tpu.memory_space<vmem>>, %arg20: memref<40x128xf32, #tpu.memory_space<vmem>>, %arg21: memref<!tpu.dma_semaphore, #tpu.memory_space<semaphore_mem>>, %arg22: memref<!tpu.dma_semaphore, #tpu.memory_space<semaphore_mem>>, %arg23: memref<!tpu.dma_semaphore, #tpu.memory_space<semaphore_mem>>, %arg24: memref<!tpu.dma_semaphore, #tpu.memory_space<semaphore_mem>>, %arg25: memref<!tpu.dma_semaphore, #tpu.memory_space<semaphore_mem>>, %arg26: memref<!tpu.dma_semaphore, #tpu.memory_space<semaphore_mem>>) attributes {dimension_semantics = [#tpu.dimension_semantics<core_parallel>, #tpu.dimension_semantics<subcore_parallel>], iteration_bounds = array<i64: 2, 16>, scalar_prefetch = 0 : i64, scratch_operands = 20 : i64, tpu.core_type = #tpu.core_type<sc_vector_subcore>, window_params = [{transform_indices = #map}, {transform_indices = #map}, {transform_indices = #map1}, {transform_indices = #map}, {transform_indices = #map2}]} {
    %mul3A = arith.constant 16 : i32
    %mul3A_0 = arith.muli %arg0, %mul3A : i32
    %add3A = arith.addi %mul3A_0, %arg1 : i32
    "tpu.region"() ({
      %run_scoped3A = tpu.sem_alloc : memref<!tpu.dma_semaphore, #tpu.memory_space<semaphore_mem>>
      %dma_start3A_223 = arith.constant 0 : i32
      %dma_start3A_224 = tpu.memref_slice %arg3[%add3A, %dma_start3A_223] : memref<32x10000xi32, #tpu.memory_space<hbm>> -> memref<1x10000xi32, #tpu.memory_space<hbm>>
      %dma_start3A_225 = tpu.memref_squeeze %dma_start3A_224 : memref<1x10000xi32, #tpu.memory_space<hbm>> -> memref<10000xi32, #tpu.memory_space<hbm>>
      %dma_start3A_226 = arith.constant 0 : i32
      %dma_start3A_227 = tpu.memref_slice %arg3[%add3A, %dma_start3A_226] : memref<32x10000xi32, #tpu.memory_space<hbm>> -> memref<1x10000xi32, #tpu.memory_space<hbm>>
      %dma_start3A_228 = tpu.memref_squeeze %dma_start3A_227 : memref<1x10000xi32, #tpu.memory_space<hbm>> -> memref<10000xi32, #tpu.memory_space<hbm>>
      tpu.enqueue_dma source(%dma_start3A_228 : memref<10000xi32, #tpu.memory_space<hbm>>) target(%arg8 : memref<10000xi32, #tpu.memory_space<vmem>>) target_semaphore(%run_scoped3A : memref<!tpu.dma_semaphore, #tpu.memory_space<semaphore_mem>>)
      %dma_wait3A_229 = arith.constant 0 : i32
      %dma_wait3A_230 = tpu.memref_slice %arg3[%add3A, %dma_wait3A_229] : memref<32x10000xi32, #tpu.memory_space<hbm>> -> memref<1x10000xi32, #tpu.memory_space<hbm>>
      %dma_wait3A_231 = tpu.memref_squeeze %dma_wait3A_230 : memref<1x10000xi32, #tpu.memory_space<hbm>> -> memref<10000xi32, #tpu.memory_space<hbm>>
      %dma_wait3A_232 = arith.constant 0 : i32
      %dma_wait3A_233 = tpu.memref_slice %arg3[%add3A, %dma_wait3A_232] : memref<32x10000xi32, #tpu.memory_space<hbm>> -> memref<1x10000xi32, #tpu.memory_space<hbm>>
      %dma_wait3A_234 = tpu.memref_squeeze %dma_wait3A_233 : memref<1x10000xi32, #tpu.memory_space<hbm>> -> memref<10000xi32, #tpu.memory_space<hbm>>
      tpu.wait_dma2 semaphore(%run_scoped3A : memref<!tpu.dma_semaphore, #tpu.memory_space<semaphore_mem>>) src(%dma_wait3A_234 : memref<10000xi32, #tpu.memory_space<hbm>>) dst(%arg8 : memref<10000xi32, #tpu.memory_space<vmem>>)
      tpu.yield
    }) : () -> ()
    %mul3A_1 = arith.constant 10000 : i32
    %mul3A_2 = arith.muli %add3A, %mul3A_1 : i32
    %add3A_3 = arith.constant 0 : i32
    %add3A_4 = arith.addi %mul3A_2, %add3A_3 : i32
    %dma_start3A = tpu.memref_slice %arg4[%add3A_4] : memref<320000xi32, #tpu.memory_space<hbm>> -> memref<40xi32, #tpu.memory_space<hbm>>
    %dma_start3A_5 = tpu.memref_slice %arg4[%add3A_4] : memref<320000xi32, #tpu.memory_space<hbm>> -> memref<40xi32, #tpu.memory_space<hbm>>
    tpu.enqueue_dma source(%dma_start3A_5 : memref<40xi32, #tpu.memory_space<hbm>>) target(%arg9 : memref<40xi32, #tpu.memory_space<vmem>>) target_semaphore(%arg21 : memref<!tpu.dma_semaphore, #tpu.memory_space<semaphore_mem>>)
    %dma_start3A_6 = arith.constant 0 : i32
    %dma_start3A_7 = tpu.memref_slice %arg8[%dma_start3A_6] : memref<10000xi32, #tpu.memory_space<vmem>> -> memref<40xi32, #tpu.memory_space<vmem>>
    %dma_start3A_8 = arith.constant 0 : i32
    %dma_start3A_9 = arith.constant 0 : i32
    %dma_start3A_10 = tpu.memref_slice %arg2[%dma_start3A_8, %dma_start3A_9] : memref<10000x128xf32, #tpu.memory_space<hbm>> -> memref<10000x128xf32, #tpu.memory_space<hbm>>
    tpu.enqueue_indirect_dma source(%dma_start3A_10 : memref<10000x128xf32, #tpu.memory_space<hbm>>) target(%arg15 : memref<40x128xf32, #tpu.memory_space<vmem>>) offsets(%dma_start3A_7 : memref<40xi32, #tpu.memory_space<vmem>>) semaphore(%arg21 : memref<!tpu.dma_semaphore, #tpu.memory_space<semaphore_mem>>)
    %mul3A_11 = arith.constant 10000 : i32
    %mul3A_12 = arith.muli %add3A, %mul3A_11 : i32
    %add3A_13 = arith.constant 40 : i32
    %add3A_14 = arith.addi %mul3A_12, %add3A_13 : i32
    %dma_start3A_15 = tpu.memref_slice %arg4[%add3A_14] : memref<320000xi32, #tpu.memory_space<hbm>> -> memref<40xi32, #tpu.memory_space<hbm>>
    %dma_start3A_16 = tpu.memref_slice %arg4[%add3A_14] : memref<320000xi32, #tpu.memory_space<hbm>> -> memref<40xi32, #tpu.memory_space<hbm>>
    tpu.enqueue_dma source(%dma_start3A_16 : memref<40xi32, #tpu.memory_space<hbm>>) target(%arg10 : memref<40xi32, #tpu.memory_space<vmem>>) target_semaphore(%arg22 : memref<!tpu.dma_semaphore, #tpu.memory_space<semaphore_mem>>)
    %dma_start3A_17 = arith.constant 40 : i32
    %dma_start3A_18 = tpu.memref_slice %arg8[%dma_start3A_17] : memref<10000xi32, #tpu.memory_space<vmem>> -> memref<40xi32, #tpu.memory_space<vmem>>
    %dma_start3A_19 = arith.constant 0 : i32
    %dma_start3A_20 = arith.constant 0 : i32
    %dma_start3A_21 = tpu.memref_slice %arg2[%dma_start3A_19, %dma_start3A_20] : memref<10000x128xf32, #tpu.memory_space<hbm>> -> memref<10000x128xf32, #tpu.memory_space<hbm>>
    tpu.enqueue_indirect_dma source(%dma_start3A_21 : memref<10000x128xf32, #tpu.memory_space<hbm>>) target(%arg16 : memref<40x128xf32, #tpu.memory_space<vmem>>) offsets(%dma_start3A_18 : memref<40xi32, #tpu.memory_space<vmem>>) semaphore(%arg22 : memref<!tpu.dma_semaphore, #tpu.memory_space<semaphore_mem>>)
    %mul3A_22 = arith.constant 10000 : i32
    %mul3A_23 = arith.muli %add3A, %mul3A_22 : i32
    %add3A_24 = arith.constant 80 : i32
    %add3A_25 = arith.addi %mul3A_23, %add3A_24 : i32
    %dma_start3A_26 = tpu.memref_slice %arg4[%add3A_25] : memref<320000xi32, #tpu.memory_space<hbm>> -> memref<40xi32, #tpu.memory_space<hbm>>
    %dma_start3A_27 = tpu.memref_slice %arg4[%add3A_25] : memref<320000xi32, #tpu.memory_space<hbm>> -> memref<40xi32, #tpu.memory_space<hbm>>
    tpu.enqueue_dma source(%dma_start3A_27 : memref<40xi32, #tpu.memory_space<hbm>>) target(%arg11 : memref<40xi32, #tpu.memory_space<vmem>>) target_semaphore(%arg23 : memref<!tpu.dma_semaphore, #tpu.memory_space<semaphore_mem>>)
    %dma_start3A_28 = arith.constant 80 : i32
    %dma_start3A_29 = tpu.memref_slice %arg8[%dma_start3A_28] : memref<10000xi32, #tpu.memory_space<vmem>> -> memref<40xi32, #tpu.memory_space<vmem>>
    %dma_start3A_30 = arith.constant 0 : i32
    %dma_start3A_31 = arith.constant 0 : i32
    %dma_start3A_32 = tpu.memref_slice %arg2[%dma_start3A_30, %dma_start3A_31] : memref<10000x128xf32, #tpu.memory_space<hbm>> -> memref<10000x128xf32, #tpu.memory_space<hbm>>
    tpu.enqueue_indirect_dma source(%dma_start3A_32 : memref<10000x128xf32, #tpu.memory_space<hbm>>) target(%arg17 : memref<40x128xf32, #tpu.memory_space<vmem>>) offsets(%dma_start3A_29 : memref<40xi32, #tpu.memory_space<vmem>>) semaphore(%arg23 : memref<!tpu.dma_semaphore, #tpu.memory_space<semaphore_mem>>)
    %mul3A_33 = arith.constant 10000 : i32
    %mul3A_34 = arith.muli %add3A, %mul3A_33 : i32
    %add3A_35 = arith.constant 120 : i32
    %add3A_36 = arith.addi %mul3A_34, %add3A_35 : i32
    %dma_start3A_37 = tpu.memref_slice %arg4[%add3A_36] : memref<320000xi32, #tpu.memory_space<hbm>> -> memref<40xi32, #tpu.memory_space<hbm>>
    %dma_start3A_38 = tpu.memref_slice %arg4[%add3A_36] : memref<320000xi32, #tpu.memory_space<hbm>> -> memref<40xi32, #tpu.memory_space<hbm>>
    tpu.enqueue_dma source(%dma_start3A_38 : memref<40xi32, #tpu.memory_space<hbm>>) target(%arg12 : memref<40xi32, #tpu.memory_space<vmem>>) target_semaphore(%arg24 : memref<!tpu.dma_semaphore, #tpu.memory_space<semaphore_mem>>)
    %dma_start3A_39 = arith.constant 120 : i32
    %dma_start3A_40 = tpu.memref_slice %arg8[%dma_start3A_39] : memref<10000xi32, #tpu.memory_space<vmem>> -> memref<40xi32, #tpu.memory_space<vmem>>
    %dma_start3A_41 = arith.constant 0 : i32
    %dma_start3A_42 = arith.constant 0 : i32
    %dma_start3A_43 = tpu.memref_slice %arg2[%dma_start3A_41, %dma_start3A_42] : memref<10000x128xf32, #tpu.memory_space<hbm>> -> memref<10000x128xf32, #tpu.memory_space<hbm>>
    tpu.enqueue_indirect_dma source(%dma_start3A_43 : memref<10000x128xf32, #tpu.memory_space<hbm>>) target(%arg18 : memref<40x128xf32, #tpu.memory_space<vmem>>) offsets(%dma_start3A_40 : memref<40xi32, #tpu.memory_space<vmem>>) semaphore(%arg24 : memref<!tpu.dma_semaphore, #tpu.memory_space<semaphore_mem>>)
    %mul3A_44 = arith.constant 10000 : i32
    %mul3A_45 = arith.muli %add3A, %mul3A_44 : i32
    %add3A_46 = arith.constant 160 : i32
    %add3A_47 = arith.addi %mul3A_45, %add3A_46 : i32
    %dma_start3A_48 = tpu.memref_slice %arg4[%add3A_47] : memref<320000xi32, #tpu.memory_space<hbm>> -> memref<40xi32, #tpu.memory_space<hbm>>
    %dma_start3A_49 = tpu.memref_slice %arg4[%add3A_47] : memref<320000xi32, #tpu.memory_space<hbm>> -> memref<40xi32, #tpu.memory_space<hbm>>
    tpu.enqueue_dma source(%dma_start3A_49 : memref<40xi32, #tpu.memory_space<hbm>>) target(%arg13 : memref<40xi32, #tpu.memory_space<vmem>>) target_semaphore(%arg25 : memref<!tpu.dma_semaphore, #tpu.memory_space<semaphore_mem>>)
    %dma_start3A_50 = arith.constant 160 : i32
    %dma_start3A_51 = tpu.memref_slice %arg8[%dma_start3A_50] : memref<10000xi32, #tpu.memory_space<vmem>> -> memref<40xi32, #tpu.memory_space<vmem>>
    %dma_start3A_52 = arith.constant 0 : i32
    %dma_start3A_53 = arith.constant 0 : i32
    %dma_start3A_54 = tpu.memref_slice %arg2[%dma_start3A_52, %dma_start3A_53] : memref<10000x128xf32, #tpu.memory_space<hbm>> -> memref<10000x128xf32, #tpu.memory_space<hbm>>
    tpu.enqueue_indirect_dma source(%dma_start3A_54 : memref<10000x128xf32, #tpu.memory_space<hbm>>) target(%arg19 : memref<40x128xf32, #tpu.memory_space<vmem>>) offsets(%dma_start3A_51 : memref<40xi32, #tpu.memory_space<vmem>>) semaphore(%arg25 : memref<!tpu.dma_semaphore, #tpu.memory_space<semaphore_mem>>)
    %mul3A_55 = arith.constant 10000 : i32
    %mul3A_56 = arith.muli %add3A, %mul3A_55 : i32
    %add3A_57 = arith.constant 200 : i32
    %add3A_58 = arith.addi %mul3A_56, %add3A_57 : i32
    %dma_start3A_59 = tpu.memref_slice %arg4[%add3A_58] : memref<320000xi32, #tpu.memory_space<hbm>> -> memref<40xi32, #tpu.memory_space<hbm>>
    %dma_start3A_60 = tpu.memref_slice %arg4[%add3A_58] : memref<320000xi32, #tpu.memory_space<hbm>> -> memref<40xi32, #tpu.memory_space<hbm>>
    tpu.enqueue_dma source(%dma_start3A_60 : memref<40xi32, #tpu.memory_space<hbm>>) target(%arg14 : memref<40xi32, #tpu.memory_space<vmem>>) target_semaphore(%arg26 : memref<!tpu.dma_semaphore, #tpu.memory_space<semaphore_mem>>)
    %dma_start3A_61 = arith.constant 200 : i32
    %dma_start3A_62 = tpu.memref_slice %arg8[%dma_start3A_61] : memref<10000xi32, #tpu.memory_space<vmem>> -> memref<40xi32, #tpu.memory_space<vmem>>
    %dma_start3A_63 = arith.constant 0 : i32
    %dma_start3A_64 = arith.constant 0 : i32
    %dma_start3A_65 = tpu.memref_slice %arg2[%dma_start3A_63, %dma_start3A_64] : memref<10000x128xf32, #tpu.memory_space<hbm>> -> memref<10000x128xf32, #tpu.memory_space<hbm>>
    tpu.enqueue_indirect_dma source(%dma_start3A_65 : memref<10000x128xf32, #tpu.memory_space<hbm>>) target(%arg20 : memref<40x128xf32, #tpu.memory_space<vmem>>) offsets(%dma_start3A_62 : memref<40xi32, #tpu.memory_space<vmem>>) semaphore(%arg26 : memref<!tpu.dma_semaphore, #tpu.memory_space<semaphore_mem>>)
    %mul3A_66 = arith.constant 632 : i32
    %mul3A_67 = arith.muli %arg1, %mul3A_66 : i32
    %mul3A_68 = arith.constant 632 : i32
    %mul3A_69 = arith.muli %arg1, %mul3A_68 : i32
    "tpu.region"() ({
      %run_scoped3A = tpu.sem_alloc : memref<!tpu.dma_semaphore, #tpu.memory_space<semaphore_mem>>
      %dma_start3A_223 = arith.constant 0 : i32
      %dma_start3A_224 = tpu.memref_slice %arg7[%mul3A_69, %dma_start3A_223] : memref<10112x128xf32, #tpu.memory_space<vmem_shared>> -> memref<632x128xf32, #tpu.memory_space<vmem_shared>>
      %dma_start3A_225 = arith.constant 0 : i32
      %dma_start3A_226 = tpu.memref_slice %arg5[%mul3A_67, %dma_start3A_225] : memref<10112x128xf32, #tpu.memory_space<hbm>> -> memref<632x128xf32, #tpu.memory_space<hbm>>
      tpu.enqueue_dma source(%dma_start3A_226 : memref<632x128xf32, #tpu.memory_space<hbm>>) target(%dma_start3A_224 : memref<632x128xf32, #tpu.memory_space<vmem_shared>>) target_semaphore(%run_scoped3A : memref<!tpu.dma_semaphore, #tpu.memory_space<semaphore_mem>>)
      %dma_wait3A_227 = arith.constant 0 : i32
      %dma_wait3A_228 = tpu.memref_slice %arg7[%mul3A_69, %dma_wait3A_227] : memref<10112x128xf32, #tpu.memory_space<vmem_shared>> -> memref<632x128xf32, #tpu.memory_space<vmem_shared>>
      %dma_wait3A_229 = arith.constant 0 : i32
      %dma_wait3A_230 = tpu.memref_slice %arg5[%mul3A_67, %dma_wait3A_229] : memref<10112x128xf32, #tpu.memory_space<hbm>> -> memref<632x128xf32, #tpu.memory_space<hbm>>
      tpu.wait_dma2 semaphore(%run_scoped3A : memref<!tpu.dma_semaphore, #tpu.memory_space<semaphore_mem>>) src(%dma_wait3A_230 : memref<632x128xf32, #tpu.memory_space<hbm>>) dst(%dma_wait3A_228 : memref<632x128xf32, #tpu.memory_space<vmem_shared>>)
      tpu.yield
    }) : () -> ()
    %barrier3A = arith.constant 0 : index
    tpu.barrier barrier_id(%barrier3A)
    %scan3A = arith.constant 0 : i32
    %scan3A_70 = arith.constant 0 : i32
    %scan3A_71 = arith.constant 40 : i32
    %scan3A_72 = arith.addi %scan3A_70, %scan3A_71 : i32
    %scan3A_73 = arith.constant 1 : i32
    scf.for %scan3A_223 = %scan3A_70 to %scan3A_72 step %scan3A_73  : i32 {
      %mul3A_224 = arith.constant 6 : i32
      %mul3A_225 = arith.muli %mul3A_224, %scan3A_223 : i32
      %add3A_226 = arith.constant 0 : i32
      %add3A_227 = arith.addi %mul3A_225, %add3A_226 : i32
      %dma_wait3A_228 = arith.constant 0 : i32
      %dma_wait3A_229 = tpu.memref_slice %arg4[%dma_wait3A_228] : memref<320000xi32, #tpu.memory_space<hbm>> -> memref<40xi32, #tpu.memory_space<hbm>>
      %dma_wait3A_230 = arith.constant 0 : i32
      %dma_wait3A_231 = tpu.memref_slice %arg4[%dma_wait3A_230] : memref<320000xi32, #tpu.memory_space<hbm>> -> memref<40xi32, #tpu.memory_space<hbm>>
      tpu.wait_dma2 semaphore(%arg21 : memref<!tpu.dma_semaphore, #tpu.memory_space<semaphore_mem>>) src(%dma_wait3A_231 : memref<40xi32, #tpu.memory_space<hbm>>) dst(%arg9 : memref<40xi32, #tpu.memory_space<vmem>>)
      %dma_wait3A_232 = arith.constant 0 : i32
      %dma_wait3A_233 = arith.constant 0 : i32
      %dma_wait3A_234 = tpu.memref_slice %arg2[%dma_wait3A_232, %dma_wait3A_233] : memref<10000x128xf32, #tpu.memory_space<hbm>> -> memref<40x128xf32, #tpu.memory_space<hbm>>
      %dma_wait3A_235 = arith.constant 0 : i32
      %dma_wait3A_236 = arith.constant 0 : i32
      %dma_wait3A_237 = tpu.memref_slice %arg2[%dma_wait3A_235, %dma_wait3A_236] : memref<10000x128xf32, #tpu.memory_space<hbm>> -> memref<40x128xf32, #tpu.memory_space<hbm>>
      tpu.wait_dma2 semaphore(%arg21 : memref<!tpu.dma_semaphore, #tpu.memory_space<semaphore_mem>>) src(%dma_wait3A_237 : memref<40x128xf32, #tpu.memory_space<hbm>>) dst(%arg15 : memref<40x128xf32, #tpu.memory_space<vmem>>)
      "tpu.region"() ({
        %run_scoped3A = tpu.sem_alloc : memref<!tpu.dma_semaphore, #tpu.memory_space<semaphore_mem>>
        %dma_start3A_398 = arith.constant 0 : i32
        %dma_start3A_399 = arith.constant 0 : i32
        %dma_start3A_400 = tpu.memref_slice %arg7[%dma_start3A_398, %dma_start3A_399] : memref<10112x128xf32, #tpu.memory_space<vmem_shared>> -> memref<10112x128xf32, #tpu.memory_space<vmem_shared>>
        tpu.enqueue_indirect_dma source(%arg15 : memref<40x128xf32, #tpu.memory_space<vmem>>) target(%dma_start3A_400 : memref<10112x128xf32, #tpu.memory_space<vmem_shared>>) offsets(%arg9 : memref<40xi32, #tpu.memory_space<vmem>>) semaphore(%run_scoped3A : memref<!tpu.dma_semaphore, #tpu.memory_space<semaphore_mem>>) {add = true}
        %dma_wait3A_401 = arith.constant 0 : i32
        %dma_wait3A_402 = arith.constant 0 : i32
        %dma_wait3A_403 = tpu.memref_slice %arg7[%dma_wait3A_401, %dma_wait3A_402] : memref<10112x128xf32, #tpu.memory_space<vmem_shared>> -> memref<10112x128xf32, #tpu.memory_space<vmem_shared>>
        tpu.wait_indirect_dma semaphore(%run_scoped3A : memref<!tpu.dma_semaphore, #tpu.memory_space<semaphore_mem>>) src(%arg15 : memref<40x128xf32, #tpu.memory_space<vmem>>) dst(%dma_wait3A_403 : memref<10112x128xf32, #tpu.memory_space<vmem_shared>>)
        tpu.yield
      }) : () -> ()
      %add3A_238 = arith.constant 6 : i32
      %add3A_239 = arith.addi %add3A_227, %add3A_238 : i32
      %mul3A_240 = arith.constant 10000 : i32
      %mul3A_241 = arith.muli %add3A, %mul3A_240 : i32
      %mul3A_242 = arith.constant 40 : i32
      %mul3A_243 = arith.muli %add3A_239, %mul3A_242 : i32
      %add3A_244 = arith.addi %mul3A_241, %mul3A_243 : i32
      %dma_start3A_245 = tpu.memref_slice %arg4[%add3A_244] : memref<320000xi32, #tpu.memory_space<hbm>> -> memref<40xi32, #tpu.memory_space<hbm>>
      %dma_start3A_246 = tpu.memref_slice %arg4[%add3A_244] : memref<320000xi32, #tpu.memory_space<hbm>> -> memref<40xi32, #tpu.memory_space<hbm>>
      tpu.enqueue_dma source(%dma_start3A_246 : memref<40xi32, #tpu.memory_space<hbm>>) target(%arg9 : memref<40xi32, #tpu.memory_space<vmem>>) target_semaphore(%arg21 : memref<!tpu.dma_semaphore, #tpu.memory_space<semaphore_mem>>)
      %mul3A_247 = arith.constant 40 : i32
      %mul3A_248 = arith.muli %add3A_239, %mul3A_247 : i32
      %dma_start3A_249 = tpu.memref_slice %arg8[%mul3A_248] : memref<10000xi32, #tpu.memory_space<vmem>> -> memref<40xi32, #tpu.memory_space<vmem>>
      %dma_start3A_250 = arith.constant 0 : i32
      %dma_start3A_251 = arith.constant 0 : i32
      %dma_start3A_252 = tpu.memref_slice %arg2[%dma_start3A_250, %dma_start3A_251] : memref<10000x128xf32, #tpu.memory_space<hbm>> -> memref<10000x128xf32, #tpu.memory_space<hbm>>
      tpu.enqueue_indirect_dma source(%dma_start3A_252 : memref<10000x128xf32, #tpu.memory_space<hbm>>) target(%arg15 : memref<40x128xf32, #tpu.memory_space<vmem>>) offsets(%dma_start3A_249 : memref<40xi32, #tpu.memory_space<vmem>>) semaphore(%arg21 : memref<!tpu.dma_semaphore, #tpu.memory_space<semaphore_mem>>)
      %mul3A_253 = arith.constant 6 : i32
      %mul3A_254 = arith.muli %mul3A_253, %scan3A_223 : i32
      %add3A_255 = arith.constant 1 : i32
      %add3A_256 = arith.addi %mul3A_254, %add3A_255 : i32
      %dma_wait3A_257 = arith.constant 0 : i32
      %dma_wait3A_258 = tpu.memref_slice %arg4[%dma_wait3A_257] : memref<320000xi32, #tpu.memory_space<hbm>> -> memref<40xi32, #tpu.memory_space<hbm>>
      %dma_wait3A_259 = arith.constant 0 : i32
      %dma_wait3A_260 = tpu.memref_slice %arg4[%dma_wait3A_259] : memref<320000xi32, #tpu.memory_space<hbm>> -> memref<40xi32, #tpu.memory_space<hbm>>
      tpu.wait_dma2 semaphore(%arg22 : memref<!tpu.dma_semaphore, #tpu.memory_space<semaphore_mem>>) src(%dma_wait3A_260 : memref<40xi32, #tpu.memory_space<hbm>>) dst(%arg10 : memref<40xi32, #tpu.memory_space<vmem>>)
      %dma_wait3A_261 = arith.constant 0 : i32
      %dma_wait3A_262 = arith.constant 0 : i32
      %dma_wait3A_263 = tpu.memref_slice %arg2[%dma_wait3A_261, %dma_wait3A_262] : memref<10000x128xf32, #tpu.memory_space<hbm>> -> memref<40x128xf32, #tpu.memory_space<hbm>>
      %dma_wait3A_264 = arith.constant 0 : i32
      %dma_wait3A_265 = arith.constant 0 : i32
      %dma_wait3A_266 = tpu.memref_slice %arg2[%dma_wait3A_264, %dma_wait3A_265] : memref<10000x128xf32, #tpu.memory_space<hbm>> -> memref<40x128xf32, #tpu.memory_space<hbm>>
      tpu.wait_dma2 semaphore(%arg22 : memref<!tpu.dma_semaphore, #tpu.memory_space<semaphore_mem>>) src(%dma_wait3A_266 : memref<40x128xf32, #tpu.memory_space<hbm>>) dst(%arg16 : memref<40x128xf32, #tpu.memory_space<vmem>>)
      "tpu.region"() ({
        %run_scoped3A = tpu.sem_alloc : memref<!tpu.dma_semaphore, #tpu.memory_space<semaphore_mem>>
        %dma_start3A_398 = arith.constant 0 : i32
        %dma_start3A_399 = arith.constant 0 : i32
        %dma_start3A_400 = tpu.memref_slice %arg7[%dma_start3A_398, %dma_start3A_399] : memref<10112x128xf32, #tpu.memory_space<vmem_shared>> -> memref<10112x128xf32, #tpu.memory_space<vmem_shared>>
        tpu.enqueue_indirect_dma source(%arg16 : memref<40x128xf32, #tpu.memory_space<vmem>>) target(%dma_start3A_400 : memref<10112x128xf32, #tpu.memory_space<vmem_shared>>) offsets(%arg10 : memref<40xi32, #tpu.memory_space<vmem>>) semaphore(%run_scoped3A : memref<!tpu.dma_semaphore, #tpu.memory_space<semaphore_mem>>) {add = true}
        %dma_wait3A_401 = arith.constant 0 : i32
        %dma_wait3A_402 = arith.constant 0 : i32
        %dma_wait3A_403 = tpu.memref_slice %arg7[%dma_wait3A_401, %dma_wait3A_402] : memref<10112x128xf32, #tpu.memory_space<vmem_shared>> -> memref<10112x128xf32, #tpu.memory_space<vmem_shared>>
        tpu.wait_indirect_dma semaphore(%run_scoped3A : memref<!tpu.dma_semaphore, #tpu.memory_space<semaphore_mem>>) src(%arg16 : memref<40x128xf32, #tpu.memory_space<vmem>>) dst(%dma_wait3A_403 : memref<10112x128xf32, #tpu.memory_space<vmem_shared>>)
        tpu.yield
      }) : () -> ()
      %add3A_267 = arith.constant 6 : i32
      %add3A_268 = arith.addi %add3A_256, %add3A_267 : i32
      %mul3A_269 = arith.constant 10000 : i32
      %mul3A_270 = arith.muli %add3A, %mul3A_269 : i32
      %mul3A_271 = arith.constant 40 : i32
      %mul3A_272 = arith.muli %add3A_268, %mul3A_271 : i32
      %add3A_273 = arith.addi %mul3A_270, %mul3A_272 : i32
      %dma_start3A_274 = tpu.memref_slice %arg4[%add3A_273] : memref<320000xi32, #tpu.memory_space<hbm>> -> memref<40xi32, #tpu.memory_space<hbm>>
      %dma_start3A_275 = tpu.memref_slice %arg4[%add3A_273] : memref<320000xi32, #tpu.memory_space<hbm>> -> memref<40xi32, #tpu.memory_space<hbm>>
      tpu.enqueue_dma source(%dma_start3A_275 : memref<40xi32, #tpu.memory_space<hbm>>) target(%arg10 : memref<40xi32, #tpu.memory_space<vmem>>) target_semaphore(%arg22 : memref<!tpu.dma_semaphore, #tpu.memory_space<semaphore_mem>>)
      %mul3A_276 = arith.constant 40 : i32
      %mul3A_277 = arith.muli %add3A_268, %mul3A_276 : i32
      %dma_start3A_278 = tpu.memref_slice %arg8[%mul3A_277] : memref<10000xi32, #tpu.memory_space<vmem>> -> memref<40xi32, #tpu.memory_space<vmem>>
      %dma_start3A_279 = arith.constant 0 : i32
      %dma_start3A_280 = arith.constant 0 : i32
      %dma_start3A_281 = tpu.memref_slice %arg2[%dma_start3A_279, %dma_start3A_280] : memref<10000x128xf32, #tpu.memory_space<hbm>> -> memref<10000x128xf32, #tpu.memory_space<hbm>>
      tpu.enqueue_indirect_dma source(%dma_start3A_281 : memref<10000x128xf32, #tpu.memory_space<hbm>>) target(%arg16 : memref<40x128xf32, #tpu.memory_space<vmem>>) offsets(%dma_start3A_278 : memref<40xi32, #tpu.memory_space<vmem>>) semaphore(%arg22 : memref<!tpu.dma_semaphore, #tpu.memory_space<semaphore_mem>>)
      %mul3A_282 = arith.constant 6 : i32
      %mul3A_283 = arith.muli %mul3A_282, %scan3A_223 : i32
      %add3A_284 = arith.constant 2 : i32
      %add3A_285 = arith.addi %mul3A_283, %add3A_284 : i32
      %dma_wait3A_286 = arith.constant 0 : i32
      %dma_wait3A_287 = tpu.memref_slice %arg4[%dma_wait3A_286] : memref<320000xi32, #tpu.memory_space<hbm>> -> memref<40xi32, #tpu.memory_space<hbm>>
      %dma_wait3A_288 = arith.constant 0 : i32
      %dma_wait3A_289 = tpu.memref_slice %arg4[%dma_wait3A_288] : memref<320000xi32, #tpu.memory_space<hbm>> -> memref<40xi32, #tpu.memory_space<hbm>>
      tpu.wait_dma2 semaphore(%arg23 : memref<!tpu.dma_semaphore, #tpu.memory_space<semaphore_mem>>) src(%dma_wait3A_289 : memref<40xi32, #tpu.memory_space<hbm>>) dst(%arg11 : memref<40xi32, #tpu.memory_space<vmem>>)
      %dma_wait3A_290 = arith.constant 0 : i32
      %dma_wait3A_291 = arith.constant 0 : i32
      %dma_wait3A_292 = tpu.memref_slice %arg2[%dma_wait3A_290, %dma_wait3A_291] : memref<10000x128xf32, #tpu.memory_space<hbm>> -> memref<40x128xf32, #tpu.memory_space<hbm>>
      %dma_wait3A_293 = arith.constant 0 : i32
      %dma_wait3A_294 = arith.constant 0 : i32
      %dma_wait3A_295 = tpu.memref_slice %arg2[%dma_wait3A_293, %dma_wait3A_294] : memref<10000x128xf32, #tpu.memory_space<hbm>> -> memref<40x128xf32, #tpu.memory_space<hbm>>
      tpu.wait_dma2 semaphore(%arg23 : memref<!tpu.dma_semaphore, #tpu.memory_space<semaphore_mem>>) src(%dma_wait3A_295 : memref<40x128xf32, #tpu.memory_space<hbm>>) dst(%arg17 : memref<40x128xf32, #tpu.memory_space<vmem>>)
      "tpu.region"() ({
        %run_scoped3A = tpu.sem_alloc : memref<!tpu.dma_semaphore, #tpu.memory_space<semaphore_mem>>
        %dma_start3A_398 = arith.constant 0 : i32
        %dma_start3A_399 = arith.constant 0 : i32
        %dma_start3A_400 = tpu.memref_slice %arg7[%dma_start3A_398, %dma_start3A_399] : memref<10112x128xf32, #tpu.memory_space<vmem_shared>> -> memref<10112x128xf32, #tpu.memory_space<vmem_shared>>
        tpu.enqueue_indirect_dma source(%arg17 : memref<40x128xf32, #tpu.memory_space<vmem>>) target(%dma_start3A_400 : memref<10112x128xf32, #tpu.memory_space<vmem_shared>>) offsets(%arg11 : memref<40xi32, #tpu.memory_space<vmem>>) semaphore(%run_scoped3A : memref<!tpu.dma_semaphore, #tpu.memory_space<semaphore_mem>>) {add = true}
        %dma_wait3A_401 = arith.constant 0 : i32
        %dma_wait3A_402 = arith.constant 0 : i32
        %dma_wait3A_403 = tpu.memref_slice %arg7[%dma_wait3A_401, %dma_wait3A_402] : memref<10112x128xf32, #tpu.memory_space<vmem_shared>> -> memref<10112x128xf32, #tpu.memory_space<vmem_shared>>
        tpu.wait_indirect_dma semaphore(%run_scoped3A : memref<!tpu.dma_semaphore, #tpu.memory_space<semaphore_mem>>) src(%arg17 : memref<40x128xf32, #tpu.memory_space<vmem>>) dst(%dma_wait3A_403 : memref<10112x128xf32, #tpu.memory_space<vmem_shared>>)
        tpu.yield
      }) : () -> ()
      %add3A_296 = arith.constant 6 : i32
      %add3A_297 = arith.addi %add3A_285, %add3A_296 : i32
      %mul3A_298 = arith.constant 10000 : i32
      %mul3A_299 = arith.muli %add3A, %mul3A_298 : i32
      %mul3A_300 = arith.constant 40 : i32
      %mul3A_301 = arith.muli %add3A_297, %mul3A_300 : i32
      %add3A_302 = arith.addi %mul3A_299, %mul3A_301 : i32
      %dma_start3A_303 = tpu.memref_slice %arg4[%add3A_302] : memref<320000xi32, #tpu.memory_space<hbm>> -> memref<40xi32, #tpu.memory_space<hbm>>
      %dma_start3A_304 = tpu.memref_slice %arg4[%add3A_302] : memref<320000xi32, #tpu.memory_space<hbm>> -> memref<40xi32, #tpu.memory_space<hbm>>
      tpu.enqueue_dma source(%dma_start3A_304 : memref<40xi32, #tpu.memory_space<hbm>>) target(%arg11 : memref<40xi32, #tpu.memory_space<vmem>>) target_semaphore(%arg23 : memref<!tpu.dma_semaphore, #tpu.memory_space<semaphore_mem>>)
      %mul3A_305 = arith.constant 40 : i32
      %mul3A_306 = arith.muli %add3A_297, %mul3A_305 : i32
      %dma_start3A_307 = tpu.memref_slice %arg8[%mul3A_306] : memref<10000xi32, #tpu.memory_space<vmem>> -> memref<40xi32, #tpu.memory_space<vmem>>
      %dma_start3A_308 = arith.constant 0 : i32
      %dma_start3A_309 = arith.constant 0 : i32
      %dma_start3A_310 = tpu.memref_slice %arg2[%dma_start3A_308, %dma_start3A_309] : memref<10000x128xf32, #tpu.memory_space<hbm>> -> memref<10000x128xf32, #tpu.memory_space<hbm>>
      tpu.enqueue_indirect_dma source(%dma_start3A_310 : memref<10000x128xf32, #tpu.memory_space<hbm>>) target(%arg17 : memref<40x128xf32, #tpu.memory_space<vmem>>) offsets(%dma_start3A_307 : memref<40xi32, #tpu.memory_space<vmem>>) semaphore(%arg23 : memref<!tpu.dma_semaphore, #tpu.memory_space<semaphore_mem>>)
      %mul3A_311 = arith.constant 6 : i32
      %mul3A_312 = arith.muli %mul3A_311, %scan3A_223 : i32
      %add3A_313 = arith.constant 3 : i32
      %add3A_314 = arith.addi %mul3A_312, %add3A_313 : i32
      %dma_wait3A_315 = arith.constant 0 : i32
      %dma_wait3A_316 = tpu.memref_slice %arg4[%dma_wait3A_315] : memref<320000xi32, #tpu.memory_space<hbm>> -> memref<40xi32, #tpu.memory_space<hbm>>
      %dma_wait3A_317 = arith.constant 0 : i32
      %dma_wait3A_318 = tpu.memref_slice %arg4[%dma_wait3A_317] : memref<320000xi32, #tpu.memory_space<hbm>> -> memref<40xi32, #tpu.memory_space<hbm>>
      tpu.wait_dma2 semaphore(%arg24 : memref<!tpu.dma_semaphore, #tpu.memory_space<semaphore_mem>>) src(%dma_wait3A_318 : memref<40xi32, #tpu.memory_space<hbm>>) dst(%arg12 : memref<40xi32, #tpu.memory_space<vmem>>)
      %dma_wait3A_319 = arith.constant 0 : i32
      %dma_wait3A_320 = arith.constant 0 : i32
      %dma_wait3A_321 = tpu.memref_slice %arg2[%dma_wait3A_319, %dma_wait3A_320] : memref<10000x128xf32, #tpu.memory_space<hbm>> -> memref<40x128xf32, #tpu.memory_space<hbm>>
      %dma_wait3A_322 = arith.constant 0 : i32
      %dma_wait3A_323 = arith.constant 0 : i32
      %dma_wait3A_324 = tpu.memref_slice %arg2[%dma_wait3A_322, %dma_wait3A_323] : memref<10000x128xf32, #tpu.memory_space<hbm>> -> memref<40x128xf32, #tpu.memory_space<hbm>>
      tpu.wait_dma2 semaphore(%arg24 : memref<!tpu.dma_semaphore, #tpu.memory_space<semaphore_mem>>) src(%dma_wait3A_324 : memref<40x128xf32, #tpu.memory_space<hbm>>) dst(%arg18 : memref<40x128xf32, #tpu.memory_space<vmem>>)
      "tpu.region"() ({
        %run_scoped3A = tpu.sem_alloc : memref<!tpu.dma_semaphore, #tpu.memory_space<semaphore_mem>>
        %dma_start3A_398 = arith.constant 0 : i32
        %dma_start3A_399 = arith.constant 0 : i32
        %dma_start3A_400 = tpu.memref_slice %arg7[%dma_start3A_398, %dma_start3A_399] : memref<10112x128xf32, #tpu.memory_space<vmem_shared>> -> memref<10112x128xf32, #tpu.memory_space<vmem_shared>>
        tpu.enqueue_indirect_dma source(%arg18 : memref<40x128xf32, #tpu.memory_space<vmem>>) target(%dma_start3A_400 : memref<10112x128xf32, #tpu.memory_space<vmem_shared>>) offsets(%arg12 : memref<40xi32, #tpu.memory_space<vmem>>) semaphore(%run_scoped3A : memref<!tpu.dma_semaphore, #tpu.memory_space<semaphore_mem>>) {add = true}
        %dma_wait3A_401 = arith.constant 0 : i32
        %dma_wait3A_402 = arith.constant 0 : i32
        %dma_wait3A_403 = tpu.memref_slice %arg7[%dma_wait3A_401, %dma_wait3A_402] : memref<10112x128xf32, #tpu.memory_space<vmem_shared>> -> memref<10112x128xf32, #tpu.memory_space<vmem_shared>>
        tpu.wait_indirect_dma semaphore(%run_scoped3A : memref<!tpu.dma_semaphore, #tpu.memory_space<semaphore_mem>>) src(%arg18 : memref<40x128xf32, #tpu.memory_space<vmem>>) dst(%dma_wait3A_403 : memref<10112x128xf32, #tpu.memory_space<vmem_shared>>)
        tpu.yield
      }) : () -> ()
      %add3A_325 = arith.constant 6 : i32
      %add3A_326 = arith.addi %add3A_314, %add3A_325 : i32
      %mul3A_327 = arith.constant 10000 : i32
      %mul3A_328 = arith.muli %add3A, %mul3A_327 : i32
      %mul3A_329 = arith.constant 40 : i32
      %mul3A_330 = arith.muli %add3A_326, %mul3A_329 : i32
      %add3A_331 = arith.addi %mul3A_328, %mul3A_330 : i32
      %dma_start3A_332 = tpu.memref_slice %arg4[%add3A_331] : memref<320000xi32, #tpu.memory_space<hbm>> -> memref<40xi32, #tpu.memory_space<hbm>>
      %dma_start3A_333 = tpu.memref_slice %arg4[%add3A_331] : memref<320000xi32, #tpu.memory_space<hbm>> -> memref<40xi32, #tpu.memory_space<hbm>>
      tpu.enqueue_dma source(%dma_start3A_333 : memref<40xi32, #tpu.memory_space<hbm>>) target(%arg12 : memref<40xi32, #tpu.memory_space<vmem>>) target_semaphore(%arg24 : memref<!tpu.dma_semaphore, #tpu.memory_space<semaphore_mem>>)
      %mul3A_334 = arith.constant 40 : i32
      %mul3A_335 = arith.muli %add3A_326, %mul3A_334 : i32
      %dma_start3A_336 = tpu.memref_slice %arg8[%mul3A_335] : memref<10000xi32, #tpu.memory_space<vmem>> -> memref<40xi32, #tpu.memory_space<vmem>>
      %dma_start3A_337 = arith.constant 0 : i32
      %dma_start3A_338 = arith.constant 0 : i32
      %dma_start3A_339 = tpu.memref_slice %arg2[%dma_start3A_337, %dma_start3A_338] : memref<10000x128xf32, #tpu.memory_space<hbm>> -> memref<10000x128xf32, #tpu.memory_space<hbm>>
      tpu.enqueue_indirect_dma source(%dma_start3A_339 : memref<10000x128xf32, #tpu.memory_space<hbm>>) target(%arg18 : memref<40x128xf32, #tpu.memory_space<vmem>>) offsets(%dma_start3A_336 : memref<40xi32, #tpu.memory_space<vmem>>) semaphore(%arg24 : memref<!tpu.dma_semaphore, #tpu.memory_space<semaphore_mem>>)
      %mul3A_340 = arith.constant 6 : i32
      %mul3A_341 = arith.muli %mul3A_340, %scan3A_223 : i32
      %add3A_342 = arith.constant 4 : i32
      %add3A_343 = arith.addi %mul3A_341, %add3A_342 : i32
      %dma_wait3A_344 = arith.constant 0 : i32
      %dma_wait3A_345 = tpu.memref_slice %arg4[%dma_wait3A_344] : memref<320000xi32, #tpu.memory_space<hbm>> -> memref<40xi32, #tpu.memory_space<hbm>>
      %dma_wait3A_346 = arith.constant 0 : i32
      %dma_wait3A_347 = tpu.memref_slice %arg4[%dma_wait3A_346] : memref<320000xi32, #tpu.memory_space<hbm>> -> memref<40xi32, #tpu.memory_space<hbm>>
      tpu.wait_dma2 semaphore(%arg25 : memref<!tpu.dma_semaphore, #tpu.memory_space<semaphore_mem>>) src(%dma_wait3A_347 : memref<40xi32, #tpu.memory_space<hbm>>) dst(%arg13 : memref<40xi32, #tpu.memory_space<vmem>>)
      %dma_wait3A_348 = arith.constant 0 : i32
      %dma_wait3A_349 = arith.constant 0 : i32
      %dma_wait3A_350 = tpu.memref_slice %arg2[%dma_wait3A_348, %dma_wait3A_349] : memref<10000x128xf32, #tpu.memory_space<hbm>> -> memref<40x128xf32, #tpu.memory_space<hbm>>
      %dma_wait3A_351 = arith.constant 0 : i32
      %dma_wait3A_352 = arith.constant 0 : i32
      %dma_wait3A_353 = tpu.memref_slice %arg2[%dma_wait3A_351, %dma_wait3A_352] : memref<10000x128xf32, #tpu.memory_space<hbm>> -> memref<40x128xf32, #tpu.memory_space<hbm>>
      tpu.wait_dma2 semaphore(%arg25 : memref<!tpu.dma_semaphore, #tpu.memory_space<semaphore_mem>>) src(%dma_wait3A_353 : memref<40x128xf32, #tpu.memory_space<hbm>>) dst(%arg19 : memref<40x128xf32, #tpu.memory_space<vmem>>)
      "tpu.region"() ({
        %run_scoped3A = tpu.sem_alloc : memref<!tpu.dma_semaphore, #tpu.memory_space<semaphore_mem>>
        %dma_start3A_398 = arith.constant 0 : i32
        %dma_start3A_399 = arith.constant 0 : i32
        %dma_start3A_400 = tpu.memref_slice %arg7[%dma_start3A_398, %dma_start3A_399] : memref<10112x128xf32, #tpu.memory_space<vmem_shared>> -> memref<10112x128xf32, #tpu.memory_space<vmem_shared>>
        tpu.enqueue_indirect_dma source(%arg19 : memref<40x128xf32, #tpu.memory_space<vmem>>) target(%dma_start3A_400 : memref<10112x128xf32, #tpu.memory_space<vmem_shared>>) offsets(%arg13 : memref<40xi32, #tpu.memory_space<vmem>>) semaphore(%run_scoped3A : memref<!tpu.dma_semaphore, #tpu.memory_space<semaphore_mem>>) {add = true}
        %dma_wait3A_401 = arith.constant 0 : i32
        %dma_wait3A_402 = arith.constant 0 : i32
        %dma_wait3A_403 = tpu.memref_slice %arg7[%dma_wait3A_401, %dma_wait3A_402] : memref<10112x128xf32, #tpu.memory_space<vmem_shared>> -> memref<10112x128xf32, #tpu.memory_space<vmem_shared>>
        tpu.wait_indirect_dma semaphore(%run_scoped3A : memref<!tpu.dma_semaphore, #tpu.memory_space<semaphore_mem>>) src(%arg19 : memref<40x128xf32, #tpu.memory_space<vmem>>) dst(%dma_wait3A_403 : memref<10112x128xf32, #tpu.memory_space<vmem_shared>>)
        tpu.yield
      }) : () -> ()
      %add3A_354 = arith.constant 6 : i32
      %add3A_355 = arith.addi %add3A_343, %add3A_354 : i32
      %mul3A_356 = arith.constant 10000 : i32
      %mul3A_357 = arith.muli %add3A, %mul3A_356 : i32
      %mul3A_358 = arith.constant 40 : i32
      %mul3A_359 = arith.muli %add3A_355, %mul3A_358 : i32
      %add3A_360 = arith.addi %mul3A_357, %mul3A_359 : i32
      %dma_start3A_361 = tpu.memref_slice %arg4[%add3A_360] : memref<320000xi32, #tpu.memory_space<hbm>> -> memref<40xi32, #tpu.memory_space<hbm>>
      %dma_start3A_362 = tpu.memref_slice %arg4[%add3A_360] : memref<320000xi32, #tpu.memory_space<hbm>> -> memref<40xi32, #tpu.memory_space<hbm>>
      tpu.enqueue_dma source(%dma_start3A_362 : memref<40xi32, #tpu.memory_space<hbm>>) target(%arg13 : memref<40xi32, #tpu.memory_space<vmem>>) target_semaphore(%arg25 : memref<!tpu.dma_semaphore, #tpu.memory_space<semaphore_mem>>)
      %mul3A_363 = arith.constant 40 : i32
      %mul3A_364 = arith.muli %add3A_355, %mul3A_363 : i32
      %dma_start3A_365 = tpu.memref_slice %arg8[%mul3A_364] : memref<10000xi32, #tpu.memory_space<vmem>> -> memref<40xi32, #tpu.memory_space<vmem>>
      %dma_start3A_366 = arith.constant 0 : i32
      %dma_start3A_367 = arith.constant 0 : i32
      %dma_start3A_368 = tpu.memref_slice %arg2[%dma_start3A_366, %dma_start3A_367] : memref<10000x128xf32, #tpu.memory_space<hbm>> -> memref<10000x128xf32, #tpu.memory_space<hbm>>
      tpu.enqueue_indirect_dma source(%dma_start3A_368 : memref<10000x128xf32, #tpu.memory_space<hbm>>) target(%arg19 : memref<40x128xf32, #tpu.memory_space<vmem>>) offsets(%dma_start3A_365 : memref<40xi32, #tpu.memory_space<vmem>>) semaphore(%arg25 : memref<!tpu.dma_semaphore, #tpu.memory_space<semaphore_mem>>)
      %mul3A_369 = arith.constant 6 : i32
      %mul3A_370 = arith.muli %mul3A_369, %scan3A_223 : i32
      %add3A_371 = arith.constant 5 : i32
      %add3A_372 = arith.addi %mul3A_370, %add3A_371 : i32
      %dma_wait3A_373 = arith.constant 0 : i32
      %dma_wait3A_374 = tpu.memref_slice %arg4[%dma_wait3A_373] : memref<320000xi32, #tpu.memory_space<hbm>> -> memref<40xi32, #tpu.memory_space<hbm>>
      %dma_wait3A_375 = arith.constant 0 : i32
      %dma_wait3A_376 = tpu.memref_slice %arg4[%dma_wait3A_375] : memref<320000xi32, #tpu.memory_space<hbm>> -> memref<40xi32, #tpu.memory_space<hbm>>
      tpu.wait_dma2 semaphore(%arg26 : memref<!tpu.dma_semaphore, #tpu.memory_space<semaphore_mem>>) src(%dma_wait3A_376 : memref<40xi32, #tpu.memory_space<hbm>>) dst(%arg14 : memref<40xi32, #tpu.memory_space<vmem>>)
      %dma_wait3A_377 = arith.constant 0 : i32
      %dma_wait3A_378 = arith.constant 0 : i32
      %dma_wait3A_379 = tpu.memref_slice %arg2[%dma_wait3A_377, %dma_wait3A_378] : memref<10000x128xf32, #tpu.memory_space<hbm>> -> memref<40x128xf32, #tpu.memory_space<hbm>>
      %dma_wait3A_380 = arith.constant 0 : i32
      %dma_wait3A_381 = arith.constant 0 : i32
      %dma_wait3A_382 = tpu.memref_slice %arg2[%dma_wait3A_380, %dma_wait3A_381] : memref<10000x128xf32, #tpu.memory_space<hbm>> -> memref<40x128xf32, #tpu.memory_space<hbm>>
      tpu.wait_dma2 semaphore(%arg26 : memref<!tpu.dma_semaphore, #tpu.memory_space<semaphore_mem>>) src(%dma_wait3A_382 : memref<40x128xf32, #tpu.memory_space<hbm>>) dst(%arg20 : memref<40x128xf32, #tpu.memory_space<vmem>>)
      "tpu.region"() ({
        %run_scoped3A = tpu.sem_alloc : memref<!tpu.dma_semaphore, #tpu.memory_space<semaphore_mem>>
        %dma_start3A_398 = arith.constant 0 : i32
        %dma_start3A_399 = arith.constant 0 : i32
        %dma_start3A_400 = tpu.memref_slice %arg7[%dma_start3A_398, %dma_start3A_399] : memref<10112x128xf32, #tpu.memory_space<vmem_shared>> -> memref<10112x128xf32, #tpu.memory_space<vmem_shared>>
        tpu.enqueue_indirect_dma source(%arg20 : memref<40x128xf32, #tpu.memory_space<vmem>>) target(%dma_start3A_400 : memref<10112x128xf32, #tpu.memory_space<vmem_shared>>) offsets(%arg14 : memref<40xi32, #tpu.memory_space<vmem>>) semaphore(%run_scoped3A : memref<!tpu.dma_semaphore, #tpu.memory_space<semaphore_mem>>) {add = true}
        %dma_wait3A_401 = arith.constant 0 : i32
        %dma_wait3A_402 = arith.constant 0 : i32
        %dma_wait3A_403 = tpu.memref_slice %arg7[%dma_wait3A_401, %dma_wait3A_402] : memref<10112x128xf32, #tpu.memory_space<vmem_shared>> -> memref<10112x128xf32, #tpu.memory_space<vmem_shared>>
        tpu.wait_indirect_dma semaphore(%run_scoped3A : memref<!tpu.dma_semaphore, #tpu.memory_space<semaphore_mem>>) src(%arg20 : memref<40x128xf32, #tpu.memory_space<vmem>>) dst(%dma_wait3A_403 : memref<10112x128xf32, #tpu.memory_space<vmem_shared>>)
        tpu.yield
      }) : () -> ()
      %add3A_383 = arith.constant 6 : i32
      %add3A_384 = arith.addi %add3A_372, %add3A_383 : i32
      %mul3A_385 = arith.constant 10000 : i32
      %mul3A_386 = arith.muli %add3A, %mul3A_385 : i32
      %mul3A_387 = arith.constant 40 : i32
      %mul3A_388 = arith.muli %add3A_384, %mul3A_387 : i32
      %add3A_389 = arith.addi %mul3A_386, %mul3A_388 : i32
      %dma_start3A_390 = tpu.memref_slice %arg4[%add3A_389] : memref<320000xi32, #tpu.memory_space<hbm>> -> memref<40xi32, #tpu.memory_space<hbm>>
      %dma_start3A_391 = tpu.memref_slice %arg4[%add3A_389] : memref<320000xi32, #tpu.memory_space<hbm>> -> memref<40xi32, #tpu.memory_space<hbm>>
      tpu.enqueue_dma source(%dma_start3A_391 : memref<40xi32, #tpu.memory_space<hbm>>) target(%arg14 : memref<40xi32, #tpu.memory_space<vmem>>) target_semaphore(%arg26 : memref<!tpu.dma_semaphore, #tpu.memory_space<semaphore_mem>>)
      %mul3A_392 = arith.constant 40 : i32
      %mul3A_393 = arith.muli %add3A_384, %mul3A_392 : i32
      %dma_start3A_394 = tpu.memref_slice %arg8[%mul3A_393] : memref<10000xi32, #tpu.memory_space<vmem>> -> memref<40xi32, #tpu.memory_space<vmem>>
      %dma_start3A_395 = arith.constant 0 : i32
      %dma_start3A_396 = arith.constant 0 : i32
      %dma_start3A_397 = tpu.memref_slice %arg2[%dma_start3A_395, %dma_start3A_396] : memref<10000x128xf32, #tpu.memory_space<hbm>> -> memref<10000x128xf32, #tpu.memory_space<hbm>>
      tpu.enqueue_indirect_dma source(%dma_start3A_397 : memref<10000x128xf32, #tpu.memory_space<hbm>>) target(%arg20 : memref<40x128xf32, #tpu.memory_space<vmem>>) offsets(%dma_start3A_394 : memref<40xi32, #tpu.memory_space<vmem>>) semaphore(%arg26 : memref<!tpu.dma_semaphore, #tpu.memory_space<semaphore_mem>>)
    }
    %scan3A_74 = arith.constant 40 : i32
    %dma_wait3A = arith.constant 0 : i32
    %dma_wait3A_75 = tpu.memref_slice %arg4[%dma_wait3A] : memref<320000xi32, #tpu.memory_space<hbm>> -> memref<40xi32, #tpu.memory_space<hbm>>
    %dma_wait3A_76 = arith.constant 0 : i32
    %dma_wait3A_77 = tpu.memref_slice %arg4[%dma_wait3A_76] : memref<320000xi32, #tpu.memory_space<hbm>> -> memref<40xi32, #tpu.memory_space<hbm>>
    tpu.wait_dma2 semaphore(%arg21 : memref<!tpu.dma_semaphore, #tpu.memory_space<semaphore_mem>>) src(%dma_wait3A_77 : memref<40xi32, #tpu.memory_space<hbm>>) dst(%arg9 : memref<40xi32, #tpu.memory_space<vmem>>)
    %dma_wait3A_78 = arith.constant 0 : i32
    %dma_wait3A_79 = arith.constant 0 : i32
    %dma_wait3A_80 = tpu.memref_slice %arg2[%dma_wait3A_78, %dma_wait3A_79] : memref<10000x128xf32, #tpu.memory_space<hbm>> -> memref<40x128xf32, #tpu.memory_space<hbm>>
    %dma_wait3A_81 = arith.constant 0 : i32
    %dma_wait3A_82 = arith.constant 0 : i32
    %dma_wait3A_83 = tpu.memref_slice %arg2[%dma_wait3A_81, %dma_wait3A_82] : memref<10000x128xf32, #tpu.memory_space<hbm>> -> memref<40x128xf32, #tpu.memory_space<hbm>>
    tpu.wait_dma2 semaphore(%arg21 : memref<!tpu.dma_semaphore, #tpu.memory_space<semaphore_mem>>) src(%dma_wait3A_83 : memref<40x128xf32, #tpu.memory_space<hbm>>) dst(%arg15 : memref<40x128xf32, #tpu.memory_space<vmem>>)
    "tpu.region"() ({
      %run_scoped3A = tpu.sem_alloc : memref<!tpu.dma_semaphore, #tpu.memory_space<semaphore_mem>>
      %dma_start3A_223 = arith.constant 0 : i32
      %dma_start3A_224 = arith.constant 0 : i32
      %dma_start3A_225 = tpu.memref_slice %arg7[%dma_start3A_223, %dma_start3A_224] : memref<10112x128xf32, #tpu.memory_space<vmem_shared>> -> memref<10112x128xf32, #tpu.memory_space<vmem_shared>>
      tpu.enqueue_indirect_dma source(%arg15 : memref<40x128xf32, #tpu.memory_space<vmem>>) target(%dma_start3A_225 : memref<10112x128xf32, #tpu.memory_space<vmem_shared>>) offsets(%arg9 : memref<40xi32, #tpu.memory_space<vmem>>) semaphore(%run_scoped3A : memref<!tpu.dma_semaphore, #tpu.memory_space<semaphore_mem>>) {add = true}
      %dma_wait3A_226 = arith.constant 0 : i32
      %dma_wait3A_227 = arith.constant 0 : i32
      %dma_wait3A_228 = tpu.memref_slice %arg7[%dma_wait3A_226, %dma_wait3A_227] : memref<10112x128xf32, #tpu.memory_space<vmem_shared>> -> memref<10112x128xf32, #tpu.memory_space<vmem_shared>>
      tpu.wait_indirect_dma semaphore(%run_scoped3A : memref<!tpu.dma_semaphore, #tpu.memory_space<semaphore_mem>>) src(%arg15 : memref<40x128xf32, #tpu.memory_space<vmem>>) dst(%dma_wait3A_228 : memref<10112x128xf32, #tpu.memory_space<vmem_shared>>)
      tpu.yield
    }) : () -> ()
    %mul3A_84 = arith.constant 10000 : i32
    %mul3A_85 = arith.muli %add3A, %mul3A_84 : i32
    %add3A_86 = arith.constant 9840 : i32
    %add3A_87 = arith.addi %mul3A_85, %add3A_86 : i32
    %dma_start3A_88 = tpu.memref_slice %arg4[%add3A_87] : memref<320000xi32, #tpu.memory_space<hbm>> -> memref<40xi32, #tpu.memory_space<hbm>>
    %dma_start3A_89 = tpu.memref_slice %arg4[%add3A_87] : memref<320000xi32, #tpu.memory_space<hbm>> -> memref<40xi32, #tpu.memory_space<hbm>>
    tpu.enqueue_dma source(%dma_start3A_89 : memref<40xi32, #tpu.memory_space<hbm>>) target(%arg9 : memref<40xi32, #tpu.memory_space<vmem>>) target_semaphore(%arg21 : memref<!tpu.dma_semaphore, #tpu.memory_space<semaphore_mem>>)
    %dma_start3A_90 = arith.constant 9840 : i32
    %dma_start3A_91 = tpu.memref_slice %arg8[%dma_start3A_90] : memref<10000xi32, #tpu.memory_space<vmem>> -> memref<40xi32, #tpu.memory_space<vmem>>
    %dma_start3A_92 = arith.constant 0 : i32
    %dma_start3A_93 = arith.constant 0 : i32
    %dma_start3A_94 = tpu.memref_slice %arg2[%dma_start3A_92, %dma_start3A_93] : memref<10000x128xf32, #tpu.memory_space<hbm>> -> memref<10000x128xf32, #tpu.memory_space<hbm>>
    tpu.enqueue_indirect_dma source(%dma_start3A_94 : memref<10000x128xf32, #tpu.memory_space<hbm>>) target(%arg15 : memref<40x128xf32, #tpu.memory_space<vmem>>) offsets(%dma_start3A_91 : memref<40xi32, #tpu.memory_space<vmem>>) semaphore(%arg21 : memref<!tpu.dma_semaphore, #tpu.memory_space<semaphore_mem>>)
    %dma_wait3A_95 = arith.constant 0 : i32
    %dma_wait3A_96 = tpu.memref_slice %arg4[%dma_wait3A_95] : memref<320000xi32, #tpu.memory_space<hbm>> -> memref<40xi32, #tpu.memory_space<hbm>>
    %dma_wait3A_97 = arith.constant 0 : i32
    %dma_wait3A_98 = tpu.memref_slice %arg4[%dma_wait3A_97] : memref<320000xi32, #tpu.memory_space<hbm>> -> memref<40xi32, #tpu.memory_space<hbm>>
    tpu.wait_dma2 semaphore(%arg22 : memref<!tpu.dma_semaphore, #tpu.memory_space<semaphore_mem>>) src(%dma_wait3A_98 : memref<40xi32, #tpu.memory_space<hbm>>) dst(%arg10 : memref<40xi32, #tpu.memory_space<vmem>>)
    %dma_wait3A_99 = arith.constant 0 : i32
    %dma_wait3A_100 = arith.constant 0 : i32
    %dma_wait3A_101 = tpu.memref_slice %arg2[%dma_wait3A_99, %dma_wait3A_100] : memref<10000x128xf32, #tpu.memory_space<hbm>> -> memref<40x128xf32, #tpu.memory_space<hbm>>
    %dma_wait3A_102 = arith.constant 0 : i32
    %dma_wait3A_103 = arith.constant 0 : i32
    %dma_wait3A_104 = tpu.memref_slice %arg2[%dma_wait3A_102, %dma_wait3A_103] : memref<10000x128xf32, #tpu.memory_space<hbm>> -> memref<40x128xf32, #tpu.memory_space<hbm>>
    tpu.wait_dma2 semaphore(%arg22 : memref<!tpu.dma_semaphore, #tpu.memory_space<semaphore_mem>>) src(%dma_wait3A_104 : memref<40x128xf32, #tpu.memory_space<hbm>>) dst(%arg16 : memref<40x128xf32, #tpu.memory_space<vmem>>)
    "tpu.region"() ({
      %run_scoped3A = tpu.sem_alloc : memref<!tpu.dma_semaphore, #tpu.memory_space<semaphore_mem>>
      %dma_start3A_223 = arith.constant 0 : i32
      %dma_start3A_224 = arith.constant 0 : i32
      %dma_start3A_225 = tpu.memref_slice %arg7[%dma_start3A_223, %dma_start3A_224] : memref<10112x128xf32, #tpu.memory_space<vmem_shared>> -> memref<10112x128xf32, #tpu.memory_space<vmem_shared>>
      tpu.enqueue_indirect_dma source(%arg16 : memref<40x128xf32, #tpu.memory_space<vmem>>) target(%dma_start3A_225 : memref<10112x128xf32, #tpu.memory_space<vmem_shared>>) offsets(%arg10 : memref<40xi32, #tpu.memory_space<vmem>>) semaphore(%run_scoped3A : memref<!tpu.dma_semaphore, #tpu.memory_space<semaphore_mem>>) {add = true}
      %dma_wait3A_226 = arith.constant 0 : i32
      %dma_wait3A_227 = arith.constant 0 : i32
      %dma_wait3A_228 = tpu.memref_slice %arg7[%dma_wait3A_226, %dma_wait3A_227] : memref<10112x128xf32, #tpu.memory_space<vmem_shared>> -> memref<10112x128xf32, #tpu.memory_space<vmem_shared>>
      tpu.wait_indirect_dma semaphore(%run_scoped3A : memref<!tpu.dma_semaphore, #tpu.memory_space<semaphore_mem>>) src(%arg16 : memref<40x128xf32, #tpu.memory_space<vmem>>) dst(%dma_wait3A_228 : memref<10112x128xf32, #tpu.memory_space<vmem_shared>>)
      tpu.yield
    }) : () -> ()
    %mul3A_105 = arith.constant 10000 : i32
    %mul3A_106 = arith.muli %add3A, %mul3A_105 : i32
    %add3A_107 = arith.constant 9880 : i32
    %add3A_108 = arith.addi %mul3A_106, %add3A_107 : i32
    %dma_start3A_109 = tpu.memref_slice %arg4[%add3A_108] : memref<320000xi32, #tpu.memory_space<hbm>> -> memref<40xi32, #tpu.memory_space<hbm>>
    %dma_start3A_110 = tpu.memref_slice %arg4[%add3A_108] : memref<320000xi32, #tpu.memory_space<hbm>> -> memref<40xi32, #tpu.memory_space<hbm>>
    tpu.enqueue_dma source(%dma_start3A_110 : memref<40xi32, #tpu.memory_space<hbm>>) target(%arg10 : memref<40xi32, #tpu.memory_space<vmem>>) target_semaphore(%arg22 : memref<!tpu.dma_semaphore, #tpu.memory_space<semaphore_mem>>)
    %dma_start3A_111 = arith.constant 9880 : i32
    %dma_start3A_112 = tpu.memref_slice %arg8[%dma_start3A_111] : memref<10000xi32, #tpu.memory_space<vmem>> -> memref<40xi32, #tpu.memory_space<vmem>>
    %dma_start3A_113 = arith.constant 0 : i32
    %dma_start3A_114 = arith.constant 0 : i32
    %dma_start3A_115 = tpu.memref_slice %arg2[%dma_start3A_113, %dma_start3A_114] : memref<10000x128xf32, #tpu.memory_space<hbm>> -> memref<10000x128xf32, #tpu.memory_space<hbm>>
    tpu.enqueue_indirect_dma source(%dma_start3A_115 : memref<10000x128xf32, #tpu.memory_space<hbm>>) target(%arg16 : memref<40x128xf32, #tpu.memory_space<vmem>>) offsets(%dma_start3A_112 : memref<40xi32, #tpu.memory_space<vmem>>) semaphore(%arg22 : memref<!tpu.dma_semaphore, #tpu.memory_space<semaphore_mem>>)
    %dma_wait3A_116 = arith.constant 0 : i32
    %dma_wait3A_117 = tpu.memref_slice %arg4[%dma_wait3A_116] : memref<320000xi32, #tpu.memory_space<hbm>> -> memref<40xi32, #tpu.memory_space<hbm>>
    %dma_wait3A_118 = arith.constant 0 : i32
    %dma_wait3A_119 = tpu.memref_slice %arg4[%dma_wait3A_118] : memref<320000xi32, #tpu.memory_space<hbm>> -> memref<40xi32, #tpu.memory_space<hbm>>
    tpu.wait_dma2 semaphore(%arg23 : memref<!tpu.dma_semaphore, #tpu.memory_space<semaphore_mem>>) src(%dma_wait3A_119 : memref<40xi32, #tpu.memory_space<hbm>>) dst(%arg11 : memref<40xi32, #tpu.memory_space<vmem>>)
    %dma_wait3A_120 = arith.constant 0 : i32
    %dma_wait3A_121 = arith.constant 0 : i32
    %dma_wait3A_122 = tpu.memref_slice %arg2[%dma_wait3A_120, %dma_wait3A_121] : memref<10000x128xf32, #tpu.memory_space<hbm>> -> memref<40x128xf32, #tpu.memory_space<hbm>>
    %dma_wait3A_123 = arith.constant 0 : i32
    %dma_wait3A_124 = arith.constant 0 : i32
    %dma_wait3A_125 = tpu.memref_slice %arg2[%dma_wait3A_123, %dma_wait3A_124] : memref<10000x128xf32, #tpu.memory_space<hbm>> -> memref<40x128xf32, #tpu.memory_space<hbm>>
    tpu.wait_dma2 semaphore(%arg23 : memref<!tpu.dma_semaphore, #tpu.memory_space<semaphore_mem>>) src(%dma_wait3A_125 : memref<40x128xf32, #tpu.memory_space<hbm>>) dst(%arg17 : memref<40x128xf32, #tpu.memory_space<vmem>>)
    "tpu.region"() ({
      %run_scoped3A = tpu.sem_alloc : memref<!tpu.dma_semaphore, #tpu.memory_space<semaphore_mem>>
      %dma_start3A_223 = arith.constant 0 : i32
      %dma_start3A_224 = arith.constant 0 : i32
      %dma_start3A_225 = tpu.memref_slice %arg7[%dma_start3A_223, %dma_start3A_224] : memref<10112x128xf32, #tpu.memory_space<vmem_shared>> -> memref<10112x128xf32, #tpu.memory_space<vmem_shared>>
      tpu.enqueue_indirect_dma source(%arg17 : memref<40x128xf32, #tpu.memory_space<vmem>>) target(%dma_start3A_225 : memref<10112x128xf32, #tpu.memory_space<vmem_shared>>) offsets(%arg11 : memref<40xi32, #tpu.memory_space<vmem>>) semaphore(%run_scoped3A : memref<!tpu.dma_semaphore, #tpu.memory_space<semaphore_mem>>) {add = true}
      %dma_wait3A_226 = arith.constant 0 : i32
      %dma_wait3A_227 = arith.constant 0 : i32
      %dma_wait3A_228 = tpu.memref_slice %arg7[%dma_wait3A_226, %dma_wait3A_227] : memref<10112x128xf32, #tpu.memory_space<vmem_shared>> -> memref<10112x128xf32, #tpu.memory_space<vmem_shared>>
      tpu.wait_indirect_dma semaphore(%run_scoped3A : memref<!tpu.dma_semaphore, #tpu.memory_space<semaphore_mem>>) src(%arg17 : memref<40x128xf32, #tpu.memory_space<vmem>>) dst(%dma_wait3A_228 : memref<10112x128xf32, #tpu.memory_space<vmem_shared>>)
      tpu.yield
    }) : () -> ()
    %mul3A_126 = arith.constant 10000 : i32
    %mul3A_127 = arith.muli %add3A, %mul3A_126 : i32
    %add3A_128 = arith.constant 9920 : i32
    %add3A_129 = arith.addi %mul3A_127, %add3A_128 : i32
    %dma_start3A_130 = tpu.memref_slice %arg4[%add3A_129] : memref<320000xi32, #tpu.memory_space<hbm>> -> memref<40xi32, #tpu.memory_space<hbm>>
    %dma_start3A_131 = tpu.memref_slice %arg4[%add3A_129] : memref<320000xi32, #tpu.memory_space<hbm>> -> memref<40xi32, #tpu.memory_space<hbm>>
    tpu.enqueue_dma source(%dma_start3A_131 : memref<40xi32, #tpu.memory_space<hbm>>) target(%arg11 : memref<40xi32, #tpu.memory_space<vmem>>) target_semaphore(%arg23 : memref<!tpu.dma_semaphore, #tpu.memory_space<semaphore_mem>>)
    %dma_start3A_132 = arith.constant 9920 : i32
    %dma_start3A_133 = tpu.memref_slice %arg8[%dma_start3A_132] : memref<10000xi32, #tpu.memory_space<vmem>> -> memref<40xi32, #tpu.memory_space<vmem>>
    %dma_start3A_134 = arith.constant 0 : i32
    %dma_start3A_135 = arith.constant 0 : i32
    %dma_start3A_136 = tpu.memref_slice %arg2[%dma_start3A_134, %dma_start3A_135] : memref<10000x128xf32, #tpu.memory_space<hbm>> -> memref<10000x128xf32, #tpu.memory_space<hbm>>
    tpu.enqueue_indirect_dma source(%dma_start3A_136 : memref<10000x128xf32, #tpu.memory_space<hbm>>) target(%arg17 : memref<40x128xf32, #tpu.memory_space<vmem>>) offsets(%dma_start3A_133 : memref<40xi32, #tpu.memory_space<vmem>>) semaphore(%arg23 : memref<!tpu.dma_semaphore, #tpu.memory_space<semaphore_mem>>)
    %dma_wait3A_137 = arith.constant 0 : i32
    %dma_wait3A_138 = tpu.memref_slice %arg4[%dma_wait3A_137] : memref<320000xi32, #tpu.memory_space<hbm>> -> memref<40xi32, #tpu.memory_space<hbm>>
    %dma_wait3A_139 = arith.constant 0 : i32
    %dma_wait3A_140 = tpu.memref_slice %arg4[%dma_wait3A_139] : memref<320000xi32, #tpu.memory_space<hbm>> -> memref<40xi32, #tpu.memory_space<hbm>>
    tpu.wait_dma2 semaphore(%arg24 : memref<!tpu.dma_semaphore, #tpu.memory_space<semaphore_mem>>) src(%dma_wait3A_140 : memref<40xi32, #tpu.memory_space<hbm>>) dst(%arg12 : memref<40xi32, #tpu.memory_space<vmem>>)
    %dma_wait3A_141 = arith.constant 0 : i32
    %dma_wait3A_142 = arith.constant 0 : i32
    %dma_wait3A_143 = tpu.memref_slice %arg2[%dma_wait3A_141, %dma_wait3A_142] : memref<10000x128xf32, #tpu.memory_space<hbm>> -> memref<40x128xf32, #tpu.memory_space<hbm>>
    %dma_wait3A_144 = arith.constant 0 : i32
    %dma_wait3A_145 = arith.constant 0 : i32
    %dma_wait3A_146 = tpu.memref_slice %arg2[%dma_wait3A_144, %dma_wait3A_145] : memref<10000x128xf32, #tpu.memory_space<hbm>> -> memref<40x128xf32, #tpu.memory_space<hbm>>
    tpu.wait_dma2 semaphore(%arg24 : memref<!tpu.dma_semaphore, #tpu.memory_space<semaphore_mem>>) src(%dma_wait3A_146 : memref<40x128xf32, #tpu.memory_space<hbm>>) dst(%arg18 : memref<40x128xf32, #tpu.memory_space<vmem>>)
    "tpu.region"() ({
      %run_scoped3A = tpu.sem_alloc : memref<!tpu.dma_semaphore, #tpu.memory_space<semaphore_mem>>
      %dma_start3A_223 = arith.constant 0 : i32
      %dma_start3A_224 = arith.constant 0 : i32
      %dma_start3A_225 = tpu.memref_slice %arg7[%dma_start3A_223, %dma_start3A_224] : memref<10112x128xf32, #tpu.memory_space<vmem_shared>> -> memref<10112x128xf32, #tpu.memory_space<vmem_shared>>
      tpu.enqueue_indirect_dma source(%arg18 : memref<40x128xf32, #tpu.memory_space<vmem>>) target(%dma_start3A_225 : memref<10112x128xf32, #tpu.memory_space<vmem_shared>>) offsets(%arg12 : memref<40xi32, #tpu.memory_space<vmem>>) semaphore(%run_scoped3A : memref<!tpu.dma_semaphore, #tpu.memory_space<semaphore_mem>>) {add = true}
      %dma_wait3A_226 = arith.constant 0 : i32
      %dma_wait3A_227 = arith.constant 0 : i32
      %dma_wait3A_228 = tpu.memref_slice %arg7[%dma_wait3A_226, %dma_wait3A_227] : memref<10112x128xf32, #tpu.memory_space<vmem_shared>> -> memref<10112x128xf32, #tpu.memory_space<vmem_shared>>
      tpu.wait_indirect_dma semaphore(%run_scoped3A : memref<!tpu.dma_semaphore, #tpu.memory_space<semaphore_mem>>) src(%arg18 : memref<40x128xf32, #tpu.memory_space<vmem>>) dst(%dma_wait3A_228 : memref<10112x128xf32, #tpu.memory_space<vmem_shared>>)
      tpu.yield
    }) : () -> ()
    %mul3A_147 = arith.constant 10000 : i32
    %mul3A_148 = arith.muli %add3A, %mul3A_147 : i32
    %add3A_149 = arith.constant 9960 : i32
    %add3A_150 = arith.addi %mul3A_148, %add3A_149 : i32
    %dma_start3A_151 = tpu.memref_slice %arg4[%add3A_150] : memref<320000xi32, #tpu.memory_space<hbm>> -> memref<40xi32, #tpu.memory_space<hbm>>
    %dma_start3A_152 = tpu.memref_slice %arg4[%add3A_150] : memref<320000xi32, #tpu.memory_space<hbm>> -> memref<40xi32, #tpu.memory_space<hbm>>
    tpu.enqueue_dma source(%dma_start3A_152 : memref<40xi32, #tpu.memory_space<hbm>>) target(%arg12 : memref<40xi32, #tpu.memory_space<vmem>>) target_semaphore(%arg24 : memref<!tpu.dma_semaphore, #tpu.memory_space<semaphore_mem>>)
    %dma_start3A_153 = arith.constant 9960 : i32
    %dma_start3A_154 = tpu.memref_slice %arg8[%dma_start3A_153] : memref<10000xi32, #tpu.memory_space<vmem>> -> memref<40xi32, #tpu.memory_space<vmem>>
    %dma_start3A_155 = arith.constant 0 : i32
    %dma_start3A_156 = arith.constant 0 : i32
    %dma_start3A_157 = tpu.memref_slice %arg2[%dma_start3A_155, %dma_start3A_156] : memref<10000x128xf32, #tpu.memory_space<hbm>> -> memref<10000x128xf32, #tpu.memory_space<hbm>>
    tpu.enqueue_indirect_dma source(%dma_start3A_157 : memref<10000x128xf32, #tpu.memory_space<hbm>>) target(%arg18 : memref<40x128xf32, #tpu.memory_space<vmem>>) offsets(%dma_start3A_154 : memref<40xi32, #tpu.memory_space<vmem>>) semaphore(%arg24 : memref<!tpu.dma_semaphore, #tpu.memory_space<semaphore_mem>>)
    %dma_wait3A_158 = arith.constant 0 : i32
    %dma_wait3A_159 = tpu.memref_slice %arg4[%dma_wait3A_158] : memref<320000xi32, #tpu.memory_space<hbm>> -> memref<40xi32, #tpu.memory_space<hbm>>
    %dma_wait3A_160 = arith.constant 0 : i32
    %dma_wait3A_161 = tpu.memref_slice %arg4[%dma_wait3A_160] : memref<320000xi32, #tpu.memory_space<hbm>> -> memref<40xi32, #tpu.memory_space<hbm>>
    tpu.wait_dma2 semaphore(%arg25 : memref<!tpu.dma_semaphore, #tpu.memory_space<semaphore_mem>>) src(%dma_wait3A_161 : memref<40xi32, #tpu.memory_space<hbm>>) dst(%arg13 : memref<40xi32, #tpu.memory_space<vmem>>)
    %dma_wait3A_162 = arith.constant 0 : i32
    %dma_wait3A_163 = arith.constant 0 : i32
    %dma_wait3A_164 = tpu.memref_slice %arg2[%dma_wait3A_162, %dma_wait3A_163] : memref<10000x128xf32, #tpu.memory_space<hbm>> -> memref<40x128xf32, #tpu.memory_space<hbm>>
    %dma_wait3A_165 = arith.constant 0 : i32
    %dma_wait3A_166 = arith.constant 0 : i32
    %dma_wait3A_167 = tpu.memref_slice %arg2[%dma_wait3A_165, %dma_wait3A_166] : memref<10000x128xf32, #tpu.memory_space<hbm>> -> memref<40x128xf32, #tpu.memory_space<hbm>>
    tpu.wait_dma2 semaphore(%arg25 : memref<!tpu.dma_semaphore, #tpu.memory_space<semaphore_mem>>) src(%dma_wait3A_167 : memref<40x128xf32, #tpu.memory_space<hbm>>) dst(%arg19 : memref<40x128xf32, #tpu.memory_space<vmem>>)
    "tpu.region"() ({
      %run_scoped3A = tpu.sem_alloc : memref<!tpu.dma_semaphore, #tpu.memory_space<semaphore_mem>>
      %dma_start3A_223 = arith.constant 0 : i32
      %dma_start3A_224 = arith.constant 0 : i32
      %dma_start3A_225 = tpu.memref_slice %arg7[%dma_start3A_223, %dma_start3A_224] : memref<10112x128xf32, #tpu.memory_space<vmem_shared>> -> memref<10112x128xf32, #tpu.memory_space<vmem_shared>>
      tpu.enqueue_indirect_dma source(%arg19 : memref<40x128xf32, #tpu.memory_space<vmem>>) target(%dma_start3A_225 : memref<10112x128xf32, #tpu.memory_space<vmem_shared>>) offsets(%arg13 : memref<40xi32, #tpu.memory_space<vmem>>) semaphore(%run_scoped3A : memref<!tpu.dma_semaphore, #tpu.memory_space<semaphore_mem>>) {add = true}
      %dma_wait3A_226 = arith.constant 0 : i32
      %dma_wait3A_227 = arith.constant 0 : i32
      %dma_wait3A_228 = tpu.memref_slice %arg7[%dma_wait3A_226, %dma_wait3A_227] : memref<10112x128xf32, #tpu.memory_space<vmem_shared>> -> memref<10112x128xf32, #tpu.memory_space<vmem_shared>>
      tpu.wait_indirect_dma semaphore(%run_scoped3A : memref<!tpu.dma_semaphore, #tpu.memory_space<semaphore_mem>>) src(%arg19 : memref<40x128xf32, #tpu.memory_space<vmem>>) dst(%dma_wait3A_228 : memref<10112x128xf32, #tpu.memory_space<vmem_shared>>)
      tpu.yield
    }) : () -> ()
    %dma_wait3A_168 = arith.constant 0 : i32
    %dma_wait3A_169 = tpu.memref_slice %arg4[%dma_wait3A_168] : memref<320000xi32, #tpu.memory_space<hbm>> -> memref<40xi32, #tpu.memory_space<hbm>>
    %dma_wait3A_170 = arith.constant 0 : i32
    %dma_wait3A_171 = tpu.memref_slice %arg4[%dma_wait3A_170] : memref<320000xi32, #tpu.memory_space<hbm>> -> memref<40xi32, #tpu.memory_space<hbm>>
    tpu.wait_dma2 semaphore(%arg26 : memref<!tpu.dma_semaphore, #tpu.memory_space<semaphore_mem>>) src(%dma_wait3A_171 : memref<40xi32, #tpu.memory_space<hbm>>) dst(%arg14 : memref<40xi32, #tpu.memory_space<vmem>>)
    %dma_wait3A_172 = arith.constant 0 : i32
    %dma_wait3A_173 = arith.constant 0 : i32
    %dma_wait3A_174 = tpu.memref_slice %arg2[%dma_wait3A_172, %dma_wait3A_173] : memref<10000x128xf32, #tpu.memory_space<hbm>> -> memref<40x128xf32, #tpu.memory_space<hbm>>
    %dma_wait3A_175 = arith.constant 0 : i32
    %dma_wait3A_176 = arith.constant 0 : i32
    %dma_wait3A_177 = tpu.memref_slice %arg2[%dma_wait3A_175, %dma_wait3A_176] : memref<10000x128xf32, #tpu.memory_space<hbm>> -> memref<40x128xf32, #tpu.memory_space<hbm>>
    tpu.wait_dma2 semaphore(%arg26 : memref<!tpu.dma_semaphore, #tpu.memory_space<semaphore_mem>>) src(%dma_wait3A_177 : memref<40x128xf32, #tpu.memory_space<hbm>>) dst(%arg20 : memref<40x128xf32, #tpu.memory_space<vmem>>)
    "tpu.region"() ({
      %run_scoped3A = tpu.sem_alloc : memref<!tpu.dma_semaphore, #tpu.memory_space<semaphore_mem>>
      %dma_start3A_223 = arith.constant 0 : i32
      %dma_start3A_224 = arith.constant 0 : i32
      %dma_start3A_225 = tpu.memref_slice %arg7[%dma_start3A_223, %dma_start3A_224] : memref<10112x128xf32, #tpu.memory_space<vmem_shared>> -> memref<10112x128xf32, #tpu.memory_space<vmem_shared>>
      tpu.enqueue_indirect_dma source(%arg20 : memref<40x128xf32, #tpu.memory_space<vmem>>) target(%dma_start3A_225 : memref<10112x128xf32, #tpu.memory_space<vmem_shared>>) offsets(%arg14 : memref<40xi32, #tpu.memory_space<vmem>>) semaphore(%run_scoped3A : memref<!tpu.dma_semaphore, #tpu.memory_space<semaphore_mem>>) {add = true}
      %dma_wait3A_226 = arith.constant 0 : i32
      %dma_wait3A_227 = arith.constant 0 : i32
      %dma_wait3A_228 = tpu.memref_slice %arg7[%dma_wait3A_226, %dma_wait3A_227] : memref<10112x128xf32, #tpu.memory_space<vmem_shared>> -> memref<10112x128xf32, #tpu.memory_space<vmem_shared>>
      tpu.wait_indirect_dma semaphore(%run_scoped3A : memref<!tpu.dma_semaphore, #tpu.memory_space<semaphore_mem>>) src(%arg20 : memref<40x128xf32, #tpu.memory_space<vmem>>) dst(%dma_wait3A_228 : memref<10112x128xf32, #tpu.memory_space<vmem_shared>>)
      tpu.yield
    }) : () -> ()
    %dma_wait3A_178 = arith.constant 0 : i32
    %dma_wait3A_179 = tpu.memref_slice %arg4[%dma_wait3A_178] : memref<320000xi32, #tpu.memory_space<hbm>> -> memref<40xi32, #tpu.memory_space<hbm>>
    %dma_wait3A_180 = arith.constant 0 : i32
    %dma_wait3A_181 = tpu.memref_slice %arg4[%dma_wait3A_180] : memref<320000xi32, #tpu.memory_space<hbm>> -> memref<40xi32, #tpu.memory_space<hbm>>
    tpu.wait_dma2 semaphore(%arg21 : memref<!tpu.dma_semaphore, #tpu.memory_space<semaphore_mem>>) src(%dma_wait3A_181 : memref<40xi32, #tpu.memory_space<hbm>>) dst(%arg9 : memref<40xi32, #tpu.memory_space<vmem>>)
    %dma_wait3A_182 = arith.constant 0 : i32
    %dma_wait3A_183 = arith.constant 0 : i32
    %dma_wait3A_184 = tpu.memref_slice %arg2[%dma_wait3A_182, %dma_wait3A_183] : memref<10000x128xf32, #tpu.memory_space<hbm>> -> memref<40x128xf32, #tpu.memory_space<hbm>>
    %dma_wait3A_185 = arith.constant 0 : i32
    %dma_wait3A_186 = arith.constant 0 : i32
    %dma_wait3A_187 = tpu.memref_slice %arg2[%dma_wait3A_185, %dma_wait3A_186] : memref<10000x128xf32, #tpu.memory_space<hbm>> -> memref<40x128xf32, #tpu.memory_space<hbm>>
    tpu.wait_dma2 semaphore(%arg21 : memref<!tpu.dma_semaphore, #tpu.memory_space<semaphore_mem>>) src(%dma_wait3A_187 : memref<40x128xf32, #tpu.memory_space<hbm>>) dst(%arg15 : memref<40x128xf32, #tpu.memory_space<vmem>>)
    "tpu.region"() ({
      %run_scoped3A = tpu.sem_alloc : memref<!tpu.dma_semaphore, #tpu.memory_space<semaphore_mem>>
      %dma_start3A_223 = arith.constant 0 : i32
      %dma_start3A_224 = arith.constant 0 : i32
      %dma_start3A_225 = tpu.memref_slice %arg7[%dma_start3A_223, %dma_start3A_224] : memref<10112x128xf32, #tpu.memory_space<vmem_shared>> -> memref<10112x128xf32, #tpu.memory_space<vmem_shared>>
      tpu.enqueue_indirect_dma source(%arg15 : memref<40x128xf32, #tpu.memory_space<vmem>>) target(%dma_start3A_225 : memref<10112x128xf32, #tpu.memory_space<vmem_shared>>) offsets(%arg9 : memref<40xi32, #tpu.memory_space<vmem>>) semaphore(%run_scoped3A : memref<!tpu.dma_semaphore, #tpu.memory_space<semaphore_mem>>) {add = true}
      %dma_wait3A_226 = arith.constant 0 : i32
      %dma_wait3A_227 = arith.constant 0 : i32
      %dma_wait3A_228 = tpu.memref_slice %arg7[%dma_wait3A_226, %dma_wait3A_227] : memref<10112x128xf32, #tpu.memory_space<vmem_shared>> -> memref<10112x128xf32, #tpu.memory_space<vmem_shared>>
      tpu.wait_indirect_dma semaphore(%run_scoped3A : memref<!tpu.dma_semaphore, #tpu.memory_space<semaphore_mem>>) src(%arg15 : memref<40x128xf32, #tpu.memory_space<vmem>>) dst(%dma_wait3A_228 : memref<10112x128xf32, #tpu.memory_space<vmem_shared>>)
      tpu.yield
    }) : () -> ()
    %dma_wait3A_188 = arith.constant 0 : i32
    %dma_wait3A_189 = tpu.memref_slice %arg4[%dma_wait3A_188] : memref<320000xi32, #tpu.memory_space<hbm>> -> memref<40xi32, #tpu.memory_space<hbm>>
    %dma_wait3A_190 = arith.constant 0 : i32
    %dma_wait3A_191 = tpu.memref_slice %arg4[%dma_wait3A_190] : memref<320000xi32, #tpu.memory_space<hbm>> -> memref<40xi32, #tpu.memory_space<hbm>>
    tpu.wait_dma2 semaphore(%arg22 : memref<!tpu.dma_semaphore, #tpu.memory_space<semaphore_mem>>) src(%dma_wait3A_191 : memref<40xi32, #tpu.memory_space<hbm>>) dst(%arg10 : memref<40xi32, #tpu.memory_space<vmem>>)
    %dma_wait3A_192 = arith.constant 0 : i32
    %dma_wait3A_193 = arith.constant 0 : i32
    %dma_wait3A_194 = tpu.memref_slice %arg2[%dma_wait3A_192, %dma_wait3A_193] : memref<10000x128xf32, #tpu.memory_space<hbm>> -> memref<40x128xf32, #tpu.memory_space<hbm>>
    %dma_wait3A_195 = arith.constant 0 : i32
    %dma_wait3A_196 = arith.constant 0 : i32
    %dma_wait3A_197 = tpu.memref_slice %arg2[%dma_wait3A_195, %dma_wait3A_196] : memref<10000x128xf32, #tpu.memory_space<hbm>> -> memref<40x128xf32, #tpu.memory_space<hbm>>
    tpu.wait_dma2 semaphore(%arg22 : memref<!tpu.dma_semaphore, #tpu.memory_space<semaphore_mem>>) src(%dma_wait3A_197 : memref<40x128xf32, #tpu.memory_space<hbm>>) dst(%arg16 : memref<40x128xf32, #tpu.memory_space<vmem>>)
    "tpu.region"() ({
      %run_scoped3A = tpu.sem_alloc : memref<!tpu.dma_semaphore, #tpu.memory_space<semaphore_mem>>
      %dma_start3A_223 = arith.constant 0 : i32
      %dma_start3A_224 = arith.constant 0 : i32
      %dma_start3A_225 = tpu.memref_slice %arg7[%dma_start3A_223, %dma_start3A_224] : memref<10112x128xf32, #tpu.memory_space<vmem_shared>> -> memref<10112x128xf32, #tpu.memory_space<vmem_shared>>
      tpu.enqueue_indirect_dma source(%arg16 : memref<40x128xf32, #tpu.memory_space<vmem>>) target(%dma_start3A_225 : memref<10112x128xf32, #tpu.memory_space<vmem_shared>>) offsets(%arg10 : memref<40xi32, #tpu.memory_space<vmem>>) semaphore(%run_scoped3A : memref<!tpu.dma_semaphore, #tpu.memory_space<semaphore_mem>>) {add = true}
      %dma_wait3A_226 = arith.constant 0 : i32
      %dma_wait3A_227 = arith.constant 0 : i32
      %dma_wait3A_228 = tpu.memref_slice %arg7[%dma_wait3A_226, %dma_wait3A_227] : memref<10112x128xf32, #tpu.memory_space<vmem_shared>> -> memref<10112x128xf32, #tpu.memory_space<vmem_shared>>
      tpu.wait_indirect_dma semaphore(%run_scoped3A : memref<!tpu.dma_semaphore, #tpu.memory_space<semaphore_mem>>) src(%arg16 : memref<40x128xf32, #tpu.memory_space<vmem>>) dst(%dma_wait3A_228 : memref<10112x128xf32, #tpu.memory_space<vmem_shared>>)
      tpu.yield
    }) : () -> ()
    %dma_wait3A_198 = arith.constant 0 : i32
    %dma_wait3A_199 = tpu.memref_slice %arg4[%dma_wait3A_198] : memref<320000xi32, #tpu.memory_space<hbm>> -> memref<40xi32, #tpu.memory_space<hbm>>
    %dma_wait3A_200 = arith.constant 0 : i32
    %dma_wait3A_201 = tpu.memref_slice %arg4[%dma_wait3A_200] : memref<320000xi32, #tpu.memory_space<hbm>> -> memref<40xi32, #tpu.memory_space<hbm>>
    tpu.wait_dma2 semaphore(%arg23 : memref<!tpu.dma_semaphore, #tpu.memory_space<semaphore_mem>>) src(%dma_wait3A_201 : memref<40xi32, #tpu.memory_space<hbm>>) dst(%arg11 : memref<40xi32, #tpu.memory_space<vmem>>)
    %dma_wait3A_202 = arith.constant 0 : i32
    %dma_wait3A_203 = arith.constant 0 : i32
    %dma_wait3A_204 = tpu.memref_slice %arg2[%dma_wait3A_202, %dma_wait3A_203] : memref<10000x128xf32, #tpu.memory_space<hbm>> -> memref<40x128xf32, #tpu.memory_space<hbm>>
    %dma_wait3A_205 = arith.constant 0 : i32
    %dma_wait3A_206 = arith.constant 0 : i32
    %dma_wait3A_207 = tpu.memref_slice %arg2[%dma_wait3A_205, %dma_wait3A_206] : memref<10000x128xf32, #tpu.memory_space<hbm>> -> memref<40x128xf32, #tpu.memory_space<hbm>>
    tpu.wait_dma2 semaphore(%arg23 : memref<!tpu.dma_semaphore, #tpu.memory_space<semaphore_mem>>) src(%dma_wait3A_207 : memref<40x128xf32, #tpu.memory_space<hbm>>) dst(%arg17 : memref<40x128xf32, #tpu.memory_space<vmem>>)
    "tpu.region"() ({
      %run_scoped3A = tpu.sem_alloc : memref<!tpu.dma_semaphore, #tpu.memory_space<semaphore_mem>>
      %dma_start3A_223 = arith.constant 0 : i32
      %dma_start3A_224 = arith.constant 0 : i32
      %dma_start3A_225 = tpu.memref_slice %arg7[%dma_start3A_223, %dma_start3A_224] : memref<10112x128xf32, #tpu.memory_space<vmem_shared>> -> memref<10112x128xf32, #tpu.memory_space<vmem_shared>>
      tpu.enqueue_indirect_dma source(%arg17 : memref<40x128xf32, #tpu.memory_space<vmem>>) target(%dma_start3A_225 : memref<10112x128xf32, #tpu.memory_space<vmem_shared>>) offsets(%arg11 : memref<40xi32, #tpu.memory_space<vmem>>) semaphore(%run_scoped3A : memref<!tpu.dma_semaphore, #tpu.memory_space<semaphore_mem>>) {add = true}
      %dma_wait3A_226 = arith.constant 0 : i32
      %dma_wait3A_227 = arith.constant 0 : i32
      %dma_wait3A_228 = tpu.memref_slice %arg7[%dma_wait3A_226, %dma_wait3A_227] : memref<10112x128xf32, #tpu.memory_space<vmem_shared>> -> memref<10112x128xf32, #tpu.memory_space<vmem_shared>>
      tpu.wait_indirect_dma semaphore(%run_scoped3A : memref<!tpu.dma_semaphore, #tpu.memory_space<semaphore_mem>>) src(%arg17 : memref<40x128xf32, #tpu.memory_space<vmem>>) dst(%dma_wait3A_228 : memref<10112x128xf32, #tpu.memory_space<vmem_shared>>)
      tpu.yield
    }) : () -> ()
    %dma_wait3A_208 = arith.constant 0 : i32
    %dma_wait3A_209 = tpu.memref_slice %arg4[%dma_wait3A_208] : memref<320000xi32, #tpu.memory_space<hbm>> -> memref<40xi32, #tpu.memory_space<hbm>>
    %dma_wait3A_210 = arith.constant 0 : i32
    %dma_wait3A_211 = tpu.memref_slice %arg4[%dma_wait3A_210] : memref<320000xi32, #tpu.memory_space<hbm>> -> memref<40xi32, #tpu.memory_space<hbm>>
    tpu.wait_dma2 semaphore(%arg24 : memref<!tpu.dma_semaphore, #tpu.memory_space<semaphore_mem>>) src(%dma_wait3A_211 : memref<40xi32, #tpu.memory_space<hbm>>) dst(%arg12 : memref<40xi32, #tpu.memory_space<vmem>>)
    %dma_wait3A_212 = arith.constant 0 : i32
    %dma_wait3A_213 = arith.constant 0 : i32
    %dma_wait3A_214 = tpu.memref_slice %arg2[%dma_wait3A_212, %dma_wait3A_213] : memref<10000x128xf32, #tpu.memory_space<hbm>> -> memref<40x128xf32, #tpu.memory_space<hbm>>
    %dma_wait3A_215 = arith.constant 0 : i32
    %dma_wait3A_216 = arith.constant 0 : i32
    %dma_wait3A_217 = tpu.memref_slice %arg2[%dma_wait3A_215, %dma_wait3A_216] : memref<10000x128xf32, #tpu.memory_space<hbm>> -> memref<40x128xf32, #tpu.memory_space<hbm>>
    tpu.wait_dma2 semaphore(%arg24 : memref<!tpu.dma_semaphore, #tpu.memory_space<semaphore_mem>>) src(%dma_wait3A_217 : memref<40x128xf32, #tpu.memory_space<hbm>>) dst(%arg18 : memref<40x128xf32, #tpu.memory_space<vmem>>)
    "tpu.region"() ({
      %run_scoped3A = tpu.sem_alloc : memref<!tpu.dma_semaphore, #tpu.memory_space<semaphore_mem>>
      %dma_start3A_223 = arith.constant 0 : i32
      %dma_start3A_224 = arith.constant 0 : i32
      %dma_start3A_225 = tpu.memref_slice %arg7[%dma_start3A_223, %dma_start3A_224] : memref<10112x128xf32, #tpu.memory_space<vmem_shared>> -> memref<10112x128xf32, #tpu.memory_space<vmem_shared>>
      tpu.enqueue_indirect_dma source(%arg18 : memref<40x128xf32, #tpu.memory_space<vmem>>) target(%dma_start3A_225 : memref<10112x128xf32, #tpu.memory_space<vmem_shared>>) offsets(%arg12 : memref<40xi32, #tpu.memory_space<vmem>>) semaphore(%run_scoped3A : memref<!tpu.dma_semaphore, #tpu.memory_space<semaphore_mem>>) {add = true}
      %dma_wait3A_226 = arith.constant 0 : i32
      %dma_wait3A_227 = arith.constant 0 : i32
      %dma_wait3A_228 = tpu.memref_slice %arg7[%dma_wait3A_226, %dma_wait3A_227] : memref<10112x128xf32, #tpu.memory_space<vmem_shared>> -> memref<10112x128xf32, #tpu.memory_space<vmem_shared>>
      tpu.wait_indirect_dma semaphore(%run_scoped3A : memref<!tpu.dma_semaphore, #tpu.memory_space<semaphore_mem>>) src(%arg18 : memref<40x128xf32, #tpu.memory_space<vmem>>) dst(%dma_wait3A_228 : memref<10112x128xf32, #tpu.memory_space<vmem_shared>>)
      tpu.yield
    }) : () -> ()
    %barrier3A_218 = arith.constant 0 : index
    tpu.barrier barrier_id(%barrier3A_218)
    %mul3A_219 = arith.constant 632 : i32
    %mul3A_220 = arith.muli %arg1, %mul3A_219 : i32
    %mul3A_221 = arith.constant 632 : i32
    %mul3A_222 = arith.muli %arg1, %mul3A_221 : i32
    "tpu.region"() ({
      %run_scoped3A = tpu.sem_alloc : memref<!tpu.dma_semaphore, #tpu.memory_space<semaphore_mem>>
      %dma_start3A_223 = arith.constant 0 : i32
      %dma_start3A_224 = tpu.memref_slice %arg6[%arg0, %mul3A_222, %dma_start3A_223] : memref<2x10112x128xf32, #tpu.memory_space<hbm>> -> memref<1x632x128xf32, #tpu.memory_space<hbm>>
      %dma_start3A_225 = tpu.memref_squeeze %dma_start3A_224 : memref<1x632x128xf32, #tpu.memory_space<hbm>> -> memref<632x128xf32, #tpu.memory_space<hbm>>
      %dma_start3A_226 = arith.constant 0 : i32
      %dma_start3A_227 = tpu.memref_slice %arg7[%mul3A_220, %dma_start3A_226] : memref<10112x128xf32, #tpu.memory_space<vmem_shared>> -> memref<632x128xf32, #tpu.memory_space<vmem_shared>>
      tpu.enqueue_dma source(%dma_start3A_227 : memref<632x128xf32, #tpu.memory_space<vmem_shared>>) target(%dma_start3A_225 : memref<632x128xf32, #tpu.memory_space<hbm>>) target_semaphore(%run_scoped3A : memref<!tpu.dma_semaphore, #tpu.memory_space<semaphore_mem>>)
      %dma_wait3A_228 = arith.constant 0 : i32
      %dma_wait3A_229 = tpu.memref_slice %arg6[%arg0, %mul3A_222, %dma_wait3A_228] : memref<2x10112x128xf32, #tpu.memory_space<hbm>> -> memref<1x632x128xf32, #tpu.memory_space<hbm>>
      %dma_wait3A_230 = tpu.memref_squeeze %dma_wait3A_229 : memref<1x632x128xf32, #tpu.memory_space<hbm>> -> memref<632x128xf32, #tpu.memory_space<hbm>>
      %dma_wait3A_231 = arith.constant 0 : i32
      %dma_wait3A_232 = tpu.memref_slice %arg7[%mul3A_220, %dma_wait3A_231] : memref<10112x128xf32, #tpu.memory_space<vmem_shared>> -> memref<632x128xf32, #tpu.memory_space<vmem_shared>>
      tpu.wait_dma2 semaphore(%run_scoped3A : memref<!tpu.dma_semaphore, #tpu.memory_space<semaphore_mem>>) src(%dma_wait3A_232 : memref<632x128xf32, #tpu.memory_space<vmem_shared>>) dst(%dma_wait3A_230 : memref<632x128xf32, #tpu.memory_space<hbm>>)
      tpu.yield
    }) : () -> ()
    return
  }
}

#map = affine_map<(d0, d1) -> (0, 0)>
#map1 = affine_map<(d0, d1) -> (0)>
#map2 = affine_map<(d0, d1) -> (0, 0, 0)>
module attributes {stable_mosaic.version = 14 : i64} {
  func.func @_sc_agg(%arg0: i32, %arg1: i32, %arg2: memref<10000x128xf32, #tpu.memory_space<hbm>>, %arg3: memref<32x10000xi32, #tpu.memory_space<hbm>>, %arg4: memref<320000xi32, #tpu.memory_space<hbm>>, %arg5: memref<10112x128xf32, #tpu.memory_space<hbm>>, %arg6: memref<2x10112x128xf32, #tpu.memory_space<hbm>>, %arg7: memref<10112x128xf32, #tpu.memory_space<vmem_shared>>, %arg8: memref<10000xi32, #tpu.memory_space<vmem>>, %arg9: memref<40xi32, #tpu.memory_space<vmem>>, %arg10: memref<40xi32, #tpu.memory_space<vmem>>, %arg11: memref<40xi32, #tpu.memory_space<vmem>>, %arg12: memref<40xi32, #tpu.memory_space<vmem>>, %arg13: memref<40xi32, #tpu.memory_space<vmem>>, %arg14: memref<40xi32, #tpu.memory_space<vmem>>, %arg15: memref<40x128xf32, #tpu.memory_space<vmem>>, %arg16: memref<40x128xf32, #tpu.memory_space<vmem>>, %arg17: memref<40x128xf32, #tpu.memory_space<vmem>>, %arg18: memref<40x128xf32, #tpu.memory_space<vmem>>, %arg19: memref<40x128xf32, #tpu.memory_space<vmem>>, %arg20: memref<40x128xf32, #tpu.memory_space<vmem>>, %arg21: memref<!tpu.dma_semaphore, #tpu.memory_space<semaphore_mem>>, %arg22: memref<!tpu.dma_semaphore, #tpu.memory_space<semaphore_mem>>, %arg23: memref<!tpu.dma_semaphore, #tpu.memory_space<semaphore_mem>>, %arg24: memref<!tpu.dma_semaphore, #tpu.memory_space<semaphore_mem>>, %arg25: memref<!tpu.dma_semaphore, #tpu.memory_space<semaphore_mem>>, %arg26: memref<!tpu.dma_semaphore, #tpu.memory_space<semaphore_mem>>) attributes {dimension_semantics = [#tpu.dimension_semantics<core_parallel>, #tpu.dimension_semantics<subcore_parallel>], iteration_bounds = array<i64: 2, 16>, scalar_prefetch = 0 : i64, scratch_operands = 20 : i64, tpu.core_type = #tpu.core_type<sc_vector_subcore>, window_params = [{transform_indices = #map}, {transform_indices = #map}, {transform_indices = #map1}, {transform_indices = #map}, {transform_indices = #map2}]} {
    %mul3A = arith.constant 16 : i32
    %mul3A_0 = arith.muli %arg0, %mul3A : i32
    %add3A = arith.addi %mul3A_0, %arg1 : i32
    "tpu.region"() ({
      %run_scoped3A = tpu.sem_alloc : memref<!tpu.dma_semaphore, #tpu.memory_space<semaphore_mem>>
      %dma_start3A_223 = arith.constant 0 : i32
      %dma_start3A_224 = tpu.memref_slice %arg3[%add3A, %dma_start3A_223] : memref<32x10000xi32, #tpu.memory_space<hbm>> -> memref<1x10000xi32, #tpu.memory_space<hbm>>
      %dma_start3A_225 = tpu.memref_squeeze %dma_start3A_224 : memref<1x10000xi32, #tpu.memory_space<hbm>> -> memref<10000xi32, #tpu.memory_space<hbm>>
      %dma_start3A_226 = arith.constant 0 : i32
      %dma_start3A_227 = tpu.memref_slice %arg3[%add3A, %dma_start3A_226] : memref<32x10000xi32, #tpu.memory_space<hbm>> -> memref<1x10000xi32, #tpu.memory_space<hbm>>
      %dma_start3A_228 = tpu.memref_squeeze %dma_start3A_227 : memref<1x10000xi32, #tpu.memory_space<hbm>> -> memref<10000xi32, #tpu.memory_space<hbm>>
      tpu.enqueue_dma source(%dma_start3A_228 : memref<10000xi32, #tpu.memory_space<hbm>>) target(%arg8 : memref<10000xi32, #tpu.memory_space<vmem>>) target_semaphore(%run_scoped3A : memref<!tpu.dma_semaphore, #tpu.memory_space<semaphore_mem>>)
      %dma_wait3A_229 = arith.constant 0 : i32
      %dma_wait3A_230 = tpu.memref_slice %arg3[%add3A, %dma_wait3A_229] : memref<32x10000xi32, #tpu.memory_space<hbm>> -> memref<1x10000xi32, #tpu.memory_space<hbm>>
      %dma_wait3A_231 = tpu.memref_squeeze %dma_wait3A_230 : memref<1x10000xi32, #tpu.memory_space<hbm>> -> memref<10000xi32, #tpu.memory_space<hbm>>
      %dma_wait3A_232 = arith.constant 0 : i32
      %dma_wait3A_233 = tpu.memref_slice %arg3[%add3A, %dma_wait3A_232] : memref<32x10000xi32, #tpu.memory_space<hbm>> -> memref<1x10000xi32, #tpu.memory_space<hbm>>
      %dma_wait3A_234 = tpu.memref_squeeze %dma_wait3A_233 : memref<1x10000xi32, #tpu.memory_space<hbm>> -> memref<10000xi32, #tpu.memory_space<hbm>>
      tpu.wait_dma2 semaphore(%run_scoped3A : memref<!tpu.dma_semaphore, #tpu.memory_space<semaphore_mem>>) src(%dma_wait3A_234 : memref<10000xi32, #tpu.memory_space<hbm>>) dst(%arg8 : memref<10000xi32, #tpu.memory_space<vmem>>)
      tpu.yield
    }) : () -> ()
    %mul3A_1 = arith.constant 10000 : i32
    %mul3A_2 = arith.muli %add3A, %mul3A_1 : i32
    %add3A_3 = arith.constant 0 : i32
    %add3A_4 = arith.addi %mul3A_2, %add3A_3 : i32
    %dma_start3A = tpu.memref_slice %arg4[%add3A_4] : memref<320000xi32, #tpu.memory_space<hbm>> -> memref<40xi32, #tpu.memory_space<hbm>>
    %dma_start3A_5 = tpu.memref_slice %arg4[%add3A_4] : memref<320000xi32, #tpu.memory_space<hbm>> -> memref<40xi32, #tpu.memory_space<hbm>>
    tpu.enqueue_dma source(%dma_start3A_5 : memref<40xi32, #tpu.memory_space<hbm>>) target(%arg9 : memref<40xi32, #tpu.memory_space<vmem>>) target_semaphore(%arg21 : memref<!tpu.dma_semaphore, #tpu.memory_space<semaphore_mem>>)
    %dma_start3A_6 = arith.constant 0 : i32
    %dma_start3A_7 = tpu.memref_slice %arg8[%dma_start3A_6] : memref<10000xi32, #tpu.memory_space<vmem>> -> memref<40xi32, #tpu.memory_space<vmem>>
    %dma_start3A_8 = arith.constant 0 : i32
    %dma_start3A_9 = arith.constant 0 : i32
    %dma_start3A_10 = tpu.memref_slice %arg2[%dma_start3A_8, %dma_start3A_9] : memref<10000x128xf32, #tpu.memory_space<hbm>> -> memref<10000x128xf32, #tpu.memory_space<hbm>>
    tpu.enqueue_indirect_dma source(%dma_start3A_10 : memref<10000x128xf32, #tpu.memory_space<hbm>>) target(%arg15 : memref<40x128xf32, #tpu.memory_space<vmem>>) offsets(%dma_start3A_7 : memref<40xi32, #tpu.memory_space<vmem>>) semaphore(%arg21 : memref<!tpu.dma_semaphore, #tpu.memory_space<semaphore_mem>>)
    %mul3A_11 = arith.constant 10000 : i32
    %mul3A_12 = arith.muli %add3A, %mul3A_11 : i32
    %add3A_13 = arith.constant 40 : i32
    %add3A_14 = arith.addi %mul3A_12, %add3A_13 : i32
    %dma_start3A_15 = tpu.memref_slice %arg4[%add3A_14] : memref<320000xi32, #tpu.memory_space<hbm>> -> memref<40xi32, #tpu.memory_space<hbm>>
    %dma_start3A_16 = tpu.memref_slice %arg4[%add3A_14] : memref<320000xi32, #tpu.memory_space<hbm>> -> memref<40xi32, #tpu.memory_space<hbm>>
    tpu.enqueue_dma source(%dma_start3A_16 : memref<40xi32, #tpu.memory_space<hbm>>) target(%arg10 : memref<40xi32, #tpu.memory_space<vmem>>) target_semaphore(%arg22 : memref<!tpu.dma_semaphore, #tpu.memory_space<semaphore_mem>>)
    %dma_start3A_17 = arith.constant 40 : i32
    %dma_start3A_18 = tpu.memref_slice %arg8[%dma_start3A_17] : memref<10000xi32, #tpu.memory_space<vmem>> -> memref<40xi32, #tpu.memory_space<vmem>>
    %dma_start3A_19 = arith.constant 0 : i32
    %dma_start3A_20 = arith.constant 0 : i32
    %dma_start3A_21 = tpu.memref_slice %arg2[%dma_start3A_19, %dma_start3A_20] : memref<10000x128xf32, #tpu.memory_space<hbm>> -> memref<10000x128xf32, #tpu.memory_space<hbm>>
    tpu.enqueue_indirect_dma source(%dma_start3A_21 : memref<10000x128xf32, #tpu.memory_space<hbm>>) target(%arg16 : memref<40x128xf32, #tpu.memory_space<vmem>>) offsets(%dma_start3A_18 : memref<40xi32, #tpu.memory_space<vmem>>) semaphore(%arg22 : memref<!tpu.dma_semaphore, #tpu.memory_space<semaphore_mem>>)
    %mul3A_22 = arith.constant 10000 : i32
    %mul3A_23 = arith.muli %add3A, %mul3A_22 : i32
    %add3A_24 = arith.constant 80 : i32
    %add3A_25 = arith.addi %mul3A_23, %add3A_24 : i32
    %dma_start3A_26 = tpu.memref_slice %arg4[%add3A_25] : memref<320000xi32, #tpu.memory_space<hbm>> -> memref<40xi32, #tpu.memory_space<hbm>>
    %dma_start3A_27 = tpu.memref_slice %arg4[%add3A_25] : memref<320000xi32, #tpu.memory_space<hbm>> -> memref<40xi32, #tpu.memory_space<hbm>>
    tpu.enqueue_dma source(%dma_start3A_27 : memref<40xi32, #tpu.memory_space<hbm>>) target(%arg11 : memref<40xi32, #tpu.memory_space<vmem>>) target_semaphore(%arg23 : memref<!tpu.dma_semaphore, #tpu.memory_space<semaphore_mem>>)
    %dma_start3A_28 = arith.constant 80 : i32
    %dma_start3A_29 = tpu.memref_slice %arg8[%dma_start3A_28] : memref<10000xi32, #tpu.memory_space<vmem>> -> memref<40xi32, #tpu.memory_space<vmem>>
    %dma_start3A_30 = arith.constant 0 : i32
    %dma_start3A_31 = arith.constant 0 : i32
    %dma_start3A_32 = tpu.memref_slice %arg2[%dma_start3A_30, %dma_start3A_31] : memref<10000x128xf32, #tpu.memory_space<hbm>> -> memref<10000x128xf32, #tpu.memory_space<hbm>>
    tpu.enqueue_indirect_dma source(%dma_start3A_32 : memref<10000x128xf32, #tpu.memory_space<hbm>>) target(%arg17 : memref<40x128xf32, #tpu.memory_space<vmem>>) offsets(%dma_start3A_29 : memref<40xi32, #tpu.memory_space<vmem>>) semaphore(%arg23 : memref<!tpu.dma_semaphore, #tpu.memory_space<semaphore_mem>>)
    %mul3A_33 = arith.constant 10000 : i32
    %mul3A_34 = arith.muli %add3A, %mul3A_33 : i32
    %add3A_35 = arith.constant 120 : i32
    %add3A_36 = arith.addi %mul3A_34, %add3A_35 : i32
    %dma_start3A_37 = tpu.memref_slice %arg4[%add3A_36] : memref<320000xi32, #tpu.memory_space<hbm>> -> memref<40xi32, #tpu.memory_space<hbm>>
    %dma_start3A_38 = tpu.memref_slice %arg4[%add3A_36] : memref<320000xi32, #tpu.memory_space<hbm>> -> memref<40xi32, #tpu.memory_space<hbm>>
    tpu.enqueue_dma source(%dma_start3A_38 : memref<40xi32, #tpu.memory_space<hbm>>) target(%arg12 : memref<40xi32, #tpu.memory_space<vmem>>) target_semaphore(%arg24 : memref<!tpu.dma_semaphore, #tpu.memory_space<semaphore_mem>>)
    %dma_start3A_39 = arith.constant 120 : i32
    %dma_start3A_40 = tpu.memref_slice %arg8[%dma_start3A_39] : memref<10000xi32, #tpu.memory_space<vmem>> -> memref<40xi32, #tpu.memory_space<vmem>>
    %dma_start3A_41 = arith.constant 0 : i32
    %dma_start3A_42 = arith.constant 0 : i32
    %dma_start3A_43 = tpu.memref_slice %arg2[%dma_start3A_41, %dma_start3A_42] : memref<10000x128xf32, #tpu.memory_space<hbm>> -> memref<10000x128xf32, #tpu.memory_space<hbm>>
    tpu.enqueue_indirect_dma source(%dma_start3A_43 : memref<10000x128xf32, #tpu.memory_space<hbm>>) target(%arg18 : memref<40x128xf32, #tpu.memory_space<vmem>>) offsets(%dma_start3A_40 : memref<40xi32, #tpu.memory_space<vmem>>) semaphore(%arg24 : memref<!tpu.dma_semaphore, #tpu.memory_space<semaphore_mem>>)
    %mul3A_44 = arith.constant 10000 : i32
    %mul3A_45 = arith.muli %add3A, %mul3A_44 : i32
    %add3A_46 = arith.constant 160 : i32
    %add3A_47 = arith.addi %mul3A_45, %add3A_46 : i32
    %dma_start3A_48 = tpu.memref_slice %arg4[%add3A_47] : memref<320000xi32, #tpu.memory_space<hbm>> -> memref<40xi32, #tpu.memory_space<hbm>>
    %dma_start3A_49 = tpu.memref_slice %arg4[%add3A_47] : memref<320000xi32, #tpu.memory_space<hbm>> -> memref<40xi32, #tpu.memory_space<hbm>>
    tpu.enqueue_dma source(%dma_start3A_49 : memref<40xi32, #tpu.memory_space<hbm>>) target(%arg13 : memref<40xi32, #tpu.memory_space<vmem>>) target_semaphore(%arg25 : memref<!tpu.dma_semaphore, #tpu.memory_space<semaphore_mem>>)
    %dma_start3A_50 = arith.constant 160 : i32
    %dma_start3A_51 = tpu.memref_slice %arg8[%dma_start3A_50] : memref<10000xi32, #tpu.memory_space<vmem>> -> memref<40xi32, #tpu.memory_space<vmem>>
    %dma_start3A_52 = arith.constant 0 : i32
    %dma_start3A_53 = arith.constant 0 : i32
    %dma_start3A_54 = tpu.memref_slice %arg2[%dma_start3A_52, %dma_start3A_53] : memref<10000x128xf32, #tpu.memory_space<hbm>> -> memref<10000x128xf32, #tpu.memory_space<hbm>>
    tpu.enqueue_indirect_dma source(%dma_start3A_54 : memref<10000x128xf32, #tpu.memory_space<hbm>>) target(%arg19 : memref<40x128xf32, #tpu.memory_space<vmem>>) offsets(%dma_start3A_51 : memref<40xi32, #tpu.memory_space<vmem>>) semaphore(%arg25 : memref<!tpu.dma_semaphore, #tpu.memory_space<semaphore_mem>>)
    %mul3A_55 = arith.constant 10000 : i32
    %mul3A_56 = arith.muli %add3A, %mul3A_55 : i32
    %add3A_57 = arith.constant 200 : i32
    %add3A_58 = arith.addi %mul3A_56, %add3A_57 : i32
    %dma_start3A_59 = tpu.memref_slice %arg4[%add3A_58] : memref<320000xi32, #tpu.memory_space<hbm>> -> memref<40xi32, #tpu.memory_space<hbm>>
    %dma_start3A_60 = tpu.memref_slice %arg4[%add3A_58] : memref<320000xi32, #tpu.memory_space<hbm>> -> memref<40xi32, #tpu.memory_space<hbm>>
    tpu.enqueue_dma source(%dma_start3A_60 : memref<40xi32, #tpu.memory_space<hbm>>) target(%arg14 : memref<40xi32, #tpu.memory_space<vmem>>) target_semaphore(%arg26 : memref<!tpu.dma_semaphore, #tpu.memory_space<semaphore_mem>>)
    %dma_start3A_61 = arith.constant 200 : i32
    %dma_start3A_62 = tpu.memref_slice %arg8[%dma_start3A_61] : memref<10000xi32, #tpu.memory_space<vmem>> -> memref<40xi32, #tpu.memory_space<vmem>>
    %dma_start3A_63 = arith.constant 0 : i32
    %dma_start3A_64 = arith.constant 0 : i32
    %dma_start3A_65 = tpu.memref_slice %arg2[%dma_start3A_63, %dma_start3A_64] : memref<10000x128xf32, #tpu.memory_space<hbm>> -> memref<10000x128xf32, #tpu.memory_space<hbm>>
    tpu.enqueue_indirect_dma source(%dma_start3A_65 : memref<10000x128xf32, #tpu.memory_space<hbm>>) target(%arg20 : memref<40x128xf32, #tpu.memory_space<vmem>>) offsets(%dma_start3A_62 : memref<40xi32, #tpu.memory_space<vmem>>) semaphore(%arg26 : memref<!tpu.dma_semaphore, #tpu.memory_space<semaphore_mem>>)
    %mul3A_66 = arith.constant 632 : i32
    %mul3A_67 = arith.muli %arg1, %mul3A_66 : i32
    %mul3A_68 = arith.constant 632 : i32
    %mul3A_69 = arith.muli %arg1, %mul3A_68 : i32
    "tpu.region"() ({
      %run_scoped3A = tpu.sem_alloc : memref<!tpu.dma_semaphore, #tpu.memory_space<semaphore_mem>>
      %dma_start3A_223 = arith.constant 0 : i32
      %dma_start3A_224 = tpu.memref_slice %arg7[%mul3A_69, %dma_start3A_223] : memref<10112x128xf32, #tpu.memory_space<vmem_shared>> -> memref<632x128xf32, #tpu.memory_space<vmem_shared>>
      %dma_start3A_225 = arith.constant 0 : i32
      %dma_start3A_226 = tpu.memref_slice %arg5[%mul3A_67, %dma_start3A_225] : memref<10112x128xf32, #tpu.memory_space<hbm>> -> memref<632x128xf32, #tpu.memory_space<hbm>>
      tpu.enqueue_dma source(%dma_start3A_226 : memref<632x128xf32, #tpu.memory_space<hbm>>) target(%dma_start3A_224 : memref<632x128xf32, #tpu.memory_space<vmem_shared>>) target_semaphore(%run_scoped3A : memref<!tpu.dma_semaphore, #tpu.memory_space<semaphore_mem>>)
      %dma_wait3A_227 = arith.constant 0 : i32
      %dma_wait3A_228 = tpu.memref_slice %arg7[%mul3A_69, %dma_wait3A_227] : memref<10112x128xf32, #tpu.memory_space<vmem_shared>> -> memref<632x128xf32, #tpu.memory_space<vmem_shared>>
      %dma_wait3A_229 = arith.constant 0 : i32
      %dma_wait3A_230 = tpu.memref_slice %arg5[%mul3A_67, %dma_wait3A_229] : memref<10112x128xf32, #tpu.memory_space<hbm>> -> memref<632x128xf32, #tpu.memory_space<hbm>>
      tpu.wait_dma2 semaphore(%run_scoped3A : memref<!tpu.dma_semaphore, #tpu.memory_space<semaphore_mem>>) src(%dma_wait3A_230 : memref<632x128xf32, #tpu.memory_space<hbm>>) dst(%dma_wait3A_228 : memref<632x128xf32, #tpu.memory_space<vmem_shared>>)
      tpu.yield
    }) : () -> ()
    %barrier3A = arith.constant 0 : index
    tpu.barrier barrier_id(%barrier3A)
    %scan3A = arith.constant 0 : i32
    %scan3A_70 = arith.constant 0 : i32
    %scan3A_71 = arith.constant 40 : i32
    %scan3A_72 = arith.addi %scan3A_70, %scan3A_71 : i32
    %scan3A_73 = arith.constant 1 : i32
    scf.for %scan3A_223 = %scan3A_70 to %scan3A_72 step %scan3A_73  : i32 {
      %mul3A_224 = arith.constant 6 : i32
      %mul3A_225 = arith.muli %mul3A_224, %scan3A_223 : i32
      %add3A_226 = arith.constant 0 : i32
      %add3A_227 = arith.addi %mul3A_225, %add3A_226 : i32
      %dma_wait3A_228 = arith.constant 0 : i32
      %dma_wait3A_229 = tpu.memref_slice %arg4[%dma_wait3A_228] : memref<320000xi32, #tpu.memory_space<hbm>> -> memref<40xi32, #tpu.memory_space<hbm>>
      %dma_wait3A_230 = arith.constant 0 : i32
      %dma_wait3A_231 = tpu.memref_slice %arg4[%dma_wait3A_230] : memref<320000xi32, #tpu.memory_space<hbm>> -> memref<40xi32, #tpu.memory_space<hbm>>
      tpu.wait_dma2 semaphore(%arg21 : memref<!tpu.dma_semaphore, #tpu.memory_space<semaphore_mem>>) src(%dma_wait3A_231 : memref<40xi32, #tpu.memory_space<hbm>>) dst(%arg9 : memref<40xi32, #tpu.memory_space<vmem>>)
      %dma_wait3A_232 = arith.constant 0 : i32
      %dma_wait3A_233 = arith.constant 0 : i32
      %dma_wait3A_234 = tpu.memref_slice %arg2[%dma_wait3A_232, %dma_wait3A_233] : memref<10000x128xf32, #tpu.memory_space<hbm>> -> memref<40x128xf32, #tpu.memory_space<hbm>>
      %dma_wait3A_235 = arith.constant 0 : i32
      %dma_wait3A_236 = arith.constant 0 : i32
      %dma_wait3A_237 = tpu.memref_slice %arg2[%dma_wait3A_235, %dma_wait3A_236] : memref<10000x128xf32, #tpu.memory_space<hbm>> -> memref<40x128xf32, #tpu.memory_space<hbm>>
      tpu.wait_dma2 semaphore(%arg21 : memref<!tpu.dma_semaphore, #tpu.memory_space<semaphore_mem>>) src(%dma_wait3A_237 : memref<40x128xf32, #tpu.memory_space<hbm>>) dst(%arg15 : memref<40x128xf32, #tpu.memory_space<vmem>>)
      "tpu.region"() ({
        %run_scoped3A = tpu.sem_alloc : memref<!tpu.dma_semaphore, #tpu.memory_space<semaphore_mem>>
        %dma_start3A_398 = arith.constant 0 : i32
        %dma_start3A_399 = arith.constant 0 : i32
        %dma_start3A_400 = tpu.memref_slice %arg7[%dma_start3A_398, %dma_start3A_399] : memref<10112x128xf32, #tpu.memory_space<vmem_shared>> -> memref<10112x128xf32, #tpu.memory_space<vmem_shared>>
        tpu.enqueue_indirect_dma source(%arg15 : memref<40x128xf32, #tpu.memory_space<vmem>>) target(%dma_start3A_400 : memref<10112x128xf32, #tpu.memory_space<vmem_shared>>) offsets(%arg9 : memref<40xi32, #tpu.memory_space<vmem>>) semaphore(%run_scoped3A : memref<!tpu.dma_semaphore, #tpu.memory_space<semaphore_mem>>) {add = true}
        %dma_wait3A_401 = arith.constant 0 : i32
        %dma_wait3A_402 = arith.constant 0 : i32
        %dma_wait3A_403 = tpu.memref_slice %arg7[%dma_wait3A_401, %dma_wait3A_402] : memref<10112x128xf32, #tpu.memory_space<vmem_shared>> -> memref<10112x128xf32, #tpu.memory_space<vmem_shared>>
        tpu.wait_indirect_dma semaphore(%run_scoped3A : memref<!tpu.dma_semaphore, #tpu.memory_space<semaphore_mem>>) src(%arg15 : memref<40x128xf32, #tpu.memory_space<vmem>>) dst(%dma_wait3A_403 : memref<10112x128xf32, #tpu.memory_space<vmem_shared>>)
        tpu.yield
      }) : () -> ()
      %add3A_238 = arith.constant 6 : i32
      %add3A_239 = arith.addi %add3A_227, %add3A_238 : i32
      %mul3A_240 = arith.constant 10000 : i32
      %mul3A_241 = arith.muli %add3A, %mul3A_240 : i32
      %mul3A_242 = arith.constant 40 : i32
      %mul3A_243 = arith.muli %add3A_239, %mul3A_242 : i32
      %add3A_244 = arith.addi %mul3A_241, %mul3A_243 : i32
      %dma_start3A_245 = tpu.memref_slice %arg4[%add3A_244] : memref<320000xi32, #tpu.memory_space<hbm>> -> memref<40xi32, #tpu.memory_space<hbm>>
      %dma_start3A_246 = tpu.memref_slice %arg4[%add3A_244] : memref<320000xi32, #tpu.memory_space<hbm>> -> memref<40xi32, #tpu.memory_space<hbm>>
      tpu.enqueue_dma source(%dma_start3A_246 : memref<40xi32, #tpu.memory_space<hbm>>) target(%arg9 : memref<40xi32, #tpu.memory_space<vmem>>) target_semaphore(%arg21 : memref<!tpu.dma_semaphore, #tpu.memory_space<semaphore_mem>>)
      %mul3A_247 = arith.constant 40 : i32
      %mul3A_248 = arith.muli %add3A_239, %mul3A_247 : i32
      %dma_start3A_249 = tpu.memref_slice %arg8[%mul3A_248] : memref<10000xi32, #tpu.memory_space<vmem>> -> memref<40xi32, #tpu.memory_space<vmem>>
      %dma_start3A_250 = arith.constant 0 : i32
      %dma_start3A_251 = arith.constant 0 : i32
      %dma_start3A_252 = tpu.memref_slice %arg2[%dma_start3A_250, %dma_start3A_251] : memref<10000x128xf32, #tpu.memory_space<hbm>> -> memref<10000x128xf32, #tpu.memory_space<hbm>>
      tpu.enqueue_indirect_dma source(%dma_start3A_252 : memref<10000x128xf32, #tpu.memory_space<hbm>>) target(%arg15 : memref<40x128xf32, #tpu.memory_space<vmem>>) offsets(%dma_start3A_249 : memref<40xi32, #tpu.memory_space<vmem>>) semaphore(%arg21 : memref<!tpu.dma_semaphore, #tpu.memory_space<semaphore_mem>>)
      %mul3A_253 = arith.constant 6 : i32
      %mul3A_254 = arith.muli %mul3A_253, %scan3A_223 : i32
      %add3A_255 = arith.constant 1 : i32
      %add3A_256 = arith.addi %mul3A_254, %add3A_255 : i32
      %dma_wait3A_257 = arith.constant 0 : i32
      %dma_wait3A_258 = tpu.memref_slice %arg4[%dma_wait3A_257] : memref<320000xi32, #tpu.memory_space<hbm>> -> memref<40xi32, #tpu.memory_space<hbm>>
      %dma_wait3A_259 = arith.constant 0 : i32
      %dma_wait3A_260 = tpu.memref_slice %arg4[%dma_wait3A_259] : memref<320000xi32, #tpu.memory_space<hbm>> -> memref<40xi32, #tpu.memory_space<hbm>>
      tpu.wait_dma2 semaphore(%arg22 : memref<!tpu.dma_semaphore, #tpu.memory_space<semaphore_mem>>) src(%dma_wait3A_260 : memref<40xi32, #tpu.memory_space<hbm>>) dst(%arg10 : memref<40xi32, #tpu.memory_space<vmem>>)
      %dma_wait3A_261 = arith.constant 0 : i32
      %dma_wait3A_262 = arith.constant 0 : i32
      %dma_wait3A_263 = tpu.memref_slice %arg2[%dma_wait3A_261, %dma_wait3A_262] : memref<10000x128xf32, #tpu.memory_space<hbm>> -> memref<40x128xf32, #tpu.memory_space<hbm>>
      %dma_wait3A_264 = arith.constant 0 : i32
      %dma_wait3A_265 = arith.constant 0 : i32
      %dma_wait3A_266 = tpu.memref_slice %arg2[%dma_wait3A_264, %dma_wait3A_265] : memref<10000x128xf32, #tpu.memory_space<hbm>> -> memref<40x128xf32, #tpu.memory_space<hbm>>
      tpu.wait_dma2 semaphore(%arg22 : memref<!tpu.dma_semaphore, #tpu.memory_space<semaphore_mem>>) src(%dma_wait3A_266 : memref<40x128xf32, #tpu.memory_space<hbm>>) dst(%arg16 : memref<40x128xf32, #tpu.memory_space<vmem>>)
      "tpu.region"() ({
        %run_scoped3A = tpu.sem_alloc : memref<!tpu.dma_semaphore, #tpu.memory_space<semaphore_mem>>
        %dma_start3A_398 = arith.constant 0 : i32
        %dma_start3A_399 = arith.constant 0 : i32
        %dma_start3A_400 = tpu.memref_slice %arg7[%dma_start3A_398, %dma_start3A_399] : memref<10112x128xf32, #tpu.memory_space<vmem_shared>> -> memref<10112x128xf32, #tpu.memory_space<vmem_shared>>
        tpu.enqueue_indirect_dma source(%arg16 : memref<40x128xf32, #tpu.memory_space<vmem>>) target(%dma_start3A_400 : memref<10112x128xf32, #tpu.memory_space<vmem_shared>>) offsets(%arg10 : memref<40xi32, #tpu.memory_space<vmem>>) semaphore(%run_scoped3A : memref<!tpu.dma_semaphore, #tpu.memory_space<semaphore_mem>>) {add = true}
        %dma_wait3A_401 = arith.constant 0 : i32
        %dma_wait3A_402 = arith.constant 0 : i32
        %dma_wait3A_403 = tpu.memref_slice %arg7[%dma_wait3A_401, %dma_wait3A_402] : memref<10112x128xf32, #tpu.memory_space<vmem_shared>> -> memref<10112x128xf32, #tpu.memory_space<vmem_shared>>
        tpu.wait_indirect_dma semaphore(%run_scoped3A : memref<!tpu.dma_semaphore, #tpu.memory_space<semaphore_mem>>) src(%arg16 : memref<40x128xf32, #tpu.memory_space<vmem>>) dst(%dma_wait3A_403 : memref<10112x128xf32, #tpu.memory_space<vmem_shared>>)
        tpu.yield
      }) : () -> ()
      %add3A_267 = arith.constant 6 : i32
      %add3A_268 = arith.addi %add3A_256, %add3A_267 : i32
      %mul3A_269 = arith.constant 10000 : i32
      %mul3A_270 = arith.muli %add3A, %mul3A_269 : i32
      %mul3A_271 = arith.constant 40 : i32
      %mul3A_272 = arith.muli %add3A_268, %mul3A_271 : i32
      %add3A_273 = arith.addi %mul3A_270, %mul3A_272 : i32
      %dma_start3A_274 = tpu.memref_slice %arg4[%add3A_273] : memref<320000xi32, #tpu.memory_space<hbm>> -> memref<40xi32, #tpu.memory_space<hbm>>
      %dma_start3A_275 = tpu.memref_slice %arg4[%add3A_273] : memref<320000xi32, #tpu.memory_space<hbm>> -> memref<40xi32, #tpu.memory_space<hbm>>
      tpu.enqueue_dma source(%dma_start3A_275 : memref<40xi32, #tpu.memory_space<hbm>>) target(%arg10 : memref<40xi32, #tpu.memory_space<vmem>>) target_semaphore(%arg22 : memref<!tpu.dma_semaphore, #tpu.memory_space<semaphore_mem>>)
      %mul3A_276 = arith.constant 40 : i32
      %mul3A_277 = arith.muli %add3A_268, %mul3A_276 : i32
      %dma_start3A_278 = tpu.memref_slice %arg8[%mul3A_277] : memref<10000xi32, #tpu.memory_space<vmem>> -> memref<40xi32, #tpu.memory_space<vmem>>
      %dma_start3A_279 = arith.constant 0 : i32
      %dma_start3A_280 = arith.constant 0 : i32
      %dma_start3A_281 = tpu.memref_slice %arg2[%dma_start3A_279, %dma_start3A_280] : memref<10000x128xf32, #tpu.memory_space<hbm>> -> memref<10000x128xf32, #tpu.memory_space<hbm>>
      tpu.enqueue_indirect_dma source(%dma_start3A_281 : memref<10000x128xf32, #tpu.memory_space<hbm>>) target(%arg16 : memref<40x128xf32, #tpu.memory_space<vmem>>) offsets(%dma_start3A_278 : memref<40xi32, #tpu.memory_space<vmem>>) semaphore(%arg22 : memref<!tpu.dma_semaphore, #tpu.memory_space<semaphore_mem>>)
      %mul3A_282 = arith.constant 6 : i32
      %mul3A_283 = arith.muli %mul3A_282, %scan3A_223 : i32
      %add3A_284 = arith.constant 2 : i32
      %add3A_285 = arith.addi %mul3A_283, %add3A_284 : i32
      %dma_wait3A_286 = arith.constant 0 : i32
      %dma_wait3A_287 = tpu.memref_slice %arg4[%dma_wait3A_286] : memref<320000xi32, #tpu.memory_space<hbm>> -> memref<40xi32, #tpu.memory_space<hbm>>
      %dma_wait3A_288 = arith.constant 0 : i32
      %dma_wait3A_289 = tpu.memref_slice %arg4[%dma_wait3A_288] : memref<320000xi32, #tpu.memory_space<hbm>> -> memref<40xi32, #tpu.memory_space<hbm>>
      tpu.wait_dma2 semaphore(%arg23 : memref<!tpu.dma_semaphore, #tpu.memory_space<semaphore_mem>>) src(%dma_wait3A_289 : memref<40xi32, #tpu.memory_space<hbm>>) dst(%arg11 : memref<40xi32, #tpu.memory_space<vmem>>)
      %dma_wait3A_290 = arith.constant 0 : i32
      %dma_wait3A_291 = arith.constant 0 : i32
      %dma_wait3A_292 = tpu.memref_slice %arg2[%dma_wait3A_290, %dma_wait3A_291] : memref<10000x128xf32, #tpu.memory_space<hbm>> -> memref<40x128xf32, #tpu.memory_space<hbm>>
      %dma_wait3A_293 = arith.constant 0 : i32
      %dma_wait3A_294 = arith.constant 0 : i32
      %dma_wait3A_295 = tpu.memref_slice %arg2[%dma_wait3A_293, %dma_wait3A_294] : memref<10000x128xf32, #tpu.memory_space<hbm>> -> memref<40x128xf32, #tpu.memory_space<hbm>>
      tpu.wait_dma2 semaphore(%arg23 : memref<!tpu.dma_semaphore, #tpu.memory_space<semaphore_mem>>) src(%dma_wait3A_295 : memref<40x128xf32, #tpu.memory_space<hbm>>) dst(%arg17 : memref<40x128xf32, #tpu.memory_space<vmem>>)
      "tpu.region"() ({
        %run_scoped3A = tpu.sem_alloc : memref<!tpu.dma_semaphore, #tpu.memory_space<semaphore_mem>>
        %dma_start3A_398 = arith.constant 0 : i32
        %dma_start3A_399 = arith.constant 0 : i32
        %dma_start3A_400 = tpu.memref_slice %arg7[%dma_start3A_398, %dma_start3A_399] : memref<10112x128xf32, #tpu.memory_space<vmem_shared>> -> memref<10112x128xf32, #tpu.memory_space<vmem_shared>>
        tpu.enqueue_indirect_dma source(%arg17 : memref<40x128xf32, #tpu.memory_space<vmem>>) target(%dma_start3A_400 : memref<10112x128xf32, #tpu.memory_space<vmem_shared>>) offsets(%arg11 : memref<40xi32, #tpu.memory_space<vmem>>) semaphore(%run_scoped3A : memref<!tpu.dma_semaphore, #tpu.memory_space<semaphore_mem>>) {add = true}
        %dma_wait3A_401 = arith.constant 0 : i32
        %dma_wait3A_402 = arith.constant 0 : i32
        %dma_wait3A_403 = tpu.memref_slice %arg7[%dma_wait3A_401, %dma_wait3A_402] : memref<10112x128xf32, #tpu.memory_space<vmem_shared>> -> memref<10112x128xf32, #tpu.memory_space<vmem_shared>>
        tpu.wait_indirect_dma semaphore(%run_scoped3A : memref<!tpu.dma_semaphore, #tpu.memory_space<semaphore_mem>>) src(%arg17 : memref<40x128xf32, #tpu.memory_space<vmem>>) dst(%dma_wait3A_403 : memref<10112x128xf32, #tpu.memory_space<vmem_shared>>)
        tpu.yield
      }) : () -> ()
      %add3A_296 = arith.constant 6 : i32
      %add3A_297 = arith.addi %add3A_285, %add3A_296 : i32
      %mul3A_298 = arith.constant 10000 : i32
      %mul3A_299 = arith.muli %add3A, %mul3A_298 : i32
      %mul3A_300 = arith.constant 40 : i32
      %mul3A_301 = arith.muli %add3A_297, %mul3A_300 : i32
      %add3A_302 = arith.addi %mul3A_299, %mul3A_301 : i32
      %dma_start3A_303 = tpu.memref_slice %arg4[%add3A_302] : memref<320000xi32, #tpu.memory_space<hbm>> -> memref<40xi32, #tpu.memory_space<hbm>>
      %dma_start3A_304 = tpu.memref_slice %arg4[%add3A_302] : memref<320000xi32, #tpu.memory_space<hbm>> -> memref<40xi32, #tpu.memory_space<hbm>>
      tpu.enqueue_dma source(%dma_start3A_304 : memref<40xi32, #tpu.memory_space<hbm>>) target(%arg11 : memref<40xi32, #tpu.memory_space<vmem>>) target_semaphore(%arg23 : memref<!tpu.dma_semaphore, #tpu.memory_space<semaphore_mem>>)
      %mul3A_305 = arith.constant 40 : i32
      %mul3A_306 = arith.muli %add3A_297, %mul3A_305 : i32
      %dma_start3A_307 = tpu.memref_slice %arg8[%mul3A_306] : memref<10000xi32, #tpu.memory_space<vmem>> -> memref<40xi32, #tpu.memory_space<vmem>>
      %dma_start3A_308 = arith.constant 0 : i32
      %dma_start3A_309 = arith.constant 0 : i32
      %dma_start3A_310 = tpu.memref_slice %arg2[%dma_start3A_308, %dma_start3A_309] : memref<10000x128xf32, #tpu.memory_space<hbm>> -> memref<10000x128xf32, #tpu.memory_space<hbm>>
      tpu.enqueue_indirect_dma source(%dma_start3A_310 : memref<10000x128xf32, #tpu.memory_space<hbm>>) target(%arg17 : memref<40x128xf32, #tpu.memory_space<vmem>>) offsets(%dma_start3A_307 : memref<40xi32, #tpu.memory_space<vmem>>) semaphore(%arg23 : memref<!tpu.dma_semaphore, #tpu.memory_space<semaphore_mem>>)
      %mul3A_311 = arith.constant 6 : i32
      %mul3A_312 = arith.muli %mul3A_311, %scan3A_223 : i32
      %add3A_313 = arith.constant 3 : i32
      %add3A_314 = arith.addi %mul3A_312, %add3A_313 : i32
      %dma_wait3A_315 = arith.constant 0 : i32
      %dma_wait3A_316 = tpu.memref_slice %arg4[%dma_wait3A_315] : memref<320000xi32, #tpu.memory_space<hbm>> -> memref<40xi32, #tpu.memory_space<hbm>>
      %dma_wait3A_317 = arith.constant 0 : i32
      %dma_wait3A_318 = tpu.memref_slice %arg4[%dma_wait3A_317] : memref<320000xi32, #tpu.memory_space<hbm>> -> memref<40xi32, #tpu.memory_space<hbm>>
      tpu.wait_dma2 semaphore(%arg24 : memref<!tpu.dma_semaphore, #tpu.memory_space<semaphore_mem>>) src(%dma_wait3A_318 : memref<40xi32, #tpu.memory_space<hbm>>) dst(%arg12 : memref<40xi32, #tpu.memory_space<vmem>>)
      %dma_wait3A_319 = arith.constant 0 : i32
      %dma_wait3A_320 = arith.constant 0 : i32
      %dma_wait3A_321 = tpu.memref_slice %arg2[%dma_wait3A_319, %dma_wait3A_320] : memref<10000x128xf32, #tpu.memory_space<hbm>> -> memref<40x128xf32, #tpu.memory_space<hbm>>
      %dma_wait3A_322 = arith.constant 0 : i32
      %dma_wait3A_323 = arith.constant 0 : i32
      %dma_wait3A_324 = tpu.memref_slice %arg2[%dma_wait3A_322, %dma_wait3A_323] : memref<10000x128xf32, #tpu.memory_space<hbm>> -> memref<40x128xf32, #tpu.memory_space<hbm>>
      tpu.wait_dma2 semaphore(%arg24 : memref<!tpu.dma_semaphore, #tpu.memory_space<semaphore_mem>>) src(%dma_wait3A_324 : memref<40x128xf32, #tpu.memory_space<hbm>>) dst(%arg18 : memref<40x128xf32, #tpu.memory_space<vmem>>)
      "tpu.region"() ({
        %run_scoped3A = tpu.sem_alloc : memref<!tpu.dma_semaphore, #tpu.memory_space<semaphore_mem>>
        %dma_start3A_398 = arith.constant 0 : i32
        %dma_start3A_399 = arith.constant 0 : i32
        %dma_start3A_400 = tpu.memref_slice %arg7[%dma_start3A_398, %dma_start3A_399] : memref<10112x128xf32, #tpu.memory_space<vmem_shared>> -> memref<10112x128xf32, #tpu.memory_space<vmem_shared>>
        tpu.enqueue_indirect_dma source(%arg18 : memref<40x128xf32, #tpu.memory_space<vmem>>) target(%dma_start3A_400 : memref<10112x128xf32, #tpu.memory_space<vmem_shared>>) offsets(%arg12 : memref<40xi32, #tpu.memory_space<vmem>>) semaphore(%run_scoped3A : memref<!tpu.dma_semaphore, #tpu.memory_space<semaphore_mem>>) {add = true}
        %dma_wait3A_401 = arith.constant 0 : i32
        %dma_wait3A_402 = arith.constant 0 : i32
        %dma_wait3A_403 = tpu.memref_slice %arg7[%dma_wait3A_401, %dma_wait3A_402] : memref<10112x128xf32, #tpu.memory_space<vmem_shared>> -> memref<10112x128xf32, #tpu.memory_space<vmem_shared>>
        tpu.wait_indirect_dma semaphore(%run_scoped3A : memref<!tpu.dma_semaphore, #tpu.memory_space<semaphore_mem>>) src(%arg18 : memref<40x128xf32, #tpu.memory_space<vmem>>) dst(%dma_wait3A_403 : memref<10112x128xf32, #tpu.memory_space<vmem_shared>>)
        tpu.yield
      }) : () -> ()
      %add3A_325 = arith.constant 6 : i32
      %add3A_326 = arith.addi %add3A_314, %add3A_325 : i32
      %mul3A_327 = arith.constant 10000 : i32
      %mul3A_328 = arith.muli %add3A, %mul3A_327 : i32
      %mul3A_329 = arith.constant 40 : i32
      %mul3A_330 = arith.muli %add3A_326, %mul3A_329 : i32
      %add3A_331 = arith.addi %mul3A_328, %mul3A_330 : i32
      %dma_start3A_332 = tpu.memref_slice %arg4[%add3A_331] : memref<320000xi32, #tpu.memory_space<hbm>> -> memref<40xi32, #tpu.memory_space<hbm>>
      %dma_start3A_333 = tpu.memref_slice %arg4[%add3A_331] : memref<320000xi32, #tpu.memory_space<hbm>> -> memref<40xi32, #tpu.memory_space<hbm>>
      tpu.enqueue_dma source(%dma_start3A_333 : memref<40xi32, #tpu.memory_space<hbm>>) target(%arg12 : memref<40xi32, #tpu.memory_space<vmem>>) target_semaphore(%arg24 : memref<!tpu.dma_semaphore, #tpu.memory_space<semaphore_mem>>)
      %mul3A_334 = arith.constant 40 : i32
      %mul3A_335 = arith.muli %add3A_326, %mul3A_334 : i32
      %dma_start3A_336 = tpu.memref_slice %arg8[%mul3A_335] : memref<10000xi32, #tpu.memory_space<vmem>> -> memref<40xi32, #tpu.memory_space<vmem>>
      %dma_start3A_337 = arith.constant 0 : i32
      %dma_start3A_338 = arith.constant 0 : i32
      %dma_start3A_339 = tpu.memref_slice %arg2[%dma_start3A_337, %dma_start3A_338] : memref<10000x128xf32, #tpu.memory_space<hbm>> -> memref<10000x128xf32, #tpu.memory_space<hbm>>
      tpu.enqueue_indirect_dma source(%dma_start3A_339 : memref<10000x128xf32, #tpu.memory_space<hbm>>) target(%arg18 : memref<40x128xf32, #tpu.memory_space<vmem>>) offsets(%dma_start3A_336 : memref<40xi32, #tpu.memory_space<vmem>>) semaphore(%arg24 : memref<!tpu.dma_semaphore, #tpu.memory_space<semaphore_mem>>)
      %mul3A_340 = arith.constant 6 : i32
      %mul3A_341 = arith.muli %mul3A_340, %scan3A_223 : i32
      %add3A_342 = arith.constant 4 : i32
      %add3A_343 = arith.addi %mul3A_341, %add3A_342 : i32
      %dma_wait3A_344 = arith.constant 0 : i32
      %dma_wait3A_345 = tpu.memref_slice %arg4[%dma_wait3A_344] : memref<320000xi32, #tpu.memory_space<hbm>> -> memref<40xi32, #tpu.memory_space<hbm>>
      %dma_wait3A_346 = arith.constant 0 : i32
      %dma_wait3A_347 = tpu.memref_slice %arg4[%dma_wait3A_346] : memref<320000xi32, #tpu.memory_space<hbm>> -> memref<40xi32, #tpu.memory_space<hbm>>
      tpu.wait_dma2 semaphore(%arg25 : memref<!tpu.dma_semaphore, #tpu.memory_space<semaphore_mem>>) src(%dma_wait3A_347 : memref<40xi32, #tpu.memory_space<hbm>>) dst(%arg13 : memref<40xi32, #tpu.memory_space<vmem>>)
      %dma_wait3A_348 = arith.constant 0 : i32
      %dma_wait3A_349 = arith.constant 0 : i32
      %dma_wait3A_350 = tpu.memref_slice %arg2[%dma_wait3A_348, %dma_wait3A_349] : memref<10000x128xf32, #tpu.memory_space<hbm>> -> memref<40x128xf32, #tpu.memory_space<hbm>>
      %dma_wait3A_351 = arith.constant 0 : i32
      %dma_wait3A_352 = arith.constant 0 : i32
      %dma_wait3A_353 = tpu.memref_slice %arg2[%dma_wait3A_351, %dma_wait3A_352] : memref<10000x128xf32, #tpu.memory_space<hbm>> -> memref<40x128xf32, #tpu.memory_space<hbm>>
      tpu.wait_dma2 semaphore(%arg25 : memref<!tpu.dma_semaphore, #tpu.memory_space<semaphore_mem>>) src(%dma_wait3A_353 : memref<40x128xf32, #tpu.memory_space<hbm>>) dst(%arg19 : memref<40x128xf32, #tpu.memory_space<vmem>>)
      "tpu.region"() ({
        %run_scoped3A = tpu.sem_alloc : memref<!tpu.dma_semaphore, #tpu.memory_space<semaphore_mem>>
        %dma_start3A_398 = arith.constant 0 : i32
        %dma_start3A_399 = arith.constant 0 : i32
        %dma_start3A_400 = tpu.memref_slice %arg7[%dma_start3A_398, %dma_start3A_399] : memref<10112x128xf32, #tpu.memory_space<vmem_shared>> -> memref<10112x128xf32, #tpu.memory_space<vmem_shared>>
        tpu.enqueue_indirect_dma source(%arg19 : memref<40x128xf32, #tpu.memory_space<vmem>>) target(%dma_start3A_400 : memref<10112x128xf32, #tpu.memory_space<vmem_shared>>) offsets(%arg13 : memref<40xi32, #tpu.memory_space<vmem>>) semaphore(%run_scoped3A : memref<!tpu.dma_semaphore, #tpu.memory_space<semaphore_mem>>) {add = true}
        %dma_wait3A_401 = arith.constant 0 : i32
        %dma_wait3A_402 = arith.constant 0 : i32
        %dma_wait3A_403 = tpu.memref_slice %arg7[%dma_wait3A_401, %dma_wait3A_402] : memref<10112x128xf32, #tpu.memory_space<vmem_shared>> -> memref<10112x128xf32, #tpu.memory_space<vmem_shared>>
        tpu.wait_indirect_dma semaphore(%run_scoped3A : memref<!tpu.dma_semaphore, #tpu.memory_space<semaphore_mem>>) src(%arg19 : memref<40x128xf32, #tpu.memory_space<vmem>>) dst(%dma_wait3A_403 : memref<10112x128xf32, #tpu.memory_space<vmem_shared>>)
        tpu.yield
      }) : () -> ()
      %add3A_354 = arith.constant 6 : i32
      %add3A_355 = arith.addi %add3A_343, %add3A_354 : i32
      %mul3A_356 = arith.constant 10000 : i32
      %mul3A_357 = arith.muli %add3A, %mul3A_356 : i32
      %mul3A_358 = arith.constant 40 : i32
      %mul3A_359 = arith.muli %add3A_355, %mul3A_358 : i32
      %add3A_360 = arith.addi %mul3A_357, %mul3A_359 : i32
      %dma_start3A_361 = tpu.memref_slice %arg4[%add3A_360] : memref<320000xi32, #tpu.memory_space<hbm>> -> memref<40xi32, #tpu.memory_space<hbm>>
      %dma_start3A_362 = tpu.memref_slice %arg4[%add3A_360] : memref<320000xi32, #tpu.memory_space<hbm>> -> memref<40xi32, #tpu.memory_space<hbm>>
      tpu.enqueue_dma source(%dma_start3A_362 : memref<40xi32, #tpu.memory_space<hbm>>) target(%arg13 : memref<40xi32, #tpu.memory_space<vmem>>) target_semaphore(%arg25 : memref<!tpu.dma_semaphore, #tpu.memory_space<semaphore_mem>>)
      %mul3A_363 = arith.constant 40 : i32
      %mul3A_364 = arith.muli %add3A_355, %mul3A_363 : i32
      %dma_start3A_365 = tpu.memref_slice %arg8[%mul3A_364] : memref<10000xi32, #tpu.memory_space<vmem>> -> memref<40xi32, #tpu.memory_space<vmem>>
      %dma_start3A_366 = arith.constant 0 : i32
      %dma_start3A_367 = arith.constant 0 : i32
      %dma_start3A_368 = tpu.memref_slice %arg2[%dma_start3A_366, %dma_start3A_367] : memref<10000x128xf32, #tpu.memory_space<hbm>> -> memref<10000x128xf32, #tpu.memory_space<hbm>>
      tpu.enqueue_indirect_dma source(%dma_start3A_368 : memref<10000x128xf32, #tpu.memory_space<hbm>>) target(%arg19 : memref<40x128xf32, #tpu.memory_space<vmem>>) offsets(%dma_start3A_365 : memref<40xi32, #tpu.memory_space<vmem>>) semaphore(%arg25 : memref<!tpu.dma_semaphore, #tpu.memory_space<semaphore_mem>>)
      %mul3A_369 = arith.constant 6 : i32
      %mul3A_370 = arith.muli %mul3A_369, %scan3A_223 : i32
      %add3A_371 = arith.constant 5 : i32
      %add3A_372 = arith.addi %mul3A_370, %add3A_371 : i32
      %dma_wait3A_373 = arith.constant 0 : i32
      %dma_wait3A_374 = tpu.memref_slice %arg4[%dma_wait3A_373] : memref<320000xi32, #tpu.memory_space<hbm>> -> memref<40xi32, #tpu.memory_space<hbm>>
      %dma_wait3A_375 = arith.constant 0 : i32
      %dma_wait3A_376 = tpu.memref_slice %arg4[%dma_wait3A_375] : memref<320000xi32, #tpu.memory_space<hbm>> -> memref<40xi32, #tpu.memory_space<hbm>>
      tpu.wait_dma2 semaphore(%arg26 : memref<!tpu.dma_semaphore, #tpu.memory_space<semaphore_mem>>) src(%dma_wait3A_376 : memref<40xi32, #tpu.memory_space<hbm>>) dst(%arg14 : memref<40xi32, #tpu.memory_space<vmem>>)
      %dma_wait3A_377 = arith.constant 0 : i32
      %dma_wait3A_378 = arith.constant 0 : i32
      %dma_wait3A_379 = tpu.memref_slice %arg2[%dma_wait3A_377, %dma_wait3A_378] : memref<10000x128xf32, #tpu.memory_space<hbm>> -> memref<40x128xf32, #tpu.memory_space<hbm>>
      %dma_wait3A_380 = arith.constant 0 : i32
      %dma_wait3A_381 = arith.constant 0 : i32
      %dma_wait3A_382 = tpu.memref_slice %arg2[%dma_wait3A_380, %dma_wait3A_381] : memref<10000x128xf32, #tpu.memory_space<hbm>> -> memref<40x128xf32, #tpu.memory_space<hbm>>
      tpu.wait_dma2 semaphore(%arg26 : memref<!tpu.dma_semaphore, #tpu.memory_space<semaphore_mem>>) src(%dma_wait3A_382 : memref<40x128xf32, #tpu.memory_space<hbm>>) dst(%arg20 : memref<40x128xf32, #tpu.memory_space<vmem>>)
      "tpu.region"() ({
        %run_scoped3A = tpu.sem_alloc : memref<!tpu.dma_semaphore, #tpu.memory_space<semaphore_mem>>
        %dma_start3A_398 = arith.constant 0 : i32
        %dma_start3A_399 = arith.constant 0 : i32
        %dma_start3A_400 = tpu.memref_slice %arg7[%dma_start3A_398, %dma_start3A_399] : memref<10112x128xf32, #tpu.memory_space<vmem_shared>> -> memref<10112x128xf32, #tpu.memory_space<vmem_shared>>
        tpu.enqueue_indirect_dma source(%arg20 : memref<40x128xf32, #tpu.memory_space<vmem>>) target(%dma_start3A_400 : memref<10112x128xf32, #tpu.memory_space<vmem_shared>>) offsets(%arg14 : memref<40xi32, #tpu.memory_space<vmem>>) semaphore(%run_scoped3A : memref<!tpu.dma_semaphore, #tpu.memory_space<semaphore_mem>>) {add = true}
        %dma_wait3A_401 = arith.constant 0 : i32
        %dma_wait3A_402 = arith.constant 0 : i32
        %dma_wait3A_403 = tpu.memref_slice %arg7[%dma_wait3A_401, %dma_wait3A_402] : memref<10112x128xf32, #tpu.memory_space<vmem_shared>> -> memref<10112x128xf32, #tpu.memory_space<vmem_shared>>
        tpu.wait_indirect_dma semaphore(%run_scoped3A : memref<!tpu.dma_semaphore, #tpu.memory_space<semaphore_mem>>) src(%arg20 : memref<40x128xf32, #tpu.memory_space<vmem>>) dst(%dma_wait3A_403 : memref<10112x128xf32, #tpu.memory_space<vmem_shared>>)
        tpu.yield
      }) : () -> ()
      %add3A_383 = arith.constant 6 : i32
      %add3A_384 = arith.addi %add3A_372, %add3A_383 : i32
      %mul3A_385 = arith.constant 10000 : i32
      %mul3A_386 = arith.muli %add3A, %mul3A_385 : i32
      %mul3A_387 = arith.constant 40 : i32
      %mul3A_388 = arith.muli %add3A_384, %mul3A_387 : i32
      %add3A_389 = arith.addi %mul3A_386, %mul3A_388 : i32
      %dma_start3A_390 = tpu.memref_slice %arg4[%add3A_389] : memref<320000xi32, #tpu.memory_space<hbm>> -> memref<40xi32, #tpu.memory_space<hbm>>
      %dma_start3A_391 = tpu.memref_slice %arg4[%add3A_389] : memref<320000xi32, #tpu.memory_space<hbm>> -> memref<40xi32, #tpu.memory_space<hbm>>
      tpu.enqueue_dma source(%dma_start3A_391 : memref<40xi32, #tpu.memory_space<hbm>>) target(%arg14 : memref<40xi32, #tpu.memory_space<vmem>>) target_semaphore(%arg26 : memref<!tpu.dma_semaphore, #tpu.memory_space<semaphore_mem>>)
      %mul3A_392 = arith.constant 40 : i32
      %mul3A_393 = arith.muli %add3A_384, %mul3A_392 : i32
      %dma_start3A_394 = tpu.memref_slice %arg8[%mul3A_393] : memref<10000xi32, #tpu.memory_space<vmem>> -> memref<40xi32, #tpu.memory_space<vmem>>
      %dma_start3A_395 = arith.constant 0 : i32
      %dma_start3A_396 = arith.constant 0 : i32
      %dma_start3A_397 = tpu.memref_slice %arg2[%dma_start3A_395, %dma_start3A_396] : memref<10000x128xf32, #tpu.memory_space<hbm>> -> memref<10000x128xf32, #tpu.memory_space<hbm>>
      tpu.enqueue_indirect_dma source(%dma_start3A_397 : memref<10000x128xf32, #tpu.memory_space<hbm>>) target(%arg20 : memref<40x128xf32, #tpu.memory_space<vmem>>) offsets(%dma_start3A_394 : memref<40xi32, #tpu.memory_space<vmem>>) semaphore(%arg26 : memref<!tpu.dma_semaphore, #tpu.memory_space<semaphore_mem>>)
    }
    %scan3A_74 = arith.constant 40 : i32
    %dma_wait3A = arith.constant 0 : i32
    %dma_wait3A_75 = tpu.memref_slice %arg4[%dma_wait3A] : memref<320000xi32, #tpu.memory_space<hbm>> -> memref<40xi32, #tpu.memory_space<hbm>>
    %dma_wait3A_76 = arith.constant 0 : i32
    %dma_wait3A_77 = tpu.memref_slice %arg4[%dma_wait3A_76] : memref<320000xi32, #tpu.memory_space<hbm>> -> memref<40xi32, #tpu.memory_space<hbm>>
    tpu.wait_dma2 semaphore(%arg21 : memref<!tpu.dma_semaphore, #tpu.memory_space<semaphore_mem>>) src(%dma_wait3A_77 : memref<40xi32, #tpu.memory_space<hbm>>) dst(%arg9 : memref<40xi32, #tpu.memory_space<vmem>>)
    %dma_wait3A_78 = arith.constant 0 : i32
    %dma_wait3A_79 = arith.constant 0 : i32
    %dma_wait3A_80 = tpu.memref_slice %arg2[%dma_wait3A_78, %dma_wait3A_79] : memref<10000x128xf32, #tpu.memory_space<hbm>> -> memref<40x128xf32, #tpu.memory_space<hbm>>
    %dma_wait3A_81 = arith.constant 0 : i32
    %dma_wait3A_82 = arith.constant 0 : i32
    %dma_wait3A_83 = tpu.memref_slice %arg2[%dma_wait3A_81, %dma_wait3A_82] : memref<10000x128xf32, #tpu.memory_space<hbm>> -> memref<40x128xf32, #tpu.memory_space<hbm>>
    tpu.wait_dma2 semaphore(%arg21 : memref<!tpu.dma_semaphore, #tpu.memory_space<semaphore_mem>>) src(%dma_wait3A_83 : memref<40x128xf32, #tpu.memory_space<hbm>>) dst(%arg15 : memref<40x128xf32, #tpu.memory_space<vmem>>)
    "tpu.region"() ({
      %run_scoped3A = tpu.sem_alloc : memref<!tpu.dma_semaphore, #tpu.memory_space<semaphore_mem>>
      %dma_start3A_223 = arith.constant 0 : i32
      %dma_start3A_224 = arith.constant 0 : i32
      %dma_start3A_225 = tpu.memref_slice %arg7[%dma_start3A_223, %dma_start3A_224] : memref<10112x128xf32, #tpu.memory_space<vmem_shared>> -> memref<10112x128xf32, #tpu.memory_space<vmem_shared>>
      tpu.enqueue_indirect_dma source(%arg15 : memref<40x128xf32, #tpu.memory_space<vmem>>) target(%dma_start3A_225 : memref<10112x128xf32, #tpu.memory_space<vmem_shared>>) offsets(%arg9 : memref<40xi32, #tpu.memory_space<vmem>>) semaphore(%run_scoped3A : memref<!tpu.dma_semaphore, #tpu.memory_space<semaphore_mem>>) {add = true}
      %dma_wait3A_226 = arith.constant 0 : i32
      %dma_wait3A_227 = arith.constant 0 : i32
      %dma_wait3A_228 = tpu.memref_slice %arg7[%dma_wait3A_226, %dma_wait3A_227] : memref<10112x128xf32, #tpu.memory_space<vmem_shared>> -> memref<10112x128xf32, #tpu.memory_space<vmem_shared>>
      tpu.wait_indirect_dma semaphore(%run_scoped3A : memref<!tpu.dma_semaphore, #tpu.memory_space<semaphore_mem>>) src(%arg15 : memref<40x128xf32, #tpu.memory_space<vmem>>) dst(%dma_wait3A_228 : memref<10112x128xf32, #tpu.memory_space<vmem_shared>>)
      tpu.yield
    }) : () -> ()
    %mul3A_84 = arith.constant 10000 : i32
    %mul3A_85 = arith.muli %add3A, %mul3A_84 : i32
    %add3A_86 = arith.constant 9840 : i32
    %add3A_87 = arith.addi %mul3A_85, %add3A_86 : i32
    %dma_start3A_88 = tpu.memref_slice %arg4[%add3A_87] : memref<320000xi32, #tpu.memory_space<hbm>> -> memref<40xi32, #tpu.memory_space<hbm>>
    %dma_start3A_89 = tpu.memref_slice %arg4[%add3A_87] : memref<320000xi32, #tpu.memory_space<hbm>> -> memref<40xi32, #tpu.memory_space<hbm>>
    tpu.enqueue_dma source(%dma_start3A_89 : memref<40xi32, #tpu.memory_space<hbm>>) target(%arg9 : memref<40xi32, #tpu.memory_space<vmem>>) target_semaphore(%arg21 : memref<!tpu.dma_semaphore, #tpu.memory_space<semaphore_mem>>)
    %dma_start3A_90 = arith.constant 9840 : i32
    %dma_start3A_91 = tpu.memref_slice %arg8[%dma_start3A_90] : memref<10000xi32, #tpu.memory_space<vmem>> -> memref<40xi32, #tpu.memory_space<vmem>>
    %dma_start3A_92 = arith.constant 0 : i32
    %dma_start3A_93 = arith.constant 0 : i32
    %dma_start3A_94 = tpu.memref_slice %arg2[%dma_start3A_92, %dma_start3A_93] : memref<10000x128xf32, #tpu.memory_space<hbm>> -> memref<10000x128xf32, #tpu.memory_space<hbm>>
    tpu.enqueue_indirect_dma source(%dma_start3A_94 : memref<10000x128xf32, #tpu.memory_space<hbm>>) target(%arg15 : memref<40x128xf32, #tpu.memory_space<vmem>>) offsets(%dma_start3A_91 : memref<40xi32, #tpu.memory_space<vmem>>) semaphore(%arg21 : memref<!tpu.dma_semaphore, #tpu.memory_space<semaphore_mem>>)
    %dma_wait3A_95 = arith.constant 0 : i32
    %dma_wait3A_96 = tpu.memref_slice %arg4[%dma_wait3A_95] : memref<320000xi32, #tpu.memory_space<hbm>> -> memref<40xi32, #tpu.memory_space<hbm>>
    %dma_wait3A_97 = arith.constant 0 : i32
    %dma_wait3A_98 = tpu.memref_slice %arg4[%dma_wait3A_97] : memref<320000xi32, #tpu.memory_space<hbm>> -> memref<40xi32, #tpu.memory_space<hbm>>
    tpu.wait_dma2 semaphore(%arg22 : memref<!tpu.dma_semaphore, #tpu.memory_space<semaphore_mem>>) src(%dma_wait3A_98 : memref<40xi32, #tpu.memory_space<hbm>>) dst(%arg10 : memref<40xi32, #tpu.memory_space<vmem>>)
    %dma_wait3A_99 = arith.constant 0 : i32
    %dma_wait3A_100 = arith.constant 0 : i32
    %dma_wait3A_101 = tpu.memref_slice %arg2[%dma_wait3A_99, %dma_wait3A_100] : memref<10000x128xf32, #tpu.memory_space<hbm>> -> memref<40x128xf32, #tpu.memory_space<hbm>>
    %dma_wait3A_102 = arith.constant 0 : i32
    %dma_wait3A_103 = arith.constant 0 : i32
    %dma_wait3A_104 = tpu.memref_slice %arg2[%dma_wait3A_102, %dma_wait3A_103] : memref<10000x128xf32, #tpu.memory_space<hbm>> -> memref<40x128xf32, #tpu.memory_space<hbm>>
    tpu.wait_dma2 semaphore(%arg22 : memref<!tpu.dma_semaphore, #tpu.memory_space<semaphore_mem>>) src(%dma_wait3A_104 : memref<40x128xf32, #tpu.memory_space<hbm>>) dst(%arg16 : memref<40x128xf32, #tpu.memory_space<vmem>>)
    "tpu.region"() ({
      %run_scoped3A = tpu.sem_alloc : memref<!tpu.dma_semaphore, #tpu.memory_space<semaphore_mem>>
      %dma_start3A_223 = arith.constant 0 : i32
      %dma_start3A_224 = arith.constant 0 : i32
      %dma_start3A_225 = tpu.memref_slice %arg7[%dma_start3A_223, %dma_start3A_224] : memref<10112x128xf32, #tpu.memory_space<vmem_shared>> -> memref<10112x128xf32, #tpu.memory_space<vmem_shared>>
      tpu.enqueue_indirect_dma source(%arg16 : memref<40x128xf32, #tpu.memory_space<vmem>>) target(%dma_start3A_225 : memref<10112x128xf32, #tpu.memory_space<vmem_shared>>) offsets(%arg10 : memref<40xi32, #tpu.memory_space<vmem>>) semaphore(%run_scoped3A : memref<!tpu.dma_semaphore, #tpu.memory_space<semaphore_mem>>) {add = true}
      %dma_wait3A_226 = arith.constant 0 : i32
      %dma_wait3A_227 = arith.constant 0 : i32
      %dma_wait3A_228 = tpu.memref_slice %arg7[%dma_wait3A_226, %dma_wait3A_227] : memref<10112x128xf32, #tpu.memory_space<vmem_shared>> -> memref<10112x128xf32, #tpu.memory_space<vmem_shared>>
      tpu.wait_indirect_dma semaphore(%run_scoped3A : memref<!tpu.dma_semaphore, #tpu.memory_space<semaphore_mem>>) src(%arg16 : memref<40x128xf32, #tpu.memory_space<vmem>>) dst(%dma_wait3A_228 : memref<10112x128xf32, #tpu.memory_space<vmem_shared>>)
      tpu.yield
    }) : () -> ()
    %mul3A_105 = arith.constant 10000 : i32
    %mul3A_106 = arith.muli %add3A, %mul3A_105 : i32
    %add3A_107 = arith.constant 9880 : i32
    %add3A_108 = arith.addi %mul3A_106, %add3A_107 : i32
    %dma_start3A_109 = tpu.memref_slice %arg4[%add3A_108] : memref<320000xi32, #tpu.memory_space<hbm>> -> memref<40xi32, #tpu.memory_space<hbm>>
    %dma_start3A_110 = tpu.memref_slice %arg4[%add3A_108] : memref<320000xi32, #tpu.memory_space<hbm>> -> memref<40xi32, #tpu.memory_space<hbm>>
    tpu.enqueue_dma source(%dma_start3A_110 : memref<40xi32, #tpu.memory_space<hbm>>) target(%arg10 : memref<40xi32, #tpu.memory_space<vmem>>) target_semaphore(%arg22 : memref<!tpu.dma_semaphore, #tpu.memory_space<semaphore_mem>>)
    %dma_start3A_111 = arith.constant 9880 : i32
    %dma_start3A_112 = tpu.memref_slice %arg8[%dma_start3A_111] : memref<10000xi32, #tpu.memory_space<vmem>> -> memref<40xi32, #tpu.memory_space<vmem>>
    %dma_start3A_113 = arith.constant 0 : i32
    %dma_start3A_114 = arith.constant 0 : i32
    %dma_start3A_115 = tpu.memref_slice %arg2[%dma_start3A_113, %dma_start3A_114] : memref<10000x128xf32, #tpu.memory_space<hbm>> -> memref<10000x128xf32, #tpu.memory_space<hbm>>
    tpu.enqueue_indirect_dma source(%dma_start3A_115 : memref<10000x128xf32, #tpu.memory_space<hbm>>) target(%arg16 : memref<40x128xf32, #tpu.memory_space<vmem>>) offsets(%dma_start3A_112 : memref<40xi32, #tpu.memory_space<vmem>>) semaphore(%arg22 : memref<!tpu.dma_semaphore, #tpu.memory_space<semaphore_mem>>)
    %dma_wait3A_116 = arith.constant 0 : i32
    %dma_wait3A_117 = tpu.memref_slice %arg4[%dma_wait3A_116] : memref<320000xi32, #tpu.memory_space<hbm>> -> memref<40xi32, #tpu.memory_space<hbm>>
    %dma_wait3A_118 = arith.constant 0 : i32
    %dma_wait3A_119 = tpu.memref_slice %arg4[%dma_wait3A_118] : memref<320000xi32, #tpu.memory_space<hbm>> -> memref<40xi32, #tpu.memory_space<hbm>>
    tpu.wait_dma2 semaphore(%arg23 : memref<!tpu.dma_semaphore, #tpu.memory_space<semaphore_mem>>) src(%dma_wait3A_119 : memref<40xi32, #tpu.memory_space<hbm>>) dst(%arg11 : memref<40xi32, #tpu.memory_space<vmem>>)
    %dma_wait3A_120 = arith.constant 0 : i32
    %dma_wait3A_121 = arith.constant 0 : i32
    %dma_wait3A_122 = tpu.memref_slice %arg2[%dma_wait3A_120, %dma_wait3A_121] : memref<10000x128xf32, #tpu.memory_space<hbm>> -> memref<40x128xf32, #tpu.memory_space<hbm>>
    %dma_wait3A_123 = arith.constant 0 : i32
    %dma_wait3A_124 = arith.constant 0 : i32
    %dma_wait3A_125 = tpu.memref_slice %arg2[%dma_wait3A_123, %dma_wait3A_124] : memref<10000x128xf32, #tpu.memory_space<hbm>> -> memref<40x128xf32, #tpu.memory_space<hbm>>
    tpu.wait_dma2 semaphore(%arg23 : memref<!tpu.dma_semaphore, #tpu.memory_space<semaphore_mem>>) src(%dma_wait3A_125 : memref<40x128xf32, #tpu.memory_space<hbm>>) dst(%arg17 : memref<40x128xf32, #tpu.memory_space<vmem>>)
    "tpu.region"() ({
      %run_scoped3A = tpu.sem_alloc : memref<!tpu.dma_semaphore, #tpu.memory_space<semaphore_mem>>
      %dma_start3A_223 = arith.constant 0 : i32
      %dma_start3A_224 = arith.constant 0 : i32
      %dma_start3A_225 = tpu.memref_slice %arg7[%dma_start3A_223, %dma_start3A_224] : memref<10112x128xf32, #tpu.memory_space<vmem_shared>> -> memref<10112x128xf32, #tpu.memory_space<vmem_shared>>
      tpu.enqueue_indirect_dma source(%arg17 : memref<40x128xf32, #tpu.memory_space<vmem>>) target(%dma_start3A_225 : memref<10112x128xf32, #tpu.memory_space<vmem_shared>>) offsets(%arg11 : memref<40xi32, #tpu.memory_space<vmem>>) semaphore(%run_scoped3A : memref<!tpu.dma_semaphore, #tpu.memory_space<semaphore_mem>>) {add = true}
      %dma_wait3A_226 = arith.constant 0 : i32
      %dma_wait3A_227 = arith.constant 0 : i32
      %dma_wait3A_228 = tpu.memref_slice %arg7[%dma_wait3A_226, %dma_wait3A_227] : memref<10112x128xf32, #tpu.memory_space<vmem_shared>> -> memref<10112x128xf32, #tpu.memory_space<vmem_shared>>
      tpu.wait_indirect_dma semaphore(%run_scoped3A : memref<!tpu.dma_semaphore, #tpu.memory_space<semaphore_mem>>) src(%arg17 : memref<40x128xf32, #tpu.memory_space<vmem>>) dst(%dma_wait3A_228 : memref<10112x128xf32, #tpu.memory_space<vmem_shared>>)
      tpu.yield
    }) : () -> ()
    %mul3A_126 = arith.constant 10000 : i32
    %mul3A_127 = arith.muli %add3A, %mul3A_126 : i32
    %add3A_128 = arith.constant 9920 : i32
    %add3A_129 = arith.addi %mul3A_127, %add3A_128 : i32
    %dma_start3A_130 = tpu.memref_slice %arg4[%add3A_129] : memref<320000xi32, #tpu.memory_space<hbm>> -> memref<40xi32, #tpu.memory_space<hbm>>
    %dma_start3A_131 = tpu.memref_slice %arg4[%add3A_129] : memref<320000xi32, #tpu.memory_space<hbm>> -> memref<40xi32, #tpu.memory_space<hbm>>
    tpu.enqueue_dma source(%dma_start3A_131 : memref<40xi32, #tpu.memory_space<hbm>>) target(%arg11 : memref<40xi32, #tpu.memory_space<vmem>>) target_semaphore(%arg23 : memref<!tpu.dma_semaphore, #tpu.memory_space<semaphore_mem>>)
    %dma_start3A_132 = arith.constant 9920 : i32
    %dma_start3A_133 = tpu.memref_slice %arg8[%dma_start3A_132] : memref<10000xi32, #tpu.memory_space<vmem>> -> memref<40xi32, #tpu.memory_space<vmem>>
    %dma_start3A_134 = arith.constant 0 : i32
    %dma_start3A_135 = arith.constant 0 : i32
    %dma_start3A_136 = tpu.memref_slice %arg2[%dma_start3A_134, %dma_start3A_135] : memref<10000x128xf32, #tpu.memory_space<hbm>> -> memref<10000x128xf32, #tpu.memory_space<hbm>>
    tpu.enqueue_indirect_dma source(%dma_start3A_136 : memref<10000x128xf32, #tpu.memory_space<hbm>>) target(%arg17 : memref<40x128xf32, #tpu.memory_space<vmem>>) offsets(%dma_start3A_133 : memref<40xi32, #tpu.memory_space<vmem>>) semaphore(%arg23 : memref<!tpu.dma_semaphore, #tpu.memory_space<semaphore_mem>>)
    %dma_wait3A_137 = arith.constant 0 : i32
    %dma_wait3A_138 = tpu.memref_slice %arg4[%dma_wait3A_137] : memref<320000xi32, #tpu.memory_space<hbm>> -> memref<40xi32, #tpu.memory_space<hbm>>
    %dma_wait3A_139 = arith.constant 0 : i32
    %dma_wait3A_140 = tpu.memref_slice %arg4[%dma_wait3A_139] : memref<320000xi32, #tpu.memory_space<hbm>> -> memref<40xi32, #tpu.memory_space<hbm>>
    tpu.wait_dma2 semaphore(%arg24 : memref<!tpu.dma_semaphore, #tpu.memory_space<semaphore_mem>>) src(%dma_wait3A_140 : memref<40xi32, #tpu.memory_space<hbm>>) dst(%arg12 : memref<40xi32, #tpu.memory_space<vmem>>)
    %dma_wait3A_141 = arith.constant 0 : i32
    %dma_wait3A_142 = arith.constant 0 : i32
    %dma_wait3A_143 = tpu.memref_slice %arg2[%dma_wait3A_141, %dma_wait3A_142] : memref<10000x128xf32, #tpu.memory_space<hbm>> -> memref<40x128xf32, #tpu.memory_space<hbm>>
    %dma_wait3A_144 = arith.constant 0 : i32
    %dma_wait3A_145 = arith.constant 0 : i32
    %dma_wait3A_146 = tpu.memref_slice %arg2[%dma_wait3A_144, %dma_wait3A_145] : memref<10000x128xf32, #tpu.memory_space<hbm>> -> memref<40x128xf32, #tpu.memory_space<hbm>>
    tpu.wait_dma2 semaphore(%arg24 : memref<!tpu.dma_semaphore, #tpu.memory_space<semaphore_mem>>) src(%dma_wait3A_146 : memref<40x128xf32, #tpu.memory_space<hbm>>) dst(%arg18 : memref<40x128xf32, #tpu.memory_space<vmem>>)
    "tpu.region"() ({
      %run_scoped3A = tpu.sem_alloc : memref<!tpu.dma_semaphore, #tpu.memory_space<semaphore_mem>>
      %dma_start3A_223 = arith.constant 0 : i32
      %dma_start3A_224 = arith.constant 0 : i32
      %dma_start3A_225 = tpu.memref_slice %arg7[%dma_start3A_223, %dma_start3A_224] : memref<10112x128xf32, #tpu.memory_space<vmem_shared>> -> memref<10112x128xf32, #tpu.memory_space<vmem_shared>>
      tpu.enqueue_indirect_dma source(%arg18 : memref<40x128xf32, #tpu.memory_space<vmem>>) target(%dma_start3A_225 : memref<10112x128xf32, #tpu.memory_space<vmem_shared>>) offsets(%arg12 : memref<40xi32, #tpu.memory_space<vmem>>) semaphore(%run_scoped3A : memref<!tpu.dma_semaphore, #tpu.memory_space<semaphore_mem>>) {add = true}
      %dma_wait3A_226 = arith.constant 0 : i32
      %dma_wait3A_227 = arith.constant 0 : i32
      %dma_wait3A_228 = tpu.memref_slice %arg7[%dma_wait3A_226, %dma_wait3A_227] : memref<10112x128xf32, #tpu.memory_space<vmem_shared>> -> memref<10112x128xf32, #tpu.memory_space<vmem_shared>>
      tpu.wait_indirect_dma semaphore(%run_scoped3A : memref<!tpu.dma_semaphore, #tpu.memory_space<semaphore_mem>>) src(%arg18 : memref<40x128xf32, #tpu.memory_space<vmem>>) dst(%dma_wait3A_228 : memref<10112x128xf32, #tpu.memory_space<vmem_shared>>)
      tpu.yield
    }) : () -> ()
    %mul3A_147 = arith.constant 10000 : i32
    %mul3A_148 = arith.muli %add3A, %mul3A_147 : i32
    %add3A_149 = arith.constant 9960 : i32
    %add3A_150 = arith.addi %mul3A_148, %add3A_149 : i32
    %dma_start3A_151 = tpu.memref_slice %arg4[%add3A_150] : memref<320000xi32, #tpu.memory_space<hbm>> -> memref<40xi32, #tpu.memory_space<hbm>>
    %dma_start3A_152 = tpu.memref_slice %arg4[%add3A_150] : memref<320000xi32, #tpu.memory_space<hbm>> -> memref<40xi32, #tpu.memory_space<hbm>>
    tpu.enqueue_dma source(%dma_start3A_152 : memref<40xi32, #tpu.memory_space<hbm>>) target(%arg12 : memref<40xi32, #tpu.memory_space<vmem>>) target_semaphore(%arg24 : memref<!tpu.dma_semaphore, #tpu.memory_space<semaphore_mem>>)
    %dma_start3A_153 = arith.constant 9960 : i32
    %dma_start3A_154 = tpu.memref_slice %arg8[%dma_start3A_153] : memref<10000xi32, #tpu.memory_space<vmem>> -> memref<40xi32, #tpu.memory_space<vmem>>
    %dma_start3A_155 = arith.constant 0 : i32
    %dma_start3A_156 = arith.constant 0 : i32
    %dma_start3A_157 = tpu.memref_slice %arg2[%dma_start3A_155, %dma_start3A_156] : memref<10000x128xf32, #tpu.memory_space<hbm>> -> memref<10000x128xf32, #tpu.memory_space<hbm>>
    tpu.enqueue_indirect_dma source(%dma_start3A_157 : memref<10000x128xf32, #tpu.memory_space<hbm>>) target(%arg18 : memref<40x128xf32, #tpu.memory_space<vmem>>) offsets(%dma_start3A_154 : memref<40xi32, #tpu.memory_space<vmem>>) semaphore(%arg24 : memref<!tpu.dma_semaphore, #tpu.memory_space<semaphore_mem>>)
    %dma_wait3A_158 = arith.constant 0 : i32
    %dma_wait3A_159 = tpu.memref_slice %arg4[%dma_wait3A_158] : memref<320000xi32, #tpu.memory_space<hbm>> -> memref<40xi32, #tpu.memory_space<hbm>>
    %dma_wait3A_160 = arith.constant 0 : i32
    %dma_wait3A_161 = tpu.memref_slice %arg4[%dma_wait3A_160] : memref<320000xi32, #tpu.memory_space<hbm>> -> memref<40xi32, #tpu.memory_space<hbm>>
    tpu.wait_dma2 semaphore(%arg25 : memref<!tpu.dma_semaphore, #tpu.memory_space<semaphore_mem>>) src(%dma_wait3A_161 : memref<40xi32, #tpu.memory_space<hbm>>) dst(%arg13 : memref<40xi32, #tpu.memory_space<vmem>>)
    %dma_wait3A_162 = arith.constant 0 : i32
    %dma_wait3A_163 = arith.constant 0 : i32
    %dma_wait3A_164 = tpu.memref_slice %arg2[%dma_wait3A_162, %dma_wait3A_163] : memref<10000x128xf32, #tpu.memory_space<hbm>> -> memref<40x128xf32, #tpu.memory_space<hbm>>
    %dma_wait3A_165 = arith.constant 0 : i32
    %dma_wait3A_166 = arith.constant 0 : i32
    %dma_wait3A_167 = tpu.memref_slice %arg2[%dma_wait3A_165, %dma_wait3A_166] : memref<10000x128xf32, #tpu.memory_space<hbm>> -> memref<40x128xf32, #tpu.memory_space<hbm>>
    tpu.wait_dma2 semaphore(%arg25 : memref<!tpu.dma_semaphore, #tpu.memory_space<semaphore_mem>>) src(%dma_wait3A_167 : memref<40x128xf32, #tpu.memory_space<hbm>>) dst(%arg19 : memref<40x128xf32, #tpu.memory_space<vmem>>)
    "tpu.region"() ({
      %run_scoped3A = tpu.sem_alloc : memref<!tpu.dma_semaphore, #tpu.memory_space<semaphore_mem>>
      %dma_start3A_223 = arith.constant 0 : i32
      %dma_start3A_224 = arith.constant 0 : i32
      %dma_start3A_225 = tpu.memref_slice %arg7[%dma_start3A_223, %dma_start3A_224] : memref<10112x128xf32, #tpu.memory_space<vmem_shared>> -> memref<10112x128xf32, #tpu.memory_space<vmem_shared>>
      tpu.enqueue_indirect_dma source(%arg19 : memref<40x128xf32, #tpu.memory_space<vmem>>) target(%dma_start3A_225 : memref<10112x128xf32, #tpu.memory_space<vmem_shared>>) offsets(%arg13 : memref<40xi32, #tpu.memory_space<vmem>>) semaphore(%run_scoped3A : memref<!tpu.dma_semaphore, #tpu.memory_space<semaphore_mem>>) {add = true}
      %dma_wait3A_226 = arith.constant 0 : i32
      %dma_wait3A_227 = arith.constant 0 : i32
      %dma_wait3A_228 = tpu.memref_slice %arg7[%dma_wait3A_226, %dma_wait3A_227] : memref<10112x128xf32, #tpu.memory_space<vmem_shared>> -> memref<10112x128xf32, #tpu.memory_space<vmem_shared>>
      tpu.wait_indirect_dma semaphore(%run_scoped3A : memref<!tpu.dma_semaphore, #tpu.memory_space<semaphore_mem>>) src(%arg19 : memref<40x128xf32, #tpu.memory_space<vmem>>) dst(%dma_wait3A_228 : memref<10112x128xf32, #tpu.memory_space<vmem_shared>>)
      tpu.yield
    }) : () -> ()
    %dma_wait3A_168 = arith.constant 0 : i32
    %dma_wait3A_169 = tpu.memref_slice %arg4[%dma_wait3A_168] : memref<320000xi32, #tpu.memory_space<hbm>> -> memref<40xi32, #tpu.memory_space<hbm>>
    %dma_wait3A_170 = arith.constant 0 : i32
    %dma_wait3A_171 = tpu.memref_slice %arg4[%dma_wait3A_170] : memref<320000xi32, #tpu.memory_space<hbm>> -> memref<40xi32, #tpu.memory_space<hbm>>
    tpu.wait_dma2 semaphore(%arg26 : memref<!tpu.dma_semaphore, #tpu.memory_space<semaphore_mem>>) src(%dma_wait3A_171 : memref<40xi32, #tpu.memory_space<hbm>>) dst(%arg14 : memref<40xi32, #tpu.memory_space<vmem>>)
    %dma_wait3A_172 = arith.constant 0 : i32
    %dma_wait3A_173 = arith.constant 0 : i32
    %dma_wait3A_174 = tpu.memref_slice %arg2[%dma_wait3A_172, %dma_wait3A_173] : memref<10000x128xf32, #tpu.memory_space<hbm>> -> memref<40x128xf32, #tpu.memory_space<hbm>>
    %dma_wait3A_175 = arith.constant 0 : i32
    %dma_wait3A_176 = arith.constant 0 : i32
    %dma_wait3A_177 = tpu.memref_slice %arg2[%dma_wait3A_175, %dma_wait3A_176] : memref<10000x128xf32, #tpu.memory_space<hbm>> -> memref<40x128xf32, #tpu.memory_space<hbm>>
    tpu.wait_dma2 semaphore(%arg26 : memref<!tpu.dma_semaphore, #tpu.memory_space<semaphore_mem>>) src(%dma_wait3A_177 : memref<40x128xf32, #tpu.memory_space<hbm>>) dst(%arg20 : memref<40x128xf32, #tpu.memory_space<vmem>>)
    "tpu.region"() ({
      %run_scoped3A = tpu.sem_alloc : memref<!tpu.dma_semaphore, #tpu.memory_space<semaphore_mem>>
      %dma_start3A_223 = arith.constant 0 : i32
      %dma_start3A_224 = arith.constant 0 : i32
      %dma_start3A_225 = tpu.memref_slice %arg7[%dma_start3A_223, %dma_start3A_224] : memref<10112x128xf32, #tpu.memory_space<vmem_shared>> -> memref<10112x128xf32, #tpu.memory_space<vmem_shared>>
      tpu.enqueue_indirect_dma source(%arg20 : memref<40x128xf32, #tpu.memory_space<vmem>>) target(%dma_start3A_225 : memref<10112x128xf32, #tpu.memory_space<vmem_shared>>) offsets(%arg14 : memref<40xi32, #tpu.memory_space<vmem>>) semaphore(%run_scoped3A : memref<!tpu.dma_semaphore, #tpu.memory_space<semaphore_mem>>) {add = true}
      %dma_wait3A_226 = arith.constant 0 : i32
      %dma_wait3A_227 = arith.constant 0 : i32
      %dma_wait3A_228 = tpu.memref_slice %arg7[%dma_wait3A_226, %dma_wait3A_227] : memref<10112x128xf32, #tpu.memory_space<vmem_shared>> -> memref<10112x128xf32, #tpu.memory_space<vmem_shared>>
      tpu.wait_indirect_dma semaphore(%run_scoped3A : memref<!tpu.dma_semaphore, #tpu.memory_space<semaphore_mem>>) src(%arg20 : memref<40x128xf32, #tpu.memory_space<vmem>>) dst(%dma_wait3A_228 : memref<10112x128xf32, #tpu.memory_space<vmem_shared>>)
      tpu.yield
    }) : () -> ()
    %dma_wait3A_178 = arith.constant 0 : i32
    %dma_wait3A_179 = tpu.memref_slice %arg4[%dma_wait3A_178] : memref<320000xi32, #tpu.memory_space<hbm>> -> memref<40xi32, #tpu.memory_space<hbm>>
    %dma_wait3A_180 = arith.constant 0 : i32
    %dma_wait3A_181 = tpu.memref_slice %arg4[%dma_wait3A_180] : memref<320000xi32, #tpu.memory_space<hbm>> -> memref<40xi32, #tpu.memory_space<hbm>>
    tpu.wait_dma2 semaphore(%arg21 : memref<!tpu.dma_semaphore, #tpu.memory_space<semaphore_mem>>) src(%dma_wait3A_181 : memref<40xi32, #tpu.memory_space<hbm>>) dst(%arg9 : memref<40xi32, #tpu.memory_space<vmem>>)
    %dma_wait3A_182 = arith.constant 0 : i32
    %dma_wait3A_183 = arith.constant 0 : i32
    %dma_wait3A_184 = tpu.memref_slice %arg2[%dma_wait3A_182, %dma_wait3A_183] : memref<10000x128xf32, #tpu.memory_space<hbm>> -> memref<40x128xf32, #tpu.memory_space<hbm>>
    %dma_wait3A_185 = arith.constant 0 : i32
    %dma_wait3A_186 = arith.constant 0 : i32
    %dma_wait3A_187 = tpu.memref_slice %arg2[%dma_wait3A_185, %dma_wait3A_186] : memref<10000x128xf32, #tpu.memory_space<hbm>> -> memref<40x128xf32, #tpu.memory_space<hbm>>
    tpu.wait_dma2 semaphore(%arg21 : memref<!tpu.dma_semaphore, #tpu.memory_space<semaphore_mem>>) src(%dma_wait3A_187 : memref<40x128xf32, #tpu.memory_space<hbm>>) dst(%arg15 : memref<40x128xf32, #tpu.memory_space<vmem>>)
    "tpu.region"() ({
      %run_scoped3A = tpu.sem_alloc : memref<!tpu.dma_semaphore, #tpu.memory_space<semaphore_mem>>
      %dma_start3A_223 = arith.constant 0 : i32
      %dma_start3A_224 = arith.constant 0 : i32
      %dma_start3A_225 = tpu.memref_slice %arg7[%dma_start3A_223, %dma_start3A_224] : memref<10112x128xf32, #tpu.memory_space<vmem_shared>> -> memref<10112x128xf32, #tpu.memory_space<vmem_shared>>
      tpu.enqueue_indirect_dma source(%arg15 : memref<40x128xf32, #tpu.memory_space<vmem>>) target(%dma_start3A_225 : memref<10112x128xf32, #tpu.memory_space<vmem_shared>>) offsets(%arg9 : memref<40xi32, #tpu.memory_space<vmem>>) semaphore(%run_scoped3A : memref<!tpu.dma_semaphore, #tpu.memory_space<semaphore_mem>>) {add = true}
      %dma_wait3A_226 = arith.constant 0 : i32
      %dma_wait3A_227 = arith.constant 0 : i32
      %dma_wait3A_228 = tpu.memref_slice %arg7[%dma_wait3A_226, %dma_wait3A_227] : memref<10112x128xf32, #tpu.memory_space<vmem_shared>> -> memref<10112x128xf32, #tpu.memory_space<vmem_shared>>
      tpu.wait_indirect_dma semaphore(%run_scoped3A : memref<!tpu.dma_semaphore, #tpu.memory_space<semaphore_mem>>) src(%arg15 : memref<40x128xf32, #tpu.memory_space<vmem>>) dst(%dma_wait3A_228 : memref<10112x128xf32, #tpu.memory_space<vmem_shared>>)
      tpu.yield
    }) : () -> ()
    %dma_wait3A_188 = arith.constant 0 : i32
    %dma_wait3A_189 = tpu.memref_slice %arg4[%dma_wait3A_188] : memref<320000xi32, #tpu.memory_space<hbm>> -> memref<40xi32, #tpu.memory_space<hbm>>
    %dma_wait3A_190 = arith.constant 0 : i32
    %dma_wait3A_191 = tpu.memref_slice %arg4[%dma_wait3A_190] : memref<320000xi32, #tpu.memory_space<hbm>> -> memref<40xi32, #tpu.memory_space<hbm>>
    tpu.wait_dma2 semaphore(%arg22 : memref<!tpu.dma_semaphore, #tpu.memory_space<semaphore_mem>>) src(%dma_wait3A_191 : memref<40xi32, #tpu.memory_space<hbm>>) dst(%arg10 : memref<40xi32, #tpu.memory_space<vmem>>)
    %dma_wait3A_192 = arith.constant 0 : i32
    %dma_wait3A_193 = arith.constant 0 : i32
    %dma_wait3A_194 = tpu.memref_slice %arg2[%dma_wait3A_192, %dma_wait3A_193] : memref<10000x128xf32, #tpu.memory_space<hbm>> -> memref<40x128xf32, #tpu.memory_space<hbm>>
    %dma_wait3A_195 = arith.constant 0 : i32
    %dma_wait3A_196 = arith.constant 0 : i32
    %dma_wait3A_197 = tpu.memref_slice %arg2[%dma_wait3A_195, %dma_wait3A_196] : memref<10000x128xf32, #tpu.memory_space<hbm>> -> memref<40x128xf32, #tpu.memory_space<hbm>>
    tpu.wait_dma2 semaphore(%arg22 : memref<!tpu.dma_semaphore, #tpu.memory_space<semaphore_mem>>) src(%dma_wait3A_197 : memref<40x128xf32, #tpu.memory_space<hbm>>) dst(%arg16 : memref<40x128xf32, #tpu.memory_space<vmem>>)
    "tpu.region"() ({
      %run_scoped3A = tpu.sem_alloc : memref<!tpu.dma_semaphore, #tpu.memory_space<semaphore_mem>>
      %dma_start3A_223 = arith.constant 0 : i32
      %dma_start3A_224 = arith.constant 0 : i32
      %dma_start3A_225 = tpu.memref_slice %arg7[%dma_start3A_223, %dma_start3A_224] : memref<10112x128xf32, #tpu.memory_space<vmem_shared>> -> memref<10112x128xf32, #tpu.memory_space<vmem_shared>>
      tpu.enqueue_indirect_dma source(%arg16 : memref<40x128xf32, #tpu.memory_space<vmem>>) target(%dma_start3A_225 : memref<10112x128xf32, #tpu.memory_space<vmem_shared>>) offsets(%arg10 : memref<40xi32, #tpu.memory_space<vmem>>) semaphore(%run_scoped3A : memref<!tpu.dma_semaphore, #tpu.memory_space<semaphore_mem>>) {add = true}
      %dma_wait3A_226 = arith.constant 0 : i32
      %dma_wait3A_227 = arith.constant 0 : i32
      %dma_wait3A_228 = tpu.memref_slice %arg7[%dma_wait3A_226, %dma_wait3A_227] : memref<10112x128xf32, #tpu.memory_space<vmem_shared>> -> memref<10112x128xf32, #tpu.memory_space<vmem_shared>>
      tpu.wait_indirect_dma semaphore(%run_scoped3A : memref<!tpu.dma_semaphore, #tpu.memory_space<semaphore_mem>>) src(%arg16 : memref<40x128xf32, #tpu.memory_space<vmem>>) dst(%dma_wait3A_228 : memref<10112x128xf32, #tpu.memory_space<vmem_shared>>)
      tpu.yield
    }) : () -> ()
    %dma_wait3A_198 = arith.constant 0 : i32
    %dma_wait3A_199 = tpu.memref_slice %arg4[%dma_wait3A_198] : memref<320000xi32, #tpu.memory_space<hbm>> -> memref<40xi32, #tpu.memory_space<hbm>>
    %dma_wait3A_200 = arith.constant 0 : i32
    %dma_wait3A_201 = tpu.memref_slice %arg4[%dma_wait3A_200] : memref<320000xi32, #tpu.memory_space<hbm>> -> memref<40xi32, #tpu.memory_space<hbm>>
    tpu.wait_dma2 semaphore(%arg23 : memref<!tpu.dma_semaphore, #tpu.memory_space<semaphore_mem>>) src(%dma_wait3A_201 : memref<40xi32, #tpu.memory_space<hbm>>) dst(%arg11 : memref<40xi32, #tpu.memory_space<vmem>>)
    %dma_wait3A_202 = arith.constant 0 : i32
    %dma_wait3A_203 = arith.constant 0 : i32
    %dma_wait3A_204 = tpu.memref_slice %arg2[%dma_wait3A_202, %dma_wait3A_203] : memref<10000x128xf32, #tpu.memory_space<hbm>> -> memref<40x128xf32, #tpu.memory_space<hbm>>
    %dma_wait3A_205 = arith.constant 0 : i32
    %dma_wait3A_206 = arith.constant 0 : i32
    %dma_wait3A_207 = tpu.memref_slice %arg2[%dma_wait3A_205, %dma_wait3A_206] : memref<10000x128xf32, #tpu.memory_space<hbm>> -> memref<40x128xf32, #tpu.memory_space<hbm>>
    tpu.wait_dma2 semaphore(%arg23 : memref<!tpu.dma_semaphore, #tpu.memory_space<semaphore_mem>>) src(%dma_wait3A_207 : memref<40x128xf32, #tpu.memory_space<hbm>>) dst(%arg17 : memref<40x128xf32, #tpu.memory_space<vmem>>)
    "tpu.region"() ({
      %run_scoped3A = tpu.sem_alloc : memref<!tpu.dma_semaphore, #tpu.memory_space<semaphore_mem>>
      %dma_start3A_223 = arith.constant 0 : i32
      %dma_start3A_224 = arith.constant 0 : i32
      %dma_start3A_225 = tpu.memref_slice %arg7[%dma_start3A_223, %dma_start3A_224] : memref<10112x128xf32, #tpu.memory_space<vmem_shared>> -> memref<10112x128xf32, #tpu.memory_space<vmem_shared>>
      tpu.enqueue_indirect_dma source(%arg17 : memref<40x128xf32, #tpu.memory_space<vmem>>) target(%dma_start3A_225 : memref<10112x128xf32, #tpu.memory_space<vmem_shared>>) offsets(%arg11 : memref<40xi32, #tpu.memory_space<vmem>>) semaphore(%run_scoped3A : memref<!tpu.dma_semaphore, #tpu.memory_space<semaphore_mem>>) {add = true}
      %dma_wait3A_226 = arith.constant 0 : i32
      %dma_wait3A_227 = arith.constant 0 : i32
      %dma_wait3A_228 = tpu.memref_slice %arg7[%dma_wait3A_226, %dma_wait3A_227] : memref<10112x128xf32, #tpu.memory_space<vmem_shared>> -> memref<10112x128xf32, #tpu.memory_space<vmem_shared>>
      tpu.wait_indirect_dma semaphore(%run_scoped3A : memref<!tpu.dma_semaphore, #tpu.memory_space<semaphore_mem>>) src(%arg17 : memref<40x128xf32, #tpu.memory_space<vmem>>) dst(%dma_wait3A_228 : memref<10112x128xf32, #tpu.memory_space<vmem_shared>>)
      tpu.yield
    }) : () -> ()
    %dma_wait3A_208 = arith.constant 0 : i32
    %dma_wait3A_209 = tpu.memref_slice %arg4[%dma_wait3A_208] : memref<320000xi32, #tpu.memory_space<hbm>> -> memref<40xi32, #tpu.memory_space<hbm>>
    %dma_wait3A_210 = arith.constant 0 : i32
    %dma_wait3A_211 = tpu.memref_slice %arg4[%dma_wait3A_210] : memref<320000xi32, #tpu.memory_space<hbm>> -> memref<40xi32, #tpu.memory_space<hbm>>
    tpu.wait_dma2 semaphore(%arg24 : memref<!tpu.dma_semaphore, #tpu.memory_space<semaphore_mem>>) src(%dma_wait3A_211 : memref<40xi32, #tpu.memory_space<hbm>>) dst(%arg12 : memref<40xi32, #tpu.memory_space<vmem>>)
    %dma_wait3A_212 = arith.constant 0 : i32
    %dma_wait3A_213 = arith.constant 0 : i32
    %dma_wait3A_214 = tpu.memref_slice %arg2[%dma_wait3A_212, %dma_wait3A_213] : memref<10000x128xf32, #tpu.memory_space<hbm>> -> memref<40x128xf32, #tpu.memory_space<hbm>>
    %dma_wait3A_215 = arith.constant 0 : i32
    %dma_wait3A_216 = arith.constant 0 : i32
    %dma_wait3A_217 = tpu.memref_slice %arg2[%dma_wait3A_215, %dma_wait3A_216] : memref<10000x128xf32, #tpu.memory_space<hbm>> -> memref<40x128xf32, #tpu.memory_space<hbm>>
    tpu.wait_dma2 semaphore(%arg24 : memref<!tpu.dma_semaphore, #tpu.memory_space<semaphore_mem>>) src(%dma_wait3A_217 : memref<40x128xf32, #tpu.memory_space<hbm>>) dst(%arg18 : memref<40x128xf32, #tpu.memory_space<vmem>>)
    "tpu.region"() ({
      %run_scoped3A = tpu.sem_alloc : memref<!tpu.dma_semaphore, #tpu.memory_space<semaphore_mem>>
      %dma_start3A_223 = arith.constant 0 : i32
      %dma_start3A_224 = arith.constant 0 : i32
      %dma_start3A_225 = tpu.memref_slice %arg7[%dma_start3A_223, %dma_start3A_224] : memref<10112x128xf32, #tpu.memory_space<vmem_shared>> -> memref<10112x128xf32, #tpu.memory_space<vmem_shared>>
      tpu.enqueue_indirect_dma source(%arg18 : memref<40x128xf32, #tpu.memory_space<vmem>>) target(%dma_start3A_225 : memref<10112x128xf32, #tpu.memory_space<vmem_shared>>) offsets(%arg12 : memref<40xi32, #tpu.memory_space<vmem>>) semaphore(%run_scoped3A : memref<!tpu.dma_semaphore, #tpu.memory_space<semaphore_mem>>) {add = true}
      %dma_wait3A_226 = arith.constant 0 : i32
      %dma_wait3A_227 = arith.constant 0 : i32
      %dma_wait3A_228 = tpu.memref_slice %arg7[%dma_wait3A_226, %dma_wait3A_227] : memref<10112x128xf32, #tpu.memory_space<vmem_shared>> -> memref<10112x128xf32, #tpu.memory_space<vmem_shared>>
      tpu.wait_indirect_dma semaphore(%run_scoped3A : memref<!tpu.dma_semaphore, #tpu.memory_space<semaphore_mem>>) src(%arg18 : memref<40x128xf32, #tpu.memory_space<vmem>>) dst(%dma_wait3A_228 : memref<10112x128xf32, #tpu.memory_space<vmem_shared>>)
      tpu.yield
    }) : () -> ()
    %barrier3A_218 = arith.constant 0 : index
    tpu.barrier barrier_id(%barrier3A_218)
    %mul3A_219 = arith.constant 632 : i32
    %mul3A_220 = arith.muli %arg1, %mul3A_219 : i32
    %mul3A_221 = arith.constant 632 : i32
    %mul3A_222 = arith.muli %arg1, %mul3A_221 : i32
    "tpu.region"() ({
      %run_scoped3A = tpu.sem_alloc : memref<!tpu.dma_semaphore, #tpu.memory_space<semaphore_mem>>
      %dma_start3A_223 = arith.constant 0 : i32
      %dma_start3A_224 = tpu.memref_slice %arg6[%arg0, %mul3A_222, %dma_start3A_223] : memref<2x10112x128xf32, #tpu.memory_space<hbm>> -> memref<1x632x128xf32, #tpu.memory_space<hbm>>
      %dma_start3A_225 = tpu.memref_squeeze %dma_start3A_224 : memref<1x632x128xf32, #tpu.memory_space<hbm>> -> memref<632x128xf32, #tpu.memory_space<hbm>>
      %dma_start3A_226 = arith.constant 0 : i32
      %dma_start3A_227 = tpu.memref_slice %arg7[%mul3A_220, %dma_start3A_226] : memref<10112x128xf32, #tpu.memory_space<vmem_shared>> -> memref<632x128xf32, #tpu.memory_space<vmem_shared>>
      tpu.enqueue_dma source(%dma_start3A_227 : memref<632x128xf32, #tpu.memory_space<vmem_shared>>) target(%dma_start3A_225 : memref<632x128xf32, #tpu.memory_space<hbm>>) target_semaphore(%run_scoped3A : memref<!tpu.dma_semaphore, #tpu.memory_space<semaphore_mem>>)
      %dma_wait3A_228 = arith.constant 0 : i32
      %dma_wait3A_229 = tpu.memref_slice %arg6[%arg0, %mul3A_222, %dma_wait3A_228] : memref<2x10112x128xf32, #tpu.memory_space<hbm>> -> memref<1x632x128xf32, #tpu.memory_space<hbm>>
      %dma_wait3A_230 = tpu.memref_squeeze %dma_wait3A_229 : memref<1x632x128xf32, #tpu.memory_space<hbm>> -> memref<632x128xf32, #tpu.memory_space<hbm>>
      %dma_wait3A_231 = arith.constant 0 : i32
      %dma_wait3A_232 = tpu.memref_slice %arg7[%mul3A_220, %dma_wait3A_231] : memref<10112x128xf32, #tpu.memory_space<vmem_shared>> -> memref<632x128xf32, #tpu.memory_space<vmem_shared>>
      tpu.wait_dma2 semaphore(%run_scoped3A : memref<!tpu.dma_semaphore, #tpu.memory_space<semaphore_mem>>) src(%dma_wait3A_232 : memref<632x128xf32, #tpu.memory_space<vmem_shared>>) dst(%dma_wait3A_230 : memref<632x128xf32, #tpu.memory_space<hbm>>)
      tpu.yield
    }) : () -> ()
    return
  }
}

#map = affine_map<(d0, d1) -> (0, 0)>
#map1 = affine_map<(d0, d1) -> (0)>
#map2 = affine_map<(d0, d1) -> (0, 0, 0)>
module attributes {stable_mosaic.version = 14 : i64} {
  func.func @_sc_agg(%arg0: i32, %arg1: i32, %arg2: memref<10000x128xf32, #tpu.memory_space<hbm>>, %arg3: memref<32x10000xi32, #tpu.memory_space<hbm>>, %arg4: memref<320000xi32, #tpu.memory_space<hbm>>, %arg5: memref<10112x128xf32, #tpu.memory_space<hbm>>, %arg6: memref<2x10112x128xf32, #tpu.memory_space<hbm>>, %arg7: memref<10112x128xf32, #tpu.memory_space<vmem_shared>>, %arg8: memref<10000xi32, #tpu.memory_space<vmem>>, %arg9: memref<40xi32, #tpu.memory_space<vmem>>, %arg10: memref<40xi32, #tpu.memory_space<vmem>>, %arg11: memref<40xi32, #tpu.memory_space<vmem>>, %arg12: memref<40xi32, #tpu.memory_space<vmem>>, %arg13: memref<40xi32, #tpu.memory_space<vmem>>, %arg14: memref<40xi32, #tpu.memory_space<vmem>>, %arg15: memref<40x128xf32, #tpu.memory_space<vmem>>, %arg16: memref<40x128xf32, #tpu.memory_space<vmem>>, %arg17: memref<40x128xf32, #tpu.memory_space<vmem>>, %arg18: memref<40x128xf32, #tpu.memory_space<vmem>>, %arg19: memref<40x128xf32, #tpu.memory_space<vmem>>, %arg20: memref<40x128xf32, #tpu.memory_space<vmem>>, %arg21: memref<!tpu.dma_semaphore, #tpu.memory_space<semaphore_mem>>, %arg22: memref<!tpu.dma_semaphore, #tpu.memory_space<semaphore_mem>>, %arg23: memref<!tpu.dma_semaphore, #tpu.memory_space<semaphore_mem>>, %arg24: memref<!tpu.dma_semaphore, #tpu.memory_space<semaphore_mem>>, %arg25: memref<!tpu.dma_semaphore, #tpu.memory_space<semaphore_mem>>, %arg26: memref<!tpu.dma_semaphore, #tpu.memory_space<semaphore_mem>>) attributes {dimension_semantics = [#tpu.dimension_semantics<core_parallel>, #tpu.dimension_semantics<subcore_parallel>], iteration_bounds = array<i64: 2, 16>, scalar_prefetch = 0 : i64, scratch_operands = 20 : i64, tpu.core_type = #tpu.core_type<sc_vector_subcore>, window_params = [{transform_indices = #map}, {transform_indices = #map}, {transform_indices = #map1}, {transform_indices = #map}, {transform_indices = #map2}]} {
    %mul3A = arith.constant 16 : i32
    %mul3A_0 = arith.muli %arg0, %mul3A : i32
    %add3A = arith.addi %mul3A_0, %arg1 : i32
    "tpu.region"() ({
      %run_scoped3A = tpu.sem_alloc : memref<!tpu.dma_semaphore, #tpu.memory_space<semaphore_mem>>
      %dma_start3A_223 = arith.constant 0 : i32
      %dma_start3A_224 = tpu.memref_slice %arg3[%add3A, %dma_start3A_223] : memref<32x10000xi32, #tpu.memory_space<hbm>> -> memref<1x10000xi32, #tpu.memory_space<hbm>>
      %dma_start3A_225 = tpu.memref_squeeze %dma_start3A_224 : memref<1x10000xi32, #tpu.memory_space<hbm>> -> memref<10000xi32, #tpu.memory_space<hbm>>
      %dma_start3A_226 = arith.constant 0 : i32
      %dma_start3A_227 = tpu.memref_slice %arg3[%add3A, %dma_start3A_226] : memref<32x10000xi32, #tpu.memory_space<hbm>> -> memref<1x10000xi32, #tpu.memory_space<hbm>>
      %dma_start3A_228 = tpu.memref_squeeze %dma_start3A_227 : memref<1x10000xi32, #tpu.memory_space<hbm>> -> memref<10000xi32, #tpu.memory_space<hbm>>
      tpu.enqueue_dma source(%dma_start3A_228 : memref<10000xi32, #tpu.memory_space<hbm>>) target(%arg8 : memref<10000xi32, #tpu.memory_space<vmem>>) target_semaphore(%run_scoped3A : memref<!tpu.dma_semaphore, #tpu.memory_space<semaphore_mem>>)
      %dma_wait3A_229 = arith.constant 0 : i32
      %dma_wait3A_230 = tpu.memref_slice %arg3[%add3A, %dma_wait3A_229] : memref<32x10000xi32, #tpu.memory_space<hbm>> -> memref<1x10000xi32, #tpu.memory_space<hbm>>
      %dma_wait3A_231 = tpu.memref_squeeze %dma_wait3A_230 : memref<1x10000xi32, #tpu.memory_space<hbm>> -> memref<10000xi32, #tpu.memory_space<hbm>>
      %dma_wait3A_232 = arith.constant 0 : i32
      %dma_wait3A_233 = tpu.memref_slice %arg3[%add3A, %dma_wait3A_232] : memref<32x10000xi32, #tpu.memory_space<hbm>> -> memref<1x10000xi32, #tpu.memory_space<hbm>>
      %dma_wait3A_234 = tpu.memref_squeeze %dma_wait3A_233 : memref<1x10000xi32, #tpu.memory_space<hbm>> -> memref<10000xi32, #tpu.memory_space<hbm>>
      tpu.wait_dma2 semaphore(%run_scoped3A : memref<!tpu.dma_semaphore, #tpu.memory_space<semaphore_mem>>) src(%dma_wait3A_234 : memref<10000xi32, #tpu.memory_space<hbm>>) dst(%arg8 : memref<10000xi32, #tpu.memory_space<vmem>>)
      tpu.yield
    }) : () -> ()
    %mul3A_1 = arith.constant 10000 : i32
    %mul3A_2 = arith.muli %add3A, %mul3A_1 : i32
    %add3A_3 = arith.constant 0 : i32
    %add3A_4 = arith.addi %mul3A_2, %add3A_3 : i32
    %dma_start3A = tpu.memref_slice %arg4[%add3A_4] : memref<320000xi32, #tpu.memory_space<hbm>> -> memref<40xi32, #tpu.memory_space<hbm>>
    %dma_start3A_5 = tpu.memref_slice %arg4[%add3A_4] : memref<320000xi32, #tpu.memory_space<hbm>> -> memref<40xi32, #tpu.memory_space<hbm>>
    tpu.enqueue_dma source(%dma_start3A_5 : memref<40xi32, #tpu.memory_space<hbm>>) target(%arg9 : memref<40xi32, #tpu.memory_space<vmem>>) target_semaphore(%arg21 : memref<!tpu.dma_semaphore, #tpu.memory_space<semaphore_mem>>)
    %dma_start3A_6 = arith.constant 0 : i32
    %dma_start3A_7 = tpu.memref_slice %arg8[%dma_start3A_6] : memref<10000xi32, #tpu.memory_space<vmem>> -> memref<40xi32, #tpu.memory_space<vmem>>
    %dma_start3A_8 = arith.constant 0 : i32
    %dma_start3A_9 = arith.constant 0 : i32
    %dma_start3A_10 = tpu.memref_slice %arg2[%dma_start3A_8, %dma_start3A_9] : memref<10000x128xf32, #tpu.memory_space<hbm>> -> memref<10000x128xf32, #tpu.memory_space<hbm>>
    tpu.enqueue_indirect_dma source(%dma_start3A_10 : memref<10000x128xf32, #tpu.memory_space<hbm>>) target(%arg15 : memref<40x128xf32, #tpu.memory_space<vmem>>) offsets(%dma_start3A_7 : memref<40xi32, #tpu.memory_space<vmem>>) semaphore(%arg21 : memref<!tpu.dma_semaphore, #tpu.memory_space<semaphore_mem>>)
    %mul3A_11 = arith.constant 10000 : i32
    %mul3A_12 = arith.muli %add3A, %mul3A_11 : i32
    %add3A_13 = arith.constant 40 : i32
    %add3A_14 = arith.addi %mul3A_12, %add3A_13 : i32
    %dma_start3A_15 = tpu.memref_slice %arg4[%add3A_14] : memref<320000xi32, #tpu.memory_space<hbm>> -> memref<40xi32, #tpu.memory_space<hbm>>
    %dma_start3A_16 = tpu.memref_slice %arg4[%add3A_14] : memref<320000xi32, #tpu.memory_space<hbm>> -> memref<40xi32, #tpu.memory_space<hbm>>
    tpu.enqueue_dma source(%dma_start3A_16 : memref<40xi32, #tpu.memory_space<hbm>>) target(%arg10 : memref<40xi32, #tpu.memory_space<vmem>>) target_semaphore(%arg22 : memref<!tpu.dma_semaphore, #tpu.memory_space<semaphore_mem>>)
    %dma_start3A_17 = arith.constant 40 : i32
    %dma_start3A_18 = tpu.memref_slice %arg8[%dma_start3A_17] : memref<10000xi32, #tpu.memory_space<vmem>> -> memref<40xi32, #tpu.memory_space<vmem>>
    %dma_start3A_19 = arith.constant 0 : i32
    %dma_start3A_20 = arith.constant 0 : i32
    %dma_start3A_21 = tpu.memref_slice %arg2[%dma_start3A_19, %dma_start3A_20] : memref<10000x128xf32, #tpu.memory_space<hbm>> -> memref<10000x128xf32, #tpu.memory_space<hbm>>
    tpu.enqueue_indirect_dma source(%dma_start3A_21 : memref<10000x128xf32, #tpu.memory_space<hbm>>) target(%arg16 : memref<40x128xf32, #tpu.memory_space<vmem>>) offsets(%dma_start3A_18 : memref<40xi32, #tpu.memory_space<vmem>>) semaphore(%arg22 : memref<!tpu.dma_semaphore, #tpu.memory_space<semaphore_mem>>)
    %mul3A_22 = arith.constant 10000 : i32
    %mul3A_23 = arith.muli %add3A, %mul3A_22 : i32
    %add3A_24 = arith.constant 80 : i32
    %add3A_25 = arith.addi %mul3A_23, %add3A_24 : i32
    %dma_start3A_26 = tpu.memref_slice %arg4[%add3A_25] : memref<320000xi32, #tpu.memory_space<hbm>> -> memref<40xi32, #tpu.memory_space<hbm>>
    %dma_start3A_27 = tpu.memref_slice %arg4[%add3A_25] : memref<320000xi32, #tpu.memory_space<hbm>> -> memref<40xi32, #tpu.memory_space<hbm>>
    tpu.enqueue_dma source(%dma_start3A_27 : memref<40xi32, #tpu.memory_space<hbm>>) target(%arg11 : memref<40xi32, #tpu.memory_space<vmem>>) target_semaphore(%arg23 : memref<!tpu.dma_semaphore, #tpu.memory_space<semaphore_mem>>)
    %dma_start3A_28 = arith.constant 80 : i32
    %dma_start3A_29 = tpu.memref_slice %arg8[%dma_start3A_28] : memref<10000xi32, #tpu.memory_space<vmem>> -> memref<40xi32, #tpu.memory_space<vmem>>
    %dma_start3A_30 = arith.constant 0 : i32
    %dma_start3A_31 = arith.constant 0 : i32
    %dma_start3A_32 = tpu.memref_slice %arg2[%dma_start3A_30, %dma_start3A_31] : memref<10000x128xf32, #tpu.memory_space<hbm>> -> memref<10000x128xf32, #tpu.memory_space<hbm>>
    tpu.enqueue_indirect_dma source(%dma_start3A_32 : memref<10000x128xf32, #tpu.memory_space<hbm>>) target(%arg17 : memref<40x128xf32, #tpu.memory_space<vmem>>) offsets(%dma_start3A_29 : memref<40xi32, #tpu.memory_space<vmem>>) semaphore(%arg23 : memref<!tpu.dma_semaphore, #tpu.memory_space<semaphore_mem>>)
    %mul3A_33 = arith.constant 10000 : i32
    %mul3A_34 = arith.muli %add3A, %mul3A_33 : i32
    %add3A_35 = arith.constant 120 : i32
    %add3A_36 = arith.addi %mul3A_34, %add3A_35 : i32
    %dma_start3A_37 = tpu.memref_slice %arg4[%add3A_36] : memref<320000xi32, #tpu.memory_space<hbm>> -> memref<40xi32, #tpu.memory_space<hbm>>
    %dma_start3A_38 = tpu.memref_slice %arg4[%add3A_36] : memref<320000xi32, #tpu.memory_space<hbm>> -> memref<40xi32, #tpu.memory_space<hbm>>
    tpu.enqueue_dma source(%dma_start3A_38 : memref<40xi32, #tpu.memory_space<hbm>>) target(%arg12 : memref<40xi32, #tpu.memory_space<vmem>>) target_semaphore(%arg24 : memref<!tpu.dma_semaphore, #tpu.memory_space<semaphore_mem>>)
    %dma_start3A_39 = arith.constant 120 : i32
    %dma_start3A_40 = tpu.memref_slice %arg8[%dma_start3A_39] : memref<10000xi32, #tpu.memory_space<vmem>> -> memref<40xi32, #tpu.memory_space<vmem>>
    %dma_start3A_41 = arith.constant 0 : i32
    %dma_start3A_42 = arith.constant 0 : i32
    %dma_start3A_43 = tpu.memref_slice %arg2[%dma_start3A_41, %dma_start3A_42] : memref<10000x128xf32, #tpu.memory_space<hbm>> -> memref<10000x128xf32, #tpu.memory_space<hbm>>
    tpu.enqueue_indirect_dma source(%dma_start3A_43 : memref<10000x128xf32, #tpu.memory_space<hbm>>) target(%arg18 : memref<40x128xf32, #tpu.memory_space<vmem>>) offsets(%dma_start3A_40 : memref<40xi32, #tpu.memory_space<vmem>>) semaphore(%arg24 : memref<!tpu.dma_semaphore, #tpu.memory_space<semaphore_mem>>)
    %mul3A_44 = arith.constant 10000 : i32
    %mul3A_45 = arith.muli %add3A, %mul3A_44 : i32
    %add3A_46 = arith.constant 160 : i32
    %add3A_47 = arith.addi %mul3A_45, %add3A_46 : i32
    %dma_start3A_48 = tpu.memref_slice %arg4[%add3A_47] : memref<320000xi32, #tpu.memory_space<hbm>> -> memref<40xi32, #tpu.memory_space<hbm>>
    %dma_start3A_49 = tpu.memref_slice %arg4[%add3A_47] : memref<320000xi32, #tpu.memory_space<hbm>> -> memref<40xi32, #tpu.memory_space<hbm>>
    tpu.enqueue_dma source(%dma_start3A_49 : memref<40xi32, #tpu.memory_space<hbm>>) target(%arg13 : memref<40xi32, #tpu.memory_space<vmem>>) target_semaphore(%arg25 : memref<!tpu.dma_semaphore, #tpu.memory_space<semaphore_mem>>)
    %dma_start3A_50 = arith.constant 160 : i32
    %dma_start3A_51 = tpu.memref_slice %arg8[%dma_start3A_50] : memref<10000xi32, #tpu.memory_space<vmem>> -> memref<40xi32, #tpu.memory_space<vmem>>
    %dma_start3A_52 = arith.constant 0 : i32
    %dma_start3A_53 = arith.constant 0 : i32
    %dma_start3A_54 = tpu.memref_slice %arg2[%dma_start3A_52, %dma_start3A_53] : memref<10000x128xf32, #tpu.memory_space<hbm>> -> memref<10000x128xf32, #tpu.memory_space<hbm>>
    tpu.enqueue_indirect_dma source(%dma_start3A_54 : memref<10000x128xf32, #tpu.memory_space<hbm>>) target(%arg19 : memref<40x128xf32, #tpu.memory_space<vmem>>) offsets(%dma_start3A_51 : memref<40xi32, #tpu.memory_space<vmem>>) semaphore(%arg25 : memref<!tpu.dma_semaphore, #tpu.memory_space<semaphore_mem>>)
    %mul3A_55 = arith.constant 10000 : i32
    %mul3A_56 = arith.muli %add3A, %mul3A_55 : i32
    %add3A_57 = arith.constant 200 : i32
    %add3A_58 = arith.addi %mul3A_56, %add3A_57 : i32
    %dma_start3A_59 = tpu.memref_slice %arg4[%add3A_58] : memref<320000xi32, #tpu.memory_space<hbm>> -> memref<40xi32, #tpu.memory_space<hbm>>
    %dma_start3A_60 = tpu.memref_slice %arg4[%add3A_58] : memref<320000xi32, #tpu.memory_space<hbm>> -> memref<40xi32, #tpu.memory_space<hbm>>
    tpu.enqueue_dma source(%dma_start3A_60 : memref<40xi32, #tpu.memory_space<hbm>>) target(%arg14 : memref<40xi32, #tpu.memory_space<vmem>>) target_semaphore(%arg26 : memref<!tpu.dma_semaphore, #tpu.memory_space<semaphore_mem>>)
    %dma_start3A_61 = arith.constant 200 : i32
    %dma_start3A_62 = tpu.memref_slice %arg8[%dma_start3A_61] : memref<10000xi32, #tpu.memory_space<vmem>> -> memref<40xi32, #tpu.memory_space<vmem>>
    %dma_start3A_63 = arith.constant 0 : i32
    %dma_start3A_64 = arith.constant 0 : i32
    %dma_start3A_65 = tpu.memref_slice %arg2[%dma_start3A_63, %dma_start3A_64] : memref<10000x128xf32, #tpu.memory_space<hbm>> -> memref<10000x128xf32, #tpu.memory_space<hbm>>
    tpu.enqueue_indirect_dma source(%dma_start3A_65 : memref<10000x128xf32, #tpu.memory_space<hbm>>) target(%arg20 : memref<40x128xf32, #tpu.memory_space<vmem>>) offsets(%dma_start3A_62 : memref<40xi32, #tpu.memory_space<vmem>>) semaphore(%arg26 : memref<!tpu.dma_semaphore, #tpu.memory_space<semaphore_mem>>)
    %mul3A_66 = arith.constant 632 : i32
    %mul3A_67 = arith.muli %arg1, %mul3A_66 : i32
    %mul3A_68 = arith.constant 632 : i32
    %mul3A_69 = arith.muli %arg1, %mul3A_68 : i32
    "tpu.region"() ({
      %run_scoped3A = tpu.sem_alloc : memref<!tpu.dma_semaphore, #tpu.memory_space<semaphore_mem>>
      %dma_start3A_223 = arith.constant 0 : i32
      %dma_start3A_224 = tpu.memref_slice %arg7[%mul3A_69, %dma_start3A_223] : memref<10112x128xf32, #tpu.memory_space<vmem_shared>> -> memref<632x128xf32, #tpu.memory_space<vmem_shared>>
      %dma_start3A_225 = arith.constant 0 : i32
      %dma_start3A_226 = tpu.memref_slice %arg5[%mul3A_67, %dma_start3A_225] : memref<10112x128xf32, #tpu.memory_space<hbm>> -> memref<632x128xf32, #tpu.memory_space<hbm>>
      tpu.enqueue_dma source(%dma_start3A_226 : memref<632x128xf32, #tpu.memory_space<hbm>>) target(%dma_start3A_224 : memref<632x128xf32, #tpu.memory_space<vmem_shared>>) target_semaphore(%run_scoped3A : memref<!tpu.dma_semaphore, #tpu.memory_space<semaphore_mem>>)
      %dma_wait3A_227 = arith.constant 0 : i32
      %dma_wait3A_228 = tpu.memref_slice %arg7[%mul3A_69, %dma_wait3A_227] : memref<10112x128xf32, #tpu.memory_space<vmem_shared>> -> memref<632x128xf32, #tpu.memory_space<vmem_shared>>
      %dma_wait3A_229 = arith.constant 0 : i32
      %dma_wait3A_230 = tpu.memref_slice %arg5[%mul3A_67, %dma_wait3A_229] : memref<10112x128xf32, #tpu.memory_space<hbm>> -> memref<632x128xf32, #tpu.memory_space<hbm>>
      tpu.wait_dma2 semaphore(%run_scoped3A : memref<!tpu.dma_semaphore, #tpu.memory_space<semaphore_mem>>) src(%dma_wait3A_230 : memref<632x128xf32, #tpu.memory_space<hbm>>) dst(%dma_wait3A_228 : memref<632x128xf32, #tpu.memory_space<vmem_shared>>)
      tpu.yield
    }) : () -> ()
    %barrier3A = arith.constant 0 : index
    tpu.barrier barrier_id(%barrier3A)
    %scan3A = arith.constant 0 : i32
    %scan3A_70 = arith.constant 0 : i32
    %scan3A_71 = arith.constant 40 : i32
    %scan3A_72 = arith.addi %scan3A_70, %scan3A_71 : i32
    %scan3A_73 = arith.constant 1 : i32
    scf.for %scan3A_223 = %scan3A_70 to %scan3A_72 step %scan3A_73  : i32 {
      %mul3A_224 = arith.constant 6 : i32
      %mul3A_225 = arith.muli %mul3A_224, %scan3A_223 : i32
      %add3A_226 = arith.constant 0 : i32
      %add3A_227 = arith.addi %mul3A_225, %add3A_226 : i32
      %dma_wait3A_228 = arith.constant 0 : i32
      %dma_wait3A_229 = tpu.memref_slice %arg4[%dma_wait3A_228] : memref<320000xi32, #tpu.memory_space<hbm>> -> memref<40xi32, #tpu.memory_space<hbm>>
      %dma_wait3A_230 = arith.constant 0 : i32
      %dma_wait3A_231 = tpu.memref_slice %arg4[%dma_wait3A_230] : memref<320000xi32, #tpu.memory_space<hbm>> -> memref<40xi32, #tpu.memory_space<hbm>>
      tpu.wait_dma2 semaphore(%arg21 : memref<!tpu.dma_semaphore, #tpu.memory_space<semaphore_mem>>) src(%dma_wait3A_231 : memref<40xi32, #tpu.memory_space<hbm>>) dst(%arg9 : memref<40xi32, #tpu.memory_space<vmem>>)
      %dma_wait3A_232 = arith.constant 0 : i32
      %dma_wait3A_233 = arith.constant 0 : i32
      %dma_wait3A_234 = tpu.memref_slice %arg2[%dma_wait3A_232, %dma_wait3A_233] : memref<10000x128xf32, #tpu.memory_space<hbm>> -> memref<40x128xf32, #tpu.memory_space<hbm>>
      %dma_wait3A_235 = arith.constant 0 : i32
      %dma_wait3A_236 = arith.constant 0 : i32
      %dma_wait3A_237 = tpu.memref_slice %arg2[%dma_wait3A_235, %dma_wait3A_236] : memref<10000x128xf32, #tpu.memory_space<hbm>> -> memref<40x128xf32, #tpu.memory_space<hbm>>
      tpu.wait_dma2 semaphore(%arg21 : memref<!tpu.dma_semaphore, #tpu.memory_space<semaphore_mem>>) src(%dma_wait3A_237 : memref<40x128xf32, #tpu.memory_space<hbm>>) dst(%arg15 : memref<40x128xf32, #tpu.memory_space<vmem>>)
      "tpu.region"() ({
        %run_scoped3A = tpu.sem_alloc : memref<!tpu.dma_semaphore, #tpu.memory_space<semaphore_mem>>
        %dma_start3A_398 = arith.constant 0 : i32
        %dma_start3A_399 = arith.constant 0 : i32
        %dma_start3A_400 = tpu.memref_slice %arg7[%dma_start3A_398, %dma_start3A_399] : memref<10112x128xf32, #tpu.memory_space<vmem_shared>> -> memref<10112x128xf32, #tpu.memory_space<vmem_shared>>
        tpu.enqueue_indirect_dma source(%arg15 : memref<40x128xf32, #tpu.memory_space<vmem>>) target(%dma_start3A_400 : memref<10112x128xf32, #tpu.memory_space<vmem_shared>>) offsets(%arg9 : memref<40xi32, #tpu.memory_space<vmem>>) semaphore(%run_scoped3A : memref<!tpu.dma_semaphore, #tpu.memory_space<semaphore_mem>>) {add = true}
        %dma_wait3A_401 = arith.constant 0 : i32
        %dma_wait3A_402 = arith.constant 0 : i32
        %dma_wait3A_403 = tpu.memref_slice %arg7[%dma_wait3A_401, %dma_wait3A_402] : memref<10112x128xf32, #tpu.memory_space<vmem_shared>> -> memref<10112x128xf32, #tpu.memory_space<vmem_shared>>
        tpu.wait_indirect_dma semaphore(%run_scoped3A : memref<!tpu.dma_semaphore, #tpu.memory_space<semaphore_mem>>) src(%arg15 : memref<40x128xf32, #tpu.memory_space<vmem>>) dst(%dma_wait3A_403 : memref<10112x128xf32, #tpu.memory_space<vmem_shared>>)
        tpu.yield
      }) : () -> ()
      %add3A_238 = arith.constant 6 : i32
      %add3A_239 = arith.addi %add3A_227, %add3A_238 : i32
      %mul3A_240 = arith.constant 10000 : i32
      %mul3A_241 = arith.muli %add3A, %mul3A_240 : i32
      %mul3A_242 = arith.constant 40 : i32
      %mul3A_243 = arith.muli %add3A_239, %mul3A_242 : i32
      %add3A_244 = arith.addi %mul3A_241, %mul3A_243 : i32
      %dma_start3A_245 = tpu.memref_slice %arg4[%add3A_244] : memref<320000xi32, #tpu.memory_space<hbm>> -> memref<40xi32, #tpu.memory_space<hbm>>
      %dma_start3A_246 = tpu.memref_slice %arg4[%add3A_244] : memref<320000xi32, #tpu.memory_space<hbm>> -> memref<40xi32, #tpu.memory_space<hbm>>
      tpu.enqueue_dma source(%dma_start3A_246 : memref<40xi32, #tpu.memory_space<hbm>>) target(%arg9 : memref<40xi32, #tpu.memory_space<vmem>>) target_semaphore(%arg21 : memref<!tpu.dma_semaphore, #tpu.memory_space<semaphore_mem>>)
      %mul3A_247 = arith.constant 40 : i32
      %mul3A_248 = arith.muli %add3A_239, %mul3A_247 : i32
      %dma_start3A_249 = tpu.memref_slice %arg8[%mul3A_248] : memref<10000xi32, #tpu.memory_space<vmem>> -> memref<40xi32, #tpu.memory_space<vmem>>
      %dma_start3A_250 = arith.constant 0 : i32
      %dma_start3A_251 = arith.constant 0 : i32
      %dma_start3A_252 = tpu.memref_slice %arg2[%dma_start3A_250, %dma_start3A_251] : memref<10000x128xf32, #tpu.memory_space<hbm>> -> memref<10000x128xf32, #tpu.memory_space<hbm>>
      tpu.enqueue_indirect_dma source(%dma_start3A_252 : memref<10000x128xf32, #tpu.memory_space<hbm>>) target(%arg15 : memref<40x128xf32, #tpu.memory_space<vmem>>) offsets(%dma_start3A_249 : memref<40xi32, #tpu.memory_space<vmem>>) semaphore(%arg21 : memref<!tpu.dma_semaphore, #tpu.memory_space<semaphore_mem>>)
      %mul3A_253 = arith.constant 6 : i32
      %mul3A_254 = arith.muli %mul3A_253, %scan3A_223 : i32
      %add3A_255 = arith.constant 1 : i32
      %add3A_256 = arith.addi %mul3A_254, %add3A_255 : i32
      %dma_wait3A_257 = arith.constant 0 : i32
      %dma_wait3A_258 = tpu.memref_slice %arg4[%dma_wait3A_257] : memref<320000xi32, #tpu.memory_space<hbm>> -> memref<40xi32, #tpu.memory_space<hbm>>
      %dma_wait3A_259 = arith.constant 0 : i32
      %dma_wait3A_260 = tpu.memref_slice %arg4[%dma_wait3A_259] : memref<320000xi32, #tpu.memory_space<hbm>> -> memref<40xi32, #tpu.memory_space<hbm>>
      tpu.wait_dma2 semaphore(%arg22 : memref<!tpu.dma_semaphore, #tpu.memory_space<semaphore_mem>>) src(%dma_wait3A_260 : memref<40xi32, #tpu.memory_space<hbm>>) dst(%arg10 : memref<40xi32, #tpu.memory_space<vmem>>)
      %dma_wait3A_261 = arith.constant 0 : i32
      %dma_wait3A_262 = arith.constant 0 : i32
      %dma_wait3A_263 = tpu.memref_slice %arg2[%dma_wait3A_261, %dma_wait3A_262] : memref<10000x128xf32, #tpu.memory_space<hbm>> -> memref<40x128xf32, #tpu.memory_space<hbm>>
      %dma_wait3A_264 = arith.constant 0 : i32
      %dma_wait3A_265 = arith.constant 0 : i32
      %dma_wait3A_266 = tpu.memref_slice %arg2[%dma_wait3A_264, %dma_wait3A_265] : memref<10000x128xf32, #tpu.memory_space<hbm>> -> memref<40x128xf32, #tpu.memory_space<hbm>>
      tpu.wait_dma2 semaphore(%arg22 : memref<!tpu.dma_semaphore, #tpu.memory_space<semaphore_mem>>) src(%dma_wait3A_266 : memref<40x128xf32, #tpu.memory_space<hbm>>) dst(%arg16 : memref<40x128xf32, #tpu.memory_space<vmem>>)
      "tpu.region"() ({
        %run_scoped3A = tpu.sem_alloc : memref<!tpu.dma_semaphore, #tpu.memory_space<semaphore_mem>>
        %dma_start3A_398 = arith.constant 0 : i32
        %dma_start3A_399 = arith.constant 0 : i32
        %dma_start3A_400 = tpu.memref_slice %arg7[%dma_start3A_398, %dma_start3A_399] : memref<10112x128xf32, #tpu.memory_space<vmem_shared>> -> memref<10112x128xf32, #tpu.memory_space<vmem_shared>>
        tpu.enqueue_indirect_dma source(%arg16 : memref<40x128xf32, #tpu.memory_space<vmem>>) target(%dma_start3A_400 : memref<10112x128xf32, #tpu.memory_space<vmem_shared>>) offsets(%arg10 : memref<40xi32, #tpu.memory_space<vmem>>) semaphore(%run_scoped3A : memref<!tpu.dma_semaphore, #tpu.memory_space<semaphore_mem>>) {add = true}
        %dma_wait3A_401 = arith.constant 0 : i32
        %dma_wait3A_402 = arith.constant 0 : i32
        %dma_wait3A_403 = tpu.memref_slice %arg7[%dma_wait3A_401, %dma_wait3A_402] : memref<10112x128xf32, #tpu.memory_space<vmem_shared>> -> memref<10112x128xf32, #tpu.memory_space<vmem_shared>>
        tpu.wait_indirect_dma semaphore(%run_scoped3A : memref<!tpu.dma_semaphore, #tpu.memory_space<semaphore_mem>>) src(%arg16 : memref<40x128xf32, #tpu.memory_space<vmem>>) dst(%dma_wait3A_403 : memref<10112x128xf32, #tpu.memory_space<vmem_shared>>)
        tpu.yield
      }) : () -> ()
      %add3A_267 = arith.constant 6 : i32
      %add3A_268 = arith.addi %add3A_256, %add3A_267 : i32
      %mul3A_269 = arith.constant 10000 : i32
      %mul3A_270 = arith.muli %add3A, %mul3A_269 : i32
      %mul3A_271 = arith.constant 40 : i32
      %mul3A_272 = arith.muli %add3A_268, %mul3A_271 : i32
      %add3A_273 = arith.addi %mul3A_270, %mul3A_272 : i32
      %dma_start3A_274 = tpu.memref_slice %arg4[%add3A_273] : memref<320000xi32, #tpu.memory_space<hbm>> -> memref<40xi32, #tpu.memory_space<hbm>>
      %dma_start3A_275 = tpu.memref_slice %arg4[%add3A_273] : memref<320000xi32, #tpu.memory_space<hbm>> -> memref<40xi32, #tpu.memory_space<hbm>>
      tpu.enqueue_dma source(%dma_start3A_275 : memref<40xi32, #tpu.memory_space<hbm>>) target(%arg10 : memref<40xi32, #tpu.memory_space<vmem>>) target_semaphore(%arg22 : memref<!tpu.dma_semaphore, #tpu.memory_space<semaphore_mem>>)
      %mul3A_276 = arith.constant 40 : i32
      %mul3A_277 = arith.muli %add3A_268, %mul3A_276 : i32
      %dma_start3A_278 = tpu.memref_slice %arg8[%mul3A_277] : memref<10000xi32, #tpu.memory_space<vmem>> -> memref<40xi32, #tpu.memory_space<vmem>>
      %dma_start3A_279 = arith.constant 0 : i32
      %dma_start3A_280 = arith.constant 0 : i32
      %dma_start3A_281 = tpu.memref_slice %arg2[%dma_start3A_279, %dma_start3A_280] : memref<10000x128xf32, #tpu.memory_space<hbm>> -> memref<10000x128xf32, #tpu.memory_space<hbm>>
      tpu.enqueue_indirect_dma source(%dma_start3A_281 : memref<10000x128xf32, #tpu.memory_space<hbm>>) target(%arg16 : memref<40x128xf32, #tpu.memory_space<vmem>>) offsets(%dma_start3A_278 : memref<40xi32, #tpu.memory_space<vmem>>) semaphore(%arg22 : memref<!tpu.dma_semaphore, #tpu.memory_space<semaphore_mem>>)
      %mul3A_282 = arith.constant 6 : i32
      %mul3A_283 = arith.muli %mul3A_282, %scan3A_223 : i32
      %add3A_284 = arith.constant 2 : i32
      %add3A_285 = arith.addi %mul3A_283, %add3A_284 : i32
      %dma_wait3A_286 = arith.constant 0 : i32
      %dma_wait3A_287 = tpu.memref_slice %arg4[%dma_wait3A_286] : memref<320000xi32, #tpu.memory_space<hbm>> -> memref<40xi32, #tpu.memory_space<hbm>>
      %dma_wait3A_288 = arith.constant 0 : i32
      %dma_wait3A_289 = tpu.memref_slice %arg4[%dma_wait3A_288] : memref<320000xi32, #tpu.memory_space<hbm>> -> memref<40xi32, #tpu.memory_space<hbm>>
      tpu.wait_dma2 semaphore(%arg23 : memref<!tpu.dma_semaphore, #tpu.memory_space<semaphore_mem>>) src(%dma_wait3A_289 : memref<40xi32, #tpu.memory_space<hbm>>) dst(%arg11 : memref<40xi32, #tpu.memory_space<vmem>>)
      %dma_wait3A_290 = arith.constant 0 : i32
      %dma_wait3A_291 = arith.constant 0 : i32
      %dma_wait3A_292 = tpu.memref_slice %arg2[%dma_wait3A_290, %dma_wait3A_291] : memref<10000x128xf32, #tpu.memory_space<hbm>> -> memref<40x128xf32, #tpu.memory_space<hbm>>
      %dma_wait3A_293 = arith.constant 0 : i32
      %dma_wait3A_294 = arith.constant 0 : i32
      %dma_wait3A_295 = tpu.memref_slice %arg2[%dma_wait3A_293, %dma_wait3A_294] : memref<10000x128xf32, #tpu.memory_space<hbm>> -> memref<40x128xf32, #tpu.memory_space<hbm>>
      tpu.wait_dma2 semaphore(%arg23 : memref<!tpu.dma_semaphore, #tpu.memory_space<semaphore_mem>>) src(%dma_wait3A_295 : memref<40x128xf32, #tpu.memory_space<hbm>>) dst(%arg17 : memref<40x128xf32, #tpu.memory_space<vmem>>)
      "tpu.region"() ({
        %run_scoped3A = tpu.sem_alloc : memref<!tpu.dma_semaphore, #tpu.memory_space<semaphore_mem>>
        %dma_start3A_398 = arith.constant 0 : i32
        %dma_start3A_399 = arith.constant 0 : i32
        %dma_start3A_400 = tpu.memref_slice %arg7[%dma_start3A_398, %dma_start3A_399] : memref<10112x128xf32, #tpu.memory_space<vmem_shared>> -> memref<10112x128xf32, #tpu.memory_space<vmem_shared>>
        tpu.enqueue_indirect_dma source(%arg17 : memref<40x128xf32, #tpu.memory_space<vmem>>) target(%dma_start3A_400 : memref<10112x128xf32, #tpu.memory_space<vmem_shared>>) offsets(%arg11 : memref<40xi32, #tpu.memory_space<vmem>>) semaphore(%run_scoped3A : memref<!tpu.dma_semaphore, #tpu.memory_space<semaphore_mem>>) {add = true}
        %dma_wait3A_401 = arith.constant 0 : i32
        %dma_wait3A_402 = arith.constant 0 : i32
        %dma_wait3A_403 = tpu.memref_slice %arg7[%dma_wait3A_401, %dma_wait3A_402] : memref<10112x128xf32, #tpu.memory_space<vmem_shared>> -> memref<10112x128xf32, #tpu.memory_space<vmem_shared>>
        tpu.wait_indirect_dma semaphore(%run_scoped3A : memref<!tpu.dma_semaphore, #tpu.memory_space<semaphore_mem>>) src(%arg17 : memref<40x128xf32, #tpu.memory_space<vmem>>) dst(%dma_wait3A_403 : memref<10112x128xf32, #tpu.memory_space<vmem_shared>>)
        tpu.yield
      }) : () -> ()
      %add3A_296 = arith.constant 6 : i32
      %add3A_297 = arith.addi %add3A_285, %add3A_296 : i32
      %mul3A_298 = arith.constant 10000 : i32
      %mul3A_299 = arith.muli %add3A, %mul3A_298 : i32
      %mul3A_300 = arith.constant 40 : i32
      %mul3A_301 = arith.muli %add3A_297, %mul3A_300 : i32
      %add3A_302 = arith.addi %mul3A_299, %mul3A_301 : i32
      %dma_start3A_303 = tpu.memref_slice %arg4[%add3A_302] : memref<320000xi32, #tpu.memory_space<hbm>> -> memref<40xi32, #tpu.memory_space<hbm>>
      %dma_start3A_304 = tpu.memref_slice %arg4[%add3A_302] : memref<320000xi32, #tpu.memory_space<hbm>> -> memref<40xi32, #tpu.memory_space<hbm>>
      tpu.enqueue_dma source(%dma_start3A_304 : memref<40xi32, #tpu.memory_space<hbm>>) target(%arg11 : memref<40xi32, #tpu.memory_space<vmem>>) target_semaphore(%arg23 : memref<!tpu.dma_semaphore, #tpu.memory_space<semaphore_mem>>)
      %mul3A_305 = arith.constant 40 : i32
      %mul3A_306 = arith.muli %add3A_297, %mul3A_305 : i32
      %dma_start3A_307 = tpu.memref_slice %arg8[%mul3A_306] : memref<10000xi32, #tpu.memory_space<vmem>> -> memref<40xi32, #tpu.memory_space<vmem>>
      %dma_start3A_308 = arith.constant 0 : i32
      %dma_start3A_309 = arith.constant 0 : i32
      %dma_start3A_310 = tpu.memref_slice %arg2[%dma_start3A_308, %dma_start3A_309] : memref<10000x128xf32, #tpu.memory_space<hbm>> -> memref<10000x128xf32, #tpu.memory_space<hbm>>
      tpu.enqueue_indirect_dma source(%dma_start3A_310 : memref<10000x128xf32, #tpu.memory_space<hbm>>) target(%arg17 : memref<40x128xf32, #tpu.memory_space<vmem>>) offsets(%dma_start3A_307 : memref<40xi32, #tpu.memory_space<vmem>>) semaphore(%arg23 : memref<!tpu.dma_semaphore, #tpu.memory_space<semaphore_mem>>)
      %mul3A_311 = arith.constant 6 : i32
      %mul3A_312 = arith.muli %mul3A_311, %scan3A_223 : i32
      %add3A_313 = arith.constant 3 : i32
      %add3A_314 = arith.addi %mul3A_312, %add3A_313 : i32
      %dma_wait3A_315 = arith.constant 0 : i32
      %dma_wait3A_316 = tpu.memref_slice %arg4[%dma_wait3A_315] : memref<320000xi32, #tpu.memory_space<hbm>> -> memref<40xi32, #tpu.memory_space<hbm>>
      %dma_wait3A_317 = arith.constant 0 : i32
      %dma_wait3A_318 = tpu.memref_slice %arg4[%dma_wait3A_317] : memref<320000xi32, #tpu.memory_space<hbm>> -> memref<40xi32, #tpu.memory_space<hbm>>
      tpu.wait_dma2 semaphore(%arg24 : memref<!tpu.dma_semaphore, #tpu.memory_space<semaphore_mem>>) src(%dma_wait3A_318 : memref<40xi32, #tpu.memory_space<hbm>>) dst(%arg12 : memref<40xi32, #tpu.memory_space<vmem>>)
      %dma_wait3A_319 = arith.constant 0 : i32
      %dma_wait3A_320 = arith.constant 0 : i32
      %dma_wait3A_321 = tpu.memref_slice %arg2[%dma_wait3A_319, %dma_wait3A_320] : memref<10000x128xf32, #tpu.memory_space<hbm>> -> memref<40x128xf32, #tpu.memory_space<hbm>>
      %dma_wait3A_322 = arith.constant 0 : i32
      %dma_wait3A_323 = arith.constant 0 : i32
      %dma_wait3A_324 = tpu.memref_slice %arg2[%dma_wait3A_322, %dma_wait3A_323] : memref<10000x128xf32, #tpu.memory_space<hbm>> -> memref<40x128xf32, #tpu.memory_space<hbm>>
      tpu.wait_dma2 semaphore(%arg24 : memref<!tpu.dma_semaphore, #tpu.memory_space<semaphore_mem>>) src(%dma_wait3A_324 : memref<40x128xf32, #tpu.memory_space<hbm>>) dst(%arg18 : memref<40x128xf32, #tpu.memory_space<vmem>>)
      "tpu.region"() ({
        %run_scoped3A = tpu.sem_alloc : memref<!tpu.dma_semaphore, #tpu.memory_space<semaphore_mem>>
        %dma_start3A_398 = arith.constant 0 : i32
        %dma_start3A_399 = arith.constant 0 : i32
        %dma_start3A_400 = tpu.memref_slice %arg7[%dma_start3A_398, %dma_start3A_399] : memref<10112x128xf32, #tpu.memory_space<vmem_shared>> -> memref<10112x128xf32, #tpu.memory_space<vmem_shared>>
        tpu.enqueue_indirect_dma source(%arg18 : memref<40x128xf32, #tpu.memory_space<vmem>>) target(%dma_start3A_400 : memref<10112x128xf32, #tpu.memory_space<vmem_shared>>) offsets(%arg12 : memref<40xi32, #tpu.memory_space<vmem>>) semaphore(%run_scoped3A : memref<!tpu.dma_semaphore, #tpu.memory_space<semaphore_mem>>) {add = true}
        %dma_wait3A_401 = arith.constant 0 : i32
        %dma_wait3A_402 = arith.constant 0 : i32
        %dma_wait3A_403 = tpu.memref_slice %arg7[%dma_wait3A_401, %dma_wait3A_402] : memref<10112x128xf32, #tpu.memory_space<vmem_shared>> -> memref<10112x128xf32, #tpu.memory_space<vmem_shared>>
        tpu.wait_indirect_dma semaphore(%run_scoped3A : memref<!tpu.dma_semaphore, #tpu.memory_space<semaphore_mem>>) src(%arg18 : memref<40x128xf32, #tpu.memory_space<vmem>>) dst(%dma_wait3A_403 : memref<10112x128xf32, #tpu.memory_space<vmem_shared>>)
        tpu.yield
      }) : () -> ()
      %add3A_325 = arith.constant 6 : i32
      %add3A_326 = arith.addi %add3A_314, %add3A_325 : i32
      %mul3A_327 = arith.constant 10000 : i32
      %mul3A_328 = arith.muli %add3A, %mul3A_327 : i32
      %mul3A_329 = arith.constant 40 : i32
      %mul3A_330 = arith.muli %add3A_326, %mul3A_329 : i32
      %add3A_331 = arith.addi %mul3A_328, %mul3A_330 : i32
      %dma_start3A_332 = tpu.memref_slice %arg4[%add3A_331] : memref<320000xi32, #tpu.memory_space<hbm>> -> memref<40xi32, #tpu.memory_space<hbm>>
      %dma_start3A_333 = tpu.memref_slice %arg4[%add3A_331] : memref<320000xi32, #tpu.memory_space<hbm>> -> memref<40xi32, #tpu.memory_space<hbm>>
      tpu.enqueue_dma source(%dma_start3A_333 : memref<40xi32, #tpu.memory_space<hbm>>) target(%arg12 : memref<40xi32, #tpu.memory_space<vmem>>) target_semaphore(%arg24 : memref<!tpu.dma_semaphore, #tpu.memory_space<semaphore_mem>>)
      %mul3A_334 = arith.constant 40 : i32
      %mul3A_335 = arith.muli %add3A_326, %mul3A_334 : i32
      %dma_start3A_336 = tpu.memref_slice %arg8[%mul3A_335] : memref<10000xi32, #tpu.memory_space<vmem>> -> memref<40xi32, #tpu.memory_space<vmem>>
      %dma_start3A_337 = arith.constant 0 : i32
      %dma_start3A_338 = arith.constant 0 : i32
      %dma_start3A_339 = tpu.memref_slice %arg2[%dma_start3A_337, %dma_start3A_338] : memref<10000x128xf32, #tpu.memory_space<hbm>> -> memref<10000x128xf32, #tpu.memory_space<hbm>>
      tpu.enqueue_indirect_dma source(%dma_start3A_339 : memref<10000x128xf32, #tpu.memory_space<hbm>>) target(%arg18 : memref<40x128xf32, #tpu.memory_space<vmem>>) offsets(%dma_start3A_336 : memref<40xi32, #tpu.memory_space<vmem>>) semaphore(%arg24 : memref<!tpu.dma_semaphore, #tpu.memory_space<semaphore_mem>>)
      %mul3A_340 = arith.constant 6 : i32
      %mul3A_341 = arith.muli %mul3A_340, %scan3A_223 : i32
      %add3A_342 = arith.constant 4 : i32
      %add3A_343 = arith.addi %mul3A_341, %add3A_342 : i32
      %dma_wait3A_344 = arith.constant 0 : i32
      %dma_wait3A_345 = tpu.memref_slice %arg4[%dma_wait3A_344] : memref<320000xi32, #tpu.memory_space<hbm>> -> memref<40xi32, #tpu.memory_space<hbm>>
      %dma_wait3A_346 = arith.constant 0 : i32
      %dma_wait3A_347 = tpu.memref_slice %arg4[%dma_wait3A_346] : memref<320000xi32, #tpu.memory_space<hbm>> -> memref<40xi32, #tpu.memory_space<hbm>>
      tpu.wait_dma2 semaphore(%arg25 : memref<!tpu.dma_semaphore, #tpu.memory_space<semaphore_mem>>) src(%dma_wait3A_347 : memref<40xi32, #tpu.memory_space<hbm>>) dst(%arg13 : memref<40xi32, #tpu.memory_space<vmem>>)
      %dma_wait3A_348 = arith.constant 0 : i32
      %dma_wait3A_349 = arith.constant 0 : i32
      %dma_wait3A_350 = tpu.memref_slice %arg2[%dma_wait3A_348, %dma_wait3A_349] : memref<10000x128xf32, #tpu.memory_space<hbm>> -> memref<40x128xf32, #tpu.memory_space<hbm>>
      %dma_wait3A_351 = arith.constant 0 : i32
      %dma_wait3A_352 = arith.constant 0 : i32
      %dma_wait3A_353 = tpu.memref_slice %arg2[%dma_wait3A_351, %dma_wait3A_352] : memref<10000x128xf32, #tpu.memory_space<hbm>> -> memref<40x128xf32, #tpu.memory_space<hbm>>
      tpu.wait_dma2 semaphore(%arg25 : memref<!tpu.dma_semaphore, #tpu.memory_space<semaphore_mem>>) src(%dma_wait3A_353 : memref<40x128xf32, #tpu.memory_space<hbm>>) dst(%arg19 : memref<40x128xf32, #tpu.memory_space<vmem>>)
      "tpu.region"() ({
        %run_scoped3A = tpu.sem_alloc : memref<!tpu.dma_semaphore, #tpu.memory_space<semaphore_mem>>
        %dma_start3A_398 = arith.constant 0 : i32
        %dma_start3A_399 = arith.constant 0 : i32
        %dma_start3A_400 = tpu.memref_slice %arg7[%dma_start3A_398, %dma_start3A_399] : memref<10112x128xf32, #tpu.memory_space<vmem_shared>> -> memref<10112x128xf32, #tpu.memory_space<vmem_shared>>
        tpu.enqueue_indirect_dma source(%arg19 : memref<40x128xf32, #tpu.memory_space<vmem>>) target(%dma_start3A_400 : memref<10112x128xf32, #tpu.memory_space<vmem_shared>>) offsets(%arg13 : memref<40xi32, #tpu.memory_space<vmem>>) semaphore(%run_scoped3A : memref<!tpu.dma_semaphore, #tpu.memory_space<semaphore_mem>>) {add = true}
        %dma_wait3A_401 = arith.constant 0 : i32
        %dma_wait3A_402 = arith.constant 0 : i32
        %dma_wait3A_403 = tpu.memref_slice %arg7[%dma_wait3A_401, %dma_wait3A_402] : memref<10112x128xf32, #tpu.memory_space<vmem_shared>> -> memref<10112x128xf32, #tpu.memory_space<vmem_shared>>
        tpu.wait_indirect_dma semaphore(%run_scoped3A : memref<!tpu.dma_semaphore, #tpu.memory_space<semaphore_mem>>) src(%arg19 : memref<40x128xf32, #tpu.memory_space<vmem>>) dst(%dma_wait3A_403 : memref<10112x128xf32, #tpu.memory_space<vmem_shared>>)
        tpu.yield
      }) : () -> ()
      %add3A_354 = arith.constant 6 : i32
      %add3A_355 = arith.addi %add3A_343, %add3A_354 : i32
      %mul3A_356 = arith.constant 10000 : i32
      %mul3A_357 = arith.muli %add3A, %mul3A_356 : i32
      %mul3A_358 = arith.constant 40 : i32
      %mul3A_359 = arith.muli %add3A_355, %mul3A_358 : i32
      %add3A_360 = arith.addi %mul3A_357, %mul3A_359 : i32
      %dma_start3A_361 = tpu.memref_slice %arg4[%add3A_360] : memref<320000xi32, #tpu.memory_space<hbm>> -> memref<40xi32, #tpu.memory_space<hbm>>
      %dma_start3A_362 = tpu.memref_slice %arg4[%add3A_360] : memref<320000xi32, #tpu.memory_space<hbm>> -> memref<40xi32, #tpu.memory_space<hbm>>
      tpu.enqueue_dma source(%dma_start3A_362 : memref<40xi32, #tpu.memory_space<hbm>>) target(%arg13 : memref<40xi32, #tpu.memory_space<vmem>>) target_semaphore(%arg25 : memref<!tpu.dma_semaphore, #tpu.memory_space<semaphore_mem>>)
      %mul3A_363 = arith.constant 40 : i32
      %mul3A_364 = arith.muli %add3A_355, %mul3A_363 : i32
      %dma_start3A_365 = tpu.memref_slice %arg8[%mul3A_364] : memref<10000xi32, #tpu.memory_space<vmem>> -> memref<40xi32, #tpu.memory_space<vmem>>
      %dma_start3A_366 = arith.constant 0 : i32
      %dma_start3A_367 = arith.constant 0 : i32
      %dma_start3A_368 = tpu.memref_slice %arg2[%dma_start3A_366, %dma_start3A_367] : memref<10000x128xf32, #tpu.memory_space<hbm>> -> memref<10000x128xf32, #tpu.memory_space<hbm>>
      tpu.enqueue_indirect_dma source(%dma_start3A_368 : memref<10000x128xf32, #tpu.memory_space<hbm>>) target(%arg19 : memref<40x128xf32, #tpu.memory_space<vmem>>) offsets(%dma_start3A_365 : memref<40xi32, #tpu.memory_space<vmem>>) semaphore(%arg25 : memref<!tpu.dma_semaphore, #tpu.memory_space<semaphore_mem>>)
      %mul3A_369 = arith.constant 6 : i32
      %mul3A_370 = arith.muli %mul3A_369, %scan3A_223 : i32
      %add3A_371 = arith.constant 5 : i32
      %add3A_372 = arith.addi %mul3A_370, %add3A_371 : i32
      %dma_wait3A_373 = arith.constant 0 : i32
      %dma_wait3A_374 = tpu.memref_slice %arg4[%dma_wait3A_373] : memref<320000xi32, #tpu.memory_space<hbm>> -> memref<40xi32, #tpu.memory_space<hbm>>
      %dma_wait3A_375 = arith.constant 0 : i32
      %dma_wait3A_376 = tpu.memref_slice %arg4[%dma_wait3A_375] : memref<320000xi32, #tpu.memory_space<hbm>> -> memref<40xi32, #tpu.memory_space<hbm>>
      tpu.wait_dma2 semaphore(%arg26 : memref<!tpu.dma_semaphore, #tpu.memory_space<semaphore_mem>>) src(%dma_wait3A_376 : memref<40xi32, #tpu.memory_space<hbm>>) dst(%arg14 : memref<40xi32, #tpu.memory_space<vmem>>)
      %dma_wait3A_377 = arith.constant 0 : i32
      %dma_wait3A_378 = arith.constant 0 : i32
      %dma_wait3A_379 = tpu.memref_slice %arg2[%dma_wait3A_377, %dma_wait3A_378] : memref<10000x128xf32, #tpu.memory_space<hbm>> -> memref<40x128xf32, #tpu.memory_space<hbm>>
      %dma_wait3A_380 = arith.constant 0 : i32
      %dma_wait3A_381 = arith.constant 0 : i32
      %dma_wait3A_382 = tpu.memref_slice %arg2[%dma_wait3A_380, %dma_wait3A_381] : memref<10000x128xf32, #tpu.memory_space<hbm>> -> memref<40x128xf32, #tpu.memory_space<hbm>>
      tpu.wait_dma2 semaphore(%arg26 : memref<!tpu.dma_semaphore, #tpu.memory_space<semaphore_mem>>) src(%dma_wait3A_382 : memref<40x128xf32, #tpu.memory_space<hbm>>) dst(%arg20 : memref<40x128xf32, #tpu.memory_space<vmem>>)
      "tpu.region"() ({
        %run_scoped3A = tpu.sem_alloc : memref<!tpu.dma_semaphore, #tpu.memory_space<semaphore_mem>>
        %dma_start3A_398 = arith.constant 0 : i32
        %dma_start3A_399 = arith.constant 0 : i32
        %dma_start3A_400 = tpu.memref_slice %arg7[%dma_start3A_398, %dma_start3A_399] : memref<10112x128xf32, #tpu.memory_space<vmem_shared>> -> memref<10112x128xf32, #tpu.memory_space<vmem_shared>>
        tpu.enqueue_indirect_dma source(%arg20 : memref<40x128xf32, #tpu.memory_space<vmem>>) target(%dma_start3A_400 : memref<10112x128xf32, #tpu.memory_space<vmem_shared>>) offsets(%arg14 : memref<40xi32, #tpu.memory_space<vmem>>) semaphore(%run_scoped3A : memref<!tpu.dma_semaphore, #tpu.memory_space<semaphore_mem>>) {add = true}
        %dma_wait3A_401 = arith.constant 0 : i32
        %dma_wait3A_402 = arith.constant 0 : i32
        %dma_wait3A_403 = tpu.memref_slice %arg7[%dma_wait3A_401, %dma_wait3A_402] : memref<10112x128xf32, #tpu.memory_space<vmem_shared>> -> memref<10112x128xf32, #tpu.memory_space<vmem_shared>>
        tpu.wait_indirect_dma semaphore(%run_scoped3A : memref<!tpu.dma_semaphore, #tpu.memory_space<semaphore_mem>>) src(%arg20 : memref<40x128xf32, #tpu.memory_space<vmem>>) dst(%dma_wait3A_403 : memref<10112x128xf32, #tpu.memory_space<vmem_shared>>)
        tpu.yield
      }) : () -> ()
      %add3A_383 = arith.constant 6 : i32
      %add3A_384 = arith.addi %add3A_372, %add3A_383 : i32
      %mul3A_385 = arith.constant 10000 : i32
      %mul3A_386 = arith.muli %add3A, %mul3A_385 : i32
      %mul3A_387 = arith.constant 40 : i32
      %mul3A_388 = arith.muli %add3A_384, %mul3A_387 : i32
      %add3A_389 = arith.addi %mul3A_386, %mul3A_388 : i32
      %dma_start3A_390 = tpu.memref_slice %arg4[%add3A_389] : memref<320000xi32, #tpu.memory_space<hbm>> -> memref<40xi32, #tpu.memory_space<hbm>>
      %dma_start3A_391 = tpu.memref_slice %arg4[%add3A_389] : memref<320000xi32, #tpu.memory_space<hbm>> -> memref<40xi32, #tpu.memory_space<hbm>>
      tpu.enqueue_dma source(%dma_start3A_391 : memref<40xi32, #tpu.memory_space<hbm>>) target(%arg14 : memref<40xi32, #tpu.memory_space<vmem>>) target_semaphore(%arg26 : memref<!tpu.dma_semaphore, #tpu.memory_space<semaphore_mem>>)
      %mul3A_392 = arith.constant 40 : i32
      %mul3A_393 = arith.muli %add3A_384, %mul3A_392 : i32
      %dma_start3A_394 = tpu.memref_slice %arg8[%mul3A_393] : memref<10000xi32, #tpu.memory_space<vmem>> -> memref<40xi32, #tpu.memory_space<vmem>>
      %dma_start3A_395 = arith.constant 0 : i32
      %dma_start3A_396 = arith.constant 0 : i32
      %dma_start3A_397 = tpu.memref_slice %arg2[%dma_start3A_395, %dma_start3A_396] : memref<10000x128xf32, #tpu.memory_space<hbm>> -> memref<10000x128xf32, #tpu.memory_space<hbm>>
      tpu.enqueue_indirect_dma source(%dma_start3A_397 : memref<10000x128xf32, #tpu.memory_space<hbm>>) target(%arg20 : memref<40x128xf32, #tpu.memory_space<vmem>>) offsets(%dma_start3A_394 : memref<40xi32, #tpu.memory_space<vmem>>) semaphore(%arg26 : memref<!tpu.dma_semaphore, #tpu.memory_space<semaphore_mem>>)
    }
    %scan3A_74 = arith.constant 40 : i32
    %dma_wait3A = arith.constant 0 : i32
    %dma_wait3A_75 = tpu.memref_slice %arg4[%dma_wait3A] : memref<320000xi32, #tpu.memory_space<hbm>> -> memref<40xi32, #tpu.memory_space<hbm>>
    %dma_wait3A_76 = arith.constant 0 : i32
    %dma_wait3A_77 = tpu.memref_slice %arg4[%dma_wait3A_76] : memref<320000xi32, #tpu.memory_space<hbm>> -> memref<40xi32, #tpu.memory_space<hbm>>
    tpu.wait_dma2 semaphore(%arg21 : memref<!tpu.dma_semaphore, #tpu.memory_space<semaphore_mem>>) src(%dma_wait3A_77 : memref<40xi32, #tpu.memory_space<hbm>>) dst(%arg9 : memref<40xi32, #tpu.memory_space<vmem>>)
    %dma_wait3A_78 = arith.constant 0 : i32
    %dma_wait3A_79 = arith.constant 0 : i32
    %dma_wait3A_80 = tpu.memref_slice %arg2[%dma_wait3A_78, %dma_wait3A_79] : memref<10000x128xf32, #tpu.memory_space<hbm>> -> memref<40x128xf32, #tpu.memory_space<hbm>>
    %dma_wait3A_81 = arith.constant 0 : i32
    %dma_wait3A_82 = arith.constant 0 : i32
    %dma_wait3A_83 = tpu.memref_slice %arg2[%dma_wait3A_81, %dma_wait3A_82] : memref<10000x128xf32, #tpu.memory_space<hbm>> -> memref<40x128xf32, #tpu.memory_space<hbm>>
    tpu.wait_dma2 semaphore(%arg21 : memref<!tpu.dma_semaphore, #tpu.memory_space<semaphore_mem>>) src(%dma_wait3A_83 : memref<40x128xf32, #tpu.memory_space<hbm>>) dst(%arg15 : memref<40x128xf32, #tpu.memory_space<vmem>>)
    "tpu.region"() ({
      %run_scoped3A = tpu.sem_alloc : memref<!tpu.dma_semaphore, #tpu.memory_space<semaphore_mem>>
      %dma_start3A_223 = arith.constant 0 : i32
      %dma_start3A_224 = arith.constant 0 : i32
      %dma_start3A_225 = tpu.memref_slice %arg7[%dma_start3A_223, %dma_start3A_224] : memref<10112x128xf32, #tpu.memory_space<vmem_shared>> -> memref<10112x128xf32, #tpu.memory_space<vmem_shared>>
      tpu.enqueue_indirect_dma source(%arg15 : memref<40x128xf32, #tpu.memory_space<vmem>>) target(%dma_start3A_225 : memref<10112x128xf32, #tpu.memory_space<vmem_shared>>) offsets(%arg9 : memref<40xi32, #tpu.memory_space<vmem>>) semaphore(%run_scoped3A : memref<!tpu.dma_semaphore, #tpu.memory_space<semaphore_mem>>) {add = true}
      %dma_wait3A_226 = arith.constant 0 : i32
      %dma_wait3A_227 = arith.constant 0 : i32
      %dma_wait3A_228 = tpu.memref_slice %arg7[%dma_wait3A_226, %dma_wait3A_227] : memref<10112x128xf32, #tpu.memory_space<vmem_shared>> -> memref<10112x128xf32, #tpu.memory_space<vmem_shared>>
      tpu.wait_indirect_dma semaphore(%run_scoped3A : memref<!tpu.dma_semaphore, #tpu.memory_space<semaphore_mem>>) src(%arg15 : memref<40x128xf32, #tpu.memory_space<vmem>>) dst(%dma_wait3A_228 : memref<10112x128xf32, #tpu.memory_space<vmem_shared>>)
      tpu.yield
    }) : () -> ()
    %mul3A_84 = arith.constant 10000 : i32
    %mul3A_85 = arith.muli %add3A, %mul3A_84 : i32
    %add3A_86 = arith.constant 9840 : i32
    %add3A_87 = arith.addi %mul3A_85, %add3A_86 : i32
    %dma_start3A_88 = tpu.memref_slice %arg4[%add3A_87] : memref<320000xi32, #tpu.memory_space<hbm>> -> memref<40xi32, #tpu.memory_space<hbm>>
    %dma_start3A_89 = tpu.memref_slice %arg4[%add3A_87] : memref<320000xi32, #tpu.memory_space<hbm>> -> memref<40xi32, #tpu.memory_space<hbm>>
    tpu.enqueue_dma source(%dma_start3A_89 : memref<40xi32, #tpu.memory_space<hbm>>) target(%arg9 : memref<40xi32, #tpu.memory_space<vmem>>) target_semaphore(%arg21 : memref<!tpu.dma_semaphore, #tpu.memory_space<semaphore_mem>>)
    %dma_start3A_90 = arith.constant 9840 : i32
    %dma_start3A_91 = tpu.memref_slice %arg8[%dma_start3A_90] : memref<10000xi32, #tpu.memory_space<vmem>> -> memref<40xi32, #tpu.memory_space<vmem>>
    %dma_start3A_92 = arith.constant 0 : i32
    %dma_start3A_93 = arith.constant 0 : i32
    %dma_start3A_94 = tpu.memref_slice %arg2[%dma_start3A_92, %dma_start3A_93] : memref<10000x128xf32, #tpu.memory_space<hbm>> -> memref<10000x128xf32, #tpu.memory_space<hbm>>
    tpu.enqueue_indirect_dma source(%dma_start3A_94 : memref<10000x128xf32, #tpu.memory_space<hbm>>) target(%arg15 : memref<40x128xf32, #tpu.memory_space<vmem>>) offsets(%dma_start3A_91 : memref<40xi32, #tpu.memory_space<vmem>>) semaphore(%arg21 : memref<!tpu.dma_semaphore, #tpu.memory_space<semaphore_mem>>)
    %dma_wait3A_95 = arith.constant 0 : i32
    %dma_wait3A_96 = tpu.memref_slice %arg4[%dma_wait3A_95] : memref<320000xi32, #tpu.memory_space<hbm>> -> memref<40xi32, #tpu.memory_space<hbm>>
    %dma_wait3A_97 = arith.constant 0 : i32
    %dma_wait3A_98 = tpu.memref_slice %arg4[%dma_wait3A_97] : memref<320000xi32, #tpu.memory_space<hbm>> -> memref<40xi32, #tpu.memory_space<hbm>>
    tpu.wait_dma2 semaphore(%arg22 : memref<!tpu.dma_semaphore, #tpu.memory_space<semaphore_mem>>) src(%dma_wait3A_98 : memref<40xi32, #tpu.memory_space<hbm>>) dst(%arg10 : memref<40xi32, #tpu.memory_space<vmem>>)
    %dma_wait3A_99 = arith.constant 0 : i32
    %dma_wait3A_100 = arith.constant 0 : i32
    %dma_wait3A_101 = tpu.memref_slice %arg2[%dma_wait3A_99, %dma_wait3A_100] : memref<10000x128xf32, #tpu.memory_space<hbm>> -> memref<40x128xf32, #tpu.memory_space<hbm>>
    %dma_wait3A_102 = arith.constant 0 : i32
    %dma_wait3A_103 = arith.constant 0 : i32
    %dma_wait3A_104 = tpu.memref_slice %arg2[%dma_wait3A_102, %dma_wait3A_103] : memref<10000x128xf32, #tpu.memory_space<hbm>> -> memref<40x128xf32, #tpu.memory_space<hbm>>
    tpu.wait_dma2 semaphore(%arg22 : memref<!tpu.dma_semaphore, #tpu.memory_space<semaphore_mem>>) src(%dma_wait3A_104 : memref<40x128xf32, #tpu.memory_space<hbm>>) dst(%arg16 : memref<40x128xf32, #tpu.memory_space<vmem>>)
    "tpu.region"() ({
      %run_scoped3A = tpu.sem_alloc : memref<!tpu.dma_semaphore, #tpu.memory_space<semaphore_mem>>
      %dma_start3A_223 = arith.constant 0 : i32
      %dma_start3A_224 = arith.constant 0 : i32
      %dma_start3A_225 = tpu.memref_slice %arg7[%dma_start3A_223, %dma_start3A_224] : memref<10112x128xf32, #tpu.memory_space<vmem_shared>> -> memref<10112x128xf32, #tpu.memory_space<vmem_shared>>
      tpu.enqueue_indirect_dma source(%arg16 : memref<40x128xf32, #tpu.memory_space<vmem>>) target(%dma_start3A_225 : memref<10112x128xf32, #tpu.memory_space<vmem_shared>>) offsets(%arg10 : memref<40xi32, #tpu.memory_space<vmem>>) semaphore(%run_scoped3A : memref<!tpu.dma_semaphore, #tpu.memory_space<semaphore_mem>>) {add = true}
      %dma_wait3A_226 = arith.constant 0 : i32
      %dma_wait3A_227 = arith.constant 0 : i32
      %dma_wait3A_228 = tpu.memref_slice %arg7[%dma_wait3A_226, %dma_wait3A_227] : memref<10112x128xf32, #tpu.memory_space<vmem_shared>> -> memref<10112x128xf32, #tpu.memory_space<vmem_shared>>
      tpu.wait_indirect_dma semaphore(%run_scoped3A : memref<!tpu.dma_semaphore, #tpu.memory_space<semaphore_mem>>) src(%arg16 : memref<40x128xf32, #tpu.memory_space<vmem>>) dst(%dma_wait3A_228 : memref<10112x128xf32, #tpu.memory_space<vmem_shared>>)
      tpu.yield
    }) : () -> ()
    %mul3A_105 = arith.constant 10000 : i32
    %mul3A_106 = arith.muli %add3A, %mul3A_105 : i32
    %add3A_107 = arith.constant 9880 : i32
    %add3A_108 = arith.addi %mul3A_106, %add3A_107 : i32
    %dma_start3A_109 = tpu.memref_slice %arg4[%add3A_108] : memref<320000xi32, #tpu.memory_space<hbm>> -> memref<40xi32, #tpu.memory_space<hbm>>
    %dma_start3A_110 = tpu.memref_slice %arg4[%add3A_108] : memref<320000xi32, #tpu.memory_space<hbm>> -> memref<40xi32, #tpu.memory_space<hbm>>
    tpu.enqueue_dma source(%dma_start3A_110 : memref<40xi32, #tpu.memory_space<hbm>>) target(%arg10 : memref<40xi32, #tpu.memory_space<vmem>>) target_semaphore(%arg22 : memref<!tpu.dma_semaphore, #tpu.memory_space<semaphore_mem>>)
    %dma_start3A_111 = arith.constant 9880 : i32
    %dma_start3A_112 = tpu.memref_slice %arg8[%dma_start3A_111] : memref<10000xi32, #tpu.memory_space<vmem>> -> memref<40xi32, #tpu.memory_space<vmem>>
    %dma_start3A_113 = arith.constant 0 : i32
    %dma_start3A_114 = arith.constant 0 : i32
    %dma_start3A_115 = tpu.memref_slice %arg2[%dma_start3A_113, %dma_start3A_114] : memref<10000x128xf32, #tpu.memory_space<hbm>> -> memref<10000x128xf32, #tpu.memory_space<hbm>>
    tpu.enqueue_indirect_dma source(%dma_start3A_115 : memref<10000x128xf32, #tpu.memory_space<hbm>>) target(%arg16 : memref<40x128xf32, #tpu.memory_space<vmem>>) offsets(%dma_start3A_112 : memref<40xi32, #tpu.memory_space<vmem>>) semaphore(%arg22 : memref<!tpu.dma_semaphore, #tpu.memory_space<semaphore_mem>>)
    %dma_wait3A_116 = arith.constant 0 : i32
    %dma_wait3A_117 = tpu.memref_slice %arg4[%dma_wait3A_116] : memref<320000xi32, #tpu.memory_space<hbm>> -> memref<40xi32, #tpu.memory_space<hbm>>
    %dma_wait3A_118 = arith.constant 0 : i32
    %dma_wait3A_119 = tpu.memref_slice %arg4[%dma_wait3A_118] : memref<320000xi32, #tpu.memory_space<hbm>> -> memref<40xi32, #tpu.memory_space<hbm>>
    tpu.wait_dma2 semaphore(%arg23 : memref<!tpu.dma_semaphore, #tpu.memory_space<semaphore_mem>>) src(%dma_wait3A_119 : memref<40xi32, #tpu.memory_space<hbm>>) dst(%arg11 : memref<40xi32, #tpu.memory_space<vmem>>)
    %dma_wait3A_120 = arith.constant 0 : i32
    %dma_wait3A_121 = arith.constant 0 : i32
    %dma_wait3A_122 = tpu.memref_slice %arg2[%dma_wait3A_120, %dma_wait3A_121] : memref<10000x128xf32, #tpu.memory_space<hbm>> -> memref<40x128xf32, #tpu.memory_space<hbm>>
    %dma_wait3A_123 = arith.constant 0 : i32
    %dma_wait3A_124 = arith.constant 0 : i32
    %dma_wait3A_125 = tpu.memref_slice %arg2[%dma_wait3A_123, %dma_wait3A_124] : memref<10000x128xf32, #tpu.memory_space<hbm>> -> memref<40x128xf32, #tpu.memory_space<hbm>>
    tpu.wait_dma2 semaphore(%arg23 : memref<!tpu.dma_semaphore, #tpu.memory_space<semaphore_mem>>) src(%dma_wait3A_125 : memref<40x128xf32, #tpu.memory_space<hbm>>) dst(%arg17 : memref<40x128xf32, #tpu.memory_space<vmem>>)
    "tpu.region"() ({
      %run_scoped3A = tpu.sem_alloc : memref<!tpu.dma_semaphore, #tpu.memory_space<semaphore_mem>>
      %dma_start3A_223 = arith.constant 0 : i32
      %dma_start3A_224 = arith.constant 0 : i32
      %dma_start3A_225 = tpu.memref_slice %arg7[%dma_start3A_223, %dma_start3A_224] : memref<10112x128xf32, #tpu.memory_space<vmem_shared>> -> memref<10112x128xf32, #tpu.memory_space<vmem_shared>>
      tpu.enqueue_indirect_dma source(%arg17 : memref<40x128xf32, #tpu.memory_space<vmem>>) target(%dma_start3A_225 : memref<10112x128xf32, #tpu.memory_space<vmem_shared>>) offsets(%arg11 : memref<40xi32, #tpu.memory_space<vmem>>) semaphore(%run_scoped3A : memref<!tpu.dma_semaphore, #tpu.memory_space<semaphore_mem>>) {add = true}
      %dma_wait3A_226 = arith.constant 0 : i32
      %dma_wait3A_227 = arith.constant 0 : i32
      %dma_wait3A_228 = tpu.memref_slice %arg7[%dma_wait3A_226, %dma_wait3A_227] : memref<10112x128xf32, #tpu.memory_space<vmem_shared>> -> memref<10112x128xf32, #tpu.memory_space<vmem_shared>>
      tpu.wait_indirect_dma semaphore(%run_scoped3A : memref<!tpu.dma_semaphore, #tpu.memory_space<semaphore_mem>>) src(%arg17 : memref<40x128xf32, #tpu.memory_space<vmem>>) dst(%dma_wait3A_228 : memref<10112x128xf32, #tpu.memory_space<vmem_shared>>)
      tpu.yield
    }) : () -> ()
    %mul3A_126 = arith.constant 10000 : i32
    %mul3A_127 = arith.muli %add3A, %mul3A_126 : i32
    %add3A_128 = arith.constant 9920 : i32
    %add3A_129 = arith.addi %mul3A_127, %add3A_128 : i32
    %dma_start3A_130 = tpu.memref_slice %arg4[%add3A_129] : memref<320000xi32, #tpu.memory_space<hbm>> -> memref<40xi32, #tpu.memory_space<hbm>>
    %dma_start3A_131 = tpu.memref_slice %arg4[%add3A_129] : memref<320000xi32, #tpu.memory_space<hbm>> -> memref<40xi32, #tpu.memory_space<hbm>>
    tpu.enqueue_dma source(%dma_start3A_131 : memref<40xi32, #tpu.memory_space<hbm>>) target(%arg11 : memref<40xi32, #tpu.memory_space<vmem>>) target_semaphore(%arg23 : memref<!tpu.dma_semaphore, #tpu.memory_space<semaphore_mem>>)
    %dma_start3A_132 = arith.constant 9920 : i32
    %dma_start3A_133 = tpu.memref_slice %arg8[%dma_start3A_132] : memref<10000xi32, #tpu.memory_space<vmem>> -> memref<40xi32, #tpu.memory_space<vmem>>
    %dma_start3A_134 = arith.constant 0 : i32
    %dma_start3A_135 = arith.constant 0 : i32
    %dma_start3A_136 = tpu.memref_slice %arg2[%dma_start3A_134, %dma_start3A_135] : memref<10000x128xf32, #tpu.memory_space<hbm>> -> memref<10000x128xf32, #tpu.memory_space<hbm>>
    tpu.enqueue_indirect_dma source(%dma_start3A_136 : memref<10000x128xf32, #tpu.memory_space<hbm>>) target(%arg17 : memref<40x128xf32, #tpu.memory_space<vmem>>) offsets(%dma_start3A_133 : memref<40xi32, #tpu.memory_space<vmem>>) semaphore(%arg23 : memref<!tpu.dma_semaphore, #tpu.memory_space<semaphore_mem>>)
    %dma_wait3A_137 = arith.constant 0 : i32
    %dma_wait3A_138 = tpu.memref_slice %arg4[%dma_wait3A_137] : memref<320000xi32, #tpu.memory_space<hbm>> -> memref<40xi32, #tpu.memory_space<hbm>>
    %dma_wait3A_139 = arith.constant 0 : i32
    %dma_wait3A_140 = tpu.memref_slice %arg4[%dma_wait3A_139] : memref<320000xi32, #tpu.memory_space<hbm>> -> memref<40xi32, #tpu.memory_space<hbm>>
    tpu.wait_dma2 semaphore(%arg24 : memref<!tpu.dma_semaphore, #tpu.memory_space<semaphore_mem>>) src(%dma_wait3A_140 : memref<40xi32, #tpu.memory_space<hbm>>) dst(%arg12 : memref<40xi32, #tpu.memory_space<vmem>>)
    %dma_wait3A_141 = arith.constant 0 : i32
    %dma_wait3A_142 = arith.constant 0 : i32
    %dma_wait3A_143 = tpu.memref_slice %arg2[%dma_wait3A_141, %dma_wait3A_142] : memref<10000x128xf32, #tpu.memory_space<hbm>> -> memref<40x128xf32, #tpu.memory_space<hbm>>
    %dma_wait3A_144 = arith.constant 0 : i32
    %dma_wait3A_145 = arith.constant 0 : i32
    %dma_wait3A_146 = tpu.memref_slice %arg2[%dma_wait3A_144, %dma_wait3A_145] : memref<10000x128xf32, #tpu.memory_space<hbm>> -> memref<40x128xf32, #tpu.memory_space<hbm>>
    tpu.wait_dma2 semaphore(%arg24 : memref<!tpu.dma_semaphore, #tpu.memory_space<semaphore_mem>>) src(%dma_wait3A_146 : memref<40x128xf32, #tpu.memory_space<hbm>>) dst(%arg18 : memref<40x128xf32, #tpu.memory_space<vmem>>)
    "tpu.region"() ({
      %run_scoped3A = tpu.sem_alloc : memref<!tpu.dma_semaphore, #tpu.memory_space<semaphore_mem>>
      %dma_start3A_223 = arith.constant 0 : i32
      %dma_start3A_224 = arith.constant 0 : i32
      %dma_start3A_225 = tpu.memref_slice %arg7[%dma_start3A_223, %dma_start3A_224] : memref<10112x128xf32, #tpu.memory_space<vmem_shared>> -> memref<10112x128xf32, #tpu.memory_space<vmem_shared>>
      tpu.enqueue_indirect_dma source(%arg18 : memref<40x128xf32, #tpu.memory_space<vmem>>) target(%dma_start3A_225 : memref<10112x128xf32, #tpu.memory_space<vmem_shared>>) offsets(%arg12 : memref<40xi32, #tpu.memory_space<vmem>>) semaphore(%run_scoped3A : memref<!tpu.dma_semaphore, #tpu.memory_space<semaphore_mem>>) {add = true}
      %dma_wait3A_226 = arith.constant 0 : i32
      %dma_wait3A_227 = arith.constant 0 : i32
      %dma_wait3A_228 = tpu.memref_slice %arg7[%dma_wait3A_226, %dma_wait3A_227] : memref<10112x128xf32, #tpu.memory_space<vmem_shared>> -> memref<10112x128xf32, #tpu.memory_space<vmem_shared>>
      tpu.wait_indirect_dma semaphore(%run_scoped3A : memref<!tpu.dma_semaphore, #tpu.memory_space<semaphore_mem>>) src(%arg18 : memref<40x128xf32, #tpu.memory_space<vmem>>) dst(%dma_wait3A_228 : memref<10112x128xf32, #tpu.memory_space<vmem_shared>>)
      tpu.yield
    }) : () -> ()
    %mul3A_147 = arith.constant 10000 : i32
    %mul3A_148 = arith.muli %add3A, %mul3A_147 : i32
    %add3A_149 = arith.constant 9960 : i32
    %add3A_150 = arith.addi %mul3A_148, %add3A_149 : i32
    %dma_start3A_151 = tpu.memref_slice %arg4[%add3A_150] : memref<320000xi32, #tpu.memory_space<hbm>> -> memref<40xi32, #tpu.memory_space<hbm>>
    %dma_start3A_152 = tpu.memref_slice %arg4[%add3A_150] : memref<320000xi32, #tpu.memory_space<hbm>> -> memref<40xi32, #tpu.memory_space<hbm>>
    tpu.enqueue_dma source(%dma_start3A_152 : memref<40xi32, #tpu.memory_space<hbm>>) target(%arg12 : memref<40xi32, #tpu.memory_space<vmem>>) target_semaphore(%arg24 : memref<!tpu.dma_semaphore, #tpu.memory_space<semaphore_mem>>)
    %dma_start3A_153 = arith.constant 9960 : i32
    %dma_start3A_154 = tpu.memref_slice %arg8[%dma_start3A_153] : memref<10000xi32, #tpu.memory_space<vmem>> -> memref<40xi32, #tpu.memory_space<vmem>>
    %dma_start3A_155 = arith.constant 0 : i32
    %dma_start3A_156 = arith.constant 0 : i32
    %dma_start3A_157 = tpu.memref_slice %arg2[%dma_start3A_155, %dma_start3A_156] : memref<10000x128xf32, #tpu.memory_space<hbm>> -> memref<10000x128xf32, #tpu.memory_space<hbm>>
    tpu.enqueue_indirect_dma source(%dma_start3A_157 : memref<10000x128xf32, #tpu.memory_space<hbm>>) target(%arg18 : memref<40x128xf32, #tpu.memory_space<vmem>>) offsets(%dma_start3A_154 : memref<40xi32, #tpu.memory_space<vmem>>) semaphore(%arg24 : memref<!tpu.dma_semaphore, #tpu.memory_space<semaphore_mem>>)
    %dma_wait3A_158 = arith.constant 0 : i32
    %dma_wait3A_159 = tpu.memref_slice %arg4[%dma_wait3A_158] : memref<320000xi32, #tpu.memory_space<hbm>> -> memref<40xi32, #tpu.memory_space<hbm>>
    %dma_wait3A_160 = arith.constant 0 : i32
    %dma_wait3A_161 = tpu.memref_slice %arg4[%dma_wait3A_160] : memref<320000xi32, #tpu.memory_space<hbm>> -> memref<40xi32, #tpu.memory_space<hbm>>
    tpu.wait_dma2 semaphore(%arg25 : memref<!tpu.dma_semaphore, #tpu.memory_space<semaphore_mem>>) src(%dma_wait3A_161 : memref<40xi32, #tpu.memory_space<hbm>>) dst(%arg13 : memref<40xi32, #tpu.memory_space<vmem>>)
    %dma_wait3A_162 = arith.constant 0 : i32
    %dma_wait3A_163 = arith.constant 0 : i32
    %dma_wait3A_164 = tpu.memref_slice %arg2[%dma_wait3A_162, %dma_wait3A_163] : memref<10000x128xf32, #tpu.memory_space<hbm>> -> memref<40x128xf32, #tpu.memory_space<hbm>>
    %dma_wait3A_165 = arith.constant 0 : i32
    %dma_wait3A_166 = arith.constant 0 : i32
    %dma_wait3A_167 = tpu.memref_slice %arg2[%dma_wait3A_165, %dma_wait3A_166] : memref<10000x128xf32, #tpu.memory_space<hbm>> -> memref<40x128xf32, #tpu.memory_space<hbm>>
    tpu.wait_dma2 semaphore(%arg25 : memref<!tpu.dma_semaphore, #tpu.memory_space<semaphore_mem>>) src(%dma_wait3A_167 : memref<40x128xf32, #tpu.memory_space<hbm>>) dst(%arg19 : memref<40x128xf32, #tpu.memory_space<vmem>>)
    "tpu.region"() ({
      %run_scoped3A = tpu.sem_alloc : memref<!tpu.dma_semaphore, #tpu.memory_space<semaphore_mem>>
      %dma_start3A_223 = arith.constant 0 : i32
      %dma_start3A_224 = arith.constant 0 : i32
      %dma_start3A_225 = tpu.memref_slice %arg7[%dma_start3A_223, %dma_start3A_224] : memref<10112x128xf32, #tpu.memory_space<vmem_shared>> -> memref<10112x128xf32, #tpu.memory_space<vmem_shared>>
      tpu.enqueue_indirect_dma source(%arg19 : memref<40x128xf32, #tpu.memory_space<vmem>>) target(%dma_start3A_225 : memref<10112x128xf32, #tpu.memory_space<vmem_shared>>) offsets(%arg13 : memref<40xi32, #tpu.memory_space<vmem>>) semaphore(%run_scoped3A : memref<!tpu.dma_semaphore, #tpu.memory_space<semaphore_mem>>) {add = true}
      %dma_wait3A_226 = arith.constant 0 : i32
      %dma_wait3A_227 = arith.constant 0 : i32
      %dma_wait3A_228 = tpu.memref_slice %arg7[%dma_wait3A_226, %dma_wait3A_227] : memref<10112x128xf32, #tpu.memory_space<vmem_shared>> -> memref<10112x128xf32, #tpu.memory_space<vmem_shared>>
      tpu.wait_indirect_dma semaphore(%run_scoped3A : memref<!tpu.dma_semaphore, #tpu.memory_space<semaphore_mem>>) src(%arg19 : memref<40x128xf32, #tpu.memory_space<vmem>>) dst(%dma_wait3A_228 : memref<10112x128xf32, #tpu.memory_space<vmem_shared>>)
      tpu.yield
    }) : () -> ()
    %dma_wait3A_168 = arith.constant 0 : i32
    %dma_wait3A_169 = tpu.memref_slice %arg4[%dma_wait3A_168] : memref<320000xi32, #tpu.memory_space<hbm>> -> memref<40xi32, #tpu.memory_space<hbm>>
    %dma_wait3A_170 = arith.constant 0 : i32
    %dma_wait3A_171 = tpu.memref_slice %arg4[%dma_wait3A_170] : memref<320000xi32, #tpu.memory_space<hbm>> -> memref<40xi32, #tpu.memory_space<hbm>>
    tpu.wait_dma2 semaphore(%arg26 : memref<!tpu.dma_semaphore, #tpu.memory_space<semaphore_mem>>) src(%dma_wait3A_171 : memref<40xi32, #tpu.memory_space<hbm>>) dst(%arg14 : memref<40xi32, #tpu.memory_space<vmem>>)
    %dma_wait3A_172 = arith.constant 0 : i32
    %dma_wait3A_173 = arith.constant 0 : i32
    %dma_wait3A_174 = tpu.memref_slice %arg2[%dma_wait3A_172, %dma_wait3A_173] : memref<10000x128xf32, #tpu.memory_space<hbm>> -> memref<40x128xf32, #tpu.memory_space<hbm>>
    %dma_wait3A_175 = arith.constant 0 : i32
    %dma_wait3A_176 = arith.constant 0 : i32
    %dma_wait3A_177 = tpu.memref_slice %arg2[%dma_wait3A_175, %dma_wait3A_176] : memref<10000x128xf32, #tpu.memory_space<hbm>> -> memref<40x128xf32, #tpu.memory_space<hbm>>
    tpu.wait_dma2 semaphore(%arg26 : memref<!tpu.dma_semaphore, #tpu.memory_space<semaphore_mem>>) src(%dma_wait3A_177 : memref<40x128xf32, #tpu.memory_space<hbm>>) dst(%arg20 : memref<40x128xf32, #tpu.memory_space<vmem>>)
    "tpu.region"() ({
      %run_scoped3A = tpu.sem_alloc : memref<!tpu.dma_semaphore, #tpu.memory_space<semaphore_mem>>
      %dma_start3A_223 = arith.constant 0 : i32
      %dma_start3A_224 = arith.constant 0 : i32
      %dma_start3A_225 = tpu.memref_slice %arg7[%dma_start3A_223, %dma_start3A_224] : memref<10112x128xf32, #tpu.memory_space<vmem_shared>> -> memref<10112x128xf32, #tpu.memory_space<vmem_shared>>
      tpu.enqueue_indirect_dma source(%arg20 : memref<40x128xf32, #tpu.memory_space<vmem>>) target(%dma_start3A_225 : memref<10112x128xf32, #tpu.memory_space<vmem_shared>>) offsets(%arg14 : memref<40xi32, #tpu.memory_space<vmem>>) semaphore(%run_scoped3A : memref<!tpu.dma_semaphore, #tpu.memory_space<semaphore_mem>>) {add = true}
      %dma_wait3A_226 = arith.constant 0 : i32
      %dma_wait3A_227 = arith.constant 0 : i32
      %dma_wait3A_228 = tpu.memref_slice %arg7[%dma_wait3A_226, %dma_wait3A_227] : memref<10112x128xf32, #tpu.memory_space<vmem_shared>> -> memref<10112x128xf32, #tpu.memory_space<vmem_shared>>
      tpu.wait_indirect_dma semaphore(%run_scoped3A : memref<!tpu.dma_semaphore, #tpu.memory_space<semaphore_mem>>) src(%arg20 : memref<40x128xf32, #tpu.memory_space<vmem>>) dst(%dma_wait3A_228 : memref<10112x128xf32, #tpu.memory_space<vmem_shared>>)
      tpu.yield
    }) : () -> ()
    %dma_wait3A_178 = arith.constant 0 : i32
    %dma_wait3A_179 = tpu.memref_slice %arg4[%dma_wait3A_178] : memref<320000xi32, #tpu.memory_space<hbm>> -> memref<40xi32, #tpu.memory_space<hbm>>
    %dma_wait3A_180 = arith.constant 0 : i32
    %dma_wait3A_181 = tpu.memref_slice %arg4[%dma_wait3A_180] : memref<320000xi32, #tpu.memory_space<hbm>> -> memref<40xi32, #tpu.memory_space<hbm>>
    tpu.wait_dma2 semaphore(%arg21 : memref<!tpu.dma_semaphore, #tpu.memory_space<semaphore_mem>>) src(%dma_wait3A_181 : memref<40xi32, #tpu.memory_space<hbm>>) dst(%arg9 : memref<40xi32, #tpu.memory_space<vmem>>)
    %dma_wait3A_182 = arith.constant 0 : i32
    %dma_wait3A_183 = arith.constant 0 : i32
    %dma_wait3A_184 = tpu.memref_slice %arg2[%dma_wait3A_182, %dma_wait3A_183] : memref<10000x128xf32, #tpu.memory_space<hbm>> -> memref<40x128xf32, #tpu.memory_space<hbm>>
    %dma_wait3A_185 = arith.constant 0 : i32
    %dma_wait3A_186 = arith.constant 0 : i32
    %dma_wait3A_187 = tpu.memref_slice %arg2[%dma_wait3A_185, %dma_wait3A_186] : memref<10000x128xf32, #tpu.memory_space<hbm>> -> memref<40x128xf32, #tpu.memory_space<hbm>>
    tpu.wait_dma2 semaphore(%arg21 : memref<!tpu.dma_semaphore, #tpu.memory_space<semaphore_mem>>) src(%dma_wait3A_187 : memref<40x128xf32, #tpu.memory_space<hbm>>) dst(%arg15 : memref<40x128xf32, #tpu.memory_space<vmem>>)
    "tpu.region"() ({
      %run_scoped3A = tpu.sem_alloc : memref<!tpu.dma_semaphore, #tpu.memory_space<semaphore_mem>>
      %dma_start3A_223 = arith.constant 0 : i32
      %dma_start3A_224 = arith.constant 0 : i32
      %dma_start3A_225 = tpu.memref_slice %arg7[%dma_start3A_223, %dma_start3A_224] : memref<10112x128xf32, #tpu.memory_space<vmem_shared>> -> memref<10112x128xf32, #tpu.memory_space<vmem_shared>>
      tpu.enqueue_indirect_dma source(%arg15 : memref<40x128xf32, #tpu.memory_space<vmem>>) target(%dma_start3A_225 : memref<10112x128xf32, #tpu.memory_space<vmem_shared>>) offsets(%arg9 : memref<40xi32, #tpu.memory_space<vmem>>) semaphore(%run_scoped3A : memref<!tpu.dma_semaphore, #tpu.memory_space<semaphore_mem>>) {add = true}
      %dma_wait3A_226 = arith.constant 0 : i32
      %dma_wait3A_227 = arith.constant 0 : i32
      %dma_wait3A_228 = tpu.memref_slice %arg7[%dma_wait3A_226, %dma_wait3A_227] : memref<10112x128xf32, #tpu.memory_space<vmem_shared>> -> memref<10112x128xf32, #tpu.memory_space<vmem_shared>>
      tpu.wait_indirect_dma semaphore(%run_scoped3A : memref<!tpu.dma_semaphore, #tpu.memory_space<semaphore_mem>>) src(%arg15 : memref<40x128xf32, #tpu.memory_space<vmem>>) dst(%dma_wait3A_228 : memref<10112x128xf32, #tpu.memory_space<vmem_shared>>)
      tpu.yield
    }) : () -> ()
    %dma_wait3A_188 = arith.constant 0 : i32
    %dma_wait3A_189 = tpu.memref_slice %arg4[%dma_wait3A_188] : memref<320000xi32, #tpu.memory_space<hbm>> -> memref<40xi32, #tpu.memory_space<hbm>>
    %dma_wait3A_190 = arith.constant 0 : i32
    %dma_wait3A_191 = tpu.memref_slice %arg4[%dma_wait3A_190] : memref<320000xi32, #tpu.memory_space<hbm>> -> memref<40xi32, #tpu.memory_space<hbm>>
    tpu.wait_dma2 semaphore(%arg22 : memref<!tpu.dma_semaphore, #tpu.memory_space<semaphore_mem>>) src(%dma_wait3A_191 : memref<40xi32, #tpu.memory_space<hbm>>) dst(%arg10 : memref<40xi32, #tpu.memory_space<vmem>>)
    %dma_wait3A_192 = arith.constant 0 : i32
    %dma_wait3A_193 = arith.constant 0 : i32
    %dma_wait3A_194 = tpu.memref_slice %arg2[%dma_wait3A_192, %dma_wait3A_193] : memref<10000x128xf32, #tpu.memory_space<hbm>> -> memref<40x128xf32, #tpu.memory_space<hbm>>
    %dma_wait3A_195 = arith.constant 0 : i32
    %dma_wait3A_196 = arith.constant 0 : i32
    %dma_wait3A_197 = tpu.memref_slice %arg2[%dma_wait3A_195, %dma_wait3A_196] : memref<10000x128xf32, #tpu.memory_space<hbm>> -> memref<40x128xf32, #tpu.memory_space<hbm>>
    tpu.wait_dma2 semaphore(%arg22 : memref<!tpu.dma_semaphore, #tpu.memory_space<semaphore_mem>>) src(%dma_wait3A_197 : memref<40x128xf32, #tpu.memory_space<hbm>>) dst(%arg16 : memref<40x128xf32, #tpu.memory_space<vmem>>)
    "tpu.region"() ({
      %run_scoped3A = tpu.sem_alloc : memref<!tpu.dma_semaphore, #tpu.memory_space<semaphore_mem>>
      %dma_start3A_223 = arith.constant 0 : i32
      %dma_start3A_224 = arith.constant 0 : i32
      %dma_start3A_225 = tpu.memref_slice %arg7[%dma_start3A_223, %dma_start3A_224] : memref<10112x128xf32, #tpu.memory_space<vmem_shared>> -> memref<10112x128xf32, #tpu.memory_space<vmem_shared>>
      tpu.enqueue_indirect_dma source(%arg16 : memref<40x128xf32, #tpu.memory_space<vmem>>) target(%dma_start3A_225 : memref<10112x128xf32, #tpu.memory_space<vmem_shared>>) offsets(%arg10 : memref<40xi32, #tpu.memory_space<vmem>>) semaphore(%run_scoped3A : memref<!tpu.dma_semaphore, #tpu.memory_space<semaphore_mem>>) {add = true}
      %dma_wait3A_226 = arith.constant 0 : i32
      %dma_wait3A_227 = arith.constant 0 : i32
      %dma_wait3A_228 = tpu.memref_slice %arg7[%dma_wait3A_226, %dma_wait3A_227] : memref<10112x128xf32, #tpu.memory_space<vmem_shared>> -> memref<10112x128xf32, #tpu.memory_space<vmem_shared>>
      tpu.wait_indirect_dma semaphore(%run_scoped3A : memref<!tpu.dma_semaphore, #tpu.memory_space<semaphore_mem>>) src(%arg16 : memref<40x128xf32, #tpu.memory_space<vmem>>) dst(%dma_wait3A_228 : memref<10112x128xf32, #tpu.memory_space<vmem_shared>>)
      tpu.yield
    }) : () -> ()
    %dma_wait3A_198 = arith.constant 0 : i32
    %dma_wait3A_199 = tpu.memref_slice %arg4[%dma_wait3A_198] : memref<320000xi32, #tpu.memory_space<hbm>> -> memref<40xi32, #tpu.memory_space<hbm>>
    %dma_wait3A_200 = arith.constant 0 : i32
    %dma_wait3A_201 = tpu.memref_slice %arg4[%dma_wait3A_200] : memref<320000xi32, #tpu.memory_space<hbm>> -> memref<40xi32, #tpu.memory_space<hbm>>
    tpu.wait_dma2 semaphore(%arg23 : memref<!tpu.dma_semaphore, #tpu.memory_space<semaphore_mem>>) src(%dma_wait3A_201 : memref<40xi32, #tpu.memory_space<hbm>>) dst(%arg11 : memref<40xi32, #tpu.memory_space<vmem>>)
    %dma_wait3A_202 = arith.constant 0 : i32
    %dma_wait3A_203 = arith.constant 0 : i32
    %dma_wait3A_204 = tpu.memref_slice %arg2[%dma_wait3A_202, %dma_wait3A_203] : memref<10000x128xf32, #tpu.memory_space<hbm>> -> memref<40x128xf32, #tpu.memory_space<hbm>>
    %dma_wait3A_205 = arith.constant 0 : i32
    %dma_wait3A_206 = arith.constant 0 : i32
    %dma_wait3A_207 = tpu.memref_slice %arg2[%dma_wait3A_205, %dma_wait3A_206] : memref<10000x128xf32, #tpu.memory_space<hbm>> -> memref<40x128xf32, #tpu.memory_space<hbm>>
    tpu.wait_dma2 semaphore(%arg23 : memref<!tpu.dma_semaphore, #tpu.memory_space<semaphore_mem>>) src(%dma_wait3A_207 : memref<40x128xf32, #tpu.memory_space<hbm>>) dst(%arg17 : memref<40x128xf32, #tpu.memory_space<vmem>>)
    "tpu.region"() ({
      %run_scoped3A = tpu.sem_alloc : memref<!tpu.dma_semaphore, #tpu.memory_space<semaphore_mem>>
      %dma_start3A_223 = arith.constant 0 : i32
      %dma_start3A_224 = arith.constant 0 : i32
      %dma_start3A_225 = tpu.memref_slice %arg7[%dma_start3A_223, %dma_start3A_224] : memref<10112x128xf32, #tpu.memory_space<vmem_shared>> -> memref<10112x128xf32, #tpu.memory_space<vmem_shared>>
      tpu.enqueue_indirect_dma source(%arg17 : memref<40x128xf32, #tpu.memory_space<vmem>>) target(%dma_start3A_225 : memref<10112x128xf32, #tpu.memory_space<vmem_shared>>) offsets(%arg11 : memref<40xi32, #tpu.memory_space<vmem>>) semaphore(%run_scoped3A : memref<!tpu.dma_semaphore, #tpu.memory_space<semaphore_mem>>) {add = true}
      %dma_wait3A_226 = arith.constant 0 : i32
      %dma_wait3A_227 = arith.constant 0 : i32
      %dma_wait3A_228 = tpu.memref_slice %arg7[%dma_wait3A_226, %dma_wait3A_227] : memref<10112x128xf32, #tpu.memory_space<vmem_shared>> -> memref<10112x128xf32, #tpu.memory_space<vmem_shared>>
      tpu.wait_indirect_dma semaphore(%run_scoped3A : memref<!tpu.dma_semaphore, #tpu.memory_space<semaphore_mem>>) src(%arg17 : memref<40x128xf32, #tpu.memory_space<vmem>>) dst(%dma_wait3A_228 : memref<10112x128xf32, #tpu.memory_space<vmem_shared>>)
      tpu.yield
    }) : () -> ()
    %dma_wait3A_208 = arith.constant 0 : i32
    %dma_wait3A_209 = tpu.memref_slice %arg4[%dma_wait3A_208] : memref<320000xi32, #tpu.memory_space<hbm>> -> memref<40xi32, #tpu.memory_space<hbm>>
    %dma_wait3A_210 = arith.constant 0 : i32
    %dma_wait3A_211 = tpu.memref_slice %arg4[%dma_wait3A_210] : memref<320000xi32, #tpu.memory_space<hbm>> -> memref<40xi32, #tpu.memory_space<hbm>>
    tpu.wait_dma2 semaphore(%arg24 : memref<!tpu.dma_semaphore, #tpu.memory_space<semaphore_mem>>) src(%dma_wait3A_211 : memref<40xi32, #tpu.memory_space<hbm>>) dst(%arg12 : memref<40xi32, #tpu.memory_space<vmem>>)
    %dma_wait3A_212 = arith.constant 0 : i32
    %dma_wait3A_213 = arith.constant 0 : i32
    %dma_wait3A_214 = tpu.memref_slice %arg2[%dma_wait3A_212, %dma_wait3A_213] : memref<10000x128xf32, #tpu.memory_space<hbm>> -> memref<40x128xf32, #tpu.memory_space<hbm>>
    %dma_wait3A_215 = arith.constant 0 : i32
    %dma_wait3A_216 = arith.constant 0 : i32
    %dma_wait3A_217 = tpu.memref_slice %arg2[%dma_wait3A_215, %dma_wait3A_216] : memref<10000x128xf32, #tpu.memory_space<hbm>> -> memref<40x128xf32, #tpu.memory_space<hbm>>
    tpu.wait_dma2 semaphore(%arg24 : memref<!tpu.dma_semaphore, #tpu.memory_space<semaphore_mem>>) src(%dma_wait3A_217 : memref<40x128xf32, #tpu.memory_space<hbm>>) dst(%arg18 : memref<40x128xf32, #tpu.memory_space<vmem>>)
    "tpu.region"() ({
      %run_scoped3A = tpu.sem_alloc : memref<!tpu.dma_semaphore, #tpu.memory_space<semaphore_mem>>
      %dma_start3A_223 = arith.constant 0 : i32
      %dma_start3A_224 = arith.constant 0 : i32
      %dma_start3A_225 = tpu.memref_slice %arg7[%dma_start3A_223, %dma_start3A_224] : memref<10112x128xf32, #tpu.memory_space<vmem_shared>> -> memref<10112x128xf32, #tpu.memory_space<vmem_shared>>
      tpu.enqueue_indirect_dma source(%arg18 : memref<40x128xf32, #tpu.memory_space<vmem>>) target(%dma_start3A_225 : memref<10112x128xf32, #tpu.memory_space<vmem_shared>>) offsets(%arg12 : memref<40xi32, #tpu.memory_space<vmem>>) semaphore(%run_scoped3A : memref<!tpu.dma_semaphore, #tpu.memory_space<semaphore_mem>>) {add = true}
      %dma_wait3A_226 = arith.constant 0 : i32
      %dma_wait3A_227 = arith.constant 0 : i32
      %dma_wait3A_228 = tpu.memref_slice %arg7[%dma_wait3A_226, %dma_wait3A_227] : memref<10112x128xf32, #tpu.memory_space<vmem_shared>> -> memref<10112x128xf32, #tpu.memory_space<vmem_shared>>
      tpu.wait_indirect_dma semaphore(%run_scoped3A : memref<!tpu.dma_semaphore, #tpu.memory_space<semaphore_mem>>) src(%arg18 : memref<40x128xf32, #tpu.memory_space<vmem>>) dst(%dma_wait3A_228 : memref<10112x128xf32, #tpu.memory_space<vmem_shared>>)
      tpu.yield
    }) : () -> ()
    %barrier3A_218 = arith.constant 0 : index
    tpu.barrier barrier_id(%barrier3A_218)
    %mul3A_219 = arith.constant 632 : i32
    %mul3A_220 = arith.muli %arg1, %mul3A_219 : i32
    %mul3A_221 = arith.constant 632 : i32
    %mul3A_222 = arith.muli %arg1, %mul3A_221 : i32
    "tpu.region"() ({
      %run_scoped3A = tpu.sem_alloc : memref<!tpu.dma_semaphore, #tpu.memory_space<semaphore_mem>>
      %dma_start3A_223 = arith.constant 0 : i32
      %dma_start3A_224 = tpu.memref_slice %arg6[%arg0, %mul3A_222, %dma_start3A_223] : memref<2x10112x128xf32, #tpu.memory_space<hbm>> -> memref<1x632x128xf32, #tpu.memory_space<hbm>>
      %dma_start3A_225 = tpu.memref_squeeze %dma_start3A_224 : memref<1x632x128xf32, #tpu.memory_space<hbm>> -> memref<632x128xf32, #tpu.memory_space<hbm>>
      %dma_start3A_226 = arith.constant 0 : i32
      %dma_start3A_227 = tpu.memref_slice %arg7[%mul3A_220, %dma_start3A_226] : memref<10112x128xf32, #tpu.memory_space<vmem_shared>> -> memref<632x128xf32, #tpu.memory_space<vmem_shared>>
      tpu.enqueue_dma source(%dma_start3A_227 : memref<632x128xf32, #tpu.memory_space<vmem_shared>>) target(%dma_start3A_225 : memref<632x128xf32, #tpu.memory_space<hbm>>) target_semaphore(%run_scoped3A : memref<!tpu.dma_semaphore, #tpu.memory_space<semaphore_mem>>)
      %dma_wait3A_228 = arith.constant 0 : i32
      %dma_wait3A_229 = tpu.memref_slice %arg6[%arg0, %mul3A_222, %dma_wait3A_228] : memref<2x10112x128xf32, #tpu.memory_space<hbm>> -> memref<1x632x128xf32, #tpu.memory_space<hbm>>
      %dma_wait3A_230 = tpu.memref_squeeze %dma_wait3A_229 : memref<1x632x128xf32, #tpu.memory_space<hbm>> -> memref<632x128xf32, #tpu.memory_space<hbm>>
      %dma_wait3A_231 = arith.constant 0 : i32
      %dma_wait3A_232 = tpu.memref_slice %arg7[%mul3A_220, %dma_wait3A_231] : memref<10112x128xf32, #tpu.memory_space<vmem_shared>> -> memref<632x128xf32, #tpu.memory_space<vmem_shared>>
      tpu.wait_dma2 semaphore(%run_scoped3A : memref<!tpu.dma_semaphore, #tpu.memory_space<semaphore_mem>>) src(%dma_wait3A_232 : memref<632x128xf32, #tpu.memory_space<vmem_shared>>) dst(%dma_wait3A_230 : memref<632x128xf32, #tpu.memory_space<hbm>>)
      tpu.yield
    }) : () -> ()
    return
  }
}

module attributes {stable_mosaic.version = 14 : i64} {
  func.func @_up_body(%arg0: i32, %arg1: memref<10000x128xf32, #tpu.memory_space<vmem>>, %arg2: memref<128x128xf32, #tpu.memory_space<vmem>>, %arg3: memref<1x128xf32, #tpu.memory_space<vmem>>, %arg4: memref<10000x128xf32, #tpu.memory_space<vmem>>) attributes {dimension_semantics = [#tpu.dimension_semantics<arbitrary>], iteration_bounds = array<i64: 1>, scalar_prefetch = 0 : i64, scratch_operands = 0 : i64, tpu.core_type = #tpu.core_type<tc>, window_params = [{transform_indices = @transform_0, window_bounds = array<i64: 10000, 128>}, {pipeline_mode = #tpu.pipeline_mode<synchronous>, transform_indices = @transform_1, window_bounds = array<i64: 128, 128>}, {pipeline_mode = #tpu.pipeline_mode<synchronous>, transform_indices = @transform_2, window_bounds = array<i64: 1, 128>}, {transform_indices = @transform_3, window_bounds = array<i64: 10000, 128>}]} {
    %get3A = arith.constant 0 : index
    %get3A_0 = arith.constant 0 : index
    %get3A_1 = vector.load %arg1[%get3A, %get3A_0] : memref<10000x128xf32, #tpu.memory_space<vmem>>, vector<10000x128xf32>
    %get3A_2 = arith.constant 0 : index
    %get3A_3 = arith.constant 0 : index
    %get3A_4 = vector.load %arg2[%get3A_2, %get3A_3] : memref<128x128xf32, #tpu.memory_space<vmem>>, vector<128x128xf32>
    %dot_general3A = arith.constant dense<0.000000e+00> : vector<10000x128xf32>
    %dot_general3A_5 = tpu.matmul %get3A_1, %get3A_4, %dot_general3A {dimension_numbers = #tpu.dot_dimension_numbers<[1], [0], [0], [1], [0, 0, 1, 1], [], []>, transpose_lhs_hint = false} : vector<10000x128xf32>, vector<128x128xf32>, vector<10000x128xf32> -> vector<10000x128xf32>
    %get3A_6 = arith.constant 0 : index
    %get3A_7 = arith.constant 0 : index
    %get3A_8 = vector.load %arg3[%get3A_6, %get3A_7] : memref<1x128xf32, #tpu.memory_space<vmem>>, vector<1x128xf32>
    %add3A = vector.broadcast %get3A_8 : vector<1x128xf32> to vector<10000x128xf32>
    %add3A_9 = arith.addf %dot_general3A_5, %add3A : vector<10000x128xf32>
    %swap3A = arith.constant 0 : index
    %swap3A_10 = arith.constant 0 : index
    %swap3A_11 = vector.load %arg4[%swap3A, %swap3A_10] : memref<10000x128xf32, #tpu.memory_space<vmem>>, vector<10000x128xf32>
    tpu.vector_store %arg4[%swap3A, %swap3A_10], %add3A_9 {strides = array<i32>} : memref<10000x128xf32, #tpu.memory_space<vmem>>, vector<10000x128xf32>,
    return
  }
  func.func @transform_0(%arg0: i32) -> (i32, i32) {
    %c0_i32 = arith.constant 0 : i32
    %c0_i32_0 = arith.constant 0 : i32
    return %arg0, %c0_i32 : i32, i32
  }
  func.func @transform_1(%arg0: i32) -> (i32, i32) {
    %c0_i32 = arith.constant 0 : i32
    %c0_i32_0 = arith.constant 0 : i32
    %c0_i32_1 = arith.constant 0 : i32
    return %c0_i32, %c0_i32_0 : i32, i32
  }
  func.func @transform_2(%arg0: i32) -> (i32, i32) {
    %c0_i32 = arith.constant 0 : i32
    %c0_i32_0 = arith.constant 0 : i32
    %c0_i32_1 = arith.constant 0 : i32
    return %c0_i32, %c0_i32_0 : i32, i32
  }
  func.func @transform_3(%arg0: i32) -> (i32, i32) {
    %c0_i32 = arith.constant 0 : i32
    %c0_i32_0 = arith.constant 0 : i32
    return %arg0, %c0_i32 : i32, i32
  }
}

module attributes {stable_mosaic.version = 14 : i64} {
  func.func @_mid_body(%arg0: i32, %arg1: memref<2x10000x128xf32, #tpu.memory_space<vmem>>, %arg2: memref<128x128xf32, #tpu.memory_space<vmem>>, %arg3: memref<1x128xf32, #tpu.memory_space<vmem>>, %arg4: memref<128x128xf32, #tpu.memory_space<vmem>>, %arg5: memref<1x128xf32, #tpu.memory_space<vmem>>, %arg6: memref<10000x128xf32, #tpu.memory_space<vmem>>) attributes {dimension_semantics = [#tpu.dimension_semantics<arbitrary>], iteration_bounds = array<i64: 1>, scalar_prefetch = 0 : i64, scratch_operands = 0 : i64, tpu.core_type = #tpu.core_type<tc>, window_params = [{transform_indices = @transform_0, window_bounds = array<i64: 2, 10000, 128>}, {pipeline_mode = #tpu.pipeline_mode<synchronous>, transform_indices = @transform_1, window_bounds = array<i64: 128, 128>}, {pipeline_mode = #tpu.pipeline_mode<synchronous>, transform_indices = @transform_2, window_bounds = array<i64: 1, 128>}, {pipeline_mode = #tpu.pipeline_mode<synchronous>, transform_indices = @transform_3, window_bounds = array<i64: 128, 128>}, {pipeline_mode = #tpu.pipeline_mode<synchronous>, transform_indices = @transform_4, window_bounds = array<i64: 1, 128>}, {transform_indices = @transform_5, window_bounds = array<i64: 10000, 128>}]} {
    %get3A = arith.constant 0 : index
    %get3A_0 = arith.constant 0 : index
    %get3A_1 = arith.constant 0 : index
    %get3A_2 = vector.load %arg1[%get3A, %get3A_0, %get3A_1] : memref<2x10000x128xf32, #tpu.memory_space<vmem>>, vector<1x10000x128xf32>
    %get3A_3 = vector.shape_cast %get3A_2 : vector<1x10000x128xf32> to vector<10000x128xf32>
    %get3A_4 = arith.constant 1 : index
    %get3A_5 = arith.constant 0 : index
    %get3A_6 = arith.constant 0 : index
    %get3A_7 = vector.load %arg1[%get3A_4, %get3A_5, %get3A_6] : memref<2x10000x128xf32, #tpu.memory_space<vmem>>, vector<1x10000x128xf32>
    %get3A_8 = vector.shape_cast %get3A_7 : vector<1x10000x128xf32> to vector<10000x128xf32>
    %add3A = arith.addf %get3A_3, %get3A_8 : vector<10000x128xf32>
    %get3A_9 = arith.constant 0 : index
    %get3A_10 = arith.constant 0 : index
    %get3A_11 = vector.load %arg2[%get3A_9, %get3A_10] : memref<128x128xf32, #tpu.memory_space<vmem>>, vector<128x128xf32>
    %dot_general3A = arith.constant dense<0.000000e+00> : vector<10000x128xf32>
    %dot_general3A_12 = tpu.matmul %add3A, %get3A_11, %dot_general3A {dimension_numbers = #tpu.dot_dimension_numbers<[1], [0], [0], [1], [0, 0, 1, 1], [], []>, transpose_lhs_hint = false} : vector<10000x128xf32>, vector<128x128xf32>, vector<10000x128xf32> -> vector<10000x128xf32>
    %get3A_13 = arith.constant 0 : index
    %get3A_14 = arith.constant 0 : index
    %get3A_15 = vector.load %arg3[%get3A_13, %get3A_14] : memref<1x128xf32, #tpu.memory_space<vmem>>, vector<1x128xf32>
    %add3A_16 = vector.broadcast %get3A_15 : vector<1x128xf32> to vector<10000x128xf32>
    %add3A_17 = arith.addf %dot_general3A_12, %add3A_16 : vector<10000x128xf32>
    %logistic3A = arith.negf %add3A_17 : vector<10000x128xf32>
    %logistic3A_18 = math.exp %logistic3A : vector<10000x128xf32>
    %logistic3A_19 = arith.constant 1.000000e+00 : f32
    %logistic3A_20 = vector.broadcast %logistic3A_19 : f32 to vector<10000x128xf32>
    %logistic3A_21 = arith.addf %logistic3A_20, %logistic3A_18 : vector<10000x128xf32>
    %logistic3A_22 = arith.divf %logistic3A_20, %logistic3A_21 : vector<10000x128xf32>
    %mul3A = arith.mulf %add3A_17, %logistic3A_22 : vector<10000x128xf32>
    %get3A_23 = arith.constant 0 : index
    %get3A_24 = arith.constant 0 : index
    %get3A_25 = vector.load %arg4[%get3A_23, %get3A_24] : memref<128x128xf32, #tpu.memory_space<vmem>>, vector<128x128xf32>
    %dot_general3A_26 = arith.constant dense<0.000000e+00> : vector<10000x128xf32>
    %dot_general3A_27 = tpu.matmul %mul3A, %get3A_25, %dot_general3A_26 {dimension_numbers = #tpu.dot_dimension_numbers<[1], [0], [0], [1], [0, 0, 1, 1], [], []>, transpose_lhs_hint = false} : vector<10000x128xf32>, vector<128x128xf32>, vector<10000x128xf32> -> vector<10000x128xf32>
    %get3A_28 = arith.constant 0 : index
    %get3A_29 = arith.constant 0 : index
    %get3A_30 = vector.load %arg5[%get3A_28, %get3A_29] : memref<1x128xf32, #tpu.memory_space<vmem>>, vector<1x128xf32>
    %add3A_31 = vector.broadcast %get3A_30 : vector<1x128xf32> to vector<10000x128xf32>
    %add3A_32 = arith.addf %dot_general3A_27, %add3A_31 : vector<10000x128xf32>
    %swap3A = arith.constant 0 : index
    %swap3A_33 = arith.constant 0 : index
    %swap3A_34 = vector.load %arg6[%swap3A, %swap3A_33] : memref<10000x128xf32, #tpu.memory_space<vmem>>, vector<10000x128xf32>
    tpu.vector_store %arg6[%swap3A, %swap3A_33], %add3A_32 {strides = array<i32>} : memref<10000x128xf32, #tpu.memory_space<vmem>>, vector<10000x128xf32>,
    return
  }
  func.func @transform_0(%arg0: i32) -> (i32, i32, i32) {
    %c0_i32 = arith.constant 0 : i32
    %c0_i32_0 = arith.constant 0 : i32
    %c0_i32_1 = arith.constant 0 : i32
    return %c0_i32, %arg0, %c0_i32_0 : i32, i32, i32
  }
  func.func @transform_1(%arg0: i32) -> (i32, i32) {
    %c0_i32 = arith.constant 0 : i32
    %c0_i32_0 = arith.constant 0 : i32
    %c0_i32_1 = arith.constant 0 : i32
    return %c0_i32, %c0_i32_0 : i32, i32
  }
  func.func @transform_2(%arg0: i32) -> (i32, i32) {
    %c0_i32 = arith.constant 0 : i32
    %c0_i32_0 = arith.constant 0 : i32
    %c0_i32_1 = arith.constant 0 : i32
    return %c0_i32, %c0_i32_0 : i32, i32
  }
  func.func @transform_3(%arg0: i32) -> (i32, i32) {
    %c0_i32 = arith.constant 0 : i32
    %c0_i32_0 = arith.constant 0 : i32
    %c0_i32_1 = arith.constant 0 : i32
    return %c0_i32, %c0_i32_0 : i32, i32
  }
  func.func @transform_4(%arg0: i32) -> (i32, i32) {
    %c0_i32 = arith.constant 0 : i32
    %c0_i32_0 = arith.constant 0 : i32
    %c0_i32_1 = arith.constant 0 : i32
    return %c0_i32, %c0_i32_0 : i32, i32
  }
  func.func @transform_5(%arg0: i32) -> (i32, i32) {
    %c0_i32 = arith.constant 0 : i32
    %c0_i32_0 = arith.constant 0 : i32
    return %arg0, %c0_i32 : i32, i32
  }
}

module attributes {stable_mosaic.version = 14 : i64} {
  func.func @_final_body(%arg0: i32, %arg1: memref<2x10000x128xf32, #tpu.memory_space<vmem>>, %arg2: memref<128x128xf32, #tpu.memory_space<vmem>>, %arg3: memref<1x128xf32, #tpu.memory_space<vmem>>, %arg4: memref<10000x128xf32, #tpu.memory_space<vmem>>) attributes {dimension_semantics = [#tpu.dimension_semantics<arbitrary>], iteration_bounds = array<i64: 1>, scalar_prefetch = 0 : i64, scratch_operands = 0 : i64, tpu.core_type = #tpu.core_type<tc>, window_params = [{transform_indices = @transform_0, window_bounds = array<i64: 2, 10000, 128>}, {pipeline_mode = #tpu.pipeline_mode<synchronous>, transform_indices = @transform_1, window_bounds = array<i64: 128, 128>}, {pipeline_mode = #tpu.pipeline_mode<synchronous>, transform_indices = @transform_2, window_bounds = array<i64: 1, 128>}, {transform_indices = @transform_3, window_bounds = array<i64: 10000, 128>}]} {
    %get3A = arith.constant 0 : index
    %get3A_0 = arith.constant 0 : index
    %get3A_1 = arith.constant 0 : index
    %get3A_2 = vector.load %arg1[%get3A, %get3A_0, %get3A_1] : memref<2x10000x128xf32, #tpu.memory_space<vmem>>, vector<1x10000x128xf32>
    %get3A_3 = vector.shape_cast %get3A_2 : vector<1x10000x128xf32> to vector<10000x128xf32>
    %get3A_4 = arith.constant 1 : index
    %get3A_5 = arith.constant 0 : index
    %get3A_6 = arith.constant 0 : index
    %get3A_7 = vector.load %arg1[%get3A_4, %get3A_5, %get3A_6] : memref<2x10000x128xf32, #tpu.memory_space<vmem>>, vector<1x10000x128xf32>
    %get3A_8 = vector.shape_cast %get3A_7 : vector<1x10000x128xf32> to vector<10000x128xf32>
    %add3A = arith.addf %get3A_3, %get3A_8 : vector<10000x128xf32>
    %get3A_9 = arith.constant 0 : index
    %get3A_10 = arith.constant 0 : index
    %get3A_11 = vector.load %arg2[%get3A_9, %get3A_10] : memref<128x128xf32, #tpu.memory_space<vmem>>, vector<128x128xf32>
    %dot_general3A = arith.constant dense<0.000000e+00> : vector<10000x128xf32>
    %dot_general3A_12 = tpu.matmul %add3A, %get3A_11, %dot_general3A {dimension_numbers = #tpu.dot_dimension_numbers<[1], [0], [0], [1], [0, 0, 1, 1], [], []>, transpose_lhs_hint = false} : vector<10000x128xf32>, vector<128x128xf32>, vector<10000x128xf32> -> vector<10000x128xf32>
    %get3A_13 = arith.constant 0 : index
    %get3A_14 = arith.constant 0 : index
    %get3A_15 = vector.load %arg3[%get3A_13, %get3A_14] : memref<1x128xf32, #tpu.memory_space<vmem>>, vector<1x128xf32>
    %add3A_16 = vector.broadcast %get3A_15 : vector<1x128xf32> to vector<10000x128xf32>
    %add3A_17 = arith.addf %dot_general3A_12, %add3A_16 : vector<10000x128xf32>
    %swap3A = arith.constant 0 : index
    %swap3A_18 = arith.constant 0 : index
    %swap3A_19 = vector.load %arg4[%swap3A, %swap3A_18] : memref<10000x128xf32, #tpu.memory_space<vmem>>, vector<10000x128xf32>
    tpu.vector_store %arg4[%swap3A, %swap3A_18], %add3A_17 {strides = array<i32>} : memref<10000x128xf32, #tpu.memory_space<vmem>>, vector<10000x128xf32>,
    return
  }
  func.func @transform_0(%arg0: i32) -> (i32, i32, i32) {
    %c0_i32 = arith.constant 0 : i32
    %c0_i32_0 = arith.constant 0 : i32
    %c0_i32_1 = arith.constant 0 : i32
    return %c0_i32, %arg0, %c0_i32_0 : i32, i32, i32
  }
  func.func @transform_1(%arg0: i32) -> (i32, i32) {
    %c0_i32 = arith.constant 0 : i32
    %c0_i32_0 = arith.constant 0 : i32
    %c0_i32_1 = arith.constant 0 : i32
    return %c0_i32, %c0_i32_0 : i32, i32
  }
  func.func @transform_2(%arg0: i32) -> (i32, i32) {
    %c0_i32 = arith.constant 0 : i32
    %c0_i32_0 = arith.constant 0 : i32
    %c0_i32_1 = arith.constant 0 : i32
    return %c0_i32, %c0_i32_0 : i32, i32
  }
  func.func @transform_3(%arg0: i32) -> (i32, i32) {
    %c0_i32 = arith.constant 0 : i32
    %c0_i32_0 = arith.constant 0 : i32
    return %arg0, %c0_i32 : i32, i32
  }
}

</mosaic_0001>

<sc_bundles>
// kernel: kernel.12.cloned.1.call-start
scs
__scs_entry_jumppad:
0x0: {  	(pc) =	sbr.rel $0x88, $3  }
0x1: {  	(tag) =	ssettag $0x0;
	lr =	simm.s32 $0x1  }
0x2: {  	[smem:$0x3F93] =	sst lr;
	_ =	strace $0xD0000000  }
0x3: {  	_ = 	snop  }
0x4: {  	_ = 	snop  }
0x5: {  	_ = 	snop  }
0x6: {  	_ = 	snop  }
0x7: {  	_ = 	snop  }
__scs_overlays_trampoline_lowered:
0x8: {  	[smem:$0x3FA2] =	sst s0  }
0x9: {  	[smem:$0x3FA3] =	sst s1  }
0xa: {  	[smem:$0x3FA4] =	sst s2  }
0xb: {  	[smem:$0x3FA5] =	sst s3  }
0xc: {  	[smem:$0x3FA6] =	sst s4  }
0xd: {  	[smem:$0x3FA7] =	sst s5  }
0xe: {  	[smem:$0x3FA8] =	sst s6  }
0xf: {  	[smem:$0x3FA9] =	sst s7  }
0x10: {  	[smem:$0x3FAA] =	sst s8  }
0x11: {  	[smem:$0x3FAB] =	sst s9;
	s0 =	simm.s32 @!p0 $0x0  }
0x12: {  	s1 =	sld [smem:$0x3F91];
	s0 =	simm.s32 @p0 $0x1  }
0x13: {  	[smem:$0x3FAC] =	sst s0;
	s0 =	simm.s32 @!p1 $0x0  }
0x14: {  	s2 =	sld [smem:$0x3F90];
	s0 =	simm.s32 @p1 $0x1  }
0x15: {  	[smem:$0x3FAD] =	sst s0;
	s0 =	simm.s32 @!p2 $0x0  }
0x16: {  	s3 =	sld [smem:$0x3FDB];
	s0 =	simm.s32 @p2 $0x1  }
0x17: {  	s4 =	simm.s32 $0x1BF5;
	[smem:$0x3FAF] =	sst s0  }
0x18: {  	s0 =	sld [smem:$0x3F92];
	_ =	swait.ge [sflag:s4], $0x0  }
0x19: {  	s7 =	sld [smem:$0x3F93]  }
0x1a: {  	s8 =	sadd.s32 $0xFFFFE003, lr  }
0x1b: {  	s9 =	sadd.s32 $0xFFFFFEF7, lr;
	s5 =	simm.s32 $0xFFFFFFFF;
	p2 =	slt.u32 s8, $0xFFFFF086  }
0x1c: {  	p1 =	slt.u32 s9, $0xF7A;
	s5 =	simm.s32 @!p2 $0x0  }
0x1d: {  	s5 =	simm.s32 @p1 $0x1;
	p0 =	seq.s32 s7, s2  }
0x1e: {  	s7 =	smul.u32 @!p0 $0xF7A, s2;
	p2 =	seq.s32 @!p0 s5, $0x0  }
0x1f: {  	s9 =	smul.u32 $0xF7A, s1;
	s8 =	simm.s32 @!p0 $0x1BF5;
	p2 =	por !p2, p0  }
0x20: {  	[sflag:s8] =	ssyncset.s32 @!p0 $0xFFFFF086;
	s6 =	sadd.s32 @!p0 s3, s7;
	s7 =	simm.s32 @!p0 $0x108  }
0x21: {  	s3 =	sadd.s32 s3, s9;
	s6 =	sadd.s32 @!p0 $0x88, s6;
	s7 =	simm.s32 @p2 $0x1082  }
0x22: {  	[simem:s7], [sflag:s8] =	dma.local @!p0 [hbm:s6], $0xF7A  }
0x23: {  	s9 =	sor.u32 $0xD0000000, s2;
	s6 =	simm.s32 $0x108;
	_ =	swait.ge @!p0 [sflag:s8], $0x0  }
0x24: {  	s3 =	sadd.s32 $0x88, s3;
	s6 =	simm.s32 @!p1 $0x1082;
	[sflag:s4] =	ssyncset.s32 $0xFFFFF086  }
0x25: {  	[simem:s6], [sflag:s4] =	dma.local [hbm:s3], $0xF7A  }
0x26: {  	[smem:$0x3F93] =	sst s1;
	(tag) =	ssettag s2;
	_ =	strace s9  }
0x27: {  	s1 =	sld [smem:$0x3FA3]  }
0x28: {  	s2 =	sld [smem:$0x3FA4]  }
0x29: {  	s4 =	sld [smem:$0x3FA6]  }
0x2a: {  	p0 =	seq.s32 s5, $0x0;
	s5 =	sld [smem:$0x3FA7]  }
0x2b: {  	s6 =	sld [smem:$0x3FA8]  }
0x2c: {  	s7 =	sld [smem:$0x3FA9]  }
0x2d: {  	s3 =	simm.s32 $0x108;
	s8 =	sld [smem:$0x3FAA]  }
0x2e: {  	s3 =	simm.s32 @!p0 $0x1082;
	s9 =	sld [smem:$0x3FAB]  }
0x2f: {  	lr =	sadd.s32 s0, s3;
	s0 =	sld [smem:$0x3FA2]  }
0x30: {  	s3 =	sld [smem:$0x3FA5]  }
0x31: {  	[smem:$0x3FAE] =	sst s10  }
0x32: {  	s10 =	sld [smem:$0x3FAC];
	_ =	sdelay $0x3  }
0x33: {  	p0 =	seq.s32 s10, $0x1;
	s10 =	sld [smem:$0x3FAE];
	_ =	sdelay $0x3  }
0x34: {  	[smem:$0x3FAE] =	sst s10  }
0x35: {  	s10 =	sld [smem:$0x3FAD];
	_ =	sdelay $0x3  }
0x36: {  	p1 =	seq.s32 s10, $0x1;
	s10 =	sld [smem:$0x3FAE];
	_ =	sdelay $0x3  }
0x37: {  	[smem:$0x3FAE] =	sst s10  }
0x38: {  	s10 =	sld [smem:$0x3FAF]  }
0x39: {  	_ = 	snop;
	(pc) =	sbr.ind lr, $3  }
0x3a: {  	_ = 	snop  }
0x3b: {  	_ = 	snop  }
0x3c: {  	p2 =	seq.s32 s10, $0x1;
	s10 =	sld [smem:$0x3FAE]  }
0x3d: {  	_ =	shalt  }
0x3e: {  	_ =	shalt  }
0x3f: {  	_ =	shalt  }
0x40: {  	_ =	shalt  }
0x41: {  	_ =	shalt  }
0x42: {  	_ =	shalt  }
0x43: {  	_ =	shalt  }
0x44: {  	_ =	shalt  }
0x45: {  	_ =	shalt  }
0x46: {  	_ =	shalt  }
0x47: {  	_ =	shalt  }
0x48: {  	_ =	shalt  }
0x49: {  	_ =	shalt  }
0x4a: {  	_ =	shalt  }
0x4b: {  	_ =	shalt  }
0x4c: {  	_ =	shalt  }
0x4d: {  	_ =	shalt  }
0x4e: {  	_ =	shalt  }
0x4f: {  	_ =	shalt  }
0x50: {  	_ =	shalt  }
0x51: {  	_ =	shalt  }
0x52: {  	_ =	shalt  }
0x53: {  	_ =	shalt  }
0x54: {  	_ =	shalt  }
0x55: {  	_ =	shalt  }
0x56: {  	_ =	shalt  }
0x57: {  	_ =	shalt  }
0x58: {  	_ =	shalt  }
0x59: {  	_ =	shalt  }
0x5a: {  	_ =	shalt  }
0x5b: {  	_ =	shalt  }
0x5c: {  	_ =	shalt  }
0x5d: {  	_ =	shalt  }
0x5e: {  	_ =	shalt  }
0x5f: {  	_ =	shalt  }
0x60: {  	_ =	shalt  }
0x61: {  	_ =	shalt  }
0x62: {  	_ =	shalt  }
0x63: {  	_ =	shalt  }
0x64: {  	_ =	shalt  }
0x65: {  	_ =	shalt  }
0x66: {  	_ =	shalt  }
0x67: {  	_ =	shalt  }
0x68: {  	_ =	shalt  }
0x69: {  	_ =	shalt  }
0x6a: {  	_ =	shalt  }
0x6b: {  	_ =	shalt  }
0x6c: {  	_ =	shalt  }
0x6d: {  	_ =	shalt  }
0x6e: {  	_ =	shalt  }
0x6f: {  	_ =	shalt  }
0x70: {  	_ =	shalt  }
0x71: {  	_ =	shalt  }
0x72: {  	_ =	shalt  }
0x73: {  	_ =	shalt  }
0x74: {  	_ =	shalt  }
0x75: {  	_ =	shalt  }
0x76: {  	_ =	shalt  }
0x77: {  	_ =	shalt  }
0x78: {  	_ =	shalt  }
0x79: {  	_ =	shalt  }
0x7a: {  	_ =	shalt  }
0x7b: {  	_ =	shalt  }
0x7c: {  	_ =	shalt  }
0x7d: {  	_ =	shalt  }
0x7e: {  	_ =	shalt  }
0x7f: {  	_ =	shalt  }
0x80: {  	_ =	shalt  }
0x81: {  	_ =	shalt  }
0x82: {  	_ =	shalt  }
0x83: {  	_ =	shalt  }
0x84: {  	_ =	shalt  }
0x85: {  	_ =	shalt  }
0x86: {  	_ =	shalt  }
0x87: {  	_ =	shalt  }
.Lfunc_end0:
.L_simem_size_0:
called_computation.1_lowered:
.L_overlay_start_0:
0x88: {  	s2 =	sld [smem:$0x3FD9]  }
0x89: {  	s3 =	sld [smem:$0x3FFE];
	_ =	sdelay $0x1  }
0x8a: {  	s1 =	srdreg.scid  }
0x8b: {  	s0 =	sand.u32 $0x1, s1  }
0x8c: {  	s17 =	sshll.u32 s0, $0xA;
	s2 =	sadd.s32 s3, s2  }
0x8d: {  	s2 =	sadd.s32 s2, s17  }
0x8e: {  	[smem:$0x3FBA] =	sst s2  }
0x8f: {  	_ = 	snop  }
0x90: {  	s2 =	sld [smem:$0x3FD0];
	(tm) =	ssettm $0x1  }
0x91: {  	s18 =	sld [smem:$0x3FFB];
	_ =	sdelay $0x3  }
0x92: {  	_ =	strace s18  }
0x93: {  	s3 =	sld [smem:$0x3FFC];
	_ =	sdelay $0x3  }
0x94: {  	_ =	strace s3  }
0x95: {  	s3 =	sld [smem:$0x3FFD];
	_ =	sdelay $0x3  }
0x96: {  	_ =	strace s3  }
0x97: {  	_ =	strace $0x8FFFFFFF  }
0x98: {  	s19 =	sld [smem:$0x3FDB];
	_ =	sdelay $0x1  }
0x99: {  	s4 =	simm.s32 $_scs_section_size  }
0x9a: {  	s5 =	simm.s32 $_size__tile_overlayer_lowered;
	s6 =	simm.s32 $_tile_overlayer_lowered  }
0x9b: {  	s22 =	simm.s32 $0x1BFF;
	s21 =	sshll.u32 s6, $0x1;
	s3 =	sadd.s32 s4, s19  }
0x9c: {  	s7 =	simm.s32 $0x0;
	s20 =	sshll.u32 s5, $0x1;
	s5 =	sadd.s32 s21, s3  }
0x9d: {  	[timem:s7], [sflag:s22] =	dma.local [hbm:s5], s20  }
0x9e: {  	_ =	swait.ge [sflag:s22], s20  }
0x9f: {  	s4 =	ssub.s32 $0x0, s20;
	[sflag:s22] =	ssyncset.done $0x0  }
0xa0: {  	[sflag:s22] =	ssyncadd.s32 s4;
	_ =	sdelay $0x1  }
0xa1: {  	s23 =	simm.s32 $0x1B8B  }
0xa2: {  	_ =	swait.ge [sflag:s23], $0x1  }
0xa3: {  	[sflag:s23] =	ssyncset.done $0x0  }
0xa4: {  	s25 =	simm.s32 $0x1B8E;
	s24 =	sld [smem:$0x3FFE];
	[sflag:s23] =	ssyncadd.s32 $0xFFFFFFFF  }
0xa5: {  	s26 =	simm.s32 $execute0_lowered;
	[smem:$0x3FD2] =	sst s25  }
0xa6: {  	s5 =	sshll.u32 s26, $0x1;
	_ =	strace $0x80000049;
	[dreg:$0x1] =	wrdreg $0xFFFFFFFF  }
0xa7: {  	s28 =	simm.s32 $_size_execute0_lowered;
	s3 =	sadd.s32 s3, s5;
	[dreg:$0x0] =	wrdreg $0x0  }
0xa8: {  	s5 =	sshll.u32 s28, $0x1;
	[dreg:$0x2] =	wrdreg s3  }
0xa9: {  	[dreg:$0x3] =	wrdreg s5  }
0xaa: {  	[dreg:$0x4] =	wrdreg $0xC0  }
0xab: {  	_ =	task [dreg:s7], $0x5FFFF  }
0xac: {  	[dreg:$0x1] =	wrdreg $0xFFFFFFFF  }
0xad: {  	[dreg:$0x0] =	wrdreg $0x60  }
0xae: {  	[dreg:$0x2] =	wrdreg s2  }
0xaf: {  	[dreg:$0x3] =	wrdreg s24  }
0xb0: {  	[dreg:$0x4] =	wrdreg $0x0  }
0xb1: {  	[dreg:$0x5] =	wrdreg $0x9  }
0xb2: {  	_ =	task.clear_ibuf [dreg:s7], $0x6FFFF;
	_ =	strace $0x90000049  }
0xb3: {  	s29 =	simm.s32 $0x9;
	_ =	strace $0x8000004B  }
0xb4: {  	_ =	swait.ge [sflag:s29], $0x1  }
0xb5: {  	[sflag:s29] =	ssyncadd.s32 $0xFFFFFFFF  }
0xb6: {  	_ =	strace $0x9000004B  }
0xb7: {  	_ =	sfence  }
0xb8: {  	s30 =	sld [smem:$0x0];
	_ =	sdelay $0x2  }
0xb9: {  	s31 =	sshll.u32 s1, $0xD;
	s1 =	sshrl.u32 s1, $0x2  }
0xba: {  	s3 =	sand.u32 $0x4000, s31;
	s1 =	sadd.s32 s1, s30  }
0xbb: {  	s0 =	sor.u32 s3, s0;
	s1 =	sshll.u32 s1, $0x11  }
0xbc: {  	s0 =	sor.u32 s1, s0  }
0xbd: {  	s0 =	sadd.s32 $0x8F2B, s0  }
0xbe: {  	[sflag:s0] =	ssyncadd.remote.s32 $0x1  }
0xbf: {  	_ =	sfence.sel $0xFFFF  }
0xc0: {  	[dreg:$0x0] =	wrdreg $0xFFFFFFFF;
	(pc) =	sbr.abs _section_cstart, $3  }
0xc1: {  	[dreg:$0x1] =	wrdreg $0xFFFFFFFF  }
0xc2: {  	_ =	task.clear_ibuf [dreg:s7], $0x2FFFF;
	_ =	strace $0x9FFFFFFF  }
0xc3: {  	(tm) =	ssettm $0x7FFFFFFF  }
tec
execute0_lowered:
.L_overlay_start_1:
0x0: {  	(tag) =	ssettag $0x1  }
0x1: {  	s0 =	srdreg.scid;
	s1 =	rddreg [dreg:$0x0]  }
0x2: {  	s11 =	stileid.u32;
	s5 =	rddreg [dreg:$0x1]  }
0x3: {  	s3 =	rddreg [dreg:$0x2];
	s31 =	simm.s32 $0x7;
	s16 =	smul.u32 $0x13C00, s11  }
0x4: {  	s28 =	simm.s32 $0x28;
	s30 =	simm.s32 $0x5;
	s24 =	smul.u32 $0x4F000, s11  }
0x5: {  	s0 =	sand.u32 $0x1, s0;
	s15 =	sshll.u32 s11, $0x7;
	s13 =	smul.u32 $0x2710, s11  }
0x6: {  	s29 =	sadd.s32 $0x2A00, s5;
	s2 =	sshll.u32 s0, $0x4;
	s8 =	smul.u32 $0x13C000, s0  }
0x7: {  	s7 =	sand.u32 $0x380, s15;
	s17 =	ssub.s32 $0x2, s0;
	s0 =	smul.u32 $0x27100, s0  }
0x8: {  	s2 =	sor.u32 s11, s2;
	s9 =	sshrl.u32 s16, $0x3;
	s18 =	sshrl.u32 s17, $0x1  }
0x9: {  	s11 =	simm.s32 $0x1A280;
	s4 =	sshrl.u32 s2, $0x3;
	s2 =	smul.u32 $0x2710, s2  }
0xa: {  	s9 =	sadd.s32 s9, s5;
	s6 =	smul.u32 $0x13C00, s4;
	s4 =	simm.s32 $0x0  }
0xb: {  	s0 =	sadd.s32 s13, s0;
	s13 =	simm.s32 $0x1B680;
	[smem:$0x7FF] =	sst s4  }
0xc: {  	s19 =	sshrl.u32 s2, $0x3;
	s10 =	sadd.s32 $0x28, s2;
	s22 =	sadd.s32 $0x78, s2  }
0xd: {  	s23 =	sadd.s32 $0xC8, s2;
	s15 =	sadd.s32 $0x2698, s2;
	s2 =	sadd.s32 $0x26E8, s2  }
0xe: {  	s6 =	sor.u32 s7, s6;
	_ =	strace $0x8000004A;
	s7 =	sadd.s32 s16, s8  }
0xf: {  	s12 =	sadd.s32 s29, s19;
	s20 =	sshrl.u32 s10, $0x3;
	s26 =	sshrl.u32 s23, $0x3  }
0x10: {  	s8 =	sshrl.u32 s24, $0x2;
	s10 =	sadd.s32 $0x16600, s9;
	s2 =	sshrl.u32 s2, $0x3  }
0x11: {  	s23 =	sadd.s32 $0x118, s0;
	s9 =	simm.s32 $0x18E80;
	[dreg:$0xc] =	wrdreg s10  }
0x12: {  	s6 =	sshrl.u32 s6, $0x3;
	s21 =	sadd.s32 $0xA, s12;
	[dreg:$0x5] =	wrdreg s12  }
0x13: {  	s7 =	sshrl.u32 s7, $0x3;
	s25 =	sadd.s32 $0x14, s12;
	[dreg:$0x7] =	wrdreg s21  }
0x14: {  	s14 =	sadd.s32 $0x4CE, s12;
	s2 =	sadd.s32 s29, s2;
	[dreg:$0x9] =	wrdreg s25  }
0x15: {  	s10 =	simm.s32 $0x16500;
	s6 =	sadd.s32 s6, s5;
	[dreg:$0xd] =	wrdreg s14  }
0x16: {  	s5 =	sadd.s32 s7, s5;
	s7 =	ssub.s32 s17, s18;
	[dreg:$0xf] =	wrdreg s2  }
0x17: {  	s17 =	sadd.s32 $0x1B8, s0;
	s18 =	sadd.s32 $0x190, s0;
	s21 =	sadd.s32 $0x168, s0  }
0x18: {  	s25 =	sshrl.u32 s23, $0x3;
	s14 =	simm.s32 $0x16600;
	s6 =	sadd.s32 $0xC800, s6  }
0x19: {  	s5 =	sadd.s32 $0x3DE00, s5;
	s2 =	sshrl.u32 s17, $0x3;
	[dreg:$0x4] =	wrdreg s6  }
0x1a: {  	s19 =	smax.u32 s7, $0x1;
	s17 =	simm.s32 $0x2;
	[dreg:$0x10] =	wrdreg s5  }
0x1b: {  	s6 =	sadd.s32 s29, s20;
	[dreg:$0x11] =	wrdreg s19;
	s2 =	sadd.s32 s2, s29  }
0x1c: {  	s20 =	sshrl.u32 s18, $0x3;
	s18 =	simm.s32 $0x3;
	[dreg:$0x6] =	wrdreg s6  }
0x1d: {  	s6 =	sshrl.u32 s22, $0x3;
	[dreg:$0x12] =	wrdreg s2;
	s2 =	sadd.s32 s20, s29  }
0x1e: {  	s22 =	sadd.s32 $0x140, s0;
	s0 =	sadd.s32 $0xF0, s0;
	[dreg:$0x13] =	wrdreg s2  }
0x1f: {  	s19 =	simm.s32 $0x4;
	s6 =	sadd.s32 s29, s6;
	[dreg:$0x17] =	wrdreg s0  }
0x20: {  	s2 =	sshrl.u32 s21, $0x3;
	[dreg:$0x8] =	wrdreg s6;
	s6 =	sadd.s32 s29, s26  }
0x21: {  	s5 =	sshrl.u32 s22, $0x3;
	s2 =	sadd.s32 s2, s29;
	[dreg:$0xa] =	wrdreg s6  }
0x22: {  	s0 =	simm.s32 $0x0;
	s24 =	sadd.s32 s5, s29;
	[dreg:$0x14] =	wrdreg s2  }
0x23: {  	s26 =	sadd.s32 $0x4D8, s12;
	s12 =	simm.s32 $0x16580;
	[dreg:$0x15] =	wrdreg s24  }
0x24: {  	s6 =	sadd.s32 s8, s3;
	s8 =	sshrl.u32 s15, $0x3;
	[dreg:$0x18] =	wrdreg s26  }
0x25: {  	s2 =	sadd.s32 s25, s29;
	s15 =	simm.s32 $0x1CA80;
	[dreg:$0xb] =	wrdreg s6  }
0x26: {  	s26 =	simm.s32 $0x6;
	s16 =	sadd.s32 s29, s8;
	[dreg:$0x16] =	wrdreg s2  }
0x27: {  	s8 =	simm.s32 $0x16480;
	[dreg:$0xe] =	wrdreg s16;
	s16 =	simm.s32 $0x1  }
.LBB2_1:
0x28: {  	[dreg:$0x19] =	wrdreg s0  }
0x29: {  	s2 =	rddreg [dreg:$0x4]  }
0x2a: {  	s5 =	simm.s32 $0x80;
	s7 =	simm.s32 $0x400;
	s20 =	simm.s32 $0x13C00  }
0x2b: {  	[tilespmem:s20], [sflag:$0x7] =	stream.strided.gather [hbm4b:s2+s5], $0x2780, s7, s5, $0x38;
	[tilespmem:$0x1DE80] =	vst v63  }
0x2c: {  	_ =	swait.ge [sflag:s31], $0x2780  }
0x2d: {  	[sflag:s31] =	ssyncset.done $0x0  }
0x2e: {  	s7 =	simm.s32 $0x16380;
	s23 =	rddreg [dreg:$0x5];
	[sflag:s31] =	ssyncadd.s32 $0xFFFFD880  }
0x2f: {  	[tilespmem:s7], [sflag:$0x1] =	stream.linear.gather [hbm4b:s23+s4], $0x28, $0x38;
	[tilespmem:$0x1DE80] =	vst v63  }
0x30: {  	s0 =	simm.s32 $0x16680  }
0x31: {  	[tilespmem:s0], [sflag:$0x1] =	stream.indirect.gather [hbm4b:s1+s28], $0x80, s20, s28, $0xb8;
	[tilespmem:$0x1DE80] =	vst v63  }
0x32: {  	s6 =	simm.s32 $0x16400;
	s24 =	rddreg [dreg:$0x6]  }
0x33: {  	[tilespmem:s6], [sflag:$0x2] =	stream.linear.gather [hbm4b:s24+s4], $0x28, $0x38;
	[tilespmem:$0x1DE80] =	vst v63  }
0x34: {  	s25 =	simm.s32 $0x13C28;
	s20 =	simm.s32 $0x17A80  }
0x35: {  	[tilespmem:s20], [sflag:$0x2] =	stream.indirect.gather [hbm4b:s1+s28], $0x80, s25, s28, $0xb8;
	[tilespmem:$0x1DE80] =	vst v63  }
0x36: {  	s5 =	rddreg [dreg:$0x7]  }
0x37: {  	[tilespmem:s8], [sflag:$0x3] =	stream.linear.gather [hbm4b:s5+s4], $0x28, $0x38;
	[tilespmem:$0x1DE80] =	vst v63  }
0x38: {  	s21 =	simm.s32 $0x13C50  }
0x39: {  	[tilespmem:s9], [sflag:$0x3] =	stream.indirect.gather [hbm4b:s1+s28], $0x80, s21, s28, $0xb8;
	[tilespmem:$0x1DE80] =	vst v63  }
0x3a: {  	s22 =	rddreg [dreg:$0x8]  }
0x3b: {  	[tilespmem:s10], [sflag:$0x4] =	stream.linear.gather [hbm4b:s22+s4], $0x28, $0x38;
	[tilespmem:$0x1DE80] =	vst v63  }
0x3c: {  	s23 =	simm.s32 $0x13C78  }
0x3d: {  	[tilespmem:s11], [sflag:$0x4] =	stream.indirect.gather [hbm4b:s1+s28], $0x80, s23, s28, $0xb8;
	[tilespmem:$0x1DE80] =	vst v63  }
0x3e: {  	s24 =	rddreg [dreg:$0x9]  }
0x3f: {  	[tilespmem:s12], [sflag:$0x5] =	stream.linear.gather [hbm4b:s24+s4], $0x28, $0x38;
	[tilespmem:$0x1DE80] =	vst v63  }
0x40: {  	s25 =	simm.s32 $0x13CA0;
	s5 =	rddreg [dreg:$0xa];
	s22 =	stileid.u32  }
0x41: {  	[tilespmem:s13], [sflag:$0x5] =	stream.indirect.gather [hbm4b:s1+s28], $0x80, s25, s28, $0xb8;
	[tilespmem:$0x1DE80] =	vst v63  }
0x42: {  	s23 =	sshll.u32 s22, $0x6;
	s24 =	rddreg [dreg:$0xb]  }
0x43: {  	[tilespmem:s14], [sflag:$0x6] =	stream.linear.gather [hbm4b:s5+s4], $0x28, $0x38;
	[tilespmem:$0x1DE80] =	vst v63  }
0x44: {  	s21 =	simm.s32 $0x13CC8;
	s25 =	rddreg [dreg:$0xc];
	s5 =	sor.u32 $0x1C07, s23  }
0x45: {  	[tilespmem:s15], [sflag:$0x6] =	stream.indirect.gather [hbm4b:s1+s28], $0x80, s21, s28, $0xb8;
	[tilespmem:$0x1DE80] =	vst v63  }
0x46: {  	[dreg:$0x1a] =	wrdreg s5;
	s21 =	sshrl.u32 s24, $0x3  }
0x47: {  	[dreg:$0x1b] =	wrdreg s21  }
0x48: {  	[spmem:s21], [sflag:s5] =	dma.local [hbm:s25], $0x2780  }
0x49: {  	_ =	swait.ge [sflag:s31], $0x2780  }
0x4a: {  	[sflag:s31] =	ssyncset.done $0x0  }
0x4b: {  	[sflag:s31] =	ssyncadd.s32 $0xFFFFD880  }
0x4c: {  	[bflag:$0x0] =	sbarrier.arrive $0xFFFF  }
0x4d: {  	_ =	swait.ge [sflag:s16], $0x28  }
0x4e: {  	[sflag:s16] =	ssyncset.done $0x0  }
0x4f: {  	[sflag:s16] =	ssyncadd.s32 $0xFFFFFFD8  }
0x50: {  	_ =	swait.ge [sflag:s16], $0x1400  }
0x51: {  	[sflag:s16] =	ssyncset.done $0x0  }
0x52: {  	[sflag:s16] =	ssyncadd.s32 $0xFFFFEC00  }
0x53: {  	[spmem:s3] =	stream.indirect.scatter.add.f32 [tilespmem:s0], [sflag:$0x7], $0x80, s7, s28, $0xb8;
	[tilespmem:$0x1DE80] =	vst v63  }
0x54: {  	_ =	swait.ge [sflag:s31], $0x1400  }
0x55: {  	s24 =	rddreg [dreg:$0x17]  }
0x56: {  	[sflag:s31] =	ssyncset.done $0x0;
	s2 =	sshrl.u32 s24, $0x3  }
0x57: {  	[sflag:s31] =	ssyncadd.s32 $0xFFFFEC00;
	s5 =	sadd.s32 s29, s2  }
0x58: {  	[tilespmem:s7], [sflag:$0x1] =	stream.linear.gather [hbm4b:s5+s4], $0x28, $0x38;
	[tilespmem:$0x1DE80] =	vst v63  }
0x59: {  	s21 =	simm.s32 $0x13CF0  }
0x5a: {  	[tilespmem:s0], [sflag:$0x1] =	stream.indirect.gather [hbm4b:s1+s28], $0x80, s21, s28, $0xb8;
	[tilespmem:$0x1DE80] =	vst v63  }
0x5b: {  	_ =	swait.ge [sflag:s17], $0x28  }
0x5c: {  	[sflag:s17] =	ssyncset.done $0x0  }
0x5d: {  	[sflag:s17] =	ssyncadd.s32 $0xFFFFFFD8  }
0x5e: {  	_ =	swait.ge [sflag:s17], $0x1400  }
0x5f: {  	[sflag:s17] =	ssyncset.done $0x0  }
0x60: {  	[sflag:s17] =	ssyncadd.s32 $0xFFFFEC00  }
0x61: {  	[spmem:s3] =	stream.indirect.scatter.add.f32 [tilespmem:s20], [sflag:$0x7], $0x80, s6, s28, $0xb8;
	[tilespmem:$0x1DE80] =	vst v63  }
0x62: {  	_ =	swait.ge [sflag:s31], $0x1400  }
0x63: {  	[sflag:s31] =	ssyncset.done $0x0  }
0x64: {  	s2 =	rddreg [dreg:$0x16];
	[sflag:s31] =	ssyncadd.s32 $0xFFFFEC00  }
0x65: {  	[tilespmem:s6], [sflag:$0x2] =	stream.linear.gather [hbm4b:s2+s4], $0x28, $0x38;
	[tilespmem:$0x1DE80] =	vst v63  }
0x66: {  	s22 =	simm.s32 $0x13D18  }
0x67: {  	[tilespmem:s20], [sflag:$0x2] =	stream.indirect.gather [hbm4b:s1+s28], $0x80, s22, s28, $0xb8;
	[tilespmem:$0x1DE80] =	vst v63  }
0x68: {  	_ =	swait.ge [sflag:s18], $0x28  }
0x69: {  	[sflag:s18] =	ssyncset.done $0x0  }
0x6a: {  	[sflag:s18] =	ssyncadd.s32 $0xFFFFFFD8  }
0x6b: {  	_ =	swait.ge [sflag:s18], $0x1400  }
0x6c: {  	[sflag:s18] =	ssyncset.done $0x0  }
0x6d: {  	[sflag:s18] =	ssyncadd.s32 $0xFFFFEC00  }
0x6e: {  	[spmem:s3] =	stream.indirect.scatter.add.f32 [tilespmem:s9], [sflag:$0x7], $0x80, s8, s28, $0xb8;
	[tilespmem:$0x1DE80] =	vst v63  }
0x6f: {  	_ =	swait.ge [sflag:s31], $0x1400  }
0x70: {  	[sflag:s31] =	ssyncset.done $0x0  }
0x71: {  	s21 =	rddreg [dreg:$0x15];
	[sflag:s31] =	ssyncadd.s32 $0xFFFFEC00  }
0x72: {  	[tilespmem:s8], [sflag:$0x3] =	stream.linear.gather [hbm4b:s21+s4], $0x28, $0x38;
	[tilespmem:$0x1DE80] =	vst v63  }
0x73: {  	s23 =	simm.s32 $0x13D40  }
0x74: {  	[tilespmem:s9], [sflag:$0x3] =	stream.indirect.gather [hbm4b:s1+s28], $0x80, s23, s28, $0xb8;
	[tilespmem:$0x1DE80] =	vst v63  }
0x75: {  	_ =	swait.ge [sflag:s19], $0x28  }
0x76: {  	[sflag:s19] =	ssyncset.done $0x0  }
0x77: {  	[sflag:s19] =	ssyncadd.s32 $0xFFFFFFD8  }
0x78: {  	_ =	swait.ge [sflag:s19], $0x1400  }
0x79: {  	[sflag:s19] =	ssyncset.done $0x0  }
0x7a: {  	[sflag:s19] =	ssyncadd.s32 $0xFFFFEC00  }
0x7b: {  	[spmem:s3] =	stream.indirect.scatter.add.f32 [tilespmem:s11], [sflag:$0x7], $0x80, s10, s28, $0xb8;
	[tilespmem:$0x1DE80] =	vst v63  }
0x7c: {  	_ =	swait.ge [sflag:s31], $0x1400  }
0x7d: {  	[sflag:s31] =	ssyncset.done $0x0  }
0x7e: {  	s20 =	rddreg [dreg:$0x14];
	[sflag:s31] =	ssyncadd.s32 $0xFFFFEC00  }
0x7f: {  	[tilespmem:s10], [sflag:$0x4] =	stream.linear.gather [hbm4b:s20+s4], $0x28, $0x38;
	[tilespmem:$0x1DE80] =	vst v63  }
0x80: {  	s25 =	simm.s32 $0x13D68  }
0x81: {  	[tilespmem:s11], [sflag:$0x4] =	stream.indirect.gather [hbm4b:s1+s28], $0x80, s25, s28, $0xb8;
	[tilespmem:$0x1DE80] =	vst v63  }
0x82: {  	_ =	swait.ge [sflag:s30], $0x28  }
0x83: {  	[sflag:s30] =	ssyncset.done $0x0  }
0x84: {  	[sflag:s30] =	ssyncadd.s32 $0xFFFFFFD8  }
0x85: {  	_ =	swait.ge [sflag:s30], $0x1400  }
0x86: {  	[sflag:s30] =	ssyncset.done $0x0  }
0x87: {  	[sflag:s30] =	ssyncadd.s32 $0xFFFFEC00  }
0x88: {  	[spmem:s3] =	stream.indirect.scatter.add.f32 [tilespmem:s13], [sflag:$0x7], $0x80, s12, s28, $0xb8;
	[tilespmem:$0x1DE80] =	vst v63  }
0x89: {  	_ =	swait.ge [sflag:s31], $0x1400  }
0x8a: {  	[sflag:s31] =	ssyncset.done $0x0  }
0x8b: {  	s7 =	rddreg [dreg:$0x13];
	[sflag:s31] =	ssyncadd.s32 $0xFFFFEC00  }
0x8c: {  	[tilespmem:s12], [sflag:$0x5] =	stream.linear.gather [hbm4b:s7+s4], $0x28, $0x38;
	[tilespmem:$0x1DE80] =	vst v63  }
0x8d: {  	s0 =	simm.s32 $0x13D90  }
0x8e: {  	[tilespmem:s13], [sflag:$0x5] =	stream.indirect.gather [hbm4b:s1+s28], $0x80, s0, s28, $0xb8;
	[tilespmem:$0x1DE80] =	vst v63  }
0x8f: {  	_ =	swait.ge [sflag:s26], $0x28  }
0x90: {  	[sflag:s26] =	ssyncset.done $0x0  }
0x91: {  	[sflag:s26] =	ssyncadd.s32 $0xFFFFFFD8  }
0x92: {  	_ =	swait.ge [sflag:s26], $0x1400  }
0x93: {  	s24 =	sadd.s32 $0xF0, s24;
	[sflag:s26] =	ssyncset.done $0x0  }
0x94: {  	s5 =	simm.s32 $0x13DB8;
	s22 =	simm.s32 $0x3C0;
	[sflag:s26] =	ssyncadd.s32 $0xFFFFEC00  }
0x95: {  	[spmem:s3] =	stream.indirect.scatter.add.f32 [tilespmem:s15], [sflag:$0x7], $0x80, s14, s28, $0xb8;
	[tilespmem:$0x1DE80] =	vst v63  }
0x96: {  	s23 =	sadd.s32 $0x1E, s2;
	s25 =	sadd.s32 $0x1E, s20;
	_ =	swait.ge [sflag:s31], $0x1400  }
0x97: {  	s20 =	sadd.s32 $0x1E, s21;
	[sflag:s31] =	ssyncset.done $0x0;
	s6 =	rddreg [dreg:$0x12]  }
0x98: {  	s7 =	sadd.s32 $0x1E, s7;
	[sflag:s31] =	ssyncadd.s32 $0xFFFFEC00;
	s21 =	sadd.s32 $0x1E, s6  }
0x99: {  	[tilespmem:s14], [sflag:$0x6] =	stream.linear.gather [hbm4b:s6+s4], $0x28, $0x38;
	[tilespmem:$0x1DE80] =	vst v63  }
.LBB2_2:
0x9a: {  	[tilespmem:s15], [sflag:$0x6] =	stream.indirect.gather [hbm4b:s1+s28], $0x80, s5, s28, $0xb8;
	[tilespmem:$0x1DE80] =	vst v63  }
0x9b: {  	s5 =	smov.u32 s22  }
0x9c: {  	p0 =	sne.s32 s22, $0x9240;
	s22 =	sadd.s32 $0x3C0, s22;
	_ =	swait.ge [sflag:s16], $0x28  }
0x9d: {  	[sflag:s16] =	ssyncset.done $0x0  }
0x9e: {  	[sflag:s16] =	ssyncadd.s32 $0xFFFFFFD8  }
0x9f: {  	_ =	swait.ge [sflag:s16], $0x1400  }
0xa0: {  	[sflag:s16] =	ssyncset.done $0x0  }
0xa1: {  	s0 =	simm.s32 $0x16380;
	s6 =	simm.s32 $0x16680;
	[sflag:s16] =	ssyncadd.s32 $0xFFFFEC00  }
0xa2: {  	[spmem:s3] =	stream.indirect.scatter.add.f32 [tilespmem:s6], [sflag:$0x7], $0x80, s0, s28, $0xb8;
	[tilespmem:$0x1DE80] =	vst v63  }
0xa3: {  	_ =	swait.ge [sflag:s31], $0x1400  }
0xa4: {  	s2 =	sshrl.u32 s24, $0x3;
	[sflag:s31] =	ssyncset.done $0x0  }
0xa5: {  	s2 =	sadd.s32 s29, s2;
	s5 =	sshra.s32 s5, $0x2;
	[sflag:s31] =	ssyncadd.s32 $0xFFFFEC00  }
0xa6: {  	[tilespmem:s0], [sflag:$0x1] =	stream.linear.gather [hbm4b:s2+s4], $0x28, $0x38;
	[tilespmem:$0x1DE80] =	vst v63  }
0xa7: {  	s2 =	sadd.s32 $0x13CF0, s5  }
0xa8: {  	[tilespmem:s6], [sflag:$0x1] =	stream.indirect.gather [hbm4b:s1+s28], $0x80, s2, s28, $0xb8;
	[tilespmem:$0x1DE80] =	vst v63  }
0xa9: {  	_ =	swait.ge [sflag:s17], $0x28  }
0xaa: {  	[sflag:s17] =	ssyncset.done $0x0  }
0xab: {  	[sflag:s17] =	ssyncadd.s32 $0xFFFFFFD8  }
0xac: {  	_ =	swait.ge [sflag:s17], $0x1400  }
0xad: {  	[sflag:s17] =	ssyncset.done $0x0  }
0xae: {  	s0 =	simm.s32 $0x16400;
	s6 =	simm.s32 $0x17A80;
	[sflag:s17] =	ssyncadd.s32 $0xFFFFEC00  }
0xaf: {  	[spmem:s3] =	stream.indirect.scatter.add.f32 [tilespmem:s6], [sflag:$0x7], $0x80, s0, s28, $0xb8;
	[tilespmem:$0x1DE80] =	vst v63  }
0xb0: {  	_ =	swait.ge [sflag:s31], $0x1400  }
0xb1: {  	[sflag:s31] =	ssyncset.done $0x0  }
0xb2: {  	[sflag:s31] =	ssyncadd.s32 $0xFFFFEC00  }
0xb3: {  	[tilespmem:s0], [sflag:$0x2] =	stream.linear.gather [hbm4b:s23+s4], $0x28, $0x38;
	[tilespmem:$0x1DE80] =	vst v63  }
0xb4: {  	s2 =	sadd.s32 $0x13D18, s5  }
0xb5: {  	[tilespmem:s6], [sflag:$0x2] =	stream.indirect.gather [hbm4b:s1+s28], $0x80, s2, s28, $0xb8;
	[tilespmem:$0x1DE80] =	vst v63  }
0xb6: {  	_ =	swait.ge [sflag:s18], $0x28  }
0xb7: {  	[sflag:s18] =	ssyncset.done $0x0  }
0xb8: {  	[sflag:s18] =	ssyncadd.s32 $0xFFFFFFD8  }
0xb9: {  	_ =	swait.ge [sflag:s18], $0x1400  }
0xba: {  	[sflag:s18] =	ssyncset.done $0x0  }
0xbb: {  	[sflag:s18] =	ssyncadd.s32 $0xFFFFEC00  }
0xbc: {  	[spmem:s3] =	stream.indirect.scatter.add.f32 [tilespmem:s9], [sflag:$0x7], $0x80, s8, s28, $0xb8;
	[tilespmem:$0x1DE80] =	vst v63  }
0xbd: {  	_ =	swait.ge [sflag:s31], $0x1400  }
0xbe: {  	[sflag:s31] =	ssyncset.done $0x0  }
0xbf: {  	[sflag:s31] =	ssyncadd.s32 $0xFFFFEC00  }
0xc0: {  	[tilespmem:s8], [sflag:$0x3] =	stream.linear.gather [hbm4b:s20+s4], $0x28, $0x38;
	[tilespmem:$0x1DE80] =	vst v63  }
0xc1: {  	s2 =	sadd.s32 $0x13D40, s5  }
0xc2: {  	[tilespmem:s9], [sflag:$0x3] =	stream.indirect.gather [hbm4b:s1+s28], $0x80, s2, s28, $0xb8;
	[tilespmem:$0x1DE80] =	vst v63  }
0xc3: {  	_ =	swait.ge [sflag:s19], $0x28  }
0xc4: {  	[sflag:s19] =	ssyncset.done $0x0  }
0xc5: {  	[sflag:s19] =	ssyncadd.s32 $0xFFFFFFD8  }
0xc6: {  	_ =	swait.ge [sflag:s19], $0x1400  }
0xc7: {  	[sflag:s19] =	ssyncset.done $0x0  }
0xc8: {  	[sflag:s19] =	ssyncadd.s32 $0xFFFFEC00  }
0xc9: {  	[spmem:s3] =	stream.indirect.scatter.add.f32 [tilespmem:s11], [sflag:$0x7], $0x80, s10, s28, $0xb8;
	[tilespmem:$0x1DE80] =	vst v63  }
0xca: {  	_ =	swait.ge [sflag:s31], $0x1400  }
0xcb: {  	[sflag:s31] =	ssyncset.done $0x0  }
0xcc: {  	[sflag:s31] =	ssyncadd.s32 $0xFFFFEC00  }
0xcd: {  	[tilespmem:s10], [sflag:$0x4] =	stream.linear.gather [hbm4b:s25+s4], $0x28, $0x38;
	[tilespmem:$0x1DE80] =	vst v63  }
0xce: {  	s2 =	sadd.s32 $0x13D68, s5  }
0xcf: {  	[tilespmem:s11], [sflag:$0x4] =	stream.indirect.gather [hbm4b:s1+s28], $0x80, s2, s28, $0xb8;
	[tilespmem:$0x1DE80] =	vst v63  }
0xd0: {  	_ =	swait.ge [sflag:s30], $0x28  }
0xd1: {  	[sflag:s30] =	ssyncset.done $0x0  }
0xd2: {  	[sflag:s30] =	ssyncadd.s32 $0xFFFFFFD8  }
0xd3: {  	_ =	swait.ge [sflag:s30], $0x1400  }
0xd4: {  	[sflag:s30] =	ssyncset.done $0x0  }
0xd5: {  	[sflag:s30] =	ssyncadd.s32 $0xFFFFEC00  }
0xd6: {  	[spmem:s3] =	stream.indirect.scatter.add.f32 [tilespmem:s13], [sflag:$0x7], $0x80, s12, s28, $0xb8;
	[tilespmem:$0x1DE80] =	vst v63  }
0xd7: {  	_ =	swait.ge [sflag:s31], $0x1400  }
0xd8: {  	[sflag:s31] =	ssyncset.done $0x0  }
0xd9: {  	[sflag:s31] =	ssyncadd.s32 $0xFFFFEC00  }
0xda: {  	[tilespmem:s12], [sflag:$0x5] =	stream.linear.gather [hbm4b:s7+s4], $0x28, $0x38;
	[tilespmem:$0x1DE80] =	vst v63  }
0xdb: {  	s2 =	sadd.s32 $0x13D90, s5  }
0xdc: {  	[tilespmem:s13], [sflag:$0x5] =	stream.indirect.gather [hbm4b:s1+s28], $0x80, s2, s28, $0xb8;
	[tilespmem:$0x1DE80] =	vst v63  }
0xdd: {  	_ =	swait.ge [sflag:s26], $0x28  }
0xde: {  	[sflag:s26] =	ssyncset.done $0x0  }
0xdf: {  	[sflag:s26] =	ssyncadd.s32 $0xFFFFFFD8  }
0xe0: {  	_ =	swait.ge [sflag:s26], $0x1400  }
0xe1: {  	[sflag:s26] =	ssyncset.done $0x0  }
0xe2: {  	[sflag:s26] =	ssyncadd.s32 $0xFFFFEC00  }
0xe3: {  	[spmem:s3] =	stream.indirect.scatter.add.f32 [tilespmem:s15], [sflag:$0x7], $0x80, s14, s28, $0xb8;
	[tilespmem:$0x1DE80] =	vst v63  }
.Ltmp0:
0xe4: {  	_ =	swait.ge [sflag:s31], $0x1400;
	(pc) =	sbr.rel @p0 .LBB2_2-.Ltmp0, $4  }
0xe5: {  	s24 =	sadd.s32 $0xF0, s24;
	s23 =	sadd.s32 $0x1E, s23;
	[sflag:s31] =	ssyncset.done $0x0  }
0xe6: {  	s20 =	sadd.s32 $0x1E, s20;
	s25 =	sadd.s32 $0x1E, s25;
	[sflag:s31] =	ssyncadd.s32 $0xFFFFEC00  }
0xe7: {  	[tilespmem:s14], [sflag:$0x6] =	stream.linear.gather [hbm4b:s21+s4], $0x28, $0x38;
	[tilespmem:$0x1DE80] =	vst v63  }
0xe8: {  	s5 =	sadd.s32 $0x13DB8, s5;
	s7 =	sadd.s32 $0x1E, s7;
	s21 =	sadd.s32 $0x1E, s21  }
0xe9: {  	[tilespmem:s15], [sflag:$0x6] =	stream.indirect.gather [hbm4b:s1+s28], $0x80, s5, s28, $0xb8;
	[tilespmem:$0x1DE80] =	vst v63  }
0xea: {  	_ =	swait.ge [sflag:s16], $0x28  }
0xeb: {  	[sflag:s16] =	ssyncset.done $0x0  }
0xec: {  	[sflag:s16] =	ssyncadd.s32 $0xFFFFFFD8  }
0xed: {  	_ =	swait.ge [sflag:s16], $0x1400  }
0xee: {  	[sflag:s16] =	ssyncset.done $0x0  }
0xef: {  	s5 =	simm.s32 $0x16380;
	s0 =	simm.s32 $0x16680;
	[sflag:s16] =	ssyncadd.s32 $0xFFFFEC00  }
0xf0: {  	[spmem:s3] =	stream.indirect.scatter.add.f32 [tilespmem:s0], [sflag:$0x7], $0x80, s5, s28, $0xb8;
	[tilespmem:$0x1DE80] =	vst v63  }
0xf1: {  	_ =	swait.ge [sflag:s31], $0x1400  }
0xf2: {  	[sflag:s31] =	ssyncset.done $0x0  }
0xf3: {  	s2 =	rddreg [dreg:$0xd];
	[sflag:s31] =	ssyncadd.s32 $0xFFFFEC00  }
0xf4: {  	[tilespmem:s5], [sflag:$0x1] =	stream.linear.gather [hbm4b:s2+s4], $0x28, $0x38;
	[tilespmem:$0x1DE80] =	vst v63  }
0xf5: {  	s20 =	simm.s32 $0x16270  }
0xf6: {  	[tilespmem:s0], [sflag:$0x1] =	stream.indirect.gather [hbm4b:s1+s28], $0x80, s20, s28, $0xb8;
	[tilespmem:$0x1DE80] =	vst v63  }
0xf7: {  	_ =	swait.ge [sflag:s17], $0x28  }
0xf8: {  	[sflag:s17] =	ssyncset.done $0x0  }
0xf9: {  	[sflag:s17] =	ssyncadd.s32 $0xFFFFFFD8  }
0xfa: {  	_ =	swait.ge [sflag:s17], $0x1400  }
0xfb: {  	[sflag:s17] =	ssyncset.done $0x0  }
0xfc: {  	s6 =	simm.s32 $0x16400;
	s7 =	simm.s32 $0x17A80;
	[sflag:s17] =	ssyncadd.s32 $0xFFFFEC00  }
0xfd: {  	[spmem:s3] =	stream.indirect.scatter.add.f32 [tilespmem:s7], [sflag:$0x7], $0x80, s6, s28, $0xb8;
	[tilespmem:$0x1DE80] =	vst v63  }
0xfe: {  	_ =	swait.ge [sflag:s31], $0x1400  }
0xff: {  	[sflag:s31] =	ssyncset.done $0x0  }
0x100: {  	s21 =	rddreg [dreg:$0xe];
	[sflag:s31] =	ssyncadd.s32 $0xFFFFEC00  }
0x101: {  	[tilespmem:s6], [sflag:$0x2] =	stream.linear.gather [hbm4b:s21+s4], $0x28, $0x38;
	[tilespmem:$0x1DE80] =	vst v63  }
0x102: {  	s22 =	simm.s32 $0x16298  }
0x103: {  	[tilespmem:s7], [sflag:$0x2] =	stream.indirect.gather [hbm4b:s1+s28], $0x80, s22, s28, $0xb8;
	[tilespmem:$0x1DE80] =	vst v63  }
0x104: {  	_ =	swait.ge [sflag:s18], $0x28  }
0x105: {  	[sflag:s18] =	ssyncset.done $0x0  }
0x106: {  	[sflag:s18] =	ssyncadd.s32 $0xFFFFFFD8  }
0x107: {  	_ =	swait.ge [sflag:s18], $0x1400  }
0x108: {  	[sflag:s18] =	ssyncset.done $0x0  }
0x109: {  	[sflag:s18] =	ssyncadd.s32 $0xFFFFEC00  }
0x10a: {  	[spmem:s3] =	stream.indirect.scatter.add.f32 [tilespmem:s9], [sflag:$0x7], $0x80, s8, s28, $0xb8;
	[tilespmem:$0x1DE80] =	vst v63  }
0x10b: {  	_ =	swait.ge [sflag:s31], $0x1400  }
0x10c: {  	[sflag:s31] =	ssyncset.done $0x0  }
0x10d: {  	s23 =	rddreg [dreg:$0x18];
	[sflag:s31] =	ssyncadd.s32 $0xFFFFEC00  }
0x10e: {  	[tilespmem:s8], [sflag:$0x3] =	stream.linear.gather [hbm4b:s23+s4], $0x28, $0x38;
	[tilespmem:$0x1DE80] =	vst v63  }
0x10f: {  	s24 =	simm.s32 $0x162C0  }
0x110: {  	[tilespmem:s9], [sflag:$0x3] =	stream.indirect.gather [hbm4b:s1+s28], $0x80, s24, s28, $0xb8;
	[tilespmem:$0x1DE80] =	vst v63  }
0x111: {  	_ =	swait.ge [sflag:s19], $0x28  }
0x112: {  	[sflag:s19] =	ssyncset.done $0x0  }
0x113: {  	[sflag:s19] =	ssyncadd.s32 $0xFFFFFFD8  }
0x114: {  	_ =	swait.ge [sflag:s19], $0x1400  }
0x115: {  	[sflag:s19] =	ssyncset.done $0x0  }
0x116: {  	[sflag:s19] =	ssyncadd.s32 $0xFFFFEC00  }
0x117: {  	[spmem:s3] =	stream.indirect.scatter.add.f32 [tilespmem:s11], [sflag:$0x7], $0x80, s10, s28, $0xb8;
	[tilespmem:$0x1DE80] =	vst v63  }
0x118: {  	_ =	swait.ge [sflag:s31], $0x1400  }
0x119: {  	[sflag:s31] =	ssyncset.done $0x0  }
0x11a: {  	s25 =	rddreg [dreg:$0xf];
	[sflag:s31] =	ssyncadd.s32 $0xFFFFEC00  }
0x11b: {  	[tilespmem:s10], [sflag:$0x4] =	stream.linear.gather [hbm4b:s25+s4], $0x28, $0x38;
	[tilespmem:$0x1DE80] =	vst v63  }
0x11c: {  	s20 =	simm.s32 $0x162E8  }
0x11d: {  	[tilespmem:s11], [sflag:$0x4] =	stream.indirect.gather [hbm4b:s1+s28], $0x80, s20, s28, $0xb8;
	[tilespmem:$0x1DE80] =	vst v63  }
0x11e: {  	_ =	swait.ge [sflag:s30], $0x28  }
0x11f: {  	[sflag:s30] =	ssyncset.done $0x0  }
0x120: {  	[sflag:s30] =	ssyncadd.s32 $0xFFFFFFD8  }
0x121: {  	_ =	swait.ge [sflag:s30], $0x1400  }
0x122: {  	[sflag:s30] =	ssyncset.done $0x0  }
0x123: {  	[sflag:s30] =	ssyncadd.s32 $0xFFFFEC00  }
0x124: {  	[spmem:s3] =	stream.indirect.scatter.add.f32 [tilespmem:s13], [sflag:$0x7], $0x80, s12, s28, $0xb8;
	[tilespmem:$0x1DE80] =	vst v63  }
0x125: {  	_ =	swait.ge [sflag:s31], $0x1400  }
0x126: {  	[sflag:s31] =	ssyncset.done $0x0  }
0x127: {  	[sflag:s31] =	ssyncadd.s32 $0xFFFFEC00  }
0x128: {  	_ =	swait.ge [sflag:s26], $0x28  }
0x129: {  	[sflag:s26] =	ssyncset.done $0x0  }
0x12a: {  	[sflag:s26] =	ssyncadd.s32 $0xFFFFFFD8  }
0x12b: {  	_ =	swait.ge [sflag:s26], $0x1400  }
0x12c: {  	[sflag:s26] =	ssyncset.done $0x0  }
0x12d: {  	[sflag:s26] =	ssyncadd.s32 $0xFFFFEC00  }
0x12e: {  	[spmem:s3] =	stream.indirect.scatter.add.f32 [tilespmem:s15], [sflag:$0x7], $0x80, s14, s28, $0xb8;
	[tilespmem:$0x1DE80] =	vst v63  }
0x12f: {  	_ =	swait.ge [sflag:s31], $0x1400  }
0x130: {  	[sflag:s31] =	ssyncset.done $0x0  }
0x131: {  	[sflag:s31] =	ssyncadd.s32 $0xFFFFEC00  }
0x132: {  	_ =	swait.ge [sflag:s16], $0x28  }
0x133: {  	[sflag:s16] =	ssyncset.done $0x0  }
0x134: {  	[sflag:s16] =	ssyncadd.s32 $0xFFFFFFD8  }
0x135: {  	_ =	swait.ge [sflag:s16], $0x1400  }
0x136: {  	[sflag:s16] =	ssyncset.done $0x0  }
0x137: {  	[sflag:s16] =	ssyncadd.s32 $0xFFFFEC00  }
0x138: {  	[spmem:s3] =	stream.indirect.scatter.add.f32 [tilespmem:s0], [sflag:$0x7], $0x80, s5, s28, $0xb8;
	[tilespmem:$0x1DE80] =	vst v63  }
0x139: {  	_ =	swait.ge [sflag:s31], $0x1400  }
0x13a: {  	[sflag:s31] =	ssyncset.done $0x0  }
0x13b: {  	[sflag:s31] =	ssyncadd.s32 $0xFFFFEC00  }
0x13c: {  	_ =	swait.ge [sflag:s17], $0x28  }
0x13d: {  	[sflag:s17] =	ssyncset.done $0x0  }
0x13e: {  	[sflag:s17] =	ssyncadd.s32 $0xFFFFFFD8  }
0x13f: {  	_ =	swait.ge [sflag:s17], $0x1400  }
0x140: {  	[sflag:s17] =	ssyncset.done $0x0  }
0x141: {  	[sflag:s17] =	ssyncadd.s32 $0xFFFFEC00  }
0x142: {  	[spmem:s3] =	stream.indirect.scatter.add.f32 [tilespmem:s7], [sflag:$0x7], $0x80, s6, s28, $0xb8;
	[tilespmem:$0x1DE80] =	vst v63  }
0x143: {  	_ =	swait.ge [sflag:s31], $0x1400  }
0x144: {  	[sflag:s31] =	ssyncset.done $0x0  }
0x145: {  	[sflag:s31] =	ssyncadd.s32 $0xFFFFEC00  }
0x146: {  	_ =	swait.ge [sflag:s18], $0x28  }
0x147: {  	[sflag:s18] =	ssyncset.done $0x0  }
0x148: {  	[sflag:s18] =	ssyncadd.s32 $0xFFFFFFD8  }
0x149: {  	_ =	swait.ge [sflag:s18], $0x1400  }
0x14a: {  	[sflag:s18] =	ssyncset.done $0x0  }
0x14b: {  	[sflag:s18] =	ssyncadd.s32 $0xFFFFEC00  }
0x14c: {  	[spmem:s3] =	stream.indirect.scatter.add.f32 [tilespmem:s9], [sflag:$0x7], $0x80, s8, s28, $0xb8;
	[tilespmem:$0x1DE80] =	vst v63  }
0x14d: {  	_ =	swait.ge [sflag:s31], $0x1400  }
0x14e: {  	[sflag:s31] =	ssyncset.done $0x0  }
0x14f: {  	[sflag:s31] =	ssyncadd.s32 $0xFFFFEC00  }
0x150: {  	_ =	swait.ge [sflag:s19], $0x28  }
0x151: {  	[sflag:s19] =	ssyncset.done $0x0  }
0x152: {  	[sflag:s19] =	ssyncadd.s32 $0xFFFFFFD8  }
0x153: {  	_ =	swait.ge [sflag:s19], $0x1400  }
0x154: {  	[sflag:s19] =	ssyncset.done $0x0  }
0x155: {  	[sflag:s19] =	ssyncadd.s32 $0xFFFFEC00  }
0x156: {  	[spmem:s3] =	stream.indirect.scatter.add.f32 [tilespmem:s11], [sflag:$0x7], $0x80, s10, s28, $0xb8;
	[tilespmem:$0x1DE80] =	vst v63  }
0x157: {  	_ =	swait.ge [sflag:s31], $0x1400  }
0x158: {  	[sflag:s31] =	ssyncset.done $0x0  }
0x159: {  	[sflag:s31] =	ssyncadd.s32 $0xFFFFEC00  }
0x15a: {  	[bflag:$0x0] =	sbarrier.arrive $0xFFFF  }
0x15b: {  	s21 =	rddreg [dreg:$0x10]  }
0x15c: {  	s22 =	rddreg [dreg:$0x1a]  }
0x15d: {  	s23 =	rddreg [dreg:$0x1b]  }
0x15e: {  	[hbm:s21], [sflag:s22] =	dma.local [spmem:s23], $0x2780  }
0x15f: {  	_ =	swait.ge [sflag:s31], $0x2780  }
0x160: {  	s24 =	rddreg [dreg:$0x19]  }
0x161: {  	s25 =	rddreg [dreg:$0x11];
	s0 =	sadd.s32 $0x1, s24  }
0x162: {  	p0 =	sne.s32 s0, s25  }
.Ltmp1:
0x163: {  	_ = 	snop;
	(pc) =	sbr.rel @p0 .LBB2_1-.Ltmp1, $3  }
0x164: {  	_ =	sdelay $0x1  }
0x165: {  	[sflag:s31] =	ssyncset.done $0x0  }
0x166: {  	[sflag:s31] =	ssyncadd.s32 $0xFFFFD880  }
0x167: {  	_ =	sfence.sel $0x180000  }
0x168: {  	[bflag:$0x0] =	sbarrier.arrive $0xFFFF  }
0x169: {  	_ =	strace $0x9000004A  }
0x16a: {  	s0 =	stileid.u32;
	[bflag:$0x2] =	sbarrier.arrive $0xFFFF  }
0x16b: {  	p0 =	sne.s32 s0, $0x0;
	s0 =	rddreg [dreg:$0x3]  }
0x16c: {  	s0 =	sadd.s32 @!p0 $0x100000, s0  }
0x16d: {  	[sflag:s0] =	ssyncadd.tile.s32 @!p0 $0x1;
	_ =	shalt  }
.Lfunc_end2:
_tile_overlayer_lowered:
.L_overlay_start_2:
0x16e: {  	(tag) =	ssettag $0x2  }
0x16f: {  	s0 =	rddreg [dreg:$0x0];
	s2 =	stileid.u32  }
0x170: {  	s1 =	rddreg [dreg:$0x1];
	p0 =	sne.s32 s2, $0x0  }
0x171: {  	s3 =	rddreg [dreg:$0x2];
	[bflag:$0x3] =	sbarrier.arrive $0xFFFF;
	s2 =	simm.s32 @!p0 $0x1C07  }
0x172: {  	[timem:s3], [sflag:s2] =	dma.local @!p0 [hbm:s0], s1  }
0x173: {  	s0 =	simm.s32 @!p0 $0x7  }
0x174: {  	_ =	swait.ge @!p0 [sflag:s0], s1  }
0x175: {  	s1 =	ssub.s32 @!p0 $0x0, s1;
	[sflag:s0] =	ssyncset.done @!p0 $0x0  }
0x176: {  	[sflag:s0] =	ssyncadd.s32 @!p0 s1  }
0x177: {  	[bflag:$0x3] =	sbarrier.arrive $0xFFFF  }
0x178: {  	_ =	shalt  }

// kernel: kernel.15.cloned.1.call-start
scs
__scs_entry_jumppad:
0x0: {  	(pc) =	sbr.rel $0x88, $3  }
0x1: {  	(tag) =	ssettag $0x0;
	lr =	simm.s32 $0x1  }
0x2: {  	[smem:$0x3F93] =	sst lr;
	_ =	strace $0xD0000000  }
0x3: {  	_ = 	snop  }
0x4: {  	_ = 	snop  }
0x5: {  	_ = 	snop  }
0x6: {  	_ = 	snop  }
0x7: {  	_ = 	snop  }
__scs_overlays_trampoline_lowered:
0x8: {  	[smem:$0x3FA2] =	sst s0  }
0x9: {  	[smem:$0x3FA3] =	sst s1  }
0xa: {  	[smem:$0x3FA4] =	sst s2  }
0xb: {  	[smem:$0x3FA5] =	sst s3  }
0xc: {  	[smem:$0x3FA6] =	sst s4  }
0xd: {  	[smem:$0x3FA7] =	sst s5  }
0xe: {  	[smem:$0x3FA8] =	sst s6  }
0xf: {  	[smem:$0x3FA9] =	sst s7  }
0x10: {  	[smem:$0x3FAA] =	sst s8  }
0x11: {  	[smem:$0x3FAB] =	sst s9;
	s0 =	simm.s32 @!p0 $0x0  }
0x12: {  	s1 =	sld [smem:$0x3F91];
	s0 =	simm.s32 @p0 $0x1  }
0x13: {  	[smem:$0x3FAC] =	sst s0;
	s0 =	simm.s32 @!p1 $0x0  }
0x14: {  	s2 =	sld [smem:$0x3F90];
	s0 =	simm.s32 @p1 $0x1  }
0x15: {  	[smem:$0x3FAD] =	sst s0;
	s0 =	simm.s32 @!p2 $0x0  }
0x16: {  	s3 =	sld [smem:$0x3FDB];
	s0 =	simm.s32 @p2 $0x1  }
0x17: {  	s4 =	simm.s32 $0x1BF5;
	[smem:$0x3FAF] =	sst s0  }
0x18: {  	s0 =	sld [smem:$0x3F92];
	_ =	swait.ge [sflag:s4], $0x0  }
0x19: {  	s7 =	sld [smem:$0x3F93]  }
0x1a: {  	s8 =	sadd.s32 $0xFFFFE003, lr  }
0x1b: {  	s9 =	sadd.s32 $0xFFFFFEF7, lr;
	s5 =	simm.s32 $0xFFFFFFFF;
	p2 =	slt.u32 s8, $0xFFFFF086  }
0x1c: {  	p1 =	slt.u32 s9, $0xF7A;
	s5 =	simm.s32 @!p2 $0x0  }
0x1d: {  	s5 =	simm.s32 @p1 $0x1;
	p0 =	seq.s32 s7, s2  }
0x1e: {  	s7 =	smul.u32 @!p0 $0xF7A, s2;
	p2 =	seq.s32 @!p0 s5, $0x0  }
0x1f: {  	s9 =	smul.u32 $0xF7A, s1;
	s8 =	simm.s32 @!p0 $0x1BF5;
	p2 =	por !p2, p0  }
0x20: {  	[sflag:s8] =	ssyncset.s32 @!p0 $0xFFFFF086;
	s6 =	sadd.s32 @!p0 s3, s7;
	s7 =	simm.s32 @!p0 $0x108  }
0x21: {  	s3 =	sadd.s32 s3, s9;
	s6 =	sadd.s32 @!p0 $0x88, s6;
	s7 =	simm.s32 @p2 $0x1082  }
0x22: {  	[simem:s7], [sflag:s8] =	dma.local @!p0 [hbm:s6], $0xF7A  }
0x23: {  	s9 =	sor.u32 $0xD0000000, s2;
	s6 =	simm.s32 $0x108;
	_ =	swait.ge @!p0 [sflag:s8], $0x0  }
0x24: {  	s3 =	sadd.s32 $0x88, s3;
	s6 =	simm.s32 @!p1 $0x1082;
	[sflag:s4] =	ssyncset.s32 $0xFFFFF086  }
0x25: {  	[simem:s6], [sflag:s4] =	dma.local [hbm:s3], $0xF7A  }
0x26: {  	[smem:$0x3F93] =	sst s1;
	(tag) =	ssettag s2;
	_ =	strace s9  }
0x27: {  	s1 =	sld [smem:$0x3FA3]  }
0x28: {  	s2 =	sld [smem:$0x3FA4]  }
0x29: {  	s4 =	sld [smem:$0x3FA6]  }
0x2a: {  	p0 =	seq.s32 s5, $0x0;
	s5 =	sld [smem:$0x3FA7]  }
0x2b: {  	s6 =	sld [smem:$0x3FA8]  }
0x2c: {  	s7 =	sld [smem:$0x3FA9]  }
0x2d: {  	s3 =	simm.s32 $0x108;
	s8 =	sld [smem:$0x3FAA]  }
0x2e: {  	s3 =	simm.s32 @!p0 $0x1082;
	s9 =	sld [smem:$0x3FAB]  }
0x2f: {  	lr =	sadd.s32 s0, s3;
	s0 =	sld [smem:$0x3FA2]  }
0x30: {  	s3 =	sld [smem:$0x3FA5]  }
0x31: {  	[smem:$0x3FAE] =	sst s10  }
0x32: {  	s10 =	sld [smem:$0x3FAC];
	_ =	sdelay $0x3  }
0x33: {  	p0 =	seq.s32 s10, $0x1;
	s10 =	sld [smem:$0x3FAE];
	_ =	sdelay $0x3  }
0x34: {  	[smem:$0x3FAE] =	sst s10  }
0x35: {  	s10 =	sld [smem:$0x3FAD];
	_ =	sdelay $0x3  }
0x36: {  	p1 =	seq.s32 s10, $0x1;
	s10 =	sld [smem:$0x3FAE];
	_ =	sdelay $0x3  }
0x37: {  	[smem:$0x3FAE] =	sst s10  }
0x38: {  	s10 =	sld [smem:$0x3FAF]  }
0x39: {  	_ = 	snop;
	(pc) =	sbr.ind lr, $3  }
0x3a: {  	_ = 	snop  }
0x3b: {  	_ = 	snop  }
0x3c: {  	p2 =	seq.s32 s10, $0x1;
	s10 =	sld [smem:$0x3FAE]  }
0x3d: {  	_ =	shalt  }
0x3e: {  	_ =	shalt  }
0x3f: {  	_ =	shalt  }
0x40: {  	_ =	shalt  }
0x41: {  	_ =	shalt  }
0x42: {  	_ =	shalt  }
0x43: {  	_ =	shalt  }
0x44: {  	_ =	shalt  }
0x45: {  	_ =	shalt  }
0x46: {  	_ =	shalt  }
0x47: {  	_ =	shalt  }
0x48: {  	_ =	shalt  }
0x49: {  	_ =	shalt  }
0x4a: {  	_ =	shalt  }
0x4b: {  	_ =	shalt  }
0x4c: {  	_ =	shalt  }
0x4d: {  	_ =	shalt  }
0x4e: {  	_ =	shalt  }
0x4f: {  	_ =	shalt  }
0x50: {  	_ =	shalt  }
0x51: {  	_ =	shalt  }
0x52: {  	_ =	shalt  }
0x53: {  	_ =	shalt  }
0x54: {  	_ =	shalt  }
0x55: {  	_ =	shalt  }
0x56: {  	_ =	shalt  }
0x57: {  	_ =	shalt  }
0x58: {  	_ =	shalt  }
0x59: {  	_ =	shalt  }
0x5a: {  	_ =	shalt  }
0x5b: {  	_ =	shalt  }
0x5c: {  	_ =	shalt  }
0x5d: {  	_ =	shalt  }
0x5e: {  	_ =	shalt  }
0x5f: {  	_ =	shalt  }
0x60: {  	_ =	shalt  }
0x61: {  	_ =	shalt  }
0x62: {  	_ =	shalt  }
0x63: {  	_ =	shalt  }
0x64: {  	_ =	shalt  }
0x65: {  	_ =	shalt  }
0x66: {  	_ =	shalt  }
0x67: {  	_ =	shalt  }
0x68: {  	_ =	shalt  }
0x69: {  	_ =	shalt  }
0x6a: {  	_ =	shalt  }
0x6b: {  	_ =	shalt  }
0x6c: {  	_ =	shalt  }
0x6d: {  	_ =	shalt  }
0x6e: {  	_ =	shalt  }
0x6f: {  	_ =	shalt  }
0x70: {  	_ =	shalt  }
0x71: {  	_ =	shalt  }
0x72: {  	_ =	shalt  }
0x73: {  	_ =	shalt  }
0x74: {  	_ =	shalt  }
0x75: {  	_ =	shalt  }
0x76: {  	_ =	shalt  }
0x77: {  	_ =	shalt  }
0x78: {  	_ =	shalt  }
0x79: {  	_ =	shalt  }
0x7a: {  	_ =	shalt  }
0x7b: {  	_ =	shalt  }
0x7c: {  	_ =	shalt  }
0x7d: {  	_ =	shalt  }
0x7e: {  	_ =	shalt  }
0x7f: {  	_ =	shalt  }
0x80: {  	_ =	shalt  }
0x81: {  	_ =	shalt  }
0x82: {  	_ =	shalt  }
0x83: {  	_ =	shalt  }
0x84: {  	_ =	shalt  }
0x85: {  	_ =	shalt  }
0x86: {  	_ =	shalt  }
0x87: {  	_ =	shalt  }
.Lfunc_end0:
.L_simem_size_0:
called_computation.2_lowered:
.L_overlay_start_0:
0x88: {  	s2 =	sld [smem:$0x3FD9]  }
0x89: {  	s3 =	sld [smem:$0x3FFE];
	_ =	sdelay $0x1  }
0x8a: {  	s1 =	srdreg.scid  }
0x8b: {  	s0 =	sand.u32 $0x1, s1  }
0x8c: {  	s17 =	sshll.u32 s0, $0xA;
	s2 =	sadd.s32 s3, s2  }
0x8d: {  	s2 =	sadd.s32 s2, s17  }
0x8e: {  	[smem:$0x3FBA] =	sst s2  }
0x8f: {  	_ = 	snop  }
0x90: {  	s2 =	sld [smem:$0x3FD0];
	(tm) =	ssettm $0x1  }
0x91: {  	s18 =	sld [smem:$0x3FFB];
	_ =	sdelay $0x3  }
0x92: {  	_ =	strace s18  }
0x93: {  	s3 =	sld [smem:$0x3FFC];
	_ =	sdelay $0x3  }
0x94: {  	_ =	strace s3  }
0x95: {  	s3 =	sld [smem:$0x3FFD];
	_ =	sdelay $0x3  }
0x96: {  	_ =	strace s3  }
0x97: {  	_ =	strace $0x8FFFFFFF  }
0x98: {  	s19 =	sld [smem:$0x3FDB];
	_ =	sdelay $0x1  }
0x99: {  	s4 =	simm.s32 $_scs_section_size  }
0x9a: {  	s5 =	simm.s32 $_size__tile_overlayer_lowered;
	s6 =	simm.s32 $_tile_overlayer_lowered  }
0x9b: {  	s22 =	simm.s32 $0x1BFF;
	s21 =	sshll.u32 s6, $0x1;
	s3 =	sadd.s32 s4, s19  }
0x9c: {  	s7 =	simm.s32 $0x0;
	s20 =	sshll.u32 s5, $0x1;
	s5 =	sadd.s32 s21, s3  }
0x9d: {  	[timem:s7], [sflag:s22] =	dma.local [hbm:s5], s20  }
0x9e: {  	_ =	swait.ge [sflag:s22], s20  }
0x9f: {  	s4 =	ssub.s32 $0x0, s20;
	[sflag:s22] =	ssyncset.done $0x0  }
0xa0: {  	[sflag:s22] =	ssyncadd.s32 s4;
	_ =	sdelay $0x1  }
0xa1: {  	s23 =	simm.s32 $0x1B8B  }
0xa2: {  	_ =	swait.ge [sflag:s23], $0x1  }
0xa3: {  	[sflag:s23] =	ssyncset.done $0x0  }
0xa4: {  	s25 =	simm.s32 $0x1B8E;
	s24 =	sld [smem:$0x3FFE];
	[sflag:s23] =	ssyncadd.s32 $0xFFFFFFFF  }
0xa5: {  	s26 =	simm.s32 $execute0_lowered;
	[smem:$0x3FD2] =	sst s25  }
0xa6: {  	s5 =	sshll.u32 s26, $0x1;
	_ =	strace $0x8000004C;
	[dreg:$0x1] =	wrdreg $0xFFFFFFFF  }
0xa7: {  	s28 =	simm.s32 $_size_execute0_lowered;
	s3 =	sadd.s32 s3, s5;
	[dreg:$0x0] =	wrdreg $0x0  }
0xa8: {  	s5 =	sshll.u32 s28, $0x1;
	[dreg:$0x2] =	wrdreg s3  }
0xa9: {  	[dreg:$0x3] =	wrdreg s5  }
0xaa: {  	[dreg:$0x4] =	wrdreg $0xC0  }
0xab: {  	_ =	task [dreg:s7], $0x5FFFF  }
0xac: {  	[dreg:$0x1] =	wrdreg $0xFFFFFFFF  }
0xad: {  	[dreg:$0x0] =	wrdreg $0x60  }
0xae: {  	[dreg:$0x2] =	wrdreg s2  }
0xaf: {  	[dreg:$0x3] =	wrdreg s24  }
0xb0: {  	[dreg:$0x4] =	wrdreg $0x0  }
0xb1: {  	[dreg:$0x5] =	wrdreg $0x9  }
0xb2: {  	_ =	task.clear_ibuf [dreg:s7], $0x6FFFF;
	_ =	strace $0x9000004C  }
0xb3: {  	s29 =	simm.s32 $0x9;
	_ =	strace $0x8000004E  }
0xb4: {  	_ =	swait.ge [sflag:s29], $0x1  }
0xb5: {  	[sflag:s29] =	ssyncadd.s32 $0xFFFFFFFF  }
0xb6: {  	_ =	strace $0x9000004E  }
0xb7: {  	_ =	sfence  }
0xb8: {  	s30 =	sld [smem:$0x0];
	_ =	sdelay $0x2  }
0xb9: {  	s31 =	sshll.u32 s1, $0xD;
	s1 =	sshrl.u32 s1, $0x2  }
0xba: {  	s3 =	sand.u32 $0x4000, s31;
	s1 =	sadd.s32 s1, s30  }
0xbb: {  	s0 =	sor.u32 s3, s0;
	s1 =	sshll.u32 s1, $0x11  }
0xbc: {  	s0 =	sor.u32 s1, s0  }
0xbd: {  	s0 =	sadd.s32 $0x8F2B, s0  }
0xbe: {  	[sflag:s0] =	ssyncadd.remote.s32 $0x1  }
0xbf: {  	_ =	sfence.sel $0xFFFF  }
0xc0: {  	[dreg:$0x0] =	wrdreg $0xFFFFFFFF;
	(pc) =	sbr.abs _section_cstart, $3  }
0xc1: {  	[dreg:$0x1] =	wrdreg $0xFFFFFFFF  }
0xc2: {  	_ =	task.clear_ibuf [dreg:s7], $0x2FFFF;
	_ =	strace $0x9FFFFFFF  }
0xc3: {  	(tm) =	ssettm $0x7FFFFFFF  }
tec
execute0_lowered:
.L_overlay_start_1:
0x0: {  	(tag) =	ssettag $0x1  }
0x1: {  	s0 =	srdreg.scid;
	s1 =	rddreg [dreg:$0x0]  }
0x2: {  	s11 =	stileid.u32;
	s5 =	rddreg [dreg:$0x1]  }
0x3: {  	s3 =	rddreg [dreg:$0x2];
	s31 =	simm.s32 $0x7;
	s16 =	smul.u32 $0x13C00, s11  }
0x4: {  	s28 =	simm.s32 $0x28;
	s30 =	simm.s32 $0x5;
	s24 =	smul.u32 $0x4F000, s11  }
0x5: {  	s0 =	sand.u32 $0x1, s0;
	s15 =	sshll.u32 s11, $0x7;
	s13 =	smul.u32 $0x2710, s11  }
0x6: {  	s29 =	sadd.s32 $0x2A00, s5;
	s2 =	sshll.u32 s0, $0x4;
	s8 =	smul.u32 $0x13C000, s0  }
0x7: {  	s7 =	sand.u32 $0x380, s15;
	s17 =	ssub.s32 $0x2, s0;
	s0 =	smul.u32 $0x27100, s0  }
0x8: {  	s2 =	sor.u32 s11, s2;
	s9 =	sshrl.u32 s16, $0x3;
	s18 =	sshrl.u32 s17, $0x1  }
0x9: {  	s11 =	simm.s32 $0x1A280;
	s4 =	sshrl.u32 s2, $0x3;
	s2 =	smul.u32 $0x2710, s2  }
0xa: {  	s9 =	sadd.s32 s9, s5;
	s6 =	smul.u32 $0x13C00, s4;
	s4 =	simm.s32 $0x0  }
0xb: {  	s0 =	sadd.s32 s13, s0;
	s13 =	simm.s32 $0x1B680;
	[smem:$0x7FF] =	sst s4  }
0xc: {  	s19 =	sshrl.u32 s2, $0x3;
	s10 =	sadd.s32 $0x28, s2;
	s22 =	sadd.s32 $0x78, s2  }
0xd: {  	s23 =	sadd.s32 $0xC8, s2;
	s15 =	sadd.s32 $0x2698, s2;
	s2 =	sadd.s32 $0x26E8, s2  }
0xe: {  	s6 =	sor.u32 s7, s6;
	_ =	strace $0x8000004D;
	s7 =	sadd.s32 s16, s8  }
0xf: {  	s12 =	sadd.s32 s29, s19;
	s20 =	sshrl.u32 s10, $0x3;
	s26 =	sshrl.u32 s23, $0x3  }
0x10: {  	s8 =	sshrl.u32 s24, $0x2;
	s10 =	sadd.s32 $0x16600, s9;
	s2 =	sshrl.u32 s2, $0x3  }
0x11: {  	s23 =	sadd.s32 $0x118, s0;
	s9 =	simm.s32 $0x18E80;
	[dreg:$0xc] =	wrdreg s10  }
0x12: {  	s6 =	sshrl.u32 s6, $0x3;
	s21 =	sadd.s32 $0xA, s12;
	[dreg:$0x5] =	wrdreg s12  }
0x13: {  	s7 =	sshrl.u32 s7, $0x3;
	s25 =	sadd.s32 $0x14, s12;
	[dreg:$0x7] =	wrdreg s21  }
0x14: {  	s14 =	sadd.s32 $0x4CE, s12;
	s2 =	sadd.s32 s29, s2;
	[dreg:$0x9] =	wrdreg s25  }
0x15: {  	s10 =	simm.s32 $0x16500;
	s6 =	sadd.s32 s6, s5;
	[dreg:$0xd] =	wrdreg s14  }
0x16: {  	s5 =	sadd.s32 s7, s5;
	s7 =	ssub.s32 s17, s18;
	[dreg:$0xf] =	wrdreg s2  }
0x17: {  	s17 =	sadd.s32 $0x1B8, s0;
	s18 =	sadd.s32 $0x190, s0;
	s21 =	sadd.s32 $0x168, s0  }
0x18: {  	s25 =	sshrl.u32 s23, $0x3;
	s14 =	simm.s32 $0x16600;
	s6 =	sadd.s32 $0xC800, s6  }
0x19: {  	s5 =	sadd.s32 $0x3DE00, s5;
	s2 =	sshrl.u32 s17, $0x3;
	[dreg:$0x4] =	wrdreg s6  }
0x1a: {  	s19 =	smax.u32 s7, $0x1;
	s17 =	simm.s32 $0x2;
	[dreg:$0x10] =	wrdreg s5  }
0x1b: {  	s6 =	sadd.s32 s29, s20;
	[dreg:$0x11] =	wrdreg s19;
	s2 =	sadd.s32 s2, s29  }
0x1c: {  	s20 =	sshrl.u32 s18, $0x3;
	s18 =	simm.s32 $0x3;
	[dreg:$0x6] =	wrdreg s6  }
0x1d: {  	s6 =	sshrl.u32 s22, $0x3;
	[dreg:$0x12] =	wrdreg s2;
	s2 =	sadd.s32 s20, s29  }
0x1e: {  	s22 =	sadd.s32 $0x140, s0;
	s0 =	sadd.s32 $0xF0, s0;
	[dreg:$0x13] =	wrdreg s2  }
0x1f: {  	s19 =	simm.s32 $0x4;
	s6 =	sadd.s32 s29, s6;
	[dreg:$0x17] =	wrdreg s0  }
0x20: {  	s2 =	sshrl.u32 s21, $0x3;
	[dreg:$0x8] =	wrdreg s6;
	s6 =	sadd.s32 s29, s26  }
0x21: {  	s5 =	sshrl.u32 s22, $0x3;
	s2 =	sadd.s32 s2, s29;
	[dreg:$0xa] =	wrdreg s6  }
0x22: {  	s0 =	simm.s32 $0x0;
	s24 =	sadd.s32 s5, s29;
	[dreg:$0x14] =	wrdreg s2  }
0x23: {  	s26 =	sadd.s32 $0x4D8, s12;
	s12 =	simm.s32 $0x16580;
	[dreg:$0x15] =	wrdreg s24  }
0x24: {  	s6 =	sadd.s32 s8, s3;
	s8 =	sshrl.u32 s15, $0x3;
	[dreg:$0x18] =	wrdreg s26  }
0x25: {  	s2 =	sadd.s32 s25, s29;
	s15 =	simm.s32 $0x1CA80;
	[dreg:$0xb] =	wrdreg s6  }
0x26: {  	s26 =	simm.s32 $0x6;
	s16 =	sadd.s32 s29, s8;
	[dreg:$0x16] =	wrdreg s2  }
0x27: {  	s8 =	simm.s32 $0x16480;
	[dreg:$0xe] =	wrdreg s16;
	s16 =	simm.s32 $0x1  }
.LBB2_1:
0x28: {  	[dreg:$0x19] =	wrdreg s0  }
0x29: {  	s2 =	rddreg [dreg:$0x4]  }
0x2a: {  	s5 =	simm.s32 $0x80;
	s7 =	simm.s32 $0x400;
	s20 =	simm.s32 $0x13C00  }
0x2b: {  	[tilespmem:s20], [sflag:$0x7] =	stream.strided.gather [hbm4b:s2+s5], $0x2780, s7, s5, $0x38;
	[tilespmem:$0x1DE80] =	vst v63  }
0x2c: {  	_ =	swait.ge [sflag:s31], $0x2780  }
0x2d: {  	[sflag:s31] =	ssyncset.done $0x0  }
0x2e: {  	s7 =	simm.s32 $0x16380;
	s23 =	rddreg [dreg:$0x5];
	[sflag:s31] =	ssyncadd.s32 $0xFFFFD880  }
0x2f: {  	[tilespmem:s7], [sflag:$0x1] =	stream.linear.gather [hbm4b:s23+s4], $0x28, $0x38;
	[tilespmem:$0x1DE80] =	vst v63  }
0x30: {  	s0 =	simm.s32 $0x16680  }
0x31: {  	[tilespmem:s0], [sflag:$0x1] =	stream.indirect.gather [hbm4b:s1+s28], $0x80, s20, s28, $0xb8;
	[tilespmem:$0x1DE80] =	vst v63  }
0x32: {  	s6 =	simm.s32 $0x16400;
	s24 =	rddreg [dreg:$0x6]  }
0x33: {  	[tilespmem:s6], [sflag:$0x2] =	stream.linear.gather [hbm4b:s24+s4], $0x28, $0x38;
	[tilespmem:$0x1DE80] =	vst v63  }
0x34: {  	s25 =	simm.s32 $0x13C28;
	s20 =	simm.s32 $0x17A80  }
0x35: {  	[tilespmem:s20], [sflag:$0x2] =	stream.indirect.gather [hbm4b:s1+s28], $0x80, s25, s28, $0xb8;
	[tilespmem:$0x1DE80] =	vst v63  }
0x36: {  	s5 =	rddreg [dreg:$0x7]  }
0x37: {  	[tilespmem:s8], [sflag:$0x3] =	stream.linear.gather [hbm4b:s5+s4], $0x28, $0x38;
	[tilespmem:$0x1DE80] =	vst v63  }
0x38: {  	s21 =	simm.s32 $0x13C50  }
0x39: {  	[tilespmem:s9], [sflag:$0x3] =	stream.indirect.gather [hbm4b:s1+s28], $0x80, s21, s28, $0xb8;
	[tilespmem:$0x1DE80] =	vst v63  }
0x3a: {  	s22 =	rddreg [dreg:$0x8]  }
0x3b: {  	[tilespmem:s10], [sflag:$0x4] =	stream.linear.gather [hbm4b:s22+s4], $0x28, $0x38;
	[tilespmem:$0x1DE80] =	vst v63  }
0x3c: {  	s23 =	simm.s32 $0x13C78  }
0x3d: {  	[tilespmem:s11], [sflag:$0x4] =	stream.indirect.gather [hbm4b:s1+s28], $0x80, s23, s28, $0xb8;
	[tilespmem:$0x1DE80] =	vst v63  }
0x3e: {  	s24 =	rddreg [dreg:$0x9]  }
0x3f: {  	[tilespmem:s12], [sflag:$0x5] =	stream.linear.gather [hbm4b:s24+s4], $0x28, $0x38;
	[tilespmem:$0x1DE80] =	vst v63  }
0x40: {  	s25 =	simm.s32 $0x13CA0;
	s5 =	rddreg [dreg:$0xa];
	s22 =	stileid.u32  }
0x41: {  	[tilespmem:s13], [sflag:$0x5] =	stream.indirect.gather [hbm4b:s1+s28], $0x80, s25, s28, $0xb8;
	[tilespmem:$0x1DE80] =	vst v63  }
0x42: {  	s23 =	sshll.u32 s22, $0x6;
	s24 =	rddreg [dreg:$0xb]  }
0x43: {  	[tilespmem:s14], [sflag:$0x6] =	stream.linear.gather [hbm4b:s5+s4], $0x28, $0x38;
	[tilespmem:$0x1DE80] =	vst v63  }
0x44: {  	s21 =	simm.s32 $0x13CC8;
	s25 =	rddreg [dreg:$0xc];
	s5 =	sor.u32 $0x1C07, s23  }
0x45: {  	[tilespmem:s15], [sflag:$0x6] =	stream.indirect.gather [hbm4b:s1+s28], $0x80, s21, s28, $0xb8;
	[tilespmem:$0x1DE80] =	vst v63  }
0x46: {  	[dreg:$0x1a] =	wrdreg s5;
	s21 =	sshrl.u32 s24, $0x3  }
0x47: {  	[dreg:$0x1b] =	wrdreg s21  }
0x48: {  	[spmem:s21], [sflag:s5] =	dma.local [hbm:s25], $0x2780  }
0x49: {  	_ =	swait.ge [sflag:s31], $0x2780  }
0x4a: {  	[sflag:s31] =	ssyncset.done $0x0  }
0x4b: {  	[sflag:s31] =	ssyncadd.s32 $0xFFFFD880  }
0x4c: {  	[bflag:$0x0] =	sbarrier.arrive $0xFFFF  }
0x4d: {  	_ =	swait.ge [sflag:s16], $0x28  }
0x4e: {  	[sflag:s16] =	ssyncset.done $0x0  }
0x4f: {  	[sflag:s16] =	ssyncadd.s32 $0xFFFFFFD8  }
0x50: {  	_ =	swait.ge [sflag:s16], $0x1400  }
0x51: {  	[sflag:s16] =	ssyncset.done $0x0  }
0x52: {  	[sflag:s16] =	ssyncadd.s32 $0xFFFFEC00  }
0x53: {  	[spmem:s3] =	stream.indirect.scatter.add.f32 [tilespmem:s0], [sflag:$0x7], $0x80, s7, s28, $0xb8;
	[tilespmem:$0x1DE80] =	vst v63  }
0x54: {  	_ =	swait.ge [sflag:s31], $0x1400  }
0x55: {  	s24 =	rddreg [dreg:$0x17]  }
0x56: {  	[sflag:s31] =	ssyncset.done $0x0;
	s2 =	sshrl.u32 s24, $0x3  }
0x57: {  	[sflag:s31] =	ssyncadd.s32 $0xFFFFEC00;
	s5 =	sadd.s32 s29, s2  }
0x58: {  	[tilespmem:s7], [sflag:$0x1] =	stream.linear.gather [hbm4b:s5+s4], $0x28, $0x38;
	[tilespmem:$0x1DE80] =	vst v63  }
0x59: {  	s21 =	simm.s32 $0x13CF0  }
0x5a: {  	[tilespmem:s0], [sflag:$0x1] =	stream.indirect.gather [hbm4b:s1+s28], $0x80, s21, s28, $0xb8;
	[tilespmem:$0x1DE80] =	vst v63  }
0x5b: {  	_ =	swait.ge [sflag:s17], $0x28  }
0x5c: {  	[sflag:s17] =	ssyncset.done $0x0  }
0x5d: {  	[sflag:s17] =	ssyncadd.s32 $0xFFFFFFD8  }
0x5e: {  	_ =	swait.ge [sflag:s17], $0x1400  }
0x5f: {  	[sflag:s17] =	ssyncset.done $0x0  }
0x60: {  	[sflag:s17] =	ssyncadd.s32 $0xFFFFEC00  }
0x61: {  	[spmem:s3] =	stream.indirect.scatter.add.f32 [tilespmem:s20], [sflag:$0x7], $0x80, s6, s28, $0xb8;
	[tilespmem:$0x1DE80] =	vst v63  }
0x62: {  	_ =	swait.ge [sflag:s31], $0x1400  }
0x63: {  	[sflag:s31] =	ssyncset.done $0x0  }
0x64: {  	s2 =	rddreg [dreg:$0x16];
	[sflag:s31] =	ssyncadd.s32 $0xFFFFEC00  }
0x65: {  	[tilespmem:s6], [sflag:$0x2] =	stream.linear.gather [hbm4b:s2+s4], $0x28, $0x38;
	[tilespmem:$0x1DE80] =	vst v63  }
0x66: {  	s22 =	simm.s32 $0x13D18  }
0x67: {  	[tilespmem:s20], [sflag:$0x2] =	stream.indirect.gather [hbm4b:s1+s28], $0x80, s22, s28, $0xb8;
	[tilespmem:$0x1DE80] =	vst v63  }
0x68: {  	_ =	swait.ge [sflag:s18], $0x28  }
0x69: {  	[sflag:s18] =	ssyncset.done $0x0  }
0x6a: {  	[sflag:s18] =	ssyncadd.s32 $0xFFFFFFD8  }
0x6b: {  	_ =	swait.ge [sflag:s18], $0x1400  }
0x6c: {  	[sflag:s18] =	ssyncset.done $0x0  }
0x6d: {  	[sflag:s18] =	ssyncadd.s32 $0xFFFFEC00  }
0x6e: {  	[spmem:s3] =	stream.indirect.scatter.add.f32 [tilespmem:s9], [sflag:$0x7], $0x80, s8, s28, $0xb8;
	[tilespmem:$0x1DE80] =	vst v63  }
0x6f: {  	_ =	swait.ge [sflag:s31], $0x1400  }
0x70: {  	[sflag:s31] =	ssyncset.done $0x0  }
0x71: {  	s21 =	rddreg [dreg:$0x15];
	[sflag:s31] =	ssyncadd.s32 $0xFFFFEC00  }
0x72: {  	[tilespmem:s8], [sflag:$0x3] =	stream.linear.gather [hbm4b:s21+s4], $0x28, $0x38;
	[tilespmem:$0x1DE80] =	vst v63  }
0x73: {  	s23 =	simm.s32 $0x13D40  }
0x74: {  	[tilespmem:s9], [sflag:$0x3] =	stream.indirect.gather [hbm4b:s1+s28], $0x80, s23, s28, $0xb8;
	[tilespmem:$0x1DE80] =	vst v63  }
0x75: {  	_ =	swait.ge [sflag:s19], $0x28  }
0x76: {  	[sflag:s19] =	ssyncset.done $0x0  }
0x77: {  	[sflag:s19] =	ssyncadd.s32 $0xFFFFFFD8  }
0x78: {  	_ =	swait.ge [sflag:s19], $0x1400  }
0x79: {  	[sflag:s19] =	ssyncset.done $0x0  }
0x7a: {  	[sflag:s19] =	ssyncadd.s32 $0xFFFFEC00  }
0x7b: {  	[spmem:s3] =	stream.indirect.scatter.add.f32 [tilespmem:s11], [sflag:$0x7], $0x80, s10, s28, $0xb8;
	[tilespmem:$0x1DE80] =	vst v63  }
0x7c: {  	_ =	swait.ge [sflag:s31], $0x1400  }
0x7d: {  	[sflag:s31] =	ssyncset.done $0x0  }
0x7e: {  	s20 =	rddreg [dreg:$0x14];
	[sflag:s31] =	ssyncadd.s32 $0xFFFFEC00  }
0x7f: {  	[tilespmem:s10], [sflag:$0x4] =	stream.linear.gather [hbm4b:s20+s4], $0x28, $0x38;
	[tilespmem:$0x1DE80] =	vst v63  }
0x80: {  	s25 =	simm.s32 $0x13D68  }
0x81: {  	[tilespmem:s11], [sflag:$0x4] =	stream.indirect.gather [hbm4b:s1+s28], $0x80, s25, s28, $0xb8;
	[tilespmem:$0x1DE80] =	vst v63  }
0x82: {  	_ =	swait.ge [sflag:s30], $0x28  }
0x83: {  	[sflag:s30] =	ssyncset.done $0x0  }
0x84: {  	[sflag:s30] =	ssyncadd.s32 $0xFFFFFFD8  }
0x85: {  	_ =	swait.ge [sflag:s30], $0x1400  }
0x86: {  	[sflag:s30] =	ssyncset.done $0x0  }
0x87: {  	[sflag:s30] =	ssyncadd.s32 $0xFFFFEC00  }
0x88: {  	[spmem:s3] =	stream.indirect.scatter.add.f32 [tilespmem:s13], [sflag:$0x7], $0x80, s12, s28, $0xb8;
	[tilespmem:$0x1DE80] =	vst v63  }
0x89: {  	_ =	swait.ge [sflag:s31], $0x1400  }
0x8a: {  	[sflag:s31] =	ssyncset.done $0x0  }
0x8b: {  	s7 =	rddreg [dreg:$0x13];
	[sflag:s31] =	ssyncadd.s32 $0xFFFFEC00  }
0x8c: {  	[tilespmem:s12], [sflag:$0x5] =	stream.linear.gather [hbm4b:s7+s4], $0x28, $0x38;
	[tilespmem:$0x1DE80] =	vst v63  }
0x8d: {  	s0 =	simm.s32 $0x13D90  }
0x8e: {  	[tilespmem:s13], [sflag:$0x5] =	stream.indirect.gather [hbm4b:s1+s28], $0x80, s0, s28, $0xb8;
	[tilespmem:$0x1DE80] =	vst v63  }
0x8f: {  	_ =	swait.ge [sflag:s26], $0x28  }
0x90: {  	[sflag:s26] =	ssyncset.done $0x0  }
0x91: {  	[sflag:s26] =	ssyncadd.s32 $0xFFFFFFD8  }
0x92: {  	_ =	swait.ge [sflag:s26], $0x1400  }
0x93: {  	s24 =	sadd.s32 $0xF0, s24;
	[sflag:s26] =	ssyncset.done $0x0  }
0x94: {  	s5 =	simm.s32 $0x13DB8;
	s22 =	simm.s32 $0x3C0;
	[sflag:s26] =	ssyncadd.s32 $0xFFFFEC00  }
0x95: {  	[spmem:s3] =	stream.indirect.scatter.add.f32 [tilespmem:s15], [sflag:$0x7], $0x80, s14, s28, $0xb8;
	[tilespmem:$0x1DE80] =	vst v63  }
0x96: {  	s23 =	sadd.s32 $0x1E, s2;
	s25 =	sadd.s32 $0x1E, s20;
	_ =	swait.ge [sflag:s31], $0x1400  }
0x97: {  	s20 =	sadd.s32 $0x1E, s21;
	[sflag:s31] =	ssyncset.done $0x0;
	s6 =	rddreg [dreg:$0x12]  }
0x98: {  	s7 =	sadd.s32 $0x1E, s7;
	[sflag:s31] =	ssyncadd.s32 $0xFFFFEC00;
	s21 =	sadd.s32 $0x1E, s6  }
0x99: {  	[tilespmem:s14], [sflag:$0x6] =	stream.linear.gather [hbm4b:s6+s4], $0x28, $0x38;
	[tilespmem:$0x1DE80] =	vst v63  }
.LBB2_2:
0x9a: {  	[tilespmem:s15], [sflag:$0x6] =	stream.indirect.gather [hbm4b:s1+s28], $0x80, s5, s28, $0xb8;
	[tilespmem:$0x1DE80] =	vst v63  }
0x9b: {  	s5 =	smov.u32 s22  }
0x9c: {  	p0 =	sne.s32 s22, $0x9240;
	s22 =	sadd.s32 $0x3C0, s22;
	_ =	swait.ge [sflag:s16], $0x28  }
0x9d: {  	[sflag:s16] =	ssyncset.done $0x0  }
0x9e: {  	[sflag:s16] =	ssyncadd.s32 $0xFFFFFFD8  }
0x9f: {  	_ =	swait.ge [sflag:s16], $0x1400  }
0xa0: {  	[sflag:s16] =	ssyncset.done $0x0  }
0xa1: {  	s0 =	simm.s32 $0x16380;
	s6 =	simm.s32 $0x16680;
	[sflag:s16] =	ssyncadd.s32 $0xFFFFEC00  }
0xa2: {  	[spmem:s3] =	stream.indirect.scatter.add.f32 [tilespmem:s6], [sflag:$0x7], $0x80, s0, s28, $0xb8;
	[tilespmem:$0x1DE80] =	vst v63  }
0xa3: {  	_ =	swait.ge [sflag:s31], $0x1400  }
0xa4: {  	s2 =	sshrl.u32 s24, $0x3;
	[sflag:s31] =	ssyncset.done $0x0  }
0xa5: {  	s2 =	sadd.s32 s29, s2;
	s5 =	sshra.s32 s5, $0x2;
	[sflag:s31] =	ssyncadd.s32 $0xFFFFEC00  }
0xa6: {  	[tilespmem:s0], [sflag:$0x1] =	stream.linear.gather [hbm4b:s2+s4], $0x28, $0x38;
	[tilespmem:$0x1DE80] =	vst v63  }
0xa7: {  	s2 =	sadd.s32 $0x13CF0, s5  }
0xa8: {  	[tilespmem:s6], [sflag:$0x1] =	stream.indirect.gather [hbm4b:s1+s28], $0x80, s2, s28, $0xb8;
	[tilespmem:$0x1DE80] =	vst v63  }
0xa9: {  	_ =	swait.ge [sflag:s17], $0x28  }
0xaa: {  	[sflag:s17] =	ssyncset.done $0x0  }
0xab: {  	[sflag:s17] =	ssyncadd.s32 $0xFFFFFFD8  }
0xac: {  	_ =	swait.ge [sflag:s17], $0x1400  }
0xad: {  	[sflag:s17] =	ssyncset.done $0x0  }
0xae: {  	s0 =	simm.s32 $0x16400;
	s6 =	simm.s32 $0x17A80;
	[sflag:s17] =	ssyncadd.s32 $0xFFFFEC00  }
0xaf: {  	[spmem:s3] =	stream.indirect.scatter.add.f32 [tilespmem:s6], [sflag:$0x7], $0x80, s0, s28, $0xb8;
	[tilespmem:$0x1DE80] =	vst v63  }
0xb0: {  	_ =	swait.ge [sflag:s31], $0x1400  }
0xb1: {  	[sflag:s31] =	ssyncset.done $0x0  }
0xb2: {  	[sflag:s31] =	ssyncadd.s32 $0xFFFFEC00  }
0xb3: {  	[tilespmem:s0], [sflag:$0x2] =	stream.linear.gather [hbm4b:s23+s4], $0x28, $0x38;
	[tilespmem:$0x1DE80] =	vst v63  }
0xb4: {  	s2 =	sadd.s32 $0x13D18, s5  }
0xb5: {  	[tilespmem:s6], [sflag:$0x2] =	stream.indirect.gather [hbm4b:s1+s28], $0x80, s2, s28, $0xb8;
	[tilespmem:$0x1DE80] =	vst v63  }
0xb6: {  	_ =	swait.ge [sflag:s18], $0x28  }
0xb7: {  	[sflag:s18] =	ssyncset.done $0x0  }
0xb8: {  	[sflag:s18] =	ssyncadd.s32 $0xFFFFFFD8  }
0xb9: {  	_ =	swait.ge [sflag:s18], $0x1400  }
0xba: {  	[sflag:s18] =	ssyncset.done $0x0  }
0xbb: {  	[sflag:s18] =	ssyncadd.s32 $0xFFFFEC00  }
0xbc: {  	[spmem:s3] =	stream.indirect.scatter.add.f32 [tilespmem:s9], [sflag:$0x7], $0x80, s8, s28, $0xb8;
	[tilespmem:$0x1DE80] =	vst v63  }
0xbd: {  	_ =	swait.ge [sflag:s31], $0x1400  }
0xbe: {  	[sflag:s31] =	ssyncset.done $0x0  }
0xbf: {  	[sflag:s31] =	ssyncadd.s32 $0xFFFFEC00  }
0xc0: {  	[tilespmem:s8], [sflag:$0x3] =	stream.linear.gather [hbm4b:s20+s4], $0x28, $0x38;
	[tilespmem:$0x1DE80] =	vst v63  }
0xc1: {  	s2 =	sadd.s32 $0x13D40, s5  }
0xc2: {  	[tilespmem:s9], [sflag:$0x3] =	stream.indirect.gather [hbm4b:s1+s28], $0x80, s2, s28, $0xb8;
	[tilespmem:$0x1DE80] =	vst v63  }
0xc3: {  	_ =	swait.ge [sflag:s19], $0x28  }
0xc4: {  	[sflag:s19] =	ssyncset.done $0x0  }
0xc5: {  	[sflag:s19] =	ssyncadd.s32 $0xFFFFFFD8  }
0xc6: {  	_ =	swait.ge [sflag:s19], $0x1400  }
0xc7: {  	[sflag:s19] =	ssyncset.done $0x0  }
0xc8: {  	[sflag:s19] =	ssyncadd.s32 $0xFFFFEC00  }
0xc9: {  	[spmem:s3] =	stream.indirect.scatter.add.f32 [tilespmem:s11], [sflag:$0x7], $0x80, s10, s28, $0xb8;
	[tilespmem:$0x1DE80] =	vst v63  }
0xca: {  	_ =	swait.ge [sflag:s31], $0x1400  }
0xcb: {  	[sflag:s31] =	ssyncset.done $0x0  }
0xcc: {  	[sflag:s31] =	ssyncadd.s32 $0xFFFFEC00  }
0xcd: {  	[tilespmem:s10], [sflag:$0x4] =	stream.linear.gather [hbm4b:s25+s4], $0x28, $0x38;
	[tilespmem:$0x1DE80] =	vst v63  }
0xce: {  	s2 =	sadd.s32 $0x13D68, s5  }
0xcf: {  	[tilespmem:s11], [sflag:$0x4] =	stream.indirect.gather [hbm4b:s1+s28], $0x80, s2, s28, $0xb8;
	[tilespmem:$0x1DE80] =	vst v63  }
0xd0: {  	_ =	swait.ge [sflag:s30], $0x28  }
0xd1: {  	[sflag:s30] =	ssyncset.done $0x0  }
0xd2: {  	[sflag:s30] =	ssyncadd.s32 $0xFFFFFFD8  }
0xd3: {  	_ =	swait.ge [sflag:s30], $0x1400  }
0xd4: {  	[sflag:s30] =	ssyncset.done $0x0  }
0xd5: {  	[sflag:s30] =	ssyncadd.s32 $0xFFFFEC00  }
0xd6: {  	[spmem:s3] =	stream.indirect.scatter.add.f32 [tilespmem:s13], [sflag:$0x7], $0x80, s12, s28, $0xb8;
	[tilespmem:$0x1DE80] =	vst v63  }
0xd7: {  	_ =	swait.ge [sflag:s31], $0x1400  }
0xd8: {  	[sflag:s31] =	ssyncset.done $0x0  }
0xd9: {  	[sflag:s31] =	ssyncadd.s32 $0xFFFFEC00  }
0xda: {  	[tilespmem:s12], [sflag:$0x5] =	stream.linear.gather [hbm4b:s7+s4], $0x28, $0x38;
	[tilespmem:$0x1DE80] =	vst v63  }
0xdb: {  	s2 =	sadd.s32 $0x13D90, s5  }
0xdc: {  	[tilespmem:s13], [sflag:$0x5] =	stream.indirect.gather [hbm4b:s1+s28], $0x80, s2, s28, $0xb8;
	[tilespmem:$0x1DE80] =	vst v63  }
0xdd: {  	_ =	swait.ge [sflag:s26], $0x28  }
0xde: {  	[sflag:s26] =	ssyncset.done $0x0  }
0xdf: {  	[sflag:s26] =	ssyncadd.s32 $0xFFFFFFD8  }
0xe0: {  	_ =	swait.ge [sflag:s26], $0x1400  }
0xe1: {  	[sflag:s26] =	ssyncset.done $0x0  }
0xe2: {  	[sflag:s26] =	ssyncadd.s32 $0xFFFFEC00  }
0xe3: {  	[spmem:s3] =	stream.indirect.scatter.add.f32 [tilespmem:s15], [sflag:$0x7], $0x80, s14, s28, $0xb8;
	[tilespmem:$0x1DE80] =	vst v63  }
.Ltmp0:
0xe4: {  	_ =	swait.ge [sflag:s31], $0x1400;
	(pc) =	sbr.rel @p0 .LBB2_2-.Ltmp0, $4  }
0xe5: {  	s24 =	sadd.s32 $0xF0, s24;
	s23 =	sadd.s32 $0x1E, s23;
	[sflag:s31] =	ssyncset.done $0x0  }
0xe6: {  	s20 =	sadd.s32 $0x1E, s20;
	s25 =	sadd.s32 $0x1E, s25;
	[sflag:s31] =	ssyncadd.s32 $0xFFFFEC00  }
0xe7: {  	[tilespmem:s14], [sflag:$0x6] =	stream.linear.gather [hbm4b:s21+s4], $0x28, $0x38;
	[tilespmem:$0x1DE80] =	vst v63  }
0xe8: {  	s5 =	sadd.s32 $0x13DB8, s5;
	s7 =	sadd.s32 $0x1E, s7;
	s21 =	sadd.s32 $0x1E, s21  }
0xe9: {  	[tilespmem:s15], [sflag:$0x6] =	stream.indirect.gather [hbm4b:s1+s28], $0x80, s5, s28, $0xb8;
	[tilespmem:$0x1DE80] =	vst v63  }
0xea: {  	_ =	swait.ge [sflag:s16], $0x28  }
0xeb: {  	[sflag:s16] =	ssyncset.done $0x0  }
0xec: {  	[sflag:s16] =	ssyncadd.s32 $0xFFFFFFD8  }
0xed: {  	_ =	swait.ge [sflag:s16], $0x1400  }
0xee: {  	[sflag:s16] =	ssyncset.done $0x0  }
0xef: {  	s5 =	simm.s32 $0x16380;
	s0 =	simm.s32 $0x16680;
	[sflag:s16] =	ssyncadd.s32 $0xFFFFEC00  }
0xf0: {  	[spmem:s3] =	stream.indirect.scatter.add.f32 [tilespmem:s0], [sflag:$0x7], $0x80, s5, s28, $0xb8;
	[tilespmem:$0x1DE80] =	vst v63  }
0xf1: {  	_ =	swait.ge [sflag:s31], $0x1400  }
0xf2: {  	[sflag:s31] =	ssyncset.done $0x0  }
0xf3: {  	s2 =	rddreg [dreg:$0xd];
	[sflag:s31] =	ssyncadd.s32 $0xFFFFEC00  }
0xf4: {  	[tilespmem:s5], [sflag:$0x1] =	stream.linear.gather [hbm4b:s2+s4], $0x28, $0x38;
	[tilespmem:$0x1DE80] =	vst v63  }
0xf5: {  	s20 =	simm.s32 $0x16270  }
0xf6: {  	[tilespmem:s0], [sflag:$0x1] =	stream.indirect.gather [hbm4b:s1+s28], $0x80, s20, s28, $0xb8;
	[tilespmem:$0x1DE80] =	vst v63  }
0xf7: {  	_ =	swait.ge [sflag:s17], $0x28  }
0xf8: {  	[sflag:s17] =	ssyncset.done $0x0  }
0xf9: {  	[sflag:s17] =	ssyncadd.s32 $0xFFFFFFD8  }
0xfa: {  	_ =	swait.ge [sflag:s17], $0x1400  }
0xfb: {  	[sflag:s17] =	ssyncset.done $0x0  }
0xfc: {  	s6 =	simm.s32 $0x16400;
	s7 =	simm.s32 $0x17A80;
	[sflag:s17] =	ssyncadd.s32 $0xFFFFEC00  }
0xfd: {  	[spmem:s3] =	stream.indirect.scatter.add.f32 [tilespmem:s7], [sflag:$0x7], $0x80, s6, s28, $0xb8;
	[tilespmem:$0x1DE80] =	vst v63  }
0xfe: {  	_ =	swait.ge [sflag:s31], $0x1400  }
0xff: {  	[sflag:s31] =	ssyncset.done $0x0  }
0x100: {  	s21 =	rddreg [dreg:$0xe];
	[sflag:s31] =	ssyncadd.s32 $0xFFFFEC00  }
0x101: {  	[tilespmem:s6], [sflag:$0x2] =	stream.linear.gather [hbm4b:s21+s4], $0x28, $0x38;
	[tilespmem:$0x1DE80] =	vst v63  }
0x102: {  	s22 =	simm.s32 $0x16298  }
0x103: {  	[tilespmem:s7], [sflag:$0x2] =	stream.indirect.gather [hbm4b:s1+s28], $0x80, s22, s28, $0xb8;
	[tilespmem:$0x1DE80] =	vst v63  }
0x104: {  	_ =	swait.ge [sflag:s18], $0x28  }
0x105: {  	[sflag:s18] =	ssyncset.done $0x0  }
0x106: {  	[sflag:s18] =	ssyncadd.s32 $0xFFFFFFD8  }
0x107: {  	_ =	swait.ge [sflag:s18], $0x1400  }
0x108: {  	[sflag:s18] =	ssyncset.done $0x0  }
0x109: {  	[sflag:s18] =	ssyncadd.s32 $0xFFFFEC00  }
0x10a: {  	[spmem:s3] =	stream.indirect.scatter.add.f32 [tilespmem:s9], [sflag:$0x7], $0x80, s8, s28, $0xb8;
	[tilespmem:$0x1DE80] =	vst v63  }
0x10b: {  	_ =	swait.ge [sflag:s31], $0x1400  }
0x10c: {  	[sflag:s31] =	ssyncset.done $0x0  }
0x10d: {  	s23 =	rddreg [dreg:$0x18];
	[sflag:s31] =	ssyncadd.s32 $0xFFFFEC00  }
0x10e: {  	[tilespmem:s8], [sflag:$0x3] =	stream.linear.gather [hbm4b:s23+s4], $0x28, $0x38;
	[tilespmem:$0x1DE80] =	vst v63  }
0x10f: {  	s24 =	simm.s32 $0x162C0  }
0x110: {  	[tilespmem:s9], [sflag:$0x3] =	stream.indirect.gather [hbm4b:s1+s28], $0x80, s24, s28, $0xb8;
	[tilespmem:$0x1DE80] =	vst v63  }
0x111: {  	_ =	swait.ge [sflag:s19], $0x28  }
0x112: {  	[sflag:s19] =	ssyncset.done $0x0  }
0x113: {  	[sflag:s19] =	ssyncadd.s32 $0xFFFFFFD8  }
0x114: {  	_ =	swait.ge [sflag:s19], $0x1400  }
0x115: {  	[sflag:s19] =	ssyncset.done $0x0  }
0x116: {  	[sflag:s19] =	ssyncadd.s32 $0xFFFFEC00  }
0x117: {  	[spmem:s3] =	stream.indirect.scatter.add.f32 [tilespmem:s11], [sflag:$0x7], $0x80, s10, s28, $0xb8;
	[tilespmem:$0x1DE80] =	vst v63  }
0x118: {  	_ =	swait.ge [sflag:s31], $0x1400  }
0x119: {  	[sflag:s31] =	ssyncset.done $0x0  }
0x11a: {  	s25 =	rddreg [dreg:$0xf];
	[sflag:s31] =	ssyncadd.s32 $0xFFFFEC00  }
0x11b: {  	[tilespmem:s10], [sflag:$0x4] =	stream.linear.gather [hbm4b:s25+s4], $0x28, $0x38;
	[tilespmem:$0x1DE80] =	vst v63  }
0x11c: {  	s20 =	simm.s32 $0x162E8  }
0x11d: {  	[tilespmem:s11], [sflag:$0x4] =	stream.indirect.gather [hbm4b:s1+s28], $0x80, s20, s28, $0xb8;
	[tilespmem:$0x1DE80] =	vst v63  }
0x11e: {  	_ =	swait.ge [sflag:s30], $0x28  }
0x11f: {  	[sflag:s30] =	ssyncset.done $0x0  }
0x120: {  	[sflag:s30] =	ssyncadd.s32 $0xFFFFFFD8  }
0x121: {  	_ =	swait.ge [sflag:s30], $0x1400  }
0x122: {  	[sflag:s30] =	ssyncset.done $0x0  }
0x123: {  	[sflag:s30] =	ssyncadd.s32 $0xFFFFEC00  }
0x124: {  	[spmem:s3] =	stream.indirect.scatter.add.f32 [tilespmem:s13], [sflag:$0x7], $0x80, s12, s28, $0xb8;
	[tilespmem:$0x1DE80] =	vst v63  }
0x125: {  	_ =	swait.ge [sflag:s31], $0x1400  }
0x126: {  	[sflag:s31] =	ssyncset.done $0x0  }
0x127: {  	[sflag:s31] =	ssyncadd.s32 $0xFFFFEC00  }
0x128: {  	_ =	swait.ge [sflag:s26], $0x28  }
0x129: {  	[sflag:s26] =	ssyncset.done $0x0  }
0x12a: {  	[sflag:s26] =	ssyncadd.s32 $0xFFFFFFD8  }
0x12b: {  	_ =	swait.ge [sflag:s26], $0x1400  }
0x12c: {  	[sflag:s26] =	ssyncset.done $0x0  }
0x12d: {  	[sflag:s26] =	ssyncadd.s32 $0xFFFFEC00  }
0x12e: {  	[spmem:s3] =	stream.indirect.scatter.add.f32 [tilespmem:s15], [sflag:$0x7], $0x80, s14, s28, $0xb8;
	[tilespmem:$0x1DE80] =	vst v63  }
0x12f: {  	_ =	swait.ge [sflag:s31], $0x1400  }
0x130: {  	[sflag:s31] =	ssyncset.done $0x0  }
0x131: {  	[sflag:s31] =	ssyncadd.s32 $0xFFFFEC00  }
0x132: {  	_ =	swait.ge [sflag:s16], $0x28  }
0x133: {  	[sflag:s16] =	ssyncset.done $0x0  }
0x134: {  	[sflag:s16] =	ssyncadd.s32 $0xFFFFFFD8  }
0x135: {  	_ =	swait.ge [sflag:s16], $0x1400  }
0x136: {  	[sflag:s16] =	ssyncset.done $0x0  }
0x137: {  	[sflag:s16] =	ssyncadd.s32 $0xFFFFEC00  }
0x138: {  	[spmem:s3] =	stream.indirect.scatter.add.f32 [tilespmem:s0], [sflag:$0x7], $0x80, s5, s28, $0xb8;
	[tilespmem:$0x1DE80] =	vst v63  }
0x139: {  	_ =	swait.ge [sflag:s31], $0x1400  }
0x13a: {  	[sflag:s31] =	ssyncset.done $0x0  }
0x13b: {  	[sflag:s31] =	ssyncadd.s32 $0xFFFFEC00  }
0x13c: {  	_ =	swait.ge [sflag:s17], $0x28  }
0x13d: {  	[sflag:s17] =	ssyncset.done $0x0  }
0x13e: {  	[sflag:s17] =	ssyncadd.s32 $0xFFFFFFD8  }
0x13f: {  	_ =	swait.ge [sflag:s17], $0x1400  }
0x140: {  	[sflag:s17] =	ssyncset.done $0x0  }
0x141: {  	[sflag:s17] =	ssyncadd.s32 $0xFFFFEC00  }
0x142: {  	[spmem:s3] =	stream.indirect.scatter.add.f32 [tilespmem:s7], [sflag:$0x7], $0x80, s6, s28, $0xb8;
	[tilespmem:$0x1DE80] =	vst v63  }
0x143: {  	_ =	swait.ge [sflag:s31], $0x1400  }
0x144: {  	[sflag:s31] =	ssyncset.done $0x0  }
0x145: {  	[sflag:s31] =	ssyncadd.s32 $0xFFFFEC00  }
0x146: {  	_ =	swait.ge [sflag:s18], $0x28  }
0x147: {  	[sflag:s18] =	ssyncset.done $0x0  }
0x148: {  	[sflag:s18] =	ssyncadd.s32 $0xFFFFFFD8  }
0x149: {  	_ =	swait.ge [sflag:s18], $0x1400  }
0x14a: {  	[sflag:s18] =	ssyncset.done $0x0  }
0x14b: {  	[sflag:s18] =	ssyncadd.s32 $0xFFFFEC00  }
0x14c: {  	[spmem:s3] =	stream.indirect.scatter.add.f32 [tilespmem:s9], [sflag:$0x7], $0x80, s8, s28, $0xb8;
	[tilespmem:$0x1DE80] =	vst v63  }
0x14d: {  	_ =	swait.ge [sflag:s31], $0x1400  }
0x14e: {  	[sflag:s31] =	ssyncset.done $0x0  }
0x14f: {  	[sflag:s31] =	ssyncadd.s32 $0xFFFFEC00  }
0x150: {  	_ =	swait.ge [sflag:s19], $0x28  }
0x151: {  	[sflag:s19] =	ssyncset.done $0x0  }
0x152: {  	[sflag:s19] =	ssyncadd.s32 $0xFFFFFFD8  }
0x153: {  	_ =	swait.ge [sflag:s19], $0x1400  }
0x154: {  	[sflag:s19] =	ssyncset.done $0x0  }
0x155: {  	[sflag:s19] =	ssyncadd.s32 $0xFFFFEC00  }
0x156: {  	[spmem:s3] =	stream.indirect.scatter.add.f32 [tilespmem:s11], [sflag:$0x7], $0x80, s10, s28, $0xb8;
	[tilespmem:$0x1DE80] =	vst v63  }
0x157: {  	_ =	swait.ge [sflag:s31], $0x1400  }
0x158: {  	[sflag:s31] =	ssyncset.done $0x0  }
0x159: {  	[sflag:s31] =	ssyncadd.s32 $0xFFFFEC00  }
0x15a: {  	[bflag:$0x0] =	sbarrier.arrive $0xFFFF  }
0x15b: {  	s21 =	rddreg [dreg:$0x10]  }
0x15c: {  	s22 =	rddreg [dreg:$0x1a]  }
0x15d: {  	s23 =	rddreg [dreg:$0x1b]  }
0x15e: {  	[hbm:s21], [sflag:s22] =	dma.local [spmem:s23], $0x2780  }
0x15f: {  	_ =	swait.ge [sflag:s31], $0x2780  }
0x160: {  	s24 =	rddreg [dreg:$0x19]  }
0x161: {  	s25 =	rddreg [dreg:$0x11];
	s0 =	sadd.s32 $0x1, s24  }
0x162: {  	p0 =	sne.s32 s0, s25  }
.Ltmp1:
0x163: {  	_ = 	snop;
	(pc) =	sbr.rel @p0 .LBB2_1-.Ltmp1, $3  }
0x164: {  	_ =	sdelay $0x1  }
0x165: {  	[sflag:s31] =	ssyncset.done $0x0  }
0x166: {  	[sflag:s31] =	ssyncadd.s32 $0xFFFFD880  }
0x167: {  	_ =	sfence.sel $0x180000  }
0x168: {  	[bflag:$0x0] =	sbarrier.arrive $0xFFFF  }
0x169: {  	_ =	strace $0x9000004D  }
0x16a: {  	s0 =	stileid.u32;
	[bflag:$0x2] =	sbarrier.arrive $0xFFFF  }
0x16b: {  	p0 =	sne.s32 s0, $0x0;
	s0 =	rddreg [dreg:$0x3]  }
0x16c: {  	s0 =	sadd.s32 @!p0 $0x100000, s0  }
0x16d: {  	[sflag:s0] =	ssyncadd.tile.s32 @!p0 $0x1;
	_ =	shalt  }
.Lfunc_end2:
_tile_overlayer_lowered:
.L_overlay_start_2:
0x16e: {  	(tag) =	ssettag $0x2  }
0x16f: {  	s0 =	rddreg [dreg:$0x0];
	s2 =	stileid.u32  }
0x170: {  	s1 =	rddreg [dreg:$0x1];
	p0 =	sne.s32 s2, $0x0  }
0x171: {  	s3 =	rddreg [dreg:$0x2];
	[bflag:$0x3] =	sbarrier.arrive $0xFFFF;
	s2 =	simm.s32 @!p0 $0x1C07  }
0x172: {  	[timem:s3], [sflag:s2] =	dma.local @!p0 [hbm:s0], s1  }
0x173: {  	s0 =	simm.s32 @!p0 $0x7  }
0x174: {  	_ =	swait.ge @!p0 [sflag:s0], s1  }
0x175: {  	s1 =	ssub.s32 @!p0 $0x0, s1;
	[sflag:s0] =	ssyncset.done @!p0 $0x0  }
0x176: {  	[sflag:s0] =	ssyncadd.s32 @!p0 s1  }
0x177: {  	[bflag:$0x3] =	sbarrier.arrive $0xFFFF  }
0x178: {  	_ =	shalt  }

// kernel: kernel.9.cloned.1.call-start
scs
__scs_entry_jumppad:
0x0: {  	(pc) =	sbr.rel $0x88, $3  }
0x1: {  	(tag) =	ssettag $0x0;
	lr =	simm.s32 $0x1  }
0x2: {  	[smem:$0x3F93] =	sst lr;
	_ =	strace $0xD0000000  }
0x3: {  	_ = 	snop  }
0x4: {  	_ = 	snop  }
0x5: {  	_ = 	snop  }
0x6: {  	_ = 	snop  }
0x7: {  	_ = 	snop  }
__scs_overlays_trampoline_lowered:
0x8: {  	[smem:$0x3FA2] =	sst s0  }
0x9: {  	[smem:$0x3FA3] =	sst s1  }
0xa: {  	[smem:$0x3FA4] =	sst s2  }
0xb: {  	[smem:$0x3FA5] =	sst s3  }
0xc: {  	[smem:$0x3FA6] =	sst s4  }
0xd: {  	[smem:$0x3FA7] =	sst s5  }
0xe: {  	[smem:$0x3FA8] =	sst s6  }
0xf: {  	[smem:$0x3FA9] =	sst s7  }
0x10: {  	[smem:$0x3FAA] =	sst s8  }
0x11: {  	[smem:$0x3FAB] =	sst s9;
	s0 =	simm.s32 @!p0 $0x0  }
0x12: {  	s1 =	sld [smem:$0x3F91];
	s0 =	simm.s32 @p0 $0x1  }
0x13: {  	[smem:$0x3FAC] =	sst s0;
	s0 =	simm.s32 @!p1 $0x0  }
0x14: {  	s2 =	sld [smem:$0x3F90];
	s0 =	simm.s32 @p1 $0x1  }
0x15: {  	[smem:$0x3FAD] =	sst s0;
	s0 =	simm.s32 @!p2 $0x0  }
0x16: {  	s3 =	sld [smem:$0x3FDB];
	s0 =	simm.s32 @p2 $0x1  }
0x17: {  	s4 =	simm.s32 $0x1BF5;
	[smem:$0x3FAF] =	sst s0  }
0x18: {  	s0 =	sld [smem:$0x3F92];
	_ =	swait.ge [sflag:s4], $0x0  }
0x19: {  	s7 =	sld [smem:$0x3F93]  }
0x1a: {  	s8 =	sadd.s32 $0xFFFFE003, lr  }
0x1b: {  	s9 =	sadd.s32 $0xFFFFFEF7, lr;
	s5 =	simm.s32 $0xFFFFFFFF;
	p2 =	slt.u32 s8, $0xFFFFF086  }
0x1c: {  	p1 =	slt.u32 s9, $0xF7A;
	s5 =	simm.s32 @!p2 $0x0  }
0x1d: {  	s5 =	simm.s32 @p1 $0x1;
	p0 =	seq.s32 s7, s2  }
0x1e: {  	s7 =	smul.u32 @!p0 $0xF7A, s2;
	p2 =	seq.s32 @!p0 s5, $0x0  }
0x1f: {  	s9 =	smul.u32 $0xF7A, s1;
	s8 =	simm.s32 @!p0 $0x1BF5;
	p2 =	por !p2, p0  }
0x20: {  	[sflag:s8] =	ssyncset.s32 @!p0 $0xFFFFF086;
	s6 =	sadd.s32 @!p0 s3, s7;
	s7 =	simm.s32 @!p0 $0x108  }
0x21: {  	s3 =	sadd.s32 s3, s9;
	s6 =	sadd.s32 @!p0 $0x88, s6;
	s7 =	simm.s32 @p2 $0x1082  }
0x22: {  	[simem:s7], [sflag:s8] =	dma.local @!p0 [hbm:s6], $0xF7A  }
0x23: {  	s9 =	sor.u32 $0xD0000000, s2;
	s6 =	simm.s32 $0x108;
	_ =	swait.ge @!p0 [sflag:s8], $0x0  }
0x24: {  	s3 =	sadd.s32 $0x88, s3;
	s6 =	simm.s32 @!p1 $0x1082;
	[sflag:s4] =	ssyncset.s32 $0xFFFFF086  }
0x25: {  	[simem:s6], [sflag:s4] =	dma.local [hbm:s3], $0xF7A  }
0x26: {  	[smem:$0x3F93] =	sst s1;
	(tag) =	ssettag s2;
	_ =	strace s9  }
0x27: {  	s1 =	sld [smem:$0x3FA3]  }
0x28: {  	s2 =	sld [smem:$0x3FA4]  }
0x29: {  	s4 =	sld [smem:$0x3FA6]  }
0x2a: {  	p0 =	seq.s32 s5, $0x0;
	s5 =	sld [smem:$0x3FA7]  }
0x2b: {  	s6 =	sld [smem:$0x3FA8]  }
0x2c: {  	s7 =	sld [smem:$0x3FA9]  }
0x2d: {  	s3 =	simm.s32 $0x108;
	s8 =	sld [smem:$0x3FAA]  }
0x2e: {  	s3 =	simm.s32 @!p0 $0x1082;
	s9 =	sld [smem:$0x3FAB]  }
0x2f: {  	lr =	sadd.s32 s0, s3;
	s0 =	sld [smem:$0x3FA2]  }
0x30: {  	s3 =	sld [smem:$0x3FA5]  }
0x31: {  	[smem:$0x3FAE] =	sst s10  }
0x32: {  	s10 =	sld [smem:$0x3FAC];
	_ =	sdelay $0x3  }
0x33: {  	p0 =	seq.s32 s10, $0x1;
	s10 =	sld [smem:$0x3FAE];
	_ =	sdelay $0x3  }
0x34: {  	[smem:$0x3FAE] =	sst s10  }
0x35: {  	s10 =	sld [smem:$0x3FAD];
	_ =	sdelay $0x3  }
0x36: {  	p1 =	seq.s32 s10, $0x1;
	s10 =	sld [smem:$0x3FAE];
	_ =	sdelay $0x3  }
0x37: {  	[smem:$0x3FAE] =	sst s10  }
0x38: {  	s10 =	sld [smem:$0x3FAF]  }
0x39: {  	_ = 	snop;
	(pc) =	sbr.ind lr, $3  }
0x3a: {  	_ = 	snop  }
0x3b: {  	_ = 	snop  }
0x3c: {  	p2 =	seq.s32 s10, $0x1;
	s10 =	sld [smem:$0x3FAE]  }
0x3d: {  	_ =	shalt  }
0x3e: {  	_ =	shalt  }
0x3f: {  	_ =	shalt  }
0x40: {  	_ =	shalt  }
0x41: {  	_ =	shalt  }
0x42: {  	_ =	shalt  }
0x43: {  	_ =	shalt  }
0x44: {  	_ =	shalt  }
0x45: {  	_ =	shalt  }
0x46: {  	_ =	shalt  }
0x47: {  	_ =	shalt  }
0x48: {  	_ =	shalt  }
0x49: {  	_ =	shalt  }
0x4a: {  	_ =	shalt  }
0x4b: {  	_ =	shalt  }
0x4c: {  	_ =	shalt  }
0x4d: {  	_ =	shalt  }
0x4e: {  	_ =	shalt  }
0x4f: {  	_ =	shalt  }
0x50: {  	_ =	shalt  }
0x51: {  	_ =	shalt  }
0x52: {  	_ =	shalt  }
0x53: {  	_ =	shalt  }
0x54: {  	_ =	shalt  }
0x55: {  	_ =	shalt  }
0x56: {  	_ =	shalt  }
0x57: {  	_ =	shalt  }
0x58: {  	_ =	shalt  }
0x59: {  	_ =	shalt  }
0x5a: {  	_ =	shalt  }
0x5b: {  	_ =	shalt  }
0x5c: {  	_ =	shalt  }
0x5d: {  	_ =	shalt  }
0x5e: {  	_ =	shalt  }
0x5f: {  	_ =	shalt  }
0x60: {  	_ =	shalt  }
0x61: {  	_ =	shalt  }
0x62: {  	_ =	shalt  }
0x63: {  	_ =	shalt  }
0x64: {  	_ =	shalt  }
0x65: {  	_ =	shalt  }
0x66: {  	_ =	shalt  }
0x67: {  	_ =	shalt  }
0x68: {  	_ =	shalt  }
0x69: {  	_ =	shalt  }
0x6a: {  	_ =	shalt  }
0x6b: {  	_ =	shalt  }
0x6c: {  	_ =	shalt  }
0x6d: {  	_ =	shalt  }
0x6e: {  	_ =	shalt  }
0x6f: {  	_ =	shalt  }
0x70: {  	_ =	shalt  }
0x71: {  	_ =	shalt  }
0x72: {  	_ =	shalt  }
0x73: {  	_ =	shalt  }
0x74: {  	_ =	shalt  }
0x75: {  	_ =	shalt  }
0x76: {  	_ =	shalt  }
0x77: {  	_ =	shalt  }
0x78: {  	_ =	shalt  }
0x79: {  	_ =	shalt  }
0x7a: {  	_ =	shalt  }
0x7b: {  	_ =	shalt  }
0x7c: {  	_ =	shalt  }
0x7d: {  	_ =	shalt  }
0x7e: {  	_ =	shalt  }
0x7f: {  	_ =	shalt  }
0x80: {  	_ =	shalt  }
0x81: {  	_ =	shalt  }
0x82: {  	_ =	shalt  }
0x83: {  	_ =	shalt  }
0x84: {  	_ =	shalt  }
0x85: {  	_ =	shalt  }
0x86: {  	_ =	shalt  }
0x87: {  	_ =	shalt  }
.Lfunc_end0:
.L_simem_size_0:
called_computation_lowered:
.L_overlay_start_0:
0x88: {  	s2 =	sld [smem:$0x3FD9]  }
0x89: {  	s3 =	sld [smem:$0x3FFE];
	_ =	sdelay $0x1  }
0x8a: {  	s1 =	srdreg.scid  }
0x8b: {  	s0 =	sand.u32 $0x1, s1  }
0x8c: {  	s17 =	sshll.u32 s0, $0xA;
	s2 =	sadd.s32 s3, s2  }
0x8d: {  	s2 =	sadd.s32 s2, s17  }
0x8e: {  	[smem:$0x3FBA] =	sst s2  }
0x8f: {  	_ = 	snop  }
0x90: {  	s2 =	sld [smem:$0x3FD0];
	(tm) =	ssettm $0x1  }
0x91: {  	s18 =	sld [smem:$0x3FFB];
	_ =	sdelay $0x3  }
0x92: {  	_ =	strace s18  }
0x93: {  	s3 =	sld [smem:$0x3FFC];
	_ =	sdelay $0x3  }
0x94: {  	_ =	strace s3  }
0x95: {  	s3 =	sld [smem:$0x3FFD];
	_ =	sdelay $0x3  }
0x96: {  	_ =	strace s3  }
0x97: {  	_ =	strace $0x8FFFFFFF  }
0x98: {  	s19 =	sld [smem:$0x3FDB];
	_ =	sdelay $0x1  }
0x99: {  	s4 =	simm.s32 $_scs_section_size  }
0x9a: {  	s5 =	simm.s32 $_size__tile_overlayer_lowered;
	s6 =	simm.s32 $_tile_overlayer_lowered  }
0x9b: {  	s22 =	simm.s32 $0x1BFF;
	s21 =	sshll.u32 s6, $0x1;
	s3 =	sadd.s32 s4, s19  }
0x9c: {  	s7 =	simm.s32 $0x0;
	s20 =	sshll.u32 s5, $0x1;
	s5 =	sadd.s32 s21, s3  }
0x9d: {  	[timem:s7], [sflag:s22] =	dma.local [hbm:s5], s20  }
0x9e: {  	_ =	swait.ge [sflag:s22], s20  }
0x9f: {  	s4 =	ssub.s32 $0x0, s20;
	[sflag:s22] =	ssyncset.done $0x0  }
0xa0: {  	[sflag:s22] =	ssyncadd.s32 s4;
	_ =	sdelay $0x1  }
0xa1: {  	s23 =	simm.s32 $0x1B8B  }
0xa2: {  	_ =	swait.ge [sflag:s23], $0x1  }
0xa3: {  	[sflag:s23] =	ssyncset.done $0x0  }
0xa4: {  	s25 =	simm.s32 $0x1B8E;
	s24 =	sld [smem:$0x3FFE];
	[sflag:s23] =	ssyncadd.s32 $0xFFFFFFFF  }
0xa5: {  	s26 =	simm.s32 $execute0_lowered;
	[smem:$0x3FD2] =	sst s25  }
0xa6: {  	s5 =	sshll.u32 s26, $0x1;
	_ =	strace $0x80000046;
	[dreg:$0x1] =	wrdreg $0xFFFFFFFF  }
0xa7: {  	s28 =	simm.s32 $_size_execute0_lowered;
	s3 =	sadd.s32 s3, s5;
	[dreg:$0x0] =	wrdreg $0x0  }
0xa8: {  	s5 =	sshll.u32 s28, $0x1;
	[dreg:$0x2] =	wrdreg s3  }
0xa9: {  	[dreg:$0x3] =	wrdreg s5  }
0xaa: {  	[dreg:$0x4] =	wrdreg $0xC0  }
0xab: {  	_ =	task [dreg:s7], $0x5FFFF  }
0xac: {  	[dreg:$0x1] =	wrdreg $0xFFFFFFFF  }
0xad: {  	[dreg:$0x0] =	wrdreg $0x60  }
0xae: {  	[dreg:$0x2] =	wrdreg s2  }
0xaf: {  	[dreg:$0x3] =	wrdreg s24  }
0xb0: {  	[dreg:$0x4] =	wrdreg $0x0  }
0xb1: {  	[dreg:$0x5] =	wrdreg $0x9  }
0xb2: {  	_ =	task.clear_ibuf [dreg:s7], $0x6FFFF;
	_ =	strace $0x90000046  }
0xb3: {  	s29 =	simm.s32 $0x9;
	_ =	strace $0x80000048  }
0xb4: {  	_ =	swait.ge [sflag:s29], $0x1  }
0xb5: {  	[sflag:s29] =	ssyncadd.s32 $0xFFFFFFFF  }
0xb6: {  	_ =	strace $0x90000048  }
0xb7: {  	_ =	sfence  }
0xb8: {  	s30 =	sld [smem:$0x0];
	_ =	sdelay $0x2  }
0xb9: {  	s31 =	sshll.u32 s1, $0xD;
	s1 =	sshrl.u32 s1, $0x2  }
0xba: {  	s3 =	sand.u32 $0x4000, s31;
	s1 =	sadd.s32 s1, s30  }
0xbb: {  	s0 =	sor.u32 s3, s0;
	s1 =	sshll.u32 s1, $0x11  }
0xbc: {  	s0 =	sor.u32 s1, s0  }
0xbd: {  	s0 =	sadd.s32 $0x8F2B, s0  }
0xbe: {  	[sflag:s0] =	ssyncadd.remote.s32 $0x1  }
0xbf: {  	_ =	sfence.sel $0xFFFF  }
0xc0: {  	[dreg:$0x0] =	wrdreg $0xFFFFFFFF;
	(pc) =	sbr.abs _section_cstart, $3  }
0xc1: {  	[dreg:$0x1] =	wrdreg $0xFFFFFFFF  }
0xc2: {  	_ =	task.clear_ibuf [dreg:s7], $0x2FFFF;
	_ =	strace $0x9FFFFFFF  }
0xc3: {  	(tm) =	ssettm $0x7FFFFFFF  }
tec
execute0_lowered:
.L_overlay_start_1:
0x0: {  	(tag) =	ssettag $0x1  }
0x1: {  	s0 =	srdreg.scid;
	s1 =	rddreg [dreg:$0x0]  }
0x2: {  	s11 =	stileid.u32;
	s5 =	rddreg [dreg:$0x1]  }
0x3: {  	s3 =	rddreg [dreg:$0x2];
	s31 =	simm.s32 $0x7;
	s16 =	smul.u32 $0x13C00, s11  }
0x4: {  	s28 =	simm.s32 $0x28;
	s30 =	simm.s32 $0x5;
	s24 =	smul.u32 $0x4F000, s11  }
0x5: {  	s0 =	sand.u32 $0x1, s0;
	s15 =	sshll.u32 s11, $0x7;
	s13 =	smul.u32 $0x2710, s11  }
0x6: {  	s29 =	sadd.s32 $0x2A00, s5;
	s2 =	sshll.u32 s0, $0x4;
	s8 =	smul.u32 $0x13C000, s0  }
0x7: {  	s7 =	sand.u32 $0x380, s15;
	s17 =	ssub.s32 $0x2, s0;
	s0 =	smul.u32 $0x27100, s0  }
0x8: {  	s2 =	sor.u32 s11, s2;
	s9 =	sshrl.u32 s16, $0x3;
	s18 =	sshrl.u32 s17, $0x1  }
0x9: {  	s11 =	simm.s32 $0x1A280;
	s4 =	sshrl.u32 s2, $0x3;
	s2 =	smul.u32 $0x2710, s2  }
0xa: {  	s9 =	sadd.s32 s9, s5;
	s6 =	smul.u32 $0x13C00, s4;
	s4 =	simm.s32 $0x0  }
0xb: {  	s0 =	sadd.s32 s13, s0;
	s13 =	simm.s32 $0x1B680;
	[smem:$0x7FF] =	sst s4  }
0xc: {  	s19 =	sshrl.u32 s2, $0x3;
	s10 =	sadd.s32 $0x28, s2;
	s22 =	sadd.s32 $0x78, s2  }
0xd: {  	s23 =	sadd.s32 $0xC8, s2;
	s15 =	sadd.s32 $0x2698, s2;
	s2 =	sadd.s32 $0x26E8, s2  }
0xe: {  	s6 =	sor.u32 s7, s6;
	_ =	strace $0x80000047;
	s7 =	sadd.s32 s16, s8  }
0xf: {  	s12 =	sadd.s32 s29, s19;
	s20 =	sshrl.u32 s10, $0x3;
	s26 =	sshrl.u32 s23, $0x3  }
0x10: {  	s8 =	sshrl.u32 s24, $0x2;
	s10 =	sadd.s32 $0x16600, s9;
	s2 =	sshrl.u32 s2, $0x3  }
0x11: {  	s23 =	sadd.s32 $0x118, s0;
	s9 =	simm.s32 $0x18E80;
	[dreg:$0xc] =	wrdreg s10  }
0x12: {  	s6 =	sshrl.u32 s6, $0x3;
	s21 =	sadd.s32 $0xA, s12;
	[dreg:$0x5] =	wrdreg s12  }
0x13: {  	s7 =	sshrl.u32 s7, $0x3;
	s25 =	sadd.s32 $0x14, s12;
	[dreg:$0x7] =	wrdreg s21  }
0x14: {  	s14 =	sadd.s32 $0x4CE, s12;
	s2 =	sadd.s32 s29, s2;
	[dreg:$0x9] =	wrdreg s25  }
0x15: {  	s10 =	simm.s32 $0x16500;
	s6 =	sadd.s32 s6, s5;
	[dreg:$0xd] =	wrdreg s14  }
0x16: {  	s5 =	sadd.s32 s7, s5;
	s7 =	ssub.s32 s17, s18;
	[dreg:$0xf] =	wrdreg s2  }
0x17: {  	s17 =	sadd.s32 $0x1B8, s0;
	s18 =	sadd.s32 $0x190, s0;
	s21 =	sadd.s32 $0x168, s0  }
0x18: {  	s25 =	sshrl.u32 s23, $0x3;
	s14 =	simm.s32 $0x16600;
	s6 =	sadd.s32 $0xC800, s6  }
0x19: {  	s5 =	sadd.s32 $0x3DE00, s5;
	s2 =	sshrl.u32 s17, $0x3;
	[dreg:$0x4] =	wrdreg s6  }
0x1a: {  	s19 =	smax.u32 s7, $0x1;
	s17 =	simm.s32 $0x2;
	[dreg:$0x10] =	wrdreg s5  }
0x1b: {  	s6 =	sadd.s32 s29, s20;
	[dreg:$0x11] =	wrdreg s19;
	s2 =	sadd.s32 s2, s29  }
0x1c: {  	s20 =	sshrl.u32 s18, $0x3;
	s18 =	simm.s32 $0x3;
	[dreg:$0x6] =	wrdreg s6  }
0x1d: {  	s6 =	sshrl.u32 s22, $0x3;
	[dreg:$0x12] =	wrdreg s2;
	s2 =	sadd.s32 s20, s29  }
0x1e: {  	s22 =	sadd.s32 $0x140, s0;
	s0 =	sadd.s32 $0xF0, s0;
	[dreg:$0x13] =	wrdreg s2  }
0x1f: {  	s19 =	simm.s32 $0x4;
	s6 =	sadd.s32 s29, s6;
	[dreg:$0x17] =	wrdreg s0  }
0x20: {  	s2 =	sshrl.u32 s21, $0x3;
	[dreg:$0x8] =	wrdreg s6;
	s6 =	sadd.s32 s29, s26  }
0x21: {  	s5 =	sshrl.u32 s22, $0x3;
	s2 =	sadd.s32 s2, s29;
	[dreg:$0xa] =	wrdreg s6  }
0x22: {  	s0 =	simm.s32 $0x0;
	s24 =	sadd.s32 s5, s29;
	[dreg:$0x14] =	wrdreg s2  }
0x23: {  	s26 =	sadd.s32 $0x4D8, s12;
	s12 =	simm.s32 $0x16580;
	[dreg:$0x15] =	wrdreg s24  }
0x24: {  	s6 =	sadd.s32 s8, s3;
	s8 =	sshrl.u32 s15, $0x3;
	[dreg:$0x18] =	wrdreg s26  }
0x25: {  	s2 =	sadd.s32 s25, s29;
	s15 =	simm.s32 $0x1CA80;
	[dreg:$0xb] =	wrdreg s6  }
0x26: {  	s26 =	simm.s32 $0x6;
	s16 =	sadd.s32 s29, s8;
	[dreg:$0x16] =	wrdreg s2  }
0x27: {  	s8 =	simm.s32 $0x16480;
	[dreg:$0xe] =	wrdreg s16;
	s16 =	simm.s32 $0x1  }
.LBB2_1:
0x28: {  	[dreg:$0x19] =	wrdreg s0  }
0x29: {  	s2 =	rddreg [dreg:$0x4]  }
0x2a: {  	s5 =	simm.s32 $0x80;
	s7 =	simm.s32 $0x400;
	s20 =	simm.s32 $0x13C00  }
0x2b: {  	[tilespmem:s20], [sflag:$0x7] =	stream.strided.gather [hbm4b:s2+s5], $0x2780, s7, s5, $0x38;
	[tilespmem:$0x1DE80] =	vst v63  }
0x2c: {  	_ =	swait.ge [sflag:s31], $0x2780  }
0x2d: {  	[sflag:s31] =	ssyncset.done $0x0  }
0x2e: {  	s7 =	simm.s32 $0x16380;
	s23 =	rddreg [dreg:$0x5];
	[sflag:s31] =	ssyncadd.s32 $0xFFFFD880  }
0x2f: {  	[tilespmem:s7], [sflag:$0x1] =	stream.linear.gather [hbm4b:s23+s4], $0x28, $0x38;
	[tilespmem:$0x1DE80] =	vst v63  }
0x30: {  	s0 =	simm.s32 $0x16680  }
0x31: {  	[tilespmem:s0], [sflag:$0x1] =	stream.indirect.gather [hbm4b:s1+s28], $0x80, s20, s28, $0xb8;
	[tilespmem:$0x1DE80] =	vst v63  }
0x32: {  	s6 =	simm.s32 $0x16400;
	s24 =	rddreg [dreg:$0x6]  }
0x33: {  	[tilespmem:s6], [sflag:$0x2] =	stream.linear.gather [hbm4b:s24+s4], $0x28, $0x38;
	[tilespmem:$0x1DE80] =	vst v63  }
0x34: {  	s25 =	simm.s32 $0x13C28;
	s20 =	simm.s32 $0x17A80  }
0x35: {  	[tilespmem:s20], [sflag:$0x2] =	stream.indirect.gather [hbm4b:s1+s28], $0x80, s25, s28, $0xb8;
	[tilespmem:$0x1DE80] =	vst v63  }
0x36: {  	s5 =	rddreg [dreg:$0x7]  }
0x37: {  	[tilespmem:s8], [sflag:$0x3] =	stream.linear.gather [hbm4b:s5+s4], $0x28, $0x38;
	[tilespmem:$0x1DE80] =	vst v63  }
0x38: {  	s21 =	simm.s32 $0x13C50  }
0x39: {  	[tilespmem:s9], [sflag:$0x3] =	stream.indirect.gather [hbm4b:s1+s28], $0x80, s21, s28, $0xb8;
	[tilespmem:$0x1DE80] =	vst v63  }
0x3a: {  	s22 =	rddreg [dreg:$0x8]  }
0x3b: {  	[tilespmem:s10], [sflag:$0x4] =	stream.linear.gather [hbm4b:s22+s4], $0x28, $0x38;
	[tilespmem:$0x1DE80] =	vst v63  }
0x3c: {  	s23 =	simm.s32 $0x13C78  }
0x3d: {  	[tilespmem:s11], [sflag:$0x4] =	stream.indirect.gather [hbm4b:s1+s28], $0x80, s23, s28, $0xb8;
	[tilespmem:$0x1DE80] =	vst v63  }
0x3e: {  	s24 =	rddreg [dreg:$0x9]  }
0x3f: {  	[tilespmem:s12], [sflag:$0x5] =	stream.linear.gather [hbm4b:s24+s4], $0x28, $0x38;
	[tilespmem:$0x1DE80] =	vst v63  }
0x40: {  	s25 =	simm.s32 $0x13CA0;
	s5 =	rddreg [dreg:$0xa];
	s22 =	stileid.u32  }
0x41: {  	[tilespmem:s13], [sflag:$0x5] =	stream.indirect.gather [hbm4b:s1+s28], $0x80, s25, s28, $0xb8;
	[tilespmem:$0x1DE80] =	vst v63  }
0x42: {  	s23 =	sshll.u32 s22, $0x6;
	s24 =	rddreg [dreg:$0xb]  }
0x43: {  	[tilespmem:s14], [sflag:$0x6] =	stream.linear.gather [hbm4b:s5+s4], $0x28, $0x38;
	[tilespmem:$0x1DE80] =	vst v63  }
0x44: {  	s21 =	simm.s32 $0x13CC8;
	s25 =	rddreg [dreg:$0xc];
	s5 =	sor.u32 $0x1C07, s23  }
0x45: {  	[tilespmem:s15], [sflag:$0x6] =	stream.indirect.gather [hbm4b:s1+s28], $0x80, s21, s28, $0xb8;
	[tilespmem:$0x1DE80] =	vst v63  }
0x46: {  	[dreg:$0x1a] =	wrdreg s5;
	s21 =	sshrl.u32 s24, $0x3  }
0x47: {  	[dreg:$0x1b] =	wrdreg s21  }
0x48: {  	[spmem:s21], [sflag:s5] =	dma.local [hbm:s25], $0x2780  }
0x49: {  	_ =	swait.ge [sflag:s31], $0x2780  }
0x4a: {  	[sflag:s31] =	ssyncset.done $0x0  }
0x4b: {  	[sflag:s31] =	ssyncadd.s32 $0xFFFFD880  }
0x4c: {  	[bflag:$0x0] =	sbarrier.arrive $0xFFFF  }
0x4d: {  	_ =	swait.ge [sflag:s16], $0x28  }
0x4e: {  	[sflag:s16] =	ssyncset.done $0x0  }
0x4f: {  	[sflag:s16] =	ssyncadd.s32 $0xFFFFFFD8  }
0x50: {  	_ =	swait.ge [sflag:s16], $0x1400  }
0x51: {  	[sflag:s16] =	ssyncset.done $0x0  }
0x52: {  	[sflag:s16] =	ssyncadd.s32 $0xFFFFEC00  }
0x53: {  	[spmem:s3] =	stream.indirect.scatter.add.f32 [tilespmem:s0], [sflag:$0x7], $0x80, s7, s28, $0xb8;
	[tilespmem:$0x1DE80] =	vst v63  }
0x54: {  	_ =	swait.ge [sflag:s31], $0x1400  }
0x55: {  	s24 =	rddreg [dreg:$0x17]  }
0x56: {  	[sflag:s31] =	ssyncset.done $0x0;
	s2 =	sshrl.u32 s24, $0x3  }
0x57: {  	[sflag:s31] =	ssyncadd.s32 $0xFFFFEC00;
	s5 =	sadd.s32 s29, s2  }
0x58: {  	[tilespmem:s7], [sflag:$0x1] =	stream.linear.gather [hbm4b:s5+s4], $0x28, $0x38;
	[tilespmem:$0x1DE80] =	vst v63  }
0x59: {  	s21 =	simm.s32 $0x13CF0  }
0x5a: {  	[tilespmem:s0], [sflag:$0x1] =	stream.indirect.gather [hbm4b:s1+s28], $0x80, s21, s28, $0xb8;
	[tilespmem:$0x1DE80] =	vst v63  }
0x5b: {  	_ =	swait.ge [sflag:s17], $0x28  }
0x5c: {  	[sflag:s17] =	ssyncset.done $0x0  }
0x5d: {  	[sflag:s17] =	ssyncadd.s32 $0xFFFFFFD8  }
0x5e: {  	_ =	swait.ge [sflag:s17], $0x1400  }
0x5f: {  	[sflag:s17] =	ssyncset.done $0x0  }
0x60: {  	[sflag:s17] =	ssyncadd.s32 $0xFFFFEC00  }
0x61: {  	[spmem:s3] =	stream.indirect.scatter.add.f32 [tilespmem:s20], [sflag:$0x7], $0x80, s6, s28, $0xb8;
	[tilespmem:$0x1DE80] =	vst v63  }
0x62: {  	_ =	swait.ge [sflag:s31], $0x1400  }
0x63: {  	[sflag:s31] =	ssyncset.done $0x0  }
0x64: {  	s2 =	rddreg [dreg:$0x16];
	[sflag:s31] =	ssyncadd.s32 $0xFFFFEC00  }
0x65: {  	[tilespmem:s6], [sflag:$0x2] =	stream.linear.gather [hbm4b:s2+s4], $0x28, $0x38;
	[tilespmem:$0x1DE80] =	vst v63  }
0x66: {  	s22 =	simm.s32 $0x13D18  }
0x67: {  	[tilespmem:s20], [sflag:$0x2] =	stream.indirect.gather [hbm4b:s1+s28], $0x80, s22, s28, $0xb8;
	[tilespmem:$0x1DE80] =	vst v63  }
0x68: {  	_ =	swait.ge [sflag:s18], $0x28  }
0x69: {  	[sflag:s18] =	ssyncset.done $0x0  }
0x6a: {  	[sflag:s18] =	ssyncadd.s32 $0xFFFFFFD8  }
0x6b: {  	_ =	swait.ge [sflag:s18], $0x1400  }
0x6c: {  	[sflag:s18] =	ssyncset.done $0x0  }
0x6d: {  	[sflag:s18] =	ssyncadd.s32 $0xFFFFEC00  }
0x6e: {  	[spmem:s3] =	stream.indirect.scatter.add.f32 [tilespmem:s9], [sflag:$0x7], $0x80, s8, s28, $0xb8;
	[tilespmem:$0x1DE80] =	vst v63  }
0x6f: {  	_ =	swait.ge [sflag:s31], $0x1400  }
0x70: {  	[sflag:s31] =	ssyncset.done $0x0  }
0x71: {  	s21 =	rddreg [dreg:$0x15];
	[sflag:s31] =	ssyncadd.s32 $0xFFFFEC00  }
0x72: {  	[tilespmem:s8], [sflag:$0x3] =	stream.linear.gather [hbm4b:s21+s4], $0x28, $0x38;
	[tilespmem:$0x1DE80] =	vst v63  }
0x73: {  	s23 =	simm.s32 $0x13D40  }
0x74: {  	[tilespmem:s9], [sflag:$0x3] =	stream.indirect.gather [hbm4b:s1+s28], $0x80, s23, s28, $0xb8;
	[tilespmem:$0x1DE80] =	vst v63  }
0x75: {  	_ =	swait.ge [sflag:s19], $0x28  }
0x76: {  	[sflag:s19] =	ssyncset.done $0x0  }
0x77: {  	[sflag:s19] =	ssyncadd.s32 $0xFFFFFFD8  }
0x78: {  	_ =	swait.ge [sflag:s19], $0x1400  }
0x79: {  	[sflag:s19] =	ssyncset.done $0x0  }
0x7a: {  	[sflag:s19] =	ssyncadd.s32 $0xFFFFEC00  }
0x7b: {  	[spmem:s3] =	stream.indirect.scatter.add.f32 [tilespmem:s11], [sflag:$0x7], $0x80, s10, s28, $0xb8;
	[tilespmem:$0x1DE80] =	vst v63  }
0x7c: {  	_ =	swait.ge [sflag:s31], $0x1400  }
0x7d: {  	[sflag:s31] =	ssyncset.done $0x0  }
0x7e: {  	s20 =	rddreg [dreg:$0x14];
	[sflag:s31] =	ssyncadd.s32 $0xFFFFEC00  }
0x7f: {  	[tilespmem:s10], [sflag:$0x4] =	stream.linear.gather [hbm4b:s20+s4], $0x28, $0x38;
	[tilespmem:$0x1DE80] =	vst v63  }
0x80: {  	s25 =	simm.s32 $0x13D68  }
0x81: {  	[tilespmem:s11], [sflag:$0x4] =	stream.indirect.gather [hbm4b:s1+s28], $0x80, s25, s28, $0xb8;
	[tilespmem:$0x1DE80] =	vst v63  }
0x82: {  	_ =	swait.ge [sflag:s30], $0x28  }
0x83: {  	[sflag:s30] =	ssyncset.done $0x0  }
0x84: {  	[sflag:s30] =	ssyncadd.s32 $0xFFFFFFD8  }
0x85: {  	_ =	swait.ge [sflag:s30], $0x1400  }
0x86: {  	[sflag:s30] =	ssyncset.done $0x0  }
0x87: {  	[sflag:s30] =	ssyncadd.s32 $0xFFFFEC00  }
0x88: {  	[spmem:s3] =	stream.indirect.scatter.add.f32 [tilespmem:s13], [sflag:$0x7], $0x80, s12, s28, $0xb8;
	[tilespmem:$0x1DE80] =	vst v63  }
0x89: {  	_ =	swait.ge [sflag:s31], $0x1400  }
0x8a: {  	[sflag:s31] =	ssyncset.done $0x0  }
0x8b: {  	s7 =	rddreg [dreg:$0x13];
	[sflag:s31] =	ssyncadd.s32 $0xFFFFEC00  }
0x8c: {  	[tilespmem:s12], [sflag:$0x5] =	stream.linear.gather [hbm4b:s7+s4], $0x28, $0x38;
	[tilespmem:$0x1DE80] =	vst v63  }
0x8d: {  	s0 =	simm.s32 $0x13D90  }
0x8e: {  	[tilespmem:s13], [sflag:$0x5] =	stream.indirect.gather [hbm4b:s1+s28], $0x80, s0, s28, $0xb8;
	[tilespmem:$0x1DE80] =	vst v63  }
0x8f: {  	_ =	swait.ge [sflag:s26], $0x28  }
0x90: {  	[sflag:s26] =	ssyncset.done $0x0  }
0x91: {  	[sflag:s26] =	ssyncadd.s32 $0xFFFFFFD8  }
0x92: {  	_ =	swait.ge [sflag:s26], $0x1400  }
0x93: {  	s24 =	sadd.s32 $0xF0, s24;
	[sflag:s26] =	ssyncset.done $0x0  }
0x94: {  	s5 =	simm.s32 $0x13DB8;
	s22 =	simm.s32 $0x3C0;
	[sflag:s26] =	ssyncadd.s32 $0xFFFFEC00  }
0x95: {  	[spmem:s3] =	stream.indirect.scatter.add.f32 [tilespmem:s15], [sflag:$0x7], $0x80, s14, s28, $0xb8;
	[tilespmem:$0x1DE80] =	vst v63  }
0x96: {  	s23 =	sadd.s32 $0x1E, s2;
	s25 =	sadd.s32 $0x1E, s20;
	_ =	swait.ge [sflag:s31], $0x1400  }
0x97: {  	s20 =	sadd.s32 $0x1E, s21;
	[sflag:s31] =	ssyncset.done $0x0;
	s6 =	rddreg [dreg:$0x12]  }
0x98: {  	s7 =	sadd.s32 $0x1E, s7;
	[sflag:s31] =	ssyncadd.s32 $0xFFFFEC00;
	s21 =	sadd.s32 $0x1E, s6  }
0x99: {  	[tilespmem:s14], [sflag:$0x6] =	stream.linear.gather [hbm4b:s6+s4], $0x28, $0x38;
	[tilespmem:$0x1DE80] =	vst v63  }
.LBB2_2:
0x9a: {  	[tilespmem:s15], [sflag:$0x6] =	stream.indirect.gather [hbm4b:s1+s28], $0x80, s5, s28, $0xb8;
	[tilespmem:$0x1DE80] =	vst v63  }
0x9b: {  	s5 =	smov.u32 s22  }
0x9c: {  	p0 =	sne.s32 s22, $0x9240;
	s22 =	sadd.s32 $0x3C0, s22;
	_ =	swait.ge [sflag:s16], $0x28  }
0x9d: {  	[sflag:s16] =	ssyncset.done $0x0  }
0x9e: {  	[sflag:s16] =	ssyncadd.s32 $0xFFFFFFD8  }
0x9f: {  	_ =	swait.ge [sflag:s16], $0x1400  }
0xa0: {  	[sflag:s16] =	ssyncset.done $0x0  }
0xa1: {  	s0 =	simm.s32 $0x16380;
	s6 =	simm.s32 $0x16680;
	[sflag:s16] =	ssyncadd.s32 $0xFFFFEC00  }
0xa2: {  	[spmem:s3] =	stream.indirect.scatter.add.f32 [tilespmem:s6], [sflag:$0x7], $0x80, s0, s28, $0xb8;
	[tilespmem:$0x1DE80] =	vst v63  }
0xa3: {  	_ =	swait.ge [sflag:s31], $0x1400  }
0xa4: {  	s2 =	sshrl.u32 s24, $0x3;
	[sflag:s31] =	ssyncset.done $0x0  }
0xa5: {  	s2 =	sadd.s32 s29, s2;
	s5 =	sshra.s32 s5, $0x2;
	[sflag:s31] =	ssyncadd.s32 $0xFFFFEC00  }
0xa6: {  	[tilespmem:s0], [sflag:$0x1] =	stream.linear.gather [hbm4b:s2+s4], $0x28, $0x38;
	[tilespmem:$0x1DE80] =	vst v63  }
0xa7: {  	s2 =	sadd.s32 $0x13CF0, s5  }
0xa8: {  	[tilespmem:s6], [sflag:$0x1] =	stream.indirect.gather [hbm4b:s1+s28], $0x80, s2, s28, $0xb8;
	[tilespmem:$0x1DE80] =	vst v63  }
0xa9: {  	_ =	swait.ge [sflag:s17], $0x28  }
0xaa: {  	[sflag:s17] =	ssyncset.done $0x0  }
0xab: {  	[sflag:s17] =	ssyncadd.s32 $0xFFFFFFD8  }
0xac: {  	_ =	swait.ge [sflag:s17], $0x1400  }
0xad: {  	[sflag:s17] =	ssyncset.done $0x0  }
0xae: {  	s0 =	simm.s32 $0x16400;
	s6 =	simm.s32 $0x17A80;
	[sflag:s17] =	ssyncadd.s32 $0xFFFFEC00  }
0xaf: {  	[spmem:s3] =	stream.indirect.scatter.add.f32 [tilespmem:s6], [sflag:$0x7], $0x80, s0, s28, $0xb8;
	[tilespmem:$0x1DE80] =	vst v63  }
0xb0: {  	_ =	swait.ge [sflag:s31], $0x1400  }
0xb1: {  	[sflag:s31] =	ssyncset.done $0x0  }
0xb2: {  	[sflag:s31] =	ssyncadd.s32 $0xFFFFEC00  }
0xb3: {  	[tilespmem:s0], [sflag:$0x2] =	stream.linear.gather [hbm4b:s23+s4], $0x28, $0x38;
	[tilespmem:$0x1DE80] =	vst v63  }
0xb4: {  	s2 =	sadd.s32 $0x13D18, s5  }
0xb5: {  	[tilespmem:s6], [sflag:$0x2] =	stream.indirect.gather [hbm4b:s1+s28], $0x80, s2, s28, $0xb8;
	[tilespmem:$0x1DE80] =	vst v63  }
0xb6: {  	_ =	swait.ge [sflag:s18], $0x28  }
0xb7: {  	[sflag:s18] =	ssyncset.done $0x0  }
0xb8: {  	[sflag:s18] =	ssyncadd.s32 $0xFFFFFFD8  }
0xb9: {  	_ =	swait.ge [sflag:s18], $0x1400  }
0xba: {  	[sflag:s18] =	ssyncset.done $0x0  }
0xbb: {  	[sflag:s18] =	ssyncadd.s32 $0xFFFFEC00  }
0xbc: {  	[spmem:s3] =	stream.indirect.scatter.add.f32 [tilespmem:s9], [sflag:$0x7], $0x80, s8, s28, $0xb8;
	[tilespmem:$0x1DE80] =	vst v63  }
0xbd: {  	_ =	swait.ge [sflag:s31], $0x1400  }
0xbe: {  	[sflag:s31] =	ssyncset.done $0x0  }
0xbf: {  	[sflag:s31] =	ssyncadd.s32 $0xFFFFEC00  }
0xc0: {  	[tilespmem:s8], [sflag:$0x3] =	stream.linear.gather [hbm4b:s20+s4], $0x28, $0x38;
	[tilespmem:$0x1DE80] =	vst v63  }
0xc1: {  	s2 =	sadd.s32 $0x13D40, s5  }
0xc2: {  	[tilespmem:s9], [sflag:$0x3] =	stream.indirect.gather [hbm4b:s1+s28], $0x80, s2, s28, $0xb8;
	[tilespmem:$0x1DE80] =	vst v63  }
0xc3: {  	_ =	swait.ge [sflag:s19], $0x28  }
0xc4: {  	[sflag:s19] =	ssyncset.done $0x0  }
0xc5: {  	[sflag:s19] =	ssyncadd.s32 $0xFFFFFFD8  }
0xc6: {  	_ =	swait.ge [sflag:s19], $0x1400  }
0xc7: {  	[sflag:s19] =	ssyncset.done $0x0  }
0xc8: {  	[sflag:s19] =	ssyncadd.s32 $0xFFFFEC00  }
0xc9: {  	[spmem:s3] =	stream.indirect.scatter.add.f32 [tilespmem:s11], [sflag:$0x7], $0x80, s10, s28, $0xb8;
	[tilespmem:$0x1DE80] =	vst v63  }
0xca: {  	_ =	swait.ge [sflag:s31], $0x1400  }
0xcb: {  	[sflag:s31] =	ssyncset.done $0x0  }
0xcc: {  	[sflag:s31] =	ssyncadd.s32 $0xFFFFEC00  }
0xcd: {  	[tilespmem:s10], [sflag:$0x4] =	stream.linear.gather [hbm4b:s25+s4], $0x28, $0x38;
	[tilespmem:$0x1DE80] =	vst v63  }
0xce: {  	s2 =	sadd.s32 $0x13D68, s5  }
0xcf: {  	[tilespmem:s11], [sflag:$0x4] =	stream.indirect.gather [hbm4b:s1+s28], $0x80, s2, s28, $0xb8;
	[tilespmem:$0x1DE80] =	vst v63  }
0xd0: {  	_ =	swait.ge [sflag:s30], $0x28  }
0xd1: {  	[sflag:s30] =	ssyncset.done $0x0  }
0xd2: {  	[sflag:s30] =	ssyncadd.s32 $0xFFFFFFD8  }
0xd3: {  	_ =	swait.ge [sflag:s30], $0x1400  }
0xd4: {  	[sflag:s30] =	ssyncset.done $0x0  }
0xd5: {  	[sflag:s30] =	ssyncadd.s32 $0xFFFFEC00  }
0xd6: {  	[spmem:s3] =	stream.indirect.scatter.add.f32 [tilespmem:s13], [sflag:$0x7], $0x80, s12, s28, $0xb8;
	[tilespmem:$0x1DE80] =	vst v63  }
0xd7: {  	_ =	swait.ge [sflag:s31], $0x1400  }
0xd8: {  	[sflag:s31] =	ssyncset.done $0x0  }
0xd9: {  	[sflag:s31] =	ssyncadd.s32 $0xFFFFEC00  }
0xda: {  	[tilespmem:s12], [sflag:$0x5] =	stream.linear.gather [hbm4b:s7+s4], $0x28, $0x38;
	[tilespmem:$0x1DE80] =	vst v63  }
0xdb: {  	s2 =	sadd.s32 $0x13D90, s5  }
0xdc: {  	[tilespmem:s13], [sflag:$0x5] =	stream.indirect.gather [hbm4b:s1+s28], $0x80, s2, s28, $0xb8;
	[tilespmem:$0x1DE80] =	vst v63  }
0xdd: {  	_ =	swait.ge [sflag:s26], $0x28  }
0xde: {  	[sflag:s26] =	ssyncset.done $0x0  }
0xdf: {  	[sflag:s26] =	ssyncadd.s32 $0xFFFFFFD8  }
0xe0: {  	_ =	swait.ge [sflag:s26], $0x1400  }
0xe1: {  	[sflag:s26] =	ssyncset.done $0x0  }
0xe2: {  	[sflag:s26] =	ssyncadd.s32 $0xFFFFEC00  }
0xe3: {  	[spmem:s3] =	stream.indirect.scatter.add.f32 [tilespmem:s15], [sflag:$0x7], $0x80, s14, s28, $0xb8;
	[tilespmem:$0x1DE80] =	vst v63  }
.Ltmp0:
0xe4: {  	_ =	swait.ge [sflag:s31], $0x1400;
	(pc) =	sbr.rel @p0 .LBB2_2-.Ltmp0, $4  }
0xe5: {  	s24 =	sadd.s32 $0xF0, s24;
	s23 =	sadd.s32 $0x1E, s23;
	[sflag:s31] =	ssyncset.done $0x0  }
0xe6: {  	s20 =	sadd.s32 $0x1E, s20;
	s25 =	sadd.s32 $0x1E, s25;
	[sflag:s31] =	ssyncadd.s32 $0xFFFFEC00  }
0xe7: {  	[tilespmem:s14], [sflag:$0x6] =	stream.linear.gather [hbm4b:s21+s4], $0x28, $0x38;
	[tilespmem:$0x1DE80] =	vst v63  }
0xe8: {  	s5 =	sadd.s32 $0x13DB8, s5;
	s7 =	sadd.s32 $0x1E, s7;
	s21 =	sadd.s32 $0x1E, s21  }
0xe9: {  	[tilespmem:s15], [sflag:$0x6] =	stream.indirect.gather [hbm4b:s1+s28], $0x80, s5, s28, $0xb8;
	[tilespmem:$0x1DE80] =	vst v63  }
0xea: {  	_ =	swait.ge [sflag:s16], $0x28  }
0xeb: {  	[sflag:s16] =	ssyncset.done $0x0  }
0xec: {  	[sflag:s16] =	ssyncadd.s32 $0xFFFFFFD8  }
0xed: {  	_ =	swait.ge [sflag:s16], $0x1400  }
0xee: {  	[sflag:s16] =	ssyncset.done $0x0  }
0xef: {  	s5 =	simm.s32 $0x16380;
	s0 =	simm.s32 $0x16680;
	[sflag:s16] =	ssyncadd.s32 $0xFFFFEC00  }
0xf0: {  	[spmem:s3] =	stream.indirect.scatter.add.f32 [tilespmem:s0], [sflag:$0x7], $0x80, s5, s28, $0xb8;
	[tilespmem:$0x1DE80] =	vst v63  }
0xf1: {  	_ =	swait.ge [sflag:s31], $0x1400  }
0xf2: {  	[sflag:s31] =	ssyncset.done $0x0  }
0xf3: {  	s2 =	rddreg [dreg:$0xd];
	[sflag:s31] =	ssyncadd.s32 $0xFFFFEC00  }
0xf4: {  	[tilespmem:s5], [sflag:$0x1] =	stream.linear.gather [hbm4b:s2+s4], $0x28, $0x38;
	[tilespmem:$0x1DE80] =	vst v63  }
0xf5: {  	s20 =	simm.s32 $0x16270  }
0xf6: {  	[tilespmem:s0], [sflag:$0x1] =	stream.indirect.gather [hbm4b:s1+s28], $0x80, s20, s28, $0xb8;
	[tilespmem:$0x1DE80] =	vst v63  }
0xf7: {  	_ =	swait.ge [sflag:s17], $0x28  }
0xf8: {  	[sflag:s17] =	ssyncset.done $0x0  }
0xf9: {  	[sflag:s17] =	ssyncadd.s32 $0xFFFFFFD8  }
0xfa: {  	_ =	swait.ge [sflag:s17], $0x1400  }
0xfb: {  	[sflag:s17] =	ssyncset.done $0x0  }
0xfc: {  	s6 =	simm.s32 $0x16400;
	s7 =	simm.s32 $0x17A80;
	[sflag:s17] =	ssyncadd.s32 $0xFFFFEC00  }
0xfd: {  	[spmem:s3] =	stream.indirect.scatter.add.f32 [tilespmem:s7], [sflag:$0x7], $0x80, s6, s28, $0xb8;
	[tilespmem:$0x1DE80] =	vst v63  }
0xfe: {  	_ =	swait.ge [sflag:s31], $0x1400  }
0xff: {  	[sflag:s31] =	ssyncset.done $0x0  }
0x100: {  	s21 =	rddreg [dreg:$0xe];
	[sflag:s31] =	ssyncadd.s32 $0xFFFFEC00  }
0x101: {  	[tilespmem:s6], [sflag:$0x2] =	stream.linear.gather [hbm4b:s21+s4], $0x28, $0x38;
	[tilespmem:$0x1DE80] =	vst v63  }
0x102: {  	s22 =	simm.s32 $0x16298  }
0x103: {  	[tilespmem:s7], [sflag:$0x2] =	stream.indirect.gather [hbm4b:s1+s28], $0x80, s22, s28, $0xb8;
	[tilespmem:$0x1DE80] =	vst v63  }
0x104: {  	_ =	swait.ge [sflag:s18], $0x28  }
0x105: {  	[sflag:s18] =	ssyncset.done $0x0  }
0x106: {  	[sflag:s18] =	ssyncadd.s32 $0xFFFFFFD8  }
0x107: {  	_ =	swait.ge [sflag:s18], $0x1400  }
0x108: {  	[sflag:s18] =	ssyncset.done $0x0  }
0x109: {  	[sflag:s18] =	ssyncadd.s32 $0xFFFFEC00  }
0x10a: {  	[spmem:s3] =	stream.indirect.scatter.add.f32 [tilespmem:s9], [sflag:$0x7], $0x80, s8, s28, $0xb8;
	[tilespmem:$0x1DE80] =	vst v63  }
0x10b: {  	_ =	swait.ge [sflag:s31], $0x1400  }
0x10c: {  	[sflag:s31] =	ssyncset.done $0x0  }
0x10d: {  	s23 =	rddreg [dreg:$0x18];
	[sflag:s31] =	ssyncadd.s32 $0xFFFFEC00  }
0x10e: {  	[tilespmem:s8], [sflag:$0x3] =	stream.linear.gather [hbm4b:s23+s4], $0x28, $0x38;
	[tilespmem:$0x1DE80] =	vst v63  }
0x10f: {  	s24 =	simm.s32 $0x162C0  }
0x110: {  	[tilespmem:s9], [sflag:$0x3] =	stream.indirect.gather [hbm4b:s1+s28], $0x80, s24, s28, $0xb8;
	[tilespmem:$0x1DE80] =	vst v63  }
0x111: {  	_ =	swait.ge [sflag:s19], $0x28  }
0x112: {  	[sflag:s19] =	ssyncset.done $0x0  }
0x113: {  	[sflag:s19] =	ssyncadd.s32 $0xFFFFFFD8  }
0x114: {  	_ =	swait.ge [sflag:s19], $0x1400  }
0x115: {  	[sflag:s19] =	ssyncset.done $0x0  }
0x116: {  	[sflag:s19] =	ssyncadd.s32 $0xFFFFEC00  }
0x117: {  	[spmem:s3] =	stream.indirect.scatter.add.f32 [tilespmem:s11], [sflag:$0x7], $0x80, s10, s28, $0xb8;
	[tilespmem:$0x1DE80] =	vst v63  }
0x118: {  	_ =	swait.ge [sflag:s31], $0x1400  }
0x119: {  	[sflag:s31] =	ssyncset.done $0x0  }
0x11a: {  	s25 =	rddreg [dreg:$0xf];
	[sflag:s31] =	ssyncadd.s32 $0xFFFFEC00  }
0x11b: {  	[tilespmem:s10], [sflag:$0x4] =	stream.linear.gather [hbm4b:s25+s4], $0x28, $0x38;
	[tilespmem:$0x1DE80] =	vst v63  }
0x11c: {  	s20 =	simm.s32 $0x162E8  }
0x11d: {  	[tilespmem:s11], [sflag:$0x4] =	stream.indirect.gather [hbm4b:s1+s28], $0x80, s20, s28, $0xb8;
	[tilespmem:$0x1DE80] =	vst v63  }
0x11e: {  	_ =	swait.ge [sflag:s30], $0x28  }
0x11f: {  	[sflag:s30] =	ssyncset.done $0x0  }
0x120: {  	[sflag:s30] =	ssyncadd.s32 $0xFFFFFFD8  }
0x121: {  	_ =	swait.ge [sflag:s30], $0x1400  }
0x122: {  	[sflag:s30] =	ssyncset.done $0x0  }
0x123: {  	[sflag:s30] =	ssyncadd.s32 $0xFFFFEC00  }
0x124: {  	[spmem:s3] =	stream.indirect.scatter.add.f32 [tilespmem:s13], [sflag:$0x7], $0x80, s12, s28, $0xb8;
	[tilespmem:$0x1DE80] =	vst v63  }
0x125: {  	_ =	swait.ge [sflag:s31], $0x1400  }
0x126: {  	[sflag:s31] =	ssyncset.done $0x0  }
0x127: {  	[sflag:s31] =	ssyncadd.s32 $0xFFFFEC00  }
0x128: {  	_ =	swait.ge [sflag:s26], $0x28  }
0x129: {  	[sflag:s26] =	ssyncset.done $0x0  }
0x12a: {  	[sflag:s26] =	ssyncadd.s32 $0xFFFFFFD8  }
0x12b: {  	_ =	swait.ge [sflag:s26], $0x1400  }
0x12c: {  	[sflag:s26] =	ssyncset.done $0x0  }
0x12d: {  	[sflag:s26] =	ssyncadd.s32 $0xFFFFEC00  }
0x12e: {  	[spmem:s3] =	stream.indirect.scatter.add.f32 [tilespmem:s15], [sflag:$0x7], $0x80, s14, s28, $0xb8;
	[tilespmem:$0x1DE80] =	vst v63  }
0x12f: {  	_ =	swait.ge [sflag:s31], $0x1400  }
0x130: {  	[sflag:s31] =	ssyncset.done $0x0  }
0x131: {  	[sflag:s31] =	ssyncadd.s32 $0xFFFFEC00  }
0x132: {  	_ =	swait.ge [sflag:s16], $0x28  }
0x133: {  	[sflag:s16] =	ssyncset.done $0x0  }
0x134: {  	[sflag:s16] =	ssyncadd.s32 $0xFFFFFFD8  }
0x135: {  	_ =	swait.ge [sflag:s16], $0x1400  }
0x136: {  	[sflag:s16] =	ssyncset.done $0x0  }
0x137: {  	[sflag:s16] =	ssyncadd.s32 $0xFFFFEC00  }
0x138: {  	[spmem:s3] =	stream.indirect.scatter.add.f32 [tilespmem:s0], [sflag:$0x7], $0x80, s5, s28, $0xb8;
	[tilespmem:$0x1DE80] =	vst v63  }
0x139: {  	_ =	swait.ge [sflag:s31], $0x1400  }
0x13a: {  	[sflag:s31] =	ssyncset.done $0x0  }
0x13b: {  	[sflag:s31] =	ssyncadd.s32 $0xFFFFEC00  }
0x13c: {  	_ =	swait.ge [sflag:s17], $0x28  }
0x13d: {  	[sflag:s17] =	ssyncset.done $0x0  }
0x13e: {  	[sflag:s17] =	ssyncadd.s32 $0xFFFFFFD8  }
0x13f: {  	_ =	swait.ge [sflag:s17], $0x1400  }
0x140: {  	[sflag:s17] =	ssyncset.done $0x0  }
0x141: {  	[sflag:s17] =	ssyncadd.s32 $0xFFFFEC00  }
0x142: {  	[spmem:s3] =	stream.indirect.scatter.add.f32 [tilespmem:s7], [sflag:$0x7], $0x80, s6, s28, $0xb8;
	[tilespmem:$0x1DE80] =	vst v63  }
0x143: {  	_ =	swait.ge [sflag:s31], $0x1400  }
0x144: {  	[sflag:s31] =	ssyncset.done $0x0  }
0x145: {  	[sflag:s31] =	ssyncadd.s32 $0xFFFFEC00  }
0x146: {  	_ =	swait.ge [sflag:s18], $0x28  }
0x147: {  	[sflag:s18] =	ssyncset.done $0x0  }
0x148: {  	[sflag:s18] =	ssyncadd.s32 $0xFFFFFFD8  }
0x149: {  	_ =	swait.ge [sflag:s18], $0x1400  }
0x14a: {  	[sflag:s18] =	ssyncset.done $0x0  }
0x14b: {  	[sflag:s18] =	ssyncadd.s32 $0xFFFFEC00  }
0x14c: {  	[spmem:s3] =	stream.indirect.scatter.add.f32 [tilespmem:s9], [sflag:$0x7], $0x80, s8, s28, $0xb8;
	[tilespmem:$0x1DE80] =	vst v63  }
0x14d: {  	_ =	swait.ge [sflag:s31], $0x1400  }
0x14e: {  	[sflag:s31] =	ssyncset.done $0x0  }
0x14f: {  	[sflag:s31] =	ssyncadd.s32 $0xFFFFEC00  }
0x150: {  	_ =	swait.ge [sflag:s19], $0x28  }
0x151: {  	[sflag:s19] =	ssyncset.done $0x0  }
0x152: {  	[sflag:s19] =	ssyncadd.s32 $0xFFFFFFD8  }
0x153: {  	_ =	swait.ge [sflag:s19], $0x1400  }
0x154: {  	[sflag:s19] =	ssyncset.done $0x0  }
0x155: {  	[sflag:s19] =	ssyncadd.s32 $0xFFFFEC00  }
0x156: {  	[spmem:s3] =	stream.indirect.scatter.add.f32 [tilespmem:s11], [sflag:$0x7], $0x80, s10, s28, $0xb8;
	[tilespmem:$0x1DE80] =	vst v63  }
0x157: {  	_ =	swait.ge [sflag:s31], $0x1400  }
0x158: {  	[sflag:s31] =	ssyncset.done $0x0  }
0x159: {  	[sflag:s31] =	ssyncadd.s32 $0xFFFFEC00  }
0x15a: {  	[bflag:$0x0] =	sbarrier.arrive $0xFFFF  }
0x15b: {  	s21 =	rddreg [dreg:$0x10]  }
0x15c: {  	s22 =	rddreg [dreg:$0x1a]  }
0x15d: {  	s23 =	rddreg [dreg:$0x1b]  }
0x15e: {  	[hbm:s21], [sflag:s22] =	dma.local [spmem:s23], $0x2780  }
0x15f: {  	_ =	swait.ge [sflag:s31], $0x2780  }
0x160: {  	s24 =	rddreg [dreg:$0x19]  }
0x161: {  	s25 =	rddreg [dreg:$0x11];
	s0 =	sadd.s32 $0x1, s24  }
0x162: {  	p0 =	sne.s32 s0, s25  }
.Ltmp1:
0x163: {  	_ = 	snop;
	(pc) =	sbr.rel @p0 .LBB2_1-.Ltmp1, $3  }
0x164: {  	_ =	sdelay $0x1  }
0x165: {  	[sflag:s31] =	ssyncset.done $0x0  }
0x166: {  	[sflag:s31] =	ssyncadd.s32 $0xFFFFD880  }
0x167: {  	_ =	sfence.sel $0x180000  }
0x168: {  	[bflag:$0x0] =	sbarrier.arrive $0xFFFF  }
0x169: {  	_ =	strace $0x90000047  }
0x16a: {  	s0 =	stileid.u32;
	[bflag:$0x2] =	sbarrier.arrive $0xFFFF  }
0x16b: {  	p0 =	sne.s32 s0, $0x0;
	s0 =	rddreg [dreg:$0x3]  }
0x16c: {  	s0 =	sadd.s32 @!p0 $0x100000, s0  }
0x16d: {  	[sflag:s0] =	ssyncadd.tile.s32 @!p0 $0x1;
	_ =	shalt  }
.Lfunc_end2:
_tile_overlayer_lowered:
.L_overlay_start_2:
0x16e: {  	(tag) =	ssettag $0x2  }
0x16f: {  	s0 =	rddreg [dreg:$0x0];
	s2 =	stileid.u32  }
0x170: {  	s1 =	rddreg [dreg:$0x1];
	p0 =	sne.s32 s2, $0x0  }
0x171: {  	s3 =	rddreg [dreg:$0x2];
	[bflag:$0x3] =	sbarrier.arrive $0xFFFF;
	s2 =	simm.s32 @!p0 $0x1C07  }
0x172: {  	[timem:s3], [sflag:s2] =	dma.local @!p0 [hbm:s0], s1  }
0x173: {  	s0 =	simm.s32 @!p0 $0x7  }
0x174: {  	_ =	swait.ge @!p0 [sflag:s0], s1  }
0x175: {  	s1 =	ssub.s32 @!p0 $0x0, s1;
	[sflag:s0] =	ssyncset.done @!p0 $0x0  }
0x176: {  	[sflag:s0] =	ssyncadd.s32 @!p0 s1  }
0x177: {  	[bflag:$0x3] =	sbarrier.arrive $0xFFFF  }
0x178: {  	_ =	shalt  }

</sc_bundles>
